<compile_context>
chip_gen: v7x
topology: tpu7x:2x2x1
jax: 0.10.2.dev20260603
libtpu: 0.0.44.dev20260713+nightly
codegen_flags: <defaults>
</compile_context>

<pallas_src>
import functools
import math

import jax
import jax.numpy as jnp
from jax import lax
from jax.experimental import pallas as pl
from jax.experimental.pallas import tpu as pltpu
from jax.experimental.pallas import tpu_sc as plsc

NC = 2
NS = 16
NW = NC * NS
L = 16
_S = 1.0 / math.sqrt(1.0 + 1e-5)


def _rup(x, mult):
    return (x + mult - 1) // mult * mult



def _lin_body(x_ref, w_ref, b_ref, g_ref, be_ref, o_ref):
    acc = jnp.dot(x_ref[...], w_ref[...], preferred_element_type=jnp.float32)
    o_ref[...] = jnp.maximum(
        (acc + b_ref[...]) * (g_ref[...] * _S) + be_ref[...], 0.0)


def _lin1_call(x1, W1, b1, g1, be1):
    n, K = x1.shape
    C = W1.shape[1]
    RB = 2000
    return pl.pallas_call(
        _lin_body,
        grid=(n // RB,),
        in_specs=[
            pl.BlockSpec((RB, K), lambda i: (i, 0)),
            pl.BlockSpec((K, C), lambda i: (0, 0)),
            pl.BlockSpec((1, C), lambda i: (0, 0)),
            pl.BlockSpec((1, C), lambda i: (0, 0)),
            pl.BlockSpec((1, C), lambda i: (0, 0)),
        ],
        out_specs=pl.BlockSpec((RB, C), lambda i: (i, 0)),
        out_shape=jax.ShapeDtypeStruct((n, C), jnp.float32),
    )(x1, W1, b1.reshape(1, C), g1.reshape(1, C), be1.reshape(1, C))


def _dense2_body(x_ref, w2_ref, b2_ref, g2_ref, be2_ref, wc_ref, bc_ref,
                 l2t_ref, a_ref):
    x = x_ref[...]
    acc = jnp.dot(x, w2_ref[...], preferred_element_type=jnp.float32)
    lin2 = jnp.maximum(
        (acc + b2_ref[...]) * (g2_ref[...] * _S) + be2_ref[...], 0.0)
    l2t_ref[...] = lin2.T
    a_ref[...] = jnp.dot(x, wc_ref[...],
                         preferred_element_type=jnp.float32) + bc_ref[...]


def _dense2_call(x2p, W2, b2, g2, be2, Wc, bc):
    Mp, K = x2p.shape
    C = W2.shape[1]
    Ca = Wc.shape[1]
    RB = 1024
    return pl.pallas_call(
        _dense2_body,
        grid=(Mp // RB,),
        in_specs=[
            pl.BlockSpec((RB, K), lambda i: (i, 0)),
            pl.BlockSpec((K, C), lambda i: (0, 0)),
            pl.BlockSpec((1, C), lambda i: (0, 0)),
            pl.BlockSpec((1, C), lambda i: (0, 0)),
            pl.BlockSpec((1, C), lambda i: (0, 0)),
            pl.BlockSpec((K, Ca), lambda i: (0, 0)),
            pl.BlockSpec((1, Ca), lambda i: (0, 0)),
        ],
        out_specs=[
            pl.BlockSpec((C, RB), lambda i: (0, i)),
            pl.BlockSpec((RB, Ca), lambda i: (i, 0)),
        ],
        out_shape=[
            jax.ShapeDtypeStruct((C, Mp), jnp.float32),
            jax.ShapeDtypeStruct((Mp, Ca), jnp.float32),
        ],
    )(x2p, W2, b2.reshape(1, C), g2.reshape(1, C), be2.reshape(1, C),
      Wc, bc.reshape(1, Ca))



def _shrink_body(a_ref, px_ref, py_ref, pz_ref, v_ref, g_ref, be_ref, w2_ref,
                 b2_ref, o_ref):
    sg = g_ref[...] * _S
    a2 = a_ref[...] * sg + be_ref[...]
    v0 = v_ref[0:1, :] * sg
    v1 = v_ref[1:2, :] * sg
    v2 = v_ref[2:3, :] * sg
    w2 = w2_ref[...]
    cols = []
    for kk in range(L):
        b = (px_ref[:, kk:kk + 1] * v0 + py_ref[:, kk:kk + 1] * v1
             + pz_ref[:, kk:kk + 1] * v2)
        h = jnp.maximum(a2 + b, 0.0)
        cols.append(jnp.sum(h * w2, axis=1, keepdims=True))
    o_ref[...] = jnp.concatenate(cols, axis=1) + b2_ref[0, 0]


def _shrink_call(A, prx, pry, prz, V3p, csg, csbe, w2row, csb2):
    Mp, C = A.shape
    RB = 1024
    return pl.pallas_call(
        _shrink_body,
        grid=(Mp // RB,),
        in_specs=[
            pl.BlockSpec((RB, C), lambda i: (i, 0)),
            pl.BlockSpec((RB, L), lambda i: (i, 0)),
            pl.BlockSpec((RB, L), lambda i: (i, 0)),
            pl.BlockSpec((RB, L), lambda i: (i, 0)),
            pl.BlockSpec((8, C), lambda i: (0, 0)),
            pl.BlockSpec((1, C), lambda i: (0, 0)),
            pl.BlockSpec((1, C), lambda i: (0, 0)),
            pl.BlockSpec((1, C), lambda i: (0, 0)),
            pl.BlockSpec((1, 1), lambda i: (0, 0)),
        ],
        out_specs=pl.BlockSpec((RB, L), lambda i: (i, 0)),
        out_shape=jax.ShapeDtypeStruct((Mp, L), jnp.float32),
    )(A, prx, pry, prz, V3p, csg.reshape(1, C), csbe.reshape(1, C),
      w2row, csb2.reshape(1, 1))



def _final_body(l1_ref, upt_ref, o_ref):
    o_ref[...] = l1_ref[...] + upt_ref[...].T


def _final_call(lin1, upT):
    n, C = lin1.shape
    RB = 2048
    return pl.pallas_call(
        _final_body,
        grid=(n // RB,),
        in_specs=[
            pl.BlockSpec((RB, C), lambda i: (i, 0)),
            pl.BlockSpec((C, RB), lambda i: (0, i)),
        ],
        out_specs=pl.BlockSpec((RB, C), lambda i: (i, 0)),
        out_shape=jax.ShapeDtypeStruct((n, C), jnp.float32),
    )(lin1, upT)



def _bf16r(x):
    u = plsc.bitcast(x, jnp.int32)
    b = 32767 + ((u >> 16) & 1)
    return plsc.bitcast((u + b) & (-65536), jnp.float32)


def _make_knn(n1, PER, Mp):
    mesh = plsc.VectorSubcoreMesh(core_axis_name="c", subcore_axis_name="s")
    NSTEP = n1 // L
    R = 5
    RFB = 16
    LOWM = 0x7FF

    @functools.partial(
        pl.kernel, mesh=mesh,
        compiler_params=pltpu.CompilerParams(needs_layout_passes=False),
        out_type=[
            jax.ShapeDtypeStruct((Mp * L,), jnp.int32),
            jax.ShapeDtypeStruct((Mp * L,), jnp.float32),
            jax.ShapeDtypeStruct((Mp * L,), jnp.float32),
            jax.ShapeDtypeStruct((Mp * L,), jnp.float32),
        ],
        scratch_types=[
            pltpu.VMEM((n1,), jnp.float32),
            pltpu.VMEM((n1,), jnp.float32),
            pltpu.VMEM((n1,), jnp.float32),
            pltpu.VMEM((n1,), jnp.float32),
            pltpu.VMEM((3 * PER,), jnp.float32),
            pltpu.VMEM((PER * L,), jnp.int32),
            pltpu.VMEM((PER * L,), jnp.float32),
            pltpu.VMEM((PER * L,), jnp.float32),
            pltpu.VMEM((PER * L,), jnp.float32),
        ],
    )
    def knn(p1x_hbm, p1y_hbm, p1z_hbm, p2b_hbm, oidx, oprx, opry, oprz,
            p1a, p1b, p1c, p1q, qv, bidx, bx, by, bz):
        wid = lax.axis_index("s") * NC + lax.axis_index("c")
        pltpu.sync_copy(p1x_hbm, p1a)
        pltpu.sync_copy(p1y_hbm, p1b)
        pltpu.sync_copy(p1z_hbm, p1c)
        pltpu.sync_copy(p2b_hbm.at[pl.ds(wid * 3 * PER, 3 * PER)], qv)

        def sq_step(j, _):
            o = j * L
            px = p1a[pl.ds(o, L)]
            py = p1b[pl.ds(o, L)]
            pz = p1c[pl.ds(o, L)]
            p1q[pl.ds(o, L)] = px * px + py * py + pz * pz
            p1a[pl.ds(o, L)] = -2.0 * _bf16r(px)
            p1b[pl.ds(o, L)] = -2.0 * _bf16r(py)
            p1c[pl.ds(o, L)] = -2.0 * _bf16r(pz)
            return 0

        lax.fori_loop(0, NSTEP, sq_step, 0)

        iota = lax.iota(jnp.int32, L)
        inf16 = jnp.full((L,), jnp.inf, jnp.float32)

        def per_query(i, _):
            iv = jnp.full((L,), i, jnp.int32)
            qx = plsc.load_gather(qv, [iv])
            qy = plsc.load_gather(qv, [iv + PER])
            qz = plsc.load_gather(qv, [iv + 2 * PER])
            qsq = qx * qx + qy * qy + qz * qz
            qxb = _bf16r(qx)
            qyb = _bf16r(qy)
            qzb = _bf16r(qz)

            def dvec(s):
                o = s * L
                return ((p1q[pl.ds(o, L)] + qsq)
                        + (qxb * p1a[pl.ds(o, L)] + qyb * p1b[pl.ds(o, L)]
                           + qzb * p1c[pl.ds(o, L)]))

            def step_fn(s, A):
                u = plsc.bitcast(dvec(s), jnp.int32)
                t = plsc.bitcast((u & (~LOWM)) | s, jnp.float32)
                out = []
                for r in range(R):
                    out.append(jnp.minimum(A[r], t))
                    t = jnp.maximum(A[r], t)
                return tuple(out)

            A = lax.fori_loop(0, NSTEP, step_fn, (inf16,) * R)

            M_d = None
            M_i = None
            for r in range(R):
                u = plsc.bitcast(A[r], jnp.int32)
                ci = (u & LOWM) * L + iota
                de = ((plsc.load_gather(p1q, [ci]) + qsq)
                      + (qxb * plsc.load_gather(p1a, [ci])
                         + qyb * plsc.load_gather(p1b, [ci])
                         + qzb * plsc.load_gather(p1c, [ci])))
                Cs, Ci = plsc.sort_key_val(de, ci)
                if r == 0:
                    M_d, M_i = Cs, Ci
                else:
                    rC = lax.rev(Cs, (0,))
                    rCi = lax.rev(Ci, (0,))
                    mm = M_d <= rC
                    nd = jnp.where(mm, M_d, rC)
                    ni = jnp.where(mm, M_i, rCi)
                    M_d, M_i = plsc.sort_key_val(nd, ni)

            tau = jnp.broadcast_to(jnp.max(M_d), (L,))
            cl = plsc.bitcast(plsc.bitcast(A[R - 1], jnp.int32) & (~LOWM),
                              jnp.float32)
            bad = jnp.any(cl - 0.002 * jnp.abs(cl) < tau)

            def exact(_):
                def step2(s, A2):
                    u = plsc.bitcast(dvec(s), jnp.int32)
                    t = plsc.bitcast((u & (~LOWM)) | s, jnp.float32)
                    out = []
                    for r in range(RFB):
                        out.append(jnp.minimum(A2[r], t))
                        t = jnp.maximum(A2[r], t)
                    return tuple(out)

                A2 = lax.fori_loop(0, NSTEP, step2, (inf16,) * RFB)
                Fd = None
                Fi = None
                for r in range(RFB):
                    u = plsc.bitcast(A2[r], jnp.int32)
                    ci = (u & LOWM) * L + iota
                    de = ((plsc.load_gather(p1q, [ci]) + qsq)
                          + (qxb * plsc.load_gather(p1a, [ci])
                             + qyb * plsc.load_gather(p1b, [ci])
                             + qzb * plsc.load_gather(p1c, [ci])))
                    Cs, Ci = plsc.sort_key_val(de, ci)
                    if r == 0:
                        Fd, Fi = Cs, Ci
                    else:
                        rC = lax.rev(Cs, (0,))
                        rCi = lax.rev(Ci, (0,))
                        mm = Fd <= rC
                        nd = jnp.where(mm, Fd, rC)
                        ni = jnp.where(mm, Fi, rCi)
                        Fd, Fi = plsc.sort_key_val(nd, ni)
                return Fd, Fi

            M_d, M_i = lax.cond(bad, exact, lambda _: (M_d, M_i), 0)
            bidx[pl.ds(i * L, L)] = M_i
            return 0

        lax.fori_loop(0, PER, per_query, 0)

        pltpu.sync_copy(p1x_hbm, p1a)
        pltpu.sync_copy(p1y_hbm, p1b)
        pltpu.sync_copy(p1z_hbm, p1c)

        def pr_query(i, _):
            iv = jnp.full((L,), i, jnp.int32)
            qx = plsc.load_gather(qv, [iv])
            qy = plsc.load_gather(qv, [iv + PER])
            qz = plsc.load_gather(qv, [iv + 2 * PER])
            o = i * L
            idx = bidx[pl.ds(o, L)]
            bx[pl.ds(o, L)] = plsc.load_gather(p1a, [idx]) - qx
            by[pl.ds(o, L)] = plsc.load_gather(p1b, [idx]) - qy
            bz[pl.ds(o, L)] = plsc.load_gather(p1c, [idx]) - qz
            return 0

        lax.fori_loop(0, PER, pr_query, 0)

        base = wid * (PER * L)
        pltpu.sync_copy(bidx, oidx.at[pl.ds(base, PER * L)])
        pltpu.sync_copy(bx, oprx.at[pl.ds(base, PER * L)])
        pltpu.sync_copy(by, opry.at[pl.ds(base, PER * L)])
        pltpu.sync_copy(bz, oprz.at[pl.ds(base, PER * L)])

    return knn



def _make_exden(n1, m, Mp, N1p):
    mesh = plsc.VectorSubcoreMesh(core_axis_name="c", subcore_axis_name="s")
    PERB = Mp // NS

    @functools.partial(
        pl.kernel, mesh=mesh,
        compiler_params=pltpu.CompilerParams(needs_layout_passes=False),
        out_type=[
            jax.ShapeDtypeStruct((NC * NS * N1p,), jnp.float32),
            jax.ShapeDtypeStruct((NC * Mp * L,), jnp.float32),
        ],
        scratch_types=[
            pltpu.VMEM((PERB * L,), jnp.float32),
            pltpu.VMEM((PERB * L,), jnp.int32),
            pltpu.VMEM((N1p,), jnp.float32),
        ],
    )
    def exden(shrink_hbm, kif_hbm, part_hbm, ex_hbm, sh, kf, buf):
        cid = lax.axis_index("c")
        sid = lax.axis_index("s")

        def mx_chunk(c, mv):
            pltpu.sync_copy(shrink_hbm.at[pl.ds(c * (PERB * L), PERB * L)], sh)

            def mx_step(i, mv):
                return jnp.maximum(mv, sh[pl.ds(i * L, L)])

            return lax.fori_loop(0, PERB, mx_step, mv)

        mv = lax.fori_loop(0, NS, mx_chunk,
                           jnp.full((L,), -jnp.inf, jnp.float32))
        gmax = jnp.broadcast_to(jnp.max(mv), (L,))

        base = sid * (PERB * L)
        pltpu.sync_copy(shrink_hbm.at[pl.ds(base, PERB * L)], sh)
        pltpu.sync_copy(kif_hbm.at[pl.ds(base, PERB * L)], kf)

        def z_step(j, _):
            buf[pl.ds(j * L, L)] = jnp.zeros((L,), jnp.float32)
            return 0

        lax.fori_loop(0, N1p // L, z_step, 0)
        start_q = sid * PERB

        def ex_step(i, _):
            o = i * L
            e = jnp.exp(sh[pl.ds(o, L)] - gmax)
            e = e * ((start_q + i) < m).astype(jnp.float32)
            sh[pl.ds(o, L)] = e
            plsc.addupdate_scatter(buf, [kf[pl.ds(o, L)]], e)
            return 0

        lax.fori_loop(0, PERB, ex_step, 0)
        pltpu.sync_copy(buf, part_hbm.at[pl.ds((cid * NS + sid) * N1p, N1p)])
        pltpu.sync_copy(sh, ex_hbm.at[pl.ds(cid * (Mp * L) + base, PERB * L)])

    return exden


def _make_probs(m, Mp, N1p):
    mesh = plsc.VectorSubcoreMesh(core_axis_name="c", subcore_axis_name="s")
    PERB = Mp // NS

    @functools.partial(
        pl.kernel, mesh=mesh,
        compiler_params=pltpu.CompilerParams(needs_layout_passes=False),
        out_type=[
            jax.ShapeDtypeStruct((NC * Mp * L,), jnp.float32),
        ],
        scratch_types=[
            pltpu.VMEM((N1p,), jnp.float32),
            pltpu.VMEM((N1p,), jnp.float32),
            pltpu.VMEM((PERB * L,), jnp.float32),
            pltpu.VMEM((PERB * L,), jnp.int32),
        ],
    )
    def probs(part_hbm, ex_hbm, kif_hbm, prob_hbm, acc, tmp, exv, kf):
        cid = lax.axis_index("c")
        sid = lax.axis_index("s")
        pbase = cid * NS * N1p
        pltpu.sync_copy(part_hbm.at[pl.ds(pbase, N1p)], acc)

        def red_step(c, _):
            pltpu.sync_copy(part_hbm.at[pl.ds(pbase + c * N1p, N1p)], tmp)

            def add_step(j, _):
                o = j * (4 * L)
                for k in range(4):
                    ok = o + k * L
                    acc[pl.ds(ok, L)] = acc[pl.ds(ok, L)] + tmp[pl.ds(ok, L)]
                return 0

            lax.fori_loop(0, N1p // (4 * L), add_step, 0)
            return 0

        lax.fori_loop(1, NS, red_step, 0)

        base = sid * (PERB * L)
        pltpu.sync_copy(ex_hbm.at[pl.ds(cid * (Mp * L) + base, PERB * L)], exv)
        pltpu.sync_copy(kif_hbm.at[pl.ds(base, PERB * L)], kf)

        def pr_step(i, _):
            o = i * L
            den = plsc.load_gather(acc, [kf[pl.ds(o, L)]]) + 1e-16
            exv[pl.ds(o, L)] = exv[pl.ds(o, L)] / den
            return 0

        lax.fori_loop(0, PERB, pr_step, 0)
        pltpu.sync_copy(exv, prob_hbm.at[pl.ds(cid * (Mp * L) + base,
                                               PERB * L)])

    return probs


def _make_upscatter(Mp, N1p, C):
    mesh = plsc.VectorSubcoreMesh(core_axis_name="c", subcore_axis_name="s")
    CPW = C // NW
    CPP = CPW // 2
    QCH = 512
    NCH = Mp // QCH

    @functools.partial(
        pl.kernel, mesh=mesh,
        compiler_params=pltpu.CompilerParams(needs_layout_passes=False),
        out_type=[
            jax.ShapeDtypeStruct((C * N1p,), jnp.float32),
        ],
        scratch_types=[
            pltpu.VMEM((CPP * N1p,), jnp.float32),
            pltpu.VMEM((QCH * L,), jnp.int32),
            pltpu.VMEM((QCH * L,), jnp.float32),
            pltpu.VMEM((CPP * Mp,), jnp.float32),
        ],
    )
    def upscatter(prob_hbm, kif_hbm, l2t_hbm, upt_hbm, buf, ck, cp, l2):
        cid = lax.axis_index("c")
        sid = lax.axis_index("s")
        wid = sid * NC + cid
        for p in range(2):
            gch = wid * CPW + p * CPP

            def ze_step(j, _):
                buf[pl.ds(j * L, L)] = jnp.zeros((L,), jnp.float32)
                return 0

            lax.fori_loop(0, (CPP * N1p) // L, ze_step, 0)
            pltpu.sync_copy(l2t_hbm.at[pl.ds(gch * Mp, CPP * Mp)], l2)

            def ch_step(c, _):
                cb = c * (QCH * L)
                pltpu.sync_copy(kif_hbm.at[pl.ds(cb, QCH * L)], ck)
                pltpu.sync_copy(
                    prob_hbm.at[pl.ds(cid * (Mp * L) + cb, QCH * L)], cp)

                def q_step(i, _):
                    for part in range(4):
                        ii = i * 4 + part
                        o = ii * L
                        kr = ck[pl.ds(o, L)]
                        pr = cp[pl.ds(o, L)]
                        qcol = jnp.full((L,), c * QCH + ii, jnp.int32)
                        for ch in range(CPP):
                            val = plsc.load_gather(l2, [qcol + ch * Mp])
                            plsc.addupdate_scatter(
                                buf, [kr + ch * N1p], pr * val)
                    return 0

                lax.fori_loop(0, QCH // 4, q_step, 0)
                return 0

            lax.fori_loop(0, NCH, ch_step, 0)
            for ch in range(CPP):
                pltpu.sync_copy(buf.at[pl.ds(ch * N1p, N1p)],
                                upt_hbm.at[pl.ds((gch + ch) * N1p, N1p)])

    return upscatter



def kernel(p1, x1, o1, p2, x2, o2, W1, b1, g1, be1, W2, b2, g2, be2,
           csW1, csb1, csg, csbe, csW2, csb2):
    n1 = p1.shape[0]
    m = p2.shape[0]
    C = x1.shape[1]
    Ci = x2.shape[1]

    PER = _rup(-(-m // NW), 8)
    Mp = PER * NW
    DSTP = _rup(_rup(n1, 2048) // NW, 8)
    N1p = DSTP * NW

    p1x = jnp.asarray(p1[:, 0], jnp.float32)
    p1y = jnp.asarray(p1[:, 1], jnp.float32)
    p1z = jnp.asarray(p1[:, 2], jnp.float32)
    p2Tp = jnp.pad(p2.T, ((0, 0), (0, Mp - m)))
    p2b = p2Tp.reshape(3, NW, PER).transpose(1, 0, 2).reshape(NW * 3 * PER)
    x2p = jnp.pad(x2, ((0, Mp - m), (0, 0)))
    V3p = jnp.pad(csW1[:3], ((0, 5), (0, 0)))
    w2row = csW2.reshape(1, Ci)

    lin1 = _lin1_call(x1, W1, b1, g1, be1)
    lin2T, A = _dense2_call(x2p, W2, b2, g2, be2, csW1[3:], csb1)

    knn = _make_knn(n1, PER, Mp)
    kif1, prx1, pry1, prz1 = knn(p1x, p1y, p1z, p2b)
    prx = prx1.reshape(Mp, L)
    pry = pry1.reshape(Mp, L)
    prz = prz1.reshape(Mp, L)

    shrink = _shrink_call(A, prx, pry, prz, V3p, csg, csbe, w2row, csb2)

    shrink1 = shrink.reshape(Mp * L)
    partials, exs = _make_exden(n1, m, Mp, N1p)(shrink1, kif1)
    probs, = _make_probs(m, Mp, N1p)(partials, exs, kif1)
    upTf, = _make_upscatter(Mp, N1p, C)(probs, kif1, lin2T.reshape(C * Mp))
    upT = upTf.reshape(C, N1p)

    lin1p = jnp.pad(lin1, ((0, N1p - n1), (0, 0)))
    return _final_call(lin1p, upT)[:n1]

# --- scband reference (transcript-rebuilt; emitter-appended) ---
"""Pipeline reference for scband-symmetric-transition-up-block-20899310862386 (READ-ONLY COPY).

The authoritative reference and input builder live on the scoring server;
editing this copy changes nothing except your own understanding.
"""

import jax, jax.numpy as jnp
import numpy as np

NSAMPLE = 16

def _bn(x, gamma, beta, eps=1e-5):
    # eval-mode BatchNorm1d with running_mean=0, running_var=1
    return x / jnp.sqrt(1.0 + eps) * gamma + beta

def _knn(queries, keys, k, chunk=500):
    # for each query point, indices of k nearest key points (squared L2)
    kk = jnp.sum(keys * keys, axis=-1)
    idxs = []
    for i in range(0, queries.shape[0], chunk):
        q = queries[i:i + chunk]
        d = jnp.sum(q * q, axis=-1, keepdims=True) + kk[None, :] - 2.0 * (q @ keys.T)
        _, idx = jax.lax.top_k(-d, k)
        idxs.append(idx)
    return jnp.concatenate(idxs, axis=0)

def _scatter_softmax(vals, idx, num_segments):
    seg_max = jax.ops.segment_max(vals, idx, num_segments=num_segments)
    seg_max = jnp.where(jnp.isfinite(seg_max), seg_max, 0.0)
    ex = jnp.exp(vals - seg_max[idx])
    denom = jax.ops.segment_sum(ex, idx, num_segments=num_segments)
    return ex / (denom[idx] + 1e-16)

def setup_inputs(seed: int = 0):
    key = jax.random.key(seed)
    ks = jax.random.split(key, 16)
    n1, n2 = 20000, 5000
    in_planes, out_planes = 512, 256
    inp = {}
    inp['p1'] = jax.random.uniform(ks[0], (n1, 3), dtype=jnp.float32)
    inp['x1'] = jax.random.normal(ks[1], (n1, out_planes), dtype=jnp.float32)
    inp['o1'] = jnp.array([n1], dtype=jnp.int32)
    inp['p2'] = jax.random.uniform(ks[2], (n2, 3), dtype=jnp.float32)
    inp['x2'] = jax.random.normal(ks[3], (n2, in_planes), dtype=jnp.float32)
    inp['o2'] = jnp.array([n2], dtype=jnp.int32)
    s = 1.0 / np.sqrt(out_planes)
    inp['W1'] = jax.random.uniform(ks[4], (out_planes, out_planes), minval=-s, maxval=s, dtype=jnp.float32)
    inp['b1'] = jax.random.uniform(ks[5], (out_planes,), minval=-s, maxval=s, dtype=jnp.float32)
    inp['g1'] = jnp.ones((out_planes,), dtype=jnp.float32)
    inp['be1'] = jnp.zeros((out_planes,), dtype=jnp.float32)
    s = 1.0 / np.sqrt(in_planes)
    inp['W2'] = jax.random.uniform(ks[6], (in_planes, out_planes), minval=-s, maxval=s, dtype=jnp.float32)
    inp['b2'] = jax.random.uniform(ks[7], (out_planes,), minval=-s, maxval=s, dtype=jnp.float32)
    inp['g2'] = jnp.ones((out_planes,), dtype=jnp.float32)
    inp['be2'] = jnp.zeros((out_planes,), dtype=jnp.float32)
    s = 1.0 / np.sqrt(in_planes + 3)
    inp['csW1'] = jax.random.uniform(ks[8], (in_planes + 3, in_planes), minval=-s, maxval=s, dtype=jnp.float32)
    inp['csb1'] = jax.random.uniform(ks[9], (in_planes,), minval=-s, maxval=s, dtype=jnp.float32)
    inp['csg'] = jnp.ones((in_planes,), dtype=jnp.float32)
    inp['csbe'] = jnp.zeros((in_planes,), dtype=jnp.float32)
    s = 1.0 / np.sqrt(in_planes)
    inp['csW2'] = jax.random.uniform(ks[10], (in_planes, 1), minval=-s, maxval=s, dtype=jnp.float32)
    inp['csb2'] = jax.random.uniform(ks[11], (1,), minval=-s, maxval=s, dtype=jnp.float32)
    return inp

def reference(p1, x1, o1, p2, x2, o2, W1, b1, g1, be1, W2, b2, g2, be2, csW1, csb1, csg, csbe, csW2, csb2):
    n1 = p1.shape[0]
    m = p2.shape[0]
    k = NSAMPLE
    knn_idx = _knn(p2, p1, k)            # [m, k] indices into p1
    kif = knn_idx.reshape(-1)            # [m*k]
    p_r = p1[kif].reshape(m, k, 3) - p2[:, None, :]
    x2_knn = jnp.concatenate([p_r, jnp.broadcast_to(x2[:, None, :], (m, k, x2.shape[-1]))], axis=-1)
    flat = x2_knn.reshape(m * k, -1)
    h = jnp.maximum(_bn(flat @ csW1 + csb1, csg, csbe), 0.0)
    shrink = h @ csW2 + csb2             # [m*k, 1]
    prob = _scatter_softmax(shrink, kif, n1).reshape(m, k, 1)
    lin2 = jnp.maximum(_bn(x2 @ W2 + b2, g2, be2), 0.0)   # [m, out]
    up_flat = (lin2[:, None, :] * prob).reshape(m * k, -1)
    up = jax.ops.segment_sum(up_flat, kif, num_segments=n1)
    lin1 = jnp.maximum(_bn(x1 @ W1 + b1, g1, be1), 0.0)
    return lin1 + up

if __name__ == "__main__":
    import jax
    _d = setup_inputs()
    print(jax.jit(kernel)(*tuple(_d.values())))

</pallas_src>

<mosaic_0001>
#map = affine_map<(d0, d1) -> (0)>
module attributes {stable_mosaic.version = 14 : i64} {
  func.func @knn(%arg0: i32, %arg1: i32, %arg2: memref<20000xf32, #tpu.memory_space<hbm>>, %arg3: memref<20000xf32, #tpu.memory_space<hbm>>, %arg4: memref<20000xf32, #tpu.memory_space<hbm>>, %arg5: memref<15360xf32, #tpu.memory_space<hbm>>, %arg6: memref<81920xi32, #tpu.memory_space<hbm>>, %arg7: memref<81920xf32, #tpu.memory_space<hbm>>, %arg8: memref<81920xf32, #tpu.memory_space<hbm>>, %arg9: memref<81920xf32, #tpu.memory_space<hbm>>, %arg10: memref<20000xf32, #tpu.memory_space<vmem>>, %arg11: memref<20000xf32, #tpu.memory_space<vmem>>, %arg12: memref<20000xf32, #tpu.memory_space<vmem>>, %arg13: memref<20000xf32, #tpu.memory_space<vmem>>, %arg14: memref<480xf32, #tpu.memory_space<vmem>>, %arg15: memref<2560xi32, #tpu.memory_space<vmem>>, %arg16: memref<2560xf32, #tpu.memory_space<vmem>>, %arg17: memref<2560xf32, #tpu.memory_space<vmem>>, %arg18: memref<2560xf32, #tpu.memory_space<vmem>>) attributes {dimension_semantics = [#tpu.dimension_semantics<core_parallel>, #tpu.dimension_semantics<subcore_parallel>], iteration_bounds = array<i64: 2, 16>, scalar_prefetch = 0 : i64, scratch_operands = 9 : i64, tpu.core_type = #tpu.core_type<sc_vector_subcore>, window_params = [{transform_indices = #map}, {transform_indices = #map}, {transform_indices = #map}, {transform_indices = #map}, {transform_indices = #map}, {transform_indices = #map}, {transform_indices = #map}, {transform_indices = #map}]} {
    %mul3A = arith.constant 2 : i32
    %mul3A_0 = arith.muli %arg1, %mul3A : i32
    %add3A = arith.addi %mul3A_0, %arg0 : i32
    "tpu.region"() ({
      %run_scoped3A = tpu.sem_alloc : memref<!tpu.dma_semaphore, #tpu.memory_space<semaphore_mem>>
      tpu.enqueue_dma source(%arg2 : memref<20000xf32, #tpu.memory_space<hbm>>) target(%arg10 : memref<20000xf32, #tpu.memory_space<vmem>>) target_semaphore(%run_scoped3A : memref<!tpu.dma_semaphore, #tpu.memory_space<semaphore_mem>>)
      tpu.wait_dma2 semaphore(%run_scoped3A : memref<!tpu.dma_semaphore, #tpu.memory_space<semaphore_mem>>) src(%arg2 : memref<20000xf32, #tpu.memory_space<hbm>>) dst(%arg10 : memref<20000xf32, #tpu.memory_space<vmem>>)
      tpu.yield
    }) : () -> ()
    "tpu.region"() ({
      %run_scoped3A = tpu.sem_alloc : memref<!tpu.dma_semaphore, #tpu.memory_space<semaphore_mem>>
      tpu.enqueue_dma source(%arg3 : memref<20000xf32, #tpu.memory_space<hbm>>) target(%arg11 : memref<20000xf32, #tpu.memory_space<vmem>>) target_semaphore(%run_scoped3A : memref<!tpu.dma_semaphore, #tpu.memory_space<semaphore_mem>>)
      tpu.wait_dma2 semaphore(%run_scoped3A : memref<!tpu.dma_semaphore, #tpu.memory_space<semaphore_mem>>) src(%arg3 : memref<20000xf32, #tpu.memory_space<hbm>>) dst(%arg11 : memref<20000xf32, #tpu.memory_space<vmem>>)
      tpu.yield
    }) : () -> ()
    "tpu.region"() ({
      %run_scoped3A = tpu.sem_alloc : memref<!tpu.dma_semaphore, #tpu.memory_space<semaphore_mem>>
      tpu.enqueue_dma source(%arg4 : memref<20000xf32, #tpu.memory_space<hbm>>) target(%arg12 : memref<20000xf32, #tpu.memory_space<vmem>>) target_semaphore(%run_scoped3A : memref<!tpu.dma_semaphore, #tpu.memory_space<semaphore_mem>>)
      tpu.wait_dma2 semaphore(%run_scoped3A : memref<!tpu.dma_semaphore, #tpu.memory_space<semaphore_mem>>) src(%arg4 : memref<20000xf32, #tpu.memory_space<hbm>>) dst(%arg12 : memref<20000xf32, #tpu.memory_space<vmem>>)
      tpu.yield
    }) : () -> ()
    %mul3A_1 = arith.constant 3 : i32
    %mul3A_2 = arith.muli %add3A, %mul3A_1 : i32
    %mul3A_3 = arith.constant 160 : i32
    %mul3A_4 = arith.muli %mul3A_2, %mul3A_3 : i32
    "tpu.region"() ({
      %run_scoped3A = tpu.sem_alloc : memref<!tpu.dma_semaphore, #tpu.memory_space<semaphore_mem>>
      %dma_start3A = tpu.memref_slice %arg5[%mul3A_4] : memref<15360xf32, #tpu.memory_space<hbm>> -> memref<480xf32, #tpu.memory_space<hbm>>
      %dma_start3A_28 = tpu.memref_slice %arg5[%mul3A_4] : memref<15360xf32, #tpu.memory_space<hbm>> -> memref<480xf32, #tpu.memory_space<hbm>>
      tpu.enqueue_dma source(%dma_start3A_28 : memref<480xf32, #tpu.memory_space<hbm>>) target(%arg14 : memref<480xf32, #tpu.memory_space<vmem>>) target_semaphore(%run_scoped3A : memref<!tpu.dma_semaphore, #tpu.memory_space<semaphore_mem>>)
      %dma_wait3A = tpu.memref_slice %arg5[%mul3A_4] : memref<15360xf32, #tpu.memory_space<hbm>> -> memref<480xf32, #tpu.memory_space<hbm>>
      %dma_wait3A_29 = tpu.memref_slice %arg5[%mul3A_4] : memref<15360xf32, #tpu.memory_space<hbm>> -> memref<480xf32, #tpu.memory_space<hbm>>
      tpu.wait_dma2 semaphore(%run_scoped3A : memref<!tpu.dma_semaphore, #tpu.memory_space<semaphore_mem>>) src(%dma_wait3A_29 : memref<480xf32, #tpu.memory_space<hbm>>) dst(%arg14 : memref<480xf32, #tpu.memory_space<vmem>>)
      tpu.yield
    }) : () -> ()
    %scan3A = arith.constant 0 : i32
    %scan3A_5 = arith.constant 0 : i32
    %scan3A_6 = arith.constant 1250 : i32
    %scan3A_7 = arith.addi %scan3A_5, %scan3A_6 : i32
    %scan3A_8 = arith.constant 1 : i32
    %scan3A_9 = scf.for %scan3A_28 = %scan3A_5 to %scan3A_7 step %scan3A_8 iter_args(%scan3A_29 = %scan3A) -> (i32)  : i32 {
      %mul3A_30 = arith.constant 16 : i32
      %mul3A_31 = arith.muli %scan3A_28, %mul3A_30 : i32
      %get3A = arith.index_cast %mul3A_31 : i32 to index
      %get3A_32 = tpu.vector_load %arg10[%get3A] {strides = array<i32>} : memref<20000xf32, #tpu.memory_space<vmem>>, vector<16xf32>,
      %get3A_33 = arith.index_cast %mul3A_31 : i32 to index
      %get3A_34 = tpu.vector_load %arg11[%get3A_33] {strides = array<i32>} : memref<20000xf32, #tpu.memory_space<vmem>>, vector<16xf32>,
      %get3A_35 = arith.index_cast %mul3A_31 : i32 to index
      %get3A_36 = tpu.vector_load %arg12[%get3A_35] {strides = array<i32>} : memref<20000xf32, #tpu.memory_space<vmem>>, vector<16xf32>,
      %mul3A_37 = arith.mulf %get3A_32, %get3A_32 : vector<16xf32>
      %mul3A_38 = arith.mulf %get3A_34, %get3A_34 : vector<16xf32>
      %add3A_39 = arith.addf %mul3A_37, %mul3A_38 : vector<16xf32>
      %mul3A_40 = arith.mulf %get3A_36, %get3A_36 : vector<16xf32>
      %add3A_41 = arith.addf %add3A_39, %mul3A_40 : vector<16xf32>
      %swap3A = arith.index_cast %mul3A_31 : i32 to index
      %swap3A_42 = tpu.vector_load %arg13[%swap3A] {strides = array<i32>} : memref<20000xf32, #tpu.memory_space<vmem>>, vector<16xf32>,
      tpu.vector_store %arg13[%swap3A], %add3A_41 {strides = array<i32>} : memref<20000xf32, #tpu.memory_space<vmem>>, vector<16xf32>,
      %bitcast3A = vector.bitcast %get3A_32 : vector<16xf32> to vector<16xi32>
      %shift_right_arithmetic3A = arith.constant 16 : i32
      %shift_right_arithmetic3A_43 = vector.broadcast %shift_right_arithmetic3A : i32 to vector<16xi32>
      %shift_right_arithmetic3A_44 = arith.shrsi %bitcast3A, %shift_right_arithmetic3A_43 : vector<16xi32>
      %and3A = arith.constant 1 : i32
      %and3A_45 = vector.broadcast %and3A : i32 to vector<16xi32>
      %and3A_46 = arith.andi %shift_right_arithmetic3A_44, %and3A_45 : vector<16xi32>
      %add3A_47 = arith.constant 32767 : i32
      %add3A_48 = vector.broadcast %add3A_47 : i32 to vector<16xi32>
      %add3A_49 = arith.addi %add3A_48, %and3A_46 : vector<16xi32>
      %add3A_50 = arith.addi %bitcast3A, %add3A_49 : vector<16xi32>
      %and3A_51 = arith.constant -65536 : i32
      %and3A_52 = vector.broadcast %and3A_51 : i32 to vector<16xi32>
      %and3A_53 = arith.andi %add3A_50, %and3A_52 : vector<16xi32>
      %bitcast3A_54 = vector.bitcast %and3A_53 : vector<16xi32> to vector<16xf32>
      %mul3A_55 = arith.constant -2.000000e+00 : f32
      %mul3A_56 = vector.broadcast %mul3A_55 : f32 to vector<16xf32>
      %mul3A_57 = arith.mulf %mul3A_56, %bitcast3A_54 : vector<16xf32>
      %swap3A_58 = arith.index_cast %mul3A_31 : i32 to index
      %swap3A_59 = tpu.vector_load %arg10[%swap3A_58] {strides = array<i32>} : memref<20000xf32, #tpu.memory_space<vmem>>, vector<16xf32>,
      tpu.vector_store %arg10[%swap3A_58], %mul3A_57 {strides = array<i32>} : memref<20000xf32, #tpu.memory_space<vmem>>, vector<16xf32>,
      %bitcast3A_60 = vector.bitcast %get3A_34 : vector<16xf32> to vector<16xi32>
      %shift_right_arithmetic3A_61 = arith.constant 16 : i32
      %shift_right_arithmetic3A_62 = vector.broadcast %shift_right_arithmetic3A_61 : i32 to vector<16xi32>
      %shift_right_arithmetic3A_63 = arith.shrsi %bitcast3A_60, %shift_right_arithmetic3A_62 : vector<16xi32>
      %and3A_64 = arith.constant 1 : i32
      %and3A_65 = vector.broadcast %and3A_64 : i32 to vector<16xi32>
      %and3A_66 = arith.andi %shift_right_arithmetic3A_63, %and3A_65 : vector<16xi32>
      %add3A_67 = arith.constant 32767 : i32
      %add3A_68 = vector.broadcast %add3A_67 : i32 to vector<16xi32>
      %add3A_69 = arith.addi %add3A_68, %and3A_66 : vector<16xi32>
      %add3A_70 = arith.addi %bitcast3A_60, %add3A_69 : vector<16xi32>
      %and3A_71 = arith.constant -65536 : i32
      %and3A_72 = vector.broadcast %and3A_71 : i32 to vector<16xi32>
      %and3A_73 = arith.andi %add3A_70, %and3A_72 : vector<16xi32>
      %bitcast3A_74 = vector.bitcast %and3A_73 : vector<16xi32> to vector<16xf32>
      %mul3A_75 = arith.constant -2.000000e+00 : f32
      %mul3A_76 = vector.broadcast %mul3A_75 : f32 to vector<16xf32>
      %mul3A_77 = arith.mulf %mul3A_76, %bitcast3A_74 : vector<16xf32>
      %swap3A_78 = arith.index_cast %mul3A_31 : i32 to index
      %swap3A_79 = tpu.vector_load %arg11[%swap3A_78] {strides = array<i32>} : memref<20000xf32, #tpu.memory_space<vmem>>, vector<16xf32>,
      tpu.vector_store %arg11[%swap3A_78], %mul3A_77 {strides = array<i32>} : memref<20000xf32, #tpu.memory_space<vmem>>, vector<16xf32>,
      %bitcast3A_80 = vector.bitcast %get3A_36 : vector<16xf32> to vector<16xi32>
      %shift_right_arithmetic3A_81 = arith.constant 16 : i32
      %shift_right_arithmetic3A_82 = vector.broadcast %shift_right_arithmetic3A_81 : i32 to vector<16xi32>
      %shift_right_arithmetic3A_83 = arith.shrsi %bitcast3A_80, %shift_right_arithmetic3A_82 : vector<16xi32>
      %and3A_84 = arith.constant 1 : i32
      %and3A_85 = vector.broadcast %and3A_84 : i32 to vector<16xi32>
      %and3A_86 = arith.andi %shift_right_arithmetic3A_83, %and3A_85 : vector<16xi32>
      %add3A_87 = arith.constant 32767 : i32
      %add3A_88 = vector.broadcast %add3A_87 : i32 to vector<16xi32>
      %add3A_89 = arith.addi %add3A_88, %and3A_86 : vector<16xi32>
      %add3A_90 = arith.addi %bitcast3A_80, %add3A_89 : vector<16xi32>
      %and3A_91 = arith.constant -65536 : i32
      %and3A_92 = vector.broadcast %and3A_91 : i32 to vector<16xi32>
      %and3A_93 = arith.andi %add3A_90, %and3A_92 : vector<16xi32>
      %bitcast3A_94 = vector.bitcast %and3A_93 : vector<16xi32> to vector<16xf32>
      %mul3A_95 = arith.constant -2.000000e+00 : f32
      %mul3A_96 = vector.broadcast %mul3A_95 : f32 to vector<16xf32>
      %mul3A_97 = arith.mulf %mul3A_96, %bitcast3A_94 : vector<16xf32>
      %swap3A_98 = arith.index_cast %mul3A_31 : i32 to index
      %swap3A_99 = tpu.vector_load %arg12[%swap3A_98] {strides = array<i32>} : memref<20000xf32, #tpu.memory_space<vmem>>, vector<16xf32>,
      tpu.vector_store %arg12[%swap3A_98], %mul3A_97 {strides = array<i32>} : memref<20000xf32, #tpu.memory_space<vmem>>, vector<16xf32>,
      %scan3A_100 = arith.constant 0 : i32
      scf.yield %scan3A_100 : i32
    }
    %scan3A_10 = arith.constant 1250 : i32
    %iota3A = tpu.iota {dimensions = array<i32: 0>} : vector<16xi32>
    %broadcast_in_dim3A = arith.constant 0x7F800000 : f32
    %broadcast_in_dim3A_11 = vector.broadcast %broadcast_in_dim3A : f32 to vector<16xf32>
    %scan3A_12 = arith.constant 0 : i32
    %scan3A_13 = arith.constant 0 : i32
    %scan3A_14 = arith.constant 160 : i32
    %scan3A_15 = arith.addi %scan3A_13, %scan3A_14 : i32
    %scan3A_16 = arith.constant 1 : i32
    %scan3A_17 = scf.for %scan3A_28 = %scan3A_13 to %scan3A_15 step %scan3A_16 iter_args(%scan3A_29 = %scan3A_12) -> (i32)  : i32 {
      %broadcast_in_dim3A_30 = vector.broadcast %scan3A_28 : i32 to vector<16xi32>
      %gather3A = tpu.vector_load_idx %arg14[%broadcast_in_dim3A_30] : memref<480xf32, #tpu.memory_space<vmem>>[vector<16xi32>], vector<16xf32>,
      %add3A_31 = arith.constant 160 : i32
      %add3A_32 = vector.broadcast %add3A_31 : i32 to vector<16xi32>
      %add3A_33 = arith.addi %broadcast_in_dim3A_30, %add3A_32 : vector<16xi32>
      %gather3A_34 = tpu.vector_load_idx %arg14[%add3A_33] : memref<480xf32, #tpu.memory_space<vmem>>[vector<16xi32>], vector<16xf32>,
      %add3A_35 = arith.constant 320 : i32
      %add3A_36 = vector.broadcast %add3A_35 : i32 to vector<16xi32>
      %add3A_37 = arith.addi %broadcast_in_dim3A_30, %add3A_36 : vector<16xi32>
      %gather3A_38 = tpu.vector_load_idx %arg14[%add3A_37] : memref<480xf32, #tpu.memory_space<vmem>>[vector<16xi32>], vector<16xf32>,
      %mul3A_39 = arith.mulf %gather3A, %gather3A : vector<16xf32>
      %mul3A_40 = arith.mulf %gather3A_34, %gather3A_34 : vector<16xf32>
      %add3A_41 = arith.addf %mul3A_39, %mul3A_40 : vector<16xf32>
      %mul3A_42 = arith.mulf %gather3A_38, %gather3A_38 : vector<16xf32>
      %add3A_43 = arith.addf %add3A_41, %mul3A_42 : vector<16xf32>
      %bitcast3A = vector.bitcast %gather3A : vector<16xf32> to vector<16xi32>
      %shift_right_arithmetic3A = arith.constant 16 : i32
      %shift_right_arithmetic3A_44 = vector.broadcast %shift_right_arithmetic3A : i32 to vector<16xi32>
      %shift_right_arithmetic3A_45 = arith.shrsi %bitcast3A, %shift_right_arithmetic3A_44 : vector<16xi32>
      %and3A = arith.constant 1 : i32
      %and3A_46 = vector.broadcast %and3A : i32 to vector<16xi32>
      %and3A_47 = arith.andi %shift_right_arithmetic3A_45, %and3A_46 : vector<16xi32>
      %add3A_48 = arith.constant 32767 : i32
      %add3A_49 = vector.broadcast %add3A_48 : i32 to vector<16xi32>
      %add3A_50 = arith.addi %add3A_49, %and3A_47 : vector<16xi32>
      %add3A_51 = arith.addi %bitcast3A, %add3A_50 : vector<16xi32>
      %and3A_52 = arith.constant -65536 : i32
      %and3A_53 = vector.broadcast %and3A_52 : i32 to vector<16xi32>
      %and3A_54 = arith.andi %add3A_51, %and3A_53 : vector<16xi32>
      %bitcast3A_55 = vector.bitcast %and3A_54 : vector<16xi32> to vector<16xf32>
      %bitcast3A_56 = vector.bitcast %gather3A_34 : vector<16xf32> to vector<16xi32>
      %shift_right_arithmetic3A_57 = arith.constant 16 : i32
      %shift_right_arithmetic3A_58 = vector.broadcast %shift_right_arithmetic3A_57 : i32 to vector<16xi32>
      %shift_right_arithmetic3A_59 = arith.shrsi %bitcast3A_56, %shift_right_arithmetic3A_58 : vector<16xi32>
      %and3A_60 = arith.constant 1 : i32
      %and3A_61 = vector.broadcast %and3A_60 : i32 to vector<16xi32>
      %and3A_62 = arith.andi %shift_right_arithmetic3A_59, %and3A_61 : vector<16xi32>
      %add3A_63 = arith.constant 32767 : i32
      %add3A_64 = vector.broadcast %add3A_63 : i32 to vector<16xi32>
      %add3A_65 = arith.addi %add3A_64, %and3A_62 : vector<16xi32>
      %add3A_66 = arith.addi %bitcast3A_56, %add3A_65 : vector<16xi32>
      %and3A_67 = arith.constant -65536 : i32
      %and3A_68 = vector.broadcast %and3A_67 : i32 to vector<16xi32>
      %and3A_69 = arith.andi %add3A_66, %and3A_68 : vector<16xi32>
      %bitcast3A_70 = vector.bitcast %and3A_69 : vector<16xi32> to vector<16xf32>
      %bitcast3A_71 = vector.bitcast %gather3A_38 : vector<16xf32> to vector<16xi32>
      %shift_right_arithmetic3A_72 = arith.constant 16 : i32
      %shift_right_arithmetic3A_73 = vector.broadcast %shift_right_arithmetic3A_72 : i32 to vector<16xi32>
      %shift_right_arithmetic3A_74 = arith.shrsi %bitcast3A_71, %shift_right_arithmetic3A_73 : vector<16xi32>
      %and3A_75 = arith.constant 1 : i32
      %and3A_76 = vector.broadcast %and3A_75 : i32 to vector<16xi32>
      %and3A_77 = arith.andi %shift_right_arithmetic3A_74, %and3A_76 : vector<16xi32>
      %add3A_78 = arith.constant 32767 : i32
      %add3A_79 = vector.broadcast %add3A_78 : i32 to vector<16xi32>
      %add3A_80 = arith.addi %add3A_79, %and3A_77 : vector<16xi32>
      %add3A_81 = arith.addi %bitcast3A_71, %add3A_80 : vector<16xi32>
      %and3A_82 = arith.constant -65536 : i32
      %and3A_83 = vector.broadcast %and3A_82 : i32 to vector<16xi32>
      %and3A_84 = arith.andi %add3A_81, %and3A_83 : vector<16xi32>
      %bitcast3A_85 = vector.bitcast %and3A_84 : vector<16xi32> to vector<16xf32>
      %scan3A_86 = arith.constant 0 : i32
      %scan3A_87 = arith.constant 1250 : i32
      %scan3A_88 = arith.addi %scan3A_86, %scan3A_87 : i32
      %scan3A_89 = arith.constant 1 : i32
      %scan3A_90:5 = scf.for %scan3A_300 = %scan3A_86 to %scan3A_88 step %scan3A_89 iter_args(%scan3A_301 = %broadcast_in_dim3A_11, %scan3A_302 = %broadcast_in_dim3A_11, %scan3A_303 = %broadcast_in_dim3A_11, %scan3A_304 = %broadcast_in_dim3A_11, %scan3A_305 = %broadcast_in_dim3A_11) -> (vector<16xf32>, vector<16xf32>, vector<16xf32>, vector<16xf32>, vector<16xf32>)  : i32 {
        %mul3A_306 = arith.constant 16 : i32
        %mul3A_307 = arith.muli %scan3A_300, %mul3A_306 : i32
        %get3A = arith.index_cast %mul3A_307 : i32 to index
        %get3A_308 = tpu.vector_load %arg13[%get3A] {strides = array<i32>} : memref<20000xf32, #tpu.memory_space<vmem>>, vector<16xf32>,
        %add3A_309 = arith.addf %get3A_308, %add3A_43 : vector<16xf32>
        %get3A_310 = arith.index_cast %mul3A_307 : i32 to index
        %get3A_311 = tpu.vector_load %arg10[%get3A_310] {strides = array<i32>} : memref<20000xf32, #tpu.memory_space<vmem>>, vector<16xf32>,
        %mul3A_312 = arith.mulf %bitcast3A_55, %get3A_311 : vector<16xf32>
        %get3A_313 = arith.index_cast %mul3A_307 : i32 to index
        %get3A_314 = tpu.vector_load %arg11[%get3A_313] {strides = array<i32>} : memref<20000xf32, #tpu.memory_space<vmem>>, vector<16xf32>,
        %mul3A_315 = arith.mulf %bitcast3A_70, %get3A_314 : vector<16xf32>
        %add3A_316 = arith.addf %mul3A_312, %mul3A_315 : vector<16xf32>
        %get3A_317 = arith.index_cast %mul3A_307 : i32 to index
        %get3A_318 = tpu.vector_load %arg12[%get3A_317] {strides = array<i32>} : memref<20000xf32, #tpu.memory_space<vmem>>, vector<16xf32>,
        %mul3A_319 = arith.mulf %bitcast3A_85, %get3A_318 : vector<16xf32>
        %add3A_320 = arith.addf %add3A_316, %mul3A_319 : vector<16xf32>
        %add3A_321 = arith.addf %add3A_309, %add3A_320 : vector<16xf32>
        %bitcast3A_322 = vector.bitcast %add3A_321 : vector<16xf32> to vector<16xi32>
        %and3A_323 = arith.constant -2048 : i32
        %and3A_324 = vector.broadcast %and3A_323 : i32 to vector<16xi32>
        %and3A_325 = arith.andi %bitcast3A_322, %and3A_324 : vector<16xi32>
        %or3A = vector.broadcast %scan3A_300 : i32 to vector<16xi32>
        %or3A_326 = arith.ori %and3A_325, %or3A : vector<16xi32>
        %bitcast3A_327 = vector.bitcast %or3A_326 : vector<16xi32> to vector<16xf32>
        %min3A = arith.minimumf %scan3A_301, %bitcast3A_327 : vector<16xf32>
        %max3A = arith.maximumf %scan3A_301, %bitcast3A_327 : vector<16xf32>
        %min3A_328 = arith.minimumf %scan3A_302, %max3A : vector<16xf32>
        %max3A_329 = arith.maximumf %scan3A_302, %max3A : vector<16xf32>
        %min3A_330 = arith.minimumf %scan3A_303, %max3A_329 : vector<16xf32>
        %max3A_331 = arith.maximumf %scan3A_303, %max3A_329 : vector<16xf32>
        %min3A_332 = arith.minimumf %scan3A_304, %max3A_331 : vector<16xf32>
        %max3A_333 = arith.maximumf %scan3A_304, %max3A_331 : vector<16xf32>
        %min3A_334 = arith.minimumf %scan3A_305, %max3A_333 : vector<16xf32>
        %max3A_335 = arith.maximumf %scan3A_305, %max3A_333 : vector<16xf32>
        scf.yield %min3A, %min3A_328, %min3A_330, %min3A_332, %min3A_334 : vector<16xf32>, vector<16xf32>, vector<16xf32>, vector<16xf32>, vector<16xf32>
      }
      %scan3A_91 = arith.constant 1250 : i32
      %bitcast3A_92 = vector.bitcast %scan3A_90#0 : vector<16xf32> to vector<16xi32>
      %and3A_93 = arith.constant 2047 : i32
      %and3A_94 = vector.broadcast %and3A_93 : i32 to vector<16xi32>
      %and3A_95 = arith.andi %bitcast3A_92, %and3A_94 : vector<16xi32>
      %mul3A_96 = arith.constant 16 : i32
      %mul3A_97 = vector.broadcast %mul3A_96 : i32 to vector<16xi32>
      %mul3A_98 = arith.muli %and3A_95, %mul3A_97 : vector<16xi32>
      %add3A_99 = arith.addi %mul3A_98, %iota3A : vector<16xi32>
      %gather3A_100 = tpu.vector_load_idx %arg13[%add3A_99] : memref<20000xf32, #tpu.memory_space<vmem>>[vector<16xi32>], vector<16xf32>,
      %add3A_101 = arith.addf %gather3A_100, %add3A_43 : vector<16xf32>
      %gather3A_102 = tpu.vector_load_idx %arg10[%add3A_99] : memref<20000xf32, #tpu.memory_space<vmem>>[vector<16xi32>], vector<16xf32>,
      %mul3A_103 = arith.mulf %bitcast3A_55, %gather3A_102 : vector<16xf32>
      %gather3A_104 = tpu.vector_load_idx %arg11[%add3A_99] : memref<20000xf32, #tpu.memory_space<vmem>>[vector<16xi32>], vector<16xf32>,
      %mul3A_105 = arith.mulf %bitcast3A_70, %gather3A_104 : vector<16xf32>
      %add3A_106 = arith.addf %mul3A_103, %mul3A_105 : vector<16xf32>
      %gather3A_107 = tpu.vector_load_idx %arg12[%add3A_99] : memref<20000xf32, #tpu.memory_space<vmem>>[vector<16xi32>], vector<16xf32>,
      %mul3A_108 = arith.mulf %bitcast3A_85, %gather3A_107 : vector<16xf32>
      %add3A_109 = arith.addf %add3A_106, %mul3A_108 : vector<16xf32>
      %add3A_110 = arith.addf %add3A_101, %add3A_109 : vector<16xf32>
      %masked_sort3A = arith.constant dense<true> : vector<16xi1>
      %masked_sort3A_111, %masked_sort3A_112, %masked_sort3A_113 = tpu.sort %add3A_110, %add3A_99 masked %masked_sort3A : (vector<16xf32>, vector<16xi32>, vector<16xi1>) -> (vector<16xi1>, vector<16xf32>, vector<16xi32>)
      %bitcast3A_114 = vector.bitcast %scan3A_90#1 : vector<16xf32> to vector<16xi32>
      %and3A_115 = arith.constant 2047 : i32
      %and3A_116 = vector.broadcast %and3A_115 : i32 to vector<16xi32>
      %and3A_117 = arith.andi %bitcast3A_114, %and3A_116 : vector<16xi32>
      %mul3A_118 = arith.constant 16 : i32
      %mul3A_119 = vector.broadcast %mul3A_118 : i32 to vector<16xi32>
      %mul3A_120 = arith.muli %and3A_117, %mul3A_119 : vector<16xi32>
      %add3A_121 = arith.addi %mul3A_120, %iota3A : vector<16xi32>
      %gather3A_122 = tpu.vector_load_idx %arg13[%add3A_121] : memref<20000xf32, #tpu.memory_space<vmem>>[vector<16xi32>], vector<16xf32>,
      %add3A_123 = arith.addf %gather3A_122, %add3A_43 : vector<16xf32>
      %gather3A_124 = tpu.vector_load_idx %arg10[%add3A_121] : memref<20000xf32, #tpu.memory_space<vmem>>[vector<16xi32>], vector<16xf32>,
      %mul3A_125 = arith.mulf %bitcast3A_55, %gather3A_124 : vector<16xf32>
      %gather3A_126 = tpu.vector_load_idx %arg11[%add3A_121] : memref<20000xf32, #tpu.memory_space<vmem>>[vector<16xi32>], vector<16xf32>,
      %mul3A_127 = arith.mulf %bitcast3A_70, %gather3A_126 : vector<16xf32>
      %add3A_128 = arith.addf %mul3A_125, %mul3A_127 : vector<16xf32>
      %gather3A_129 = tpu.vector_load_idx %arg12[%add3A_121] : memref<20000xf32, #tpu.memory_space<vmem>>[vector<16xi32>], vector<16xf32>,
      %mul3A_130 = arith.mulf %bitcast3A_85, %gather3A_129 : vector<16xf32>
      %add3A_131 = arith.addf %add3A_128, %mul3A_130 : vector<16xf32>
      %add3A_132 = arith.addf %add3A_123, %add3A_131 : vector<16xf32>
      %masked_sort3A_133 = arith.constant dense<true> : vector<16xi1>
      %masked_sort3A_134, %masked_sort3A_135, %masked_sort3A_136 = tpu.sort %add3A_132, %add3A_121 masked %masked_sort3A_133 : (vector<16xf32>, vector<16xi32>, vector<16xi1>) -> (vector<16xi1>, vector<16xf32>, vector<16xi32>)
      %rev3A = arith.constant 15 : i32
      %rev3A_137 = vector.broadcast %rev3A : i32 to vector<16xi32>
      %rev3A_138 = tpu.iota {dimensions = array<i32: 0>} : vector<16xi32>
      %rev3A_139 = arith.subi %rev3A_137, %rev3A_138 : vector<16xi32>
      %rev3A_140 = tpu.dynamic_gather %masked_sort3A_135[%rev3A_139] in [0] : vector<16xf32>, vector<16xi32> -> vector<16xf32>
      %rev3A_141 = arith.constant 15 : i32
      %rev3A_142 = vector.broadcast %rev3A_141 : i32 to vector<16xi32>
      %rev3A_143 = tpu.iota {dimensions = array<i32: 0>} : vector<16xi32>
      %rev3A_144 = arith.subi %rev3A_142, %rev3A_143 : vector<16xi32>
      %rev3A_145 = tpu.dynamic_gather %masked_sort3A_136[%rev3A_144] in [0] : vector<16xi32>, vector<16xi32> -> vector<16xi32>
      %le3A = arith.cmpf ole, %masked_sort3A_112, %rev3A_140 : vector<16xf32>
      %select_n3A = arith.select %le3A, %masked_sort3A_112, %rev3A_140 : vector<16xi1>, vector<16xf32>
      %select_n3A_146 = arith.select %le3A, %masked_sort3A_113, %rev3A_145 : vector<16xi1>, vector<16xi32>
      %masked_sort3A_147 = arith.constant dense<true> : vector<16xi1>
      %masked_sort3A_148, %masked_sort3A_149, %masked_sort3A_150 = tpu.sort %select_n3A, %select_n3A_146 masked %masked_sort3A_147 : (vector<16xf32>, vector<16xi32>, vector<16xi1>) -> (vector<16xi1>, vector<16xf32>, vector<16xi32>)
      %bitcast3A_151 = vector.bitcast %scan3A_90#2 : vector<16xf32> to vector<16xi32>
      %and3A_152 = arith.constant 2047 : i32
      %and3A_153 = vector.broadcast %and3A_152 : i32 to vector<16xi32>
      %and3A_154 = arith.andi %bitcast3A_151, %and3A_153 : vector<16xi32>
      %mul3A_155 = arith.constant 16 : i32
      %mul3A_156 = vector.broadcast %mul3A_155 : i32 to vector<16xi32>
      %mul3A_157 = arith.muli %and3A_154, %mul3A_156 : vector<16xi32>
      %add3A_158 = arith.addi %mul3A_157, %iota3A : vector<16xi32>
      %gather3A_159 = tpu.vector_load_idx %arg13[%add3A_158] : memref<20000xf32, #tpu.memory_space<vmem>>[vector<16xi32>], vector<16xf32>,
      %add3A_160 = arith.addf %gather3A_159, %add3A_43 : vector<16xf32>
      %gather3A_161 = tpu.vector_load_idx %arg10[%add3A_158] : memref<20000xf32, #tpu.memory_space<vmem>>[vector<16xi32>], vector<16xf32>,
      %mul3A_162 = arith.mulf %bitcast3A_55, %gather3A_161 : vector<16xf32>
      %gather3A_163 = tpu.vector_load_idx %arg11[%add3A_158] : memref<20000xf32, #tpu.memory_space<vmem>>[vector<16xi32>], vector<16xf32>,
      %mul3A_164 = arith.mulf %bitcast3A_70, %gather3A_163 : vector<16xf32>
      %add3A_165 = arith.addf %mul3A_162, %mul3A_164 : vector<16xf32>
      %gather3A_166 = tpu.vector_load_idx %arg12[%add3A_158] : memref<20000xf32, #tpu.memory_space<vmem>>[vector<16xi32>], vector<16xf32>,
      %mul3A_167 = arith.mulf %bitcast3A_85, %gather3A_166 : vector<16xf32>
      %add3A_168 = arith.addf %add3A_165, %mul3A_167 : vector<16xf32>
      %add3A_169 = arith.addf %add3A_160, %add3A_168 : vector<16xf32>
      %masked_sort3A_170 = arith.constant dense<true> : vector<16xi1>
      %masked_sort3A_171, %masked_sort3A_172, %masked_sort3A_173 = tpu.sort %add3A_169, %add3A_158 masked %masked_sort3A_170 : (vector<16xf32>, vector<16xi32>, vector<16xi1>) -> (vector<16xi1>, vector<16xf32>, vector<16xi32>)
      %rev3A_174 = arith.constant 15 : i32
      %rev3A_175 = vector.broadcast %rev3A_174 : i32 to vector<16xi32>
      %rev3A_176 = tpu.iota {dimensions = array<i32: 0>} : vector<16xi32>
      %rev3A_177 = arith.subi %rev3A_175, %rev3A_176 : vector<16xi32>
      %rev3A_178 = tpu.dynamic_gather %masked_sort3A_172[%rev3A_177] in [0] : vector<16xf32>, vector<16xi32> -> vector<16xf32>
      %rev3A_179 = arith.constant 15 : i32
      %rev3A_180 = vector.broadcast %rev3A_179 : i32 to vector<16xi32>
      %rev3A_181 = tpu.iota {dimensions = array<i32: 0>} : vector<16xi32>
      %rev3A_182 = arith.subi %rev3A_180, %rev3A_181 : vector<16xi32>
      %rev3A_183 = tpu.dynamic_gather %masked_sort3A_173[%rev3A_182] in [0] : vector<16xi32>, vector<16xi32> -> vector<16xi32>
      %le3A_184 = arith.cmpf ole, %masked_sort3A_149, %rev3A_178 : vector<16xf32>
      %select_n3A_185 = arith.select %le3A_184, %masked_sort3A_149, %rev3A_178 : vector<16xi1>, vector<16xf32>
      %select_n3A_186 = arith.select %le3A_184, %masked_sort3A_150, %rev3A_183 : vector<16xi1>, vector<16xi32>
      %masked_sort3A_187 = arith.constant dense<true> : vector<16xi1>
      %masked_sort3A_188, %masked_sort3A_189, %masked_sort3A_190 = tpu.sort %select_n3A_185, %select_n3A_186 masked %masked_sort3A_187 : (vector<16xf32>, vector<16xi32>, vector<16xi1>) -> (vector<16xi1>, vector<16xf32>, vector<16xi32>)
      %bitcast3A_191 = vector.bitcast %scan3A_90#3 : vector<16xf32> to vector<16xi32>
      %and3A_192 = arith.constant 2047 : i32
      %and3A_193 = vector.broadcast %and3A_192 : i32 to vector<16xi32>
      %and3A_194 = arith.andi %bitcast3A_191, %and3A_193 : vector<16xi32>
      %mul3A_195 = arith.constant 16 : i32
      %mul3A_196 = vector.broadcast %mul3A_195 : i32 to vector<16xi32>
      %mul3A_197 = arith.muli %and3A_194, %mul3A_196 : vector<16xi32>
      %add3A_198 = arith.addi %mul3A_197, %iota3A : vector<16xi32>
      %gather3A_199 = tpu.vector_load_idx %arg13[%add3A_198] : memref<20000xf32, #tpu.memory_space<vmem>>[vector<16xi32>], vector<16xf32>,
      %add3A_200 = arith.addf %gather3A_199, %add3A_43 : vector<16xf32>
      %gather3A_201 = tpu.vector_load_idx %arg10[%add3A_198] : memref<20000xf32, #tpu.memory_space<vmem>>[vector<16xi32>], vector<16xf32>,
      %mul3A_202 = arith.mulf %bitcast3A_55, %gather3A_201 : vector<16xf32>
      %gather3A_203 = tpu.vector_load_idx %arg11[%add3A_198] : memref<20000xf32, #tpu.memory_space<vmem>>[vector<16xi32>], vector<16xf32>,
      %mul3A_204 = arith.mulf %bitcast3A_70, %gather3A_203 : vector<16xf32>
      %add3A_205 = arith.addf %mul3A_202, %mul3A_204 : vector<16xf32>
      %gather3A_206 = tpu.vector_load_idx %arg12[%add3A_198] : memref<20000xf32, #tpu.memory_space<vmem>>[vector<16xi32>], vector<16xf32>,
      %mul3A_207 = arith.mulf %bitcast3A_85, %gather3A_206 : vector<16xf32>
      %add3A_208 = arith.addf %add3A_205, %mul3A_207 : vector<16xf32>
      %add3A_209 = arith.addf %add3A_200, %add3A_208 : vector<16xf32>
      %masked_sort3A_210 = arith.constant dense<true> : vector<16xi1>
      %masked_sort3A_211, %masked_sort3A_212, %masked_sort3A_213 = tpu.sort %add3A_209, %add3A_198 masked %masked_sort3A_210 : (vector<16xf32>, vector<16xi32>, vector<16xi1>) -> (vector<16xi1>, vector<16xf32>, vector<16xi32>)
      %rev3A_214 = arith.constant 15 : i32
      %rev3A_215 = vector.broadcast %rev3A_214 : i32 to vector<16xi32>
      %rev3A_216 = tpu.iota {dimensions = array<i32: 0>} : vector<16xi32>
      %rev3A_217 = arith.subi %rev3A_215, %rev3A_216 : vector<16xi32>
      %rev3A_218 = tpu.dynamic_gather %masked_sort3A_212[%rev3A_217] in [0] : vector<16xf32>, vector<16xi32> -> vector<16xf32>
      %rev3A_219 = arith.constant 15 : i32
      %rev3A_220 = vector.broadcast %rev3A_219 : i32 to vector<16xi32>
      %rev3A_221 = tpu.iota {dimensions = array<i32: 0>} : vector<16xi32>
      %rev3A_222 = arith.subi %rev3A_220, %rev3A_221 : vector<16xi32>
      %rev3A_223 = tpu.dynamic_gather %masked_sort3A_213[%rev3A_222] in [0] : vector<16xi32>, vector<16xi32> -> vector<16xi32>
      %le3A_224 = arith.cmpf ole, %masked_sort3A_189, %rev3A_218 : vector<16xf32>
      %select_n3A_225 = arith.select %le3A_224, %masked_sort3A_189, %rev3A_218 : vector<16xi1>, vector<16xf32>
      %select_n3A_226 = arith.select %le3A_224, %masked_sort3A_190, %rev3A_223 : vector<16xi1>, vector<16xi32>
      %masked_sort3A_227 = arith.constant dense<true> : vector<16xi1>
      %masked_sort3A_228, %masked_sort3A_229, %masked_sort3A_230 = tpu.sort %select_n3A_225, %select_n3A_226 masked %masked_sort3A_227 : (vector<16xf32>, vector<16xi32>, vector<16xi1>) -> (vector<16xi1>, vector<16xf32>, vector<16xi32>)
      %bitcast3A_231 = vector.bitcast %scan3A_90#4 : vector<16xf32> to vector<16xi32>
      %and3A_232 = arith.constant 2047 : i32
      %and3A_233 = vector.broadcast %and3A_232 : i32 to vector<16xi32>
      %and3A_234 = arith.andi %bitcast3A_231, %and3A_233 : vector<16xi32>
      %mul3A_235 = arith.constant 16 : i32
      %mul3A_236 = vector.broadcast %mul3A_235 : i32 to vector<16xi32>
      %mul3A_237 = arith.muli %and3A_234, %mul3A_236 : vector<16xi32>
      %add3A_238 = arith.addi %mul3A_237, %iota3A : vector<16xi32>
      %gather3A_239 = tpu.vector_load_idx %arg13[%add3A_238] : memref<20000xf32, #tpu.memory_space<vmem>>[vector<16xi32>], vector<16xf32>,
      %add3A_240 = arith.addf %gather3A_239, %add3A_43 : vector<16xf32>
      %gather3A_241 = tpu.vector_load_idx %arg10[%add3A_238] : memref<20000xf32, #tpu.memory_space<vmem>>[vector<16xi32>], vector<16xf32>,
      %mul3A_242 = arith.mulf %bitcast3A_55, %gather3A_241 : vector<16xf32>
      %gather3A_243 = tpu.vector_load_idx %arg11[%add3A_238] : memref<20000xf32, #tpu.memory_space<vmem>>[vector<16xi32>], vector<16xf32>,
      %mul3A_244 = arith.mulf %bitcast3A_70, %gather3A_243 : vector<16xf32>
      %add3A_245 = arith.addf %mul3A_242, %mul3A_244 : vector<16xf32>
      %gather3A_246 = tpu.vector_load_idx %arg12[%add3A_238] : memref<20000xf32, #tpu.memory_space<vmem>>[vector<16xi32>], vector<16xf32>,
      %mul3A_247 = arith.mulf %bitcast3A_85, %gather3A_246 : vector<16xf32>
      %add3A_248 = arith.addf %add3A_245, %mul3A_247 : vector<16xf32>
      %add3A_249 = arith.addf %add3A_240, %add3A_248 : vector<16xf32>
      %masked_sort3A_250 = arith.constant dense<true> : vector<16xi1>
      %masked_sort3A_251, %masked_sort3A_252, %masked_sort3A_253 = tpu.sort %add3A_249, %add3A_238 masked %masked_sort3A_250 : (vector<16xf32>, vector<16xi32>, vector<16xi1>) -> (vector<16xi1>, vector<16xf32>, vector<16xi32>)
      %rev3A_254 = arith.constant 15 : i32
      %rev3A_255 = vector.broadcast %rev3A_254 : i32 to vector<16xi32>
      %rev3A_256 = tpu.iota {dimensions = array<i32: 0>} : vector<16xi32>
      %rev3A_257 = arith.subi %rev3A_255, %rev3A_256 : vector<16xi32>
      %rev3A_258 = tpu.dynamic_gather %masked_sort3A_252[%rev3A_257] in [0] : vector<16xf32>, vector<16xi32> -> vector<16xf32>
      %rev3A_259 = arith.constant 15 : i32
      %rev3A_260 = vector.broadcast %rev3A_259 : i32 to vector<16xi32>
      %rev3A_261 = tpu.iota {dimensions = array<i32: 0>} : vector<16xi32>
      %rev3A_262 = arith.subi %rev3A_260, %rev3A_261 : vector<16xi32>
      %rev3A_263 = tpu.dynamic_gather %masked_sort3A_253[%rev3A_262] in [0] : vector<16xi32>, vector<16xi32> -> vector<16xi32>
      %le3A_264 = arith.cmpf ole, %masked_sort3A_229, %rev3A_258 : vector<16xf32>
      %select_n3A_265 = arith.select %le3A_264, %masked_sort3A_229, %rev3A_258 : vector<16xi1>, vector<16xf32>
      %select_n3A_266 = arith.select %le3A_264, %masked_sort3A_230, %rev3A_263 : vector<16xi1>, vector<16xi32>
      %masked_sort3A_267 = arith.constant dense<true> : vector<16xi1>
      %masked_sort3A_268, %masked_sort3A_269, %masked_sort3A_270 = tpu.sort %select_n3A_265, %select_n3A_266 masked %masked_sort3A_267 : (vector<16xf32>, vector<16xi32>, vector<16xi1>) -> (vector<16xi1>, vector<16xf32>, vector<16xi32>)
      %reduce_max3A = arith.constant true
      %reduce_max3A_271 = vector.broadcast %reduce_max3A : i1 to vector<16xi1>
      %reduce_max3A_272 = tpu.scan <max>, %masked_sort3A_269 masked %reduce_max3A_271 : vector<16xf32>, vector<16xi1> -> vector<16xf32>
      %reduce_max3A_273 = vector.extract %reduce_max3A_272[15] : f32 from vector<16xf32>
      %broadcast_in_dim3A_274 = vector.broadcast %reduce_max3A_273 : f32 to vector<16xf32>
      %bitcast3A_275 = vector.bitcast %scan3A_90#4 : vector<16xf32> to vector<16xi32>
      %and3A_276 = arith.constant -2048 : i32
      %and3A_277 = vector.broadcast %and3A_276 : i32 to vector<16xi32>
      %and3A_278 = arith.andi %bitcast3A_275, %and3A_277 : vector<16xi32>
      %bitcast3A_279 = vector.bitcast %and3A_278 : vector<16xi32> to vector<16xf32>
      %abs3A = math.absf %bitcast3A_279 : vector<16xf32>
      %mul3A_280 = arith.constant 2.000000e-03 : f32
      %mul3A_281 = vector.broadcast %mul3A_280 : f32 to vector<16xf32>
      %mul3A_282 = arith.mulf %mul3A_281, %abs3A : vector<16xf32>
      %sub3A = arith.subf %bitcast3A_279, %mul3A_282 : vector<16xf32>
      %lt3A = arith.cmpf olt, %sub3A, %broadcast_in_dim3A_274 : vector<16xf32>
      %reduce_or3A = arith.constant 1.000000e+00 : f32
      %reduce_or3A_283 = arith.constant 0.000000e+00 : f32
      %reduce_or3A_284 = vector.broadcast %reduce_or3A : f32 to vector<16xf32>
      %reduce_or3A_285 = vector.broadcast %reduce_or3A_283 : f32 to vector<16xf32>
      %reduce_or3A_286 = arith.select %lt3A, %reduce_or3A_284, %reduce_or3A_285 : vector<16xi1>, vector<16xf32>
      %reduce_or3A_287 = arith.constant true
      %reduce_or3A_288 = vector.broadcast %reduce_or3A_287 : i1 to vector<16xi1>
      %reduce_or3A_289 = tpu.scan <max>, %reduce_or3A_286 masked %reduce_or3A_288 : vector<16xf32>, vector<16xi1> -> vector<16xf32>
      %reduce_or3A_290 = vector.extract %reduce_or3A_289[15] : f32 from vector<16xf32>
      %reduce_or3A_291 = arith.constant 0.000000e+00 : f32
      %reduce_or3A_292 = arith.cmpf ogt, %reduce_or3A_290, %reduce_or3A_291 : f32
      %convert_element_type3A = arith.extui %reduce_or3A_292 : i1 to i32
      %cond3A = arith.constant 0 : i32
      %cond3A_293 = arith.constant 0 : i32
      %cond3A_294 = arith.cmpi ne, %convert_element_type3A, %cond3A_293 : i32
      %cond3A_295:2 = scf.if %cond3A_294 -> (vector<16xf32>, vector<16xi32>) {
        %scan3A_300 = arith.constant 0 : i32
        %scan3A_301 = arith.constant 1250 : i32
        %scan3A_302 = arith.addi %scan3A_300, %scan3A_301 : i32
        %scan3A_303 = arith.constant 1 : i32
        %scan3A_304:16 = scf.for %scan3A_929 = %scan3A_300 to %scan3A_302 step %scan3A_303 iter_args(%scan3A_930 = %broadcast_in_dim3A_11, %scan3A_931 = %broadcast_in_dim3A_11, %scan3A_932 = %broadcast_in_dim3A_11, %scan3A_933 = %broadcast_in_dim3A_11, %scan3A_934 = %broadcast_in_dim3A_11, %scan3A_935 = %broadcast_in_dim3A_11, %scan3A_936 = %broadcast_in_dim3A_11, %scan3A_937 = %broadcast_in_dim3A_11, %scan3A_938 = %broadcast_in_dim3A_11, %scan3A_939 = %broadcast_in_dim3A_11, %scan3A_940 = %broadcast_in_dim3A_11, %scan3A_941 = %broadcast_in_dim3A_11, %scan3A_942 = %broadcast_in_dim3A_11, %scan3A_943 = %broadcast_in_dim3A_11, %scan3A_944 = %broadcast_in_dim3A_11, %scan3A_945 = %broadcast_in_dim3A_11) -> (vector<16xf32>, vector<16xf32>, vector<16xf32>, vector<16xf32>, vector<16xf32>, vector<16xf32>, vector<16xf32>, vector<16xf32>, vector<16xf32>, vector<16xf32>, vector<16xf32>, vector<16xf32>, vector<16xf32>, vector<16xf32>, vector<16xf32>, vector<16xf32>)  : i32 {
          %mul3A_946 = arith.constant 16 : i32
          %mul3A_947 = arith.muli %scan3A_929, %mul3A_946 : i32
          %get3A = arith.index_cast %mul3A_947 : i32 to index
          %get3A_948 = tpu.vector_load %arg13[%get3A] {strides = array<i32>} : memref<20000xf32, #tpu.memory_space<vmem>>, vector<16xf32>,
          %add3A_949 = arith.addf %get3A_948, %add3A_43 : vector<16xf32>
          %get3A_950 = arith.index_cast %mul3A_947 : i32 to index
          %get3A_951 = tpu.vector_load %arg10[%get3A_950] {strides = array<i32>} : memref<20000xf32, #tpu.memory_space<vmem>>, vector<16xf32>,
          %mul3A_952 = arith.mulf %bitcast3A_55, %get3A_951 : vector<16xf32>
          %get3A_953 = arith.index_cast %mul3A_947 : i32 to index
          %get3A_954 = tpu.vector_load %arg11[%get3A_953] {strides = array<i32>} : memref<20000xf32, #tpu.memory_space<vmem>>, vector<16xf32>,
          %mul3A_955 = arith.mulf %bitcast3A_70, %get3A_954 : vector<16xf32>
          %add3A_956 = arith.addf %mul3A_952, %mul3A_955 : vector<16xf32>
          %get3A_957 = arith.index_cast %mul3A_947 : i32 to index
          %get3A_958 = tpu.vector_load %arg12[%get3A_957] {strides = array<i32>} : memref<20000xf32, #tpu.memory_space<vmem>>, vector<16xf32>,
          %mul3A_959 = arith.mulf %bitcast3A_85, %get3A_958 : vector<16xf32>
          %add3A_960 = arith.addf %add3A_956, %mul3A_959 : vector<16xf32>
          %add3A_961 = arith.addf %add3A_949, %add3A_960 : vector<16xf32>
          %bitcast3A_962 = vector.bitcast %add3A_961 : vector<16xf32> to vector<16xi32>
          %and3A_963 = arith.constant -2048 : i32
          %and3A_964 = vector.broadcast %and3A_963 : i32 to vector<16xi32>
          %and3A_965 = arith.andi %bitcast3A_962, %and3A_964 : vector<16xi32>
          %or3A = vector.broadcast %scan3A_929 : i32 to vector<16xi32>
          %or3A_966 = arith.ori %and3A_965, %or3A : vector<16xi32>
          %bitcast3A_967 = vector.bitcast %or3A_966 : vector<16xi32> to vector<16xf32>
          %min3A = arith.minimumf %scan3A_930, %bitcast3A_967 : vector<16xf32>
          %max3A = arith.maximumf %scan3A_930, %bitcast3A_967 : vector<16xf32>
          %min3A_968 = arith.minimumf %scan3A_931, %max3A : vector<16xf32>
          %max3A_969 = arith.maximumf %scan3A_931, %max3A : vector<16xf32>
          %min3A_970 = arith.minimumf %scan3A_932, %max3A_969 : vector<16xf32>
          %max3A_971 = arith.maximumf %scan3A_932, %max3A_969 : vector<16xf32>
          %min3A_972 = arith.minimumf %scan3A_933, %max3A_971 : vector<16xf32>
          %max3A_973 = arith.maximumf %scan3A_933, %max3A_971 : vector<16xf32>
          %min3A_974 = arith.minimumf %scan3A_934, %max3A_973 : vector<16xf32>
          %max3A_975 = arith.maximumf %scan3A_934, %max3A_973 : vector<16xf32>
          %min3A_976 = arith.minimumf %scan3A_935, %max3A_975 : vector<16xf32>
          %max3A_977 = arith.maximumf %scan3A_935, %max3A_975 : vector<16xf32>
          %min3A_978 = arith.minimumf %scan3A_936, %max3A_977 : vector<16xf32>
          %max3A_979 = arith.maximumf %scan3A_936, %max3A_977 : vector<16xf32>
          %min3A_980 = arith.minimumf %scan3A_937, %max3A_979 : vector<16xf32>
          %max3A_981 = arith.maximumf %scan3A_937, %max3A_979 : vector<16xf32>
          %min3A_982 = arith.minimumf %scan3A_938, %max3A_981 : vector<16xf32>
          %max3A_983 = arith.maximumf %scan3A_938, %max3A_981 : vector<16xf32>
          %min3A_984 = arith.minimumf %scan3A_939, %max3A_983 : vector<16xf32>
          %max3A_985 = arith.maximumf %scan3A_939, %max3A_983 : vector<16xf32>
          %min3A_986 = arith.minimumf %scan3A_940, %max3A_985 : vector<16xf32>
          %max3A_987 = arith.maximumf %scan3A_940, %max3A_985 : vector<16xf32>
          %min3A_988 = arith.minimumf %scan3A_941, %max3A_987 : vector<16xf32>
          %max3A_989 = arith.maximumf %scan3A_941, %max3A_987 : vector<16xf32>
          %min3A_990 = arith.minimumf %scan3A_942, %max3A_989 : vector<16xf32>
          %max3A_991 = arith.maximumf %scan3A_942, %max3A_989 : vector<16xf32>
          %min3A_992 = arith.minimumf %scan3A_943, %max3A_991 : vector<16xf32>
          %max3A_993 = arith.maximumf %scan3A_943, %max3A_991 : vector<16xf32>
          %min3A_994 = arith.minimumf %scan3A_944, %max3A_993 : vector<16xf32>
          %max3A_995 = arith.maximumf %scan3A_944, %max3A_993 : vector<16xf32>
          %min3A_996 = arith.minimumf %scan3A_945, %max3A_995 : vector<16xf32>
          %max3A_997 = arith.maximumf %scan3A_945, %max3A_995 : vector<16xf32>
          scf.yield %min3A, %min3A_968, %min3A_970, %min3A_972, %min3A_974, %min3A_976, %min3A_978, %min3A_980, %min3A_982, %min3A_984, %min3A_986, %min3A_988, %min3A_990, %min3A_992, %min3A_994, %min3A_996 : vector<16xf32>, vector<16xf32>, vector<16xf32>, vector<16xf32>, vector<16xf32>, vector<16xf32>, vector<16xf32>, vector<16xf32>, vector<16xf32>, vector<16xf32>, vector<16xf32>, vector<16xf32>, vector<16xf32>, vector<16xf32>, vector<16xf32>, vector<16xf32>
        }
        %scan3A_305 = arith.constant 1250 : i32
        %bitcast3A_306 = vector.bitcast %scan3A_304#0 : vector<16xf32> to vector<16xi32>
        %and3A_307 = arith.constant 2047 : i32
        %and3A_308 = vector.broadcast %and3A_307 : i32 to vector<16xi32>
        %and3A_309 = arith.andi %bitcast3A_306, %and3A_308 : vector<16xi32>
        %mul3A_310 = arith.constant 16 : i32
        %mul3A_311 = vector.broadcast %mul3A_310 : i32 to vector<16xi32>
        %mul3A_312 = arith.muli %and3A_309, %mul3A_311 : vector<16xi32>
        %add3A_313 = arith.addi %mul3A_312, %iota3A : vector<16xi32>
        %gather3A_314 = tpu.vector_load_idx %arg13[%add3A_313] : memref<20000xf32, #tpu.memory_space<vmem>>[vector<16xi32>], vector<16xf32>,
        %add3A_315 = arith.addf %gather3A_314, %add3A_43 : vector<16xf32>
        %gather3A_316 = tpu.vector_load_idx %arg10[%add3A_313] : memref<20000xf32, #tpu.memory_space<vmem>>[vector<16xi32>], vector<16xf32>,
        %mul3A_317 = arith.mulf %bitcast3A_55, %gather3A_316 : vector<16xf32>
        %gather3A_318 = tpu.vector_load_idx %arg11[%add3A_313] : memref<20000xf32, #tpu.memory_space<vmem>>[vector<16xi32>], vector<16xf32>,
        %mul3A_319 = arith.mulf %bitcast3A_70, %gather3A_318 : vector<16xf32>
        %add3A_320 = arith.addf %mul3A_317, %mul3A_319 : vector<16xf32>
        %gather3A_321 = tpu.vector_load_idx %arg12[%add3A_313] : memref<20000xf32, #tpu.memory_space<vmem>>[vector<16xi32>], vector<16xf32>,
        %mul3A_322 = arith.mulf %bitcast3A_85, %gather3A_321 : vector<16xf32>
        %add3A_323 = arith.addf %add3A_320, %mul3A_322 : vector<16xf32>
        %add3A_324 = arith.addf %add3A_315, %add3A_323 : vector<16xf32>
        %masked_sort3A_325 = arith.constant dense<true> : vector<16xi1>
        %masked_sort3A_326, %masked_sort3A_327, %masked_sort3A_328 = tpu.sort %add3A_324, %add3A_313 masked %masked_sort3A_325 : (vector<16xf32>, vector<16xi32>, vector<16xi1>) -> (vector<16xi1>, vector<16xf32>, vector<16xi32>)
        %bitcast3A_329 = vector.bitcast %scan3A_304#1 : vector<16xf32> to vector<16xi32>
        %and3A_330 = arith.constant 2047 : i32
        %and3A_331 = vector.broadcast %and3A_330 : i32 to vector<16xi32>
        %and3A_332 = arith.andi %bitcast3A_329, %and3A_331 : vector<16xi32>
        %mul3A_333 = arith.constant 16 : i32
        %mul3A_334 = vector.broadcast %mul3A_333 : i32 to vector<16xi32>
        %mul3A_335 = arith.muli %and3A_332, %mul3A_334 : vector<16xi32>
        %add3A_336 = arith.addi %mul3A_335, %iota3A : vector<16xi32>
        %gather3A_337 = tpu.vector_load_idx %arg13[%add3A_336] : memref<20000xf32, #tpu.memory_space<vmem>>[vector<16xi32>], vector<16xf32>,
        %add3A_338 = arith.addf %gather3A_337, %add3A_43 : vector<16xf32>
        %gather3A_339 = tpu.vector_load_idx %arg10[%add3A_336] : memref<20000xf32, #tpu.memory_space<vmem>>[vector<16xi32>], vector<16xf32>,
        %mul3A_340 = arith.mulf %bitcast3A_55, %gather3A_339 : vector<16xf32>
        %gather3A_341 = tpu.vector_load_idx %arg11[%add3A_336] : memref<20000xf32, #tpu.memory_space<vmem>>[vector<16xi32>], vector<16xf32>,
        %mul3A_342 = arith.mulf %bitcast3A_70, %gather3A_341 : vector<16xf32>
        %add3A_343 = arith.addf %mul3A_340, %mul3A_342 : vector<16xf32>
        %gather3A_344 = tpu.vector_load_idx %arg12[%add3A_336] : memref<20000xf32, #tpu.memory_space<vmem>>[vector<16xi32>], vector<16xf32>,
        %mul3A_345 = arith.mulf %bitcast3A_85, %gather3A_344 : vector<16xf32>
        %add3A_346 = arith.addf %add3A_343, %mul3A_345 : vector<16xf32>
        %add3A_347 = arith.addf %add3A_338, %add3A_346 : vector<16xf32>
        %masked_sort3A_348 = arith.constant dense<true> : vector<16xi1>
        %masked_sort3A_349, %masked_sort3A_350, %masked_sort3A_351 = tpu.sort %add3A_347, %add3A_336 masked %masked_sort3A_348 : (vector<16xf32>, vector<16xi32>, vector<16xi1>) -> (vector<16xi1>, vector<16xf32>, vector<16xi32>)
        %rev3A_352 = arith.constant 15 : i32
        %rev3A_353 = vector.broadcast %rev3A_352 : i32 to vector<16xi32>
        %rev3A_354 = tpu.iota {dimensions = array<i32: 0>} : vector<16xi32>
        %rev3A_355 = arith.subi %rev3A_353, %rev3A_354 : vector<16xi32>
        %rev3A_356 = tpu.dynamic_gather %masked_sort3A_350[%rev3A_355] in [0] : vector<16xf32>, vector<16xi32> -> vector<16xf32>
        %rev3A_357 = arith.constant 15 : i32
        %rev3A_358 = vector.broadcast %rev3A_357 : i32 to vector<16xi32>
        %rev3A_359 = tpu.iota {dimensions = array<i32: 0>} : vector<16xi32>
        %rev3A_360 = arith.subi %rev3A_358, %rev3A_359 : vector<16xi32>
        %rev3A_361 = tpu.dynamic_gather %masked_sort3A_351[%rev3A_360] in [0] : vector<16xi32>, vector<16xi32> -> vector<16xi32>
        %le3A_362 = arith.cmpf ole, %masked_sort3A_327, %rev3A_356 : vector<16xf32>
        %select_n3A_363 = arith.select %le3A_362, %masked_sort3A_327, %rev3A_356 : vector<16xi1>, vector<16xf32>
        %select_n3A_364 = arith.select %le3A_362, %masked_sort3A_328, %rev3A_361 : vector<16xi1>, vector<16xi32>
        %masked_sort3A_365 = arith.constant dense<true> : vector<16xi1>
        %masked_sort3A_366, %masked_sort3A_367, %masked_sort3A_368 = tpu.sort %select_n3A_363, %select_n3A_364 masked %masked_sort3A_365 : (vector<16xf32>, vector<16xi32>, vector<16xi1>) -> (vector<16xi1>, vector<16xf32>, vector<16xi32>)
        %bitcast3A_369 = vector.bitcast %scan3A_304#2 : vector<16xf32> to vector<16xi32>
        %and3A_370 = arith.constant 2047 : i32
        %and3A_371 = vector.broadcast %and3A_370 : i32 to vector<16xi32>
        %and3A_372 = arith.andi %bitcast3A_369, %and3A_371 : vector<16xi32>
        %mul3A_373 = arith.constant 16 : i32
        %mul3A_374 = vector.broadcast %mul3A_373 : i32 to vector<16xi32>
        %mul3A_375 = arith.muli %and3A_372, %mul3A_374 : vector<16xi32>
        %add3A_376 = arith.addi %mul3A_375, %iota3A : vector<16xi32>
        %gather3A_377 = tpu.vector_load_idx %arg13[%add3A_376] : memref<20000xf32, #tpu.memory_space<vmem>>[vector<16xi32>], vector<16xf32>,
        %add3A_378 = arith.addf %gather3A_377, %add3A_43 : vector<16xf32>
        %gather3A_379 = tpu.vector_load_idx %arg10[%add3A_376] : memref<20000xf32, #tpu.memory_space<vmem>>[vector<16xi32>], vector<16xf32>,
        %mul3A_380 = arith.mulf %bitcast3A_55, %gather3A_379 : vector<16xf32>
        %gather3A_381 = tpu.vector_load_idx %arg11[%add3A_376] : memref<20000xf32, #tpu.memory_space<vmem>>[vector<16xi32>], vector<16xf32>,
        %mul3A_382 = arith.mulf %bitcast3A_70, %gather3A_381 : vector<16xf32>
        %add3A_383 = arith.addf %mul3A_380, %mul3A_382 : vector<16xf32>
        %gather3A_384 = tpu.vector_load_idx %arg12[%add3A_376] : memref<20000xf32, #tpu.memory_space<vmem>>[vector<16xi32>], vector<16xf32>,
        %mul3A_385 = arith.mulf %bitcast3A_85, %gather3A_384 : vector<16xf32>
        %add3A_386 = arith.addf %add3A_383, %mul3A_385 : vector<16xf32>
        %add3A_387 = arith.addf %add3A_378, %add3A_386 : vector<16xf32>
        %masked_sort3A_388 = arith.constant dense<true> : vector<16xi1>
        %masked_sort3A_389, %masked_sort3A_390, %masked_sort3A_391 = tpu.sort %add3A_387, %add3A_376 masked %masked_sort3A_388 : (vector<16xf32>, vector<16xi32>, vector<16xi1>) -> (vector<16xi1>, vector<16xf32>, vector<16xi32>)
        %rev3A_392 = arith.constant 15 : i32
        %rev3A_393 = vector.broadcast %rev3A_392 : i32 to vector<16xi32>
        %rev3A_394 = tpu.iota {dimensions = array<i32: 0>} : vector<16xi32>
        %rev3A_395 = arith.subi %rev3A_393, %rev3A_394 : vector<16xi32>
        %rev3A_396 = tpu.dynamic_gather %masked_sort3A_390[%rev3A_395] in [0] : vector<16xf32>, vector<16xi32> -> vector<16xf32>
        %rev3A_397 = arith.constant 15 : i32
        %rev3A_398 = vector.broadcast %rev3A_397 : i32 to vector<16xi32>
        %rev3A_399 = tpu.iota {dimensions = array<i32: 0>} : vector<16xi32>
        %rev3A_400 = arith.subi %rev3A_398, %rev3A_399 : vector<16xi32>
        %rev3A_401 = tpu.dynamic_gather %masked_sort3A_391[%rev3A_400] in [0] : vector<16xi32>, vector<16xi32> -> vector<16xi32>
        %le3A_402 = arith.cmpf ole, %masked_sort3A_367, %rev3A_396 : vector<16xf32>
        %select_n3A_403 = arith.select %le3A_402, %masked_sort3A_367, %rev3A_396 : vector<16xi1>, vector<16xf32>
        %select_n3A_404 = arith.select %le3A_402, %masked_sort3A_368, %rev3A_401 : vector<16xi1>, vector<16xi32>
        %masked_sort3A_405 = arith.constant dense<true> : vector<16xi1>
        %masked_sort3A_406, %masked_sort3A_407, %masked_sort3A_408 = tpu.sort %select_n3A_403, %select_n3A_404 masked %masked_sort3A_405 : (vector<16xf32>, vector<16xi32>, vector<16xi1>) -> (vector<16xi1>, vector<16xf32>, vector<16xi32>)
        %bitcast3A_409 = vector.bitcast %scan3A_304#3 : vector<16xf32> to vector<16xi32>
        %and3A_410 = arith.constant 2047 : i32
        %and3A_411 = vector.broadcast %and3A_410 : i32 to vector<16xi32>
        %and3A_412 = arith.andi %bitcast3A_409, %and3A_411 : vector<16xi32>
        %mul3A_413 = arith.constant 16 : i32
        %mul3A_414 = vector.broadcast %mul3A_413 : i32 to vector<16xi32>
        %mul3A_415 = arith.muli %and3A_412, %mul3A_414 : vector<16xi32>
        %add3A_416 = arith.addi %mul3A_415, %iota3A : vector<16xi32>
        %gather3A_417 = tpu.vector_load_idx %arg13[%add3A_416] : memref<20000xf32, #tpu.memory_space<vmem>>[vector<16xi32>], vector<16xf32>,
        %add3A_418 = arith.addf %gather3A_417, %add3A_43 : vector<16xf32>
        %gather3A_419 = tpu.vector_load_idx %arg10[%add3A_416] : memref<20000xf32, #tpu.memory_space<vmem>>[vector<16xi32>], vector<16xf32>,
        %mul3A_420 = arith.mulf %bitcast3A_55, %gather3A_419 : vector<16xf32>
        %gather3A_421 = tpu.vector_load_idx %arg11[%add3A_416] : memref<20000xf32, #tpu.memory_space<vmem>>[vector<16xi32>], vector<16xf32>,
        %mul3A_422 = arith.mulf %bitcast3A_70, %gather3A_421 : vector<16xf32>
        %add3A_423 = arith.addf %mul3A_420, %mul3A_422 : vector<16xf32>
        %gather3A_424 = tpu.vector_load_idx %arg12[%add3A_416] : memref<20000xf32, #tpu.memory_space<vmem>>[vector<16xi32>], vector<16xf32>,
        %mul3A_425 = arith.mulf %bitcast3A_85, %gather3A_424 : vector<16xf32>
        %add3A_426 = arith.addf %add3A_423, %mul3A_425 : vector<16xf32>
        %add3A_427 = arith.addf %add3A_418, %add3A_426 : vector<16xf32>
        %masked_sort3A_428 = arith.constant dense<true> : vector<16xi1>
        %masked_sort3A_429, %masked_sort3A_430, %masked_sort3A_431 = tpu.sort %add3A_427, %add3A_416 masked %masked_sort3A_428 : (vector<16xf32>, vector<16xi32>, vector<16xi1>) -> (vector<16xi1>, vector<16xf32>, vector<16xi32>)
        %rev3A_432 = arith.constant 15 : i32
        %rev3A_433 = vector.broadcast %rev3A_432 : i32 to vector<16xi32>
        %rev3A_434 = tpu.iota {dimensions = array<i32: 0>} : vector<16xi32>
        %rev3A_435 = arith.subi %rev3A_433, %rev3A_434 : vector<16xi32>
        %rev3A_436 = tpu.dynamic_gather %masked_sort3A_430[%rev3A_435] in [0] : vector<16xf32>, vector<16xi32> -> vector<16xf32>
        %rev3A_437 = arith.constant 15 : i32
        %rev3A_438 = vector.broadcast %rev3A_437 : i32 to vector<16xi32>
        %rev3A_439 = tpu.iota {dimensions = array<i32: 0>} : vector<16xi32>
        %rev3A_440 = arith.subi %rev3A_438, %rev3A_439 : vector<16xi32>
        %rev3A_441 = tpu.dynamic_gather %masked_sort3A_431[%rev3A_440] in [0] : vector<16xi32>, vector<16xi32> -> vector<16xi32>
        %le3A_442 = arith.cmpf ole, %masked_sort3A_407, %rev3A_436 : vector<16xf32>
        %select_n3A_443 = arith.select %le3A_442, %masked_sort3A_407, %rev3A_436 : vector<16xi1>, vector<16xf32>
        %select_n3A_444 = arith.select %le3A_442, %masked_sort3A_408, %rev3A_441 : vector<16xi1>, vector<16xi32>
        %masked_sort3A_445 = arith.constant dense<true> : vector<16xi1>
        %masked_sort3A_446, %masked_sort3A_447, %masked_sort3A_448 = tpu.sort %select_n3A_443, %select_n3A_444 masked %masked_sort3A_445 : (vector<16xf32>, vector<16xi32>, vector<16xi1>) -> (vector<16xi1>, vector<16xf32>, vector<16xi32>)
        %bitcast3A_449 = vector.bitcast %scan3A_304#4 : vector<16xf32> to vector<16xi32>
        %and3A_450 = arith.constant 2047 : i32
        %and3A_451 = vector.broadcast %and3A_450 : i32 to vector<16xi32>
        %and3A_452 = arith.andi %bitcast3A_449, %and3A_451 : vector<16xi32>
        %mul3A_453 = arith.constant 16 : i32
        %mul3A_454 = vector.broadcast %mul3A_453 : i32 to vector<16xi32>
        %mul3A_455 = arith.muli %and3A_452, %mul3A_454 : vector<16xi32>
        %add3A_456 = arith.addi %mul3A_455, %iota3A : vector<16xi32>
        %gather3A_457 = tpu.vector_load_idx %arg13[%add3A_456] : memref<20000xf32, #tpu.memory_space<vmem>>[vector<16xi32>], vector<16xf32>,
        %add3A_458 = arith.addf %gather3A_457, %add3A_43 : vector<16xf32>
        %gather3A_459 = tpu.vector_load_idx %arg10[%add3A_456] : memref<20000xf32, #tpu.memory_space<vmem>>[vector<16xi32>], vector<16xf32>,
        %mul3A_460 = arith.mulf %bitcast3A_55, %gather3A_459 : vector<16xf32>
        %gather3A_461 = tpu.vector_load_idx %arg11[%add3A_456] : memref<20000xf32, #tpu.memory_space<vmem>>[vector<16xi32>], vector<16xf32>,
        %mul3A_462 = arith.mulf %bitcast3A_70, %gather3A_461 : vector<16xf32>
        %add3A_463 = arith.addf %mul3A_460, %mul3A_462 : vector<16xf32>
        %gather3A_464 = tpu.vector_load_idx %arg12[%add3A_456] : memref<20000xf32, #tpu.memory_space<vmem>>[vector<16xi32>], vector<16xf32>,
        %mul3A_465 = arith.mulf %bitcast3A_85, %gather3A_464 : vector<16xf32>
        %add3A_466 = arith.addf %add3A_463, %mul3A_465 : vector<16xf32>
        %add3A_467 = arith.addf %add3A_458, %add3A_466 : vector<16xf32>
        %masked_sort3A_468 = arith.constant dense<true> : vector<16xi1>
        %masked_sort3A_469, %masked_sort3A_470, %masked_sort3A_471 = tpu.sort %add3A_467, %add3A_456 masked %masked_sort3A_468 : (vector<16xf32>, vector<16xi32>, vector<16xi1>) -> (vector<16xi1>, vector<16xf32>, vector<16xi32>)
        %rev3A_472 = arith.constant 15 : i32
        %rev3A_473 = vector.broadcast %rev3A_472 : i32 to vector<16xi32>
        %rev3A_474 = tpu.iota {dimensions = array<i32: 0>} : vector<16xi32>
        %rev3A_475 = arith.subi %rev3A_473, %rev3A_474 : vector<16xi32>
        %rev3A_476 = tpu.dynamic_gather %masked_sort3A_470[%rev3A_475] in [0] : vector<16xf32>, vector<16xi32> -> vector<16xf32>
        %rev3A_477 = arith.constant 15 : i32
        %rev3A_478 = vector.broadcast %rev3A_477 : i32 to vector<16xi32>
        %rev3A_479 = tpu.iota {dimensions = array<i32: 0>} : vector<16xi32>
        %rev3A_480 = arith.subi %rev3A_478, %rev3A_479 : vector<16xi32>
        %rev3A_481 = tpu.dynamic_gather %masked_sort3A_471[%rev3A_480] in [0] : vector<16xi32>, vector<16xi32> -> vector<16xi32>
        %le3A_482 = arith.cmpf ole, %masked_sort3A_447, %rev3A_476 : vector<16xf32>
        %select_n3A_483 = arith.select %le3A_482, %masked_sort3A_447, %rev3A_476 : vector<16xi1>, vector<16xf32>
        %select_n3A_484 = arith.select %le3A_482, %masked_sort3A_448, %rev3A_481 : vector<16xi1>, vector<16xi32>
        %masked_sort3A_485 = arith.constant dense<true> : vector<16xi1>
        %masked_sort3A_486, %masked_sort3A_487, %masked_sort3A_488 = tpu.sort %select_n3A_483, %select_n3A_484 masked %masked_sort3A_485 : (vector<16xf32>, vector<16xi32>, vector<16xi1>) -> (vector<16xi1>, vector<16xf32>, vector<16xi32>)
        %bitcast3A_489 = vector.bitcast %scan3A_304#5 : vector<16xf32> to vector<16xi32>
        %and3A_490 = arith.constant 2047 : i32
        %and3A_491 = vector.broadcast %and3A_490 : i32 to vector<16xi32>
        %and3A_492 = arith.andi %bitcast3A_489, %and3A_491 : vector<16xi32>
        %mul3A_493 = arith.constant 16 : i32
        %mul3A_494 = vector.broadcast %mul3A_493 : i32 to vector<16xi32>
        %mul3A_495 = arith.muli %and3A_492, %mul3A_494 : vector<16xi32>
        %add3A_496 = arith.addi %mul3A_495, %iota3A : vector<16xi32>
        %gather3A_497 = tpu.vector_load_idx %arg13[%add3A_496] : memref<20000xf32, #tpu.memory_space<vmem>>[vector<16xi32>], vector<16xf32>,
        %add3A_498 = arith.addf %gather3A_497, %add3A_43 : vector<16xf32>
        %gather3A_499 = tpu.vector_load_idx %arg10[%add3A_496] : memref<20000xf32, #tpu.memory_space<vmem>>[vector<16xi32>], vector<16xf32>,
        %mul3A_500 = arith.mulf %bitcast3A_55, %gather3A_499 : vector<16xf32>
        %gather3A_501 = tpu.vector_load_idx %arg11[%add3A_496] : memref<20000xf32, #tpu.memory_space<vmem>>[vector<16xi32>], vector<16xf32>,
        %mul3A_502 = arith.mulf %bitcast3A_70, %gather3A_501 : vector<16xf32>
        %add3A_503 = arith.addf %mul3A_500, %mul3A_502 : vector<16xf32>
        %gather3A_504 = tpu.vector_load_idx %arg12[%add3A_496] : memref<20000xf32, #tpu.memory_space<vmem>>[vector<16xi32>], vector<16xf32>,
        %mul3A_505 = arith.mulf %bitcast3A_85, %gather3A_504 : vector<16xf32>
        %add3A_506 = arith.addf %add3A_503, %mul3A_505 : vector<16xf32>
        %add3A_507 = arith.addf %add3A_498, %add3A_506 : vector<16xf32>
        %masked_sort3A_508 = arith.constant dense<true> : vector<16xi1>
        %masked_sort3A_509, %masked_sort3A_510, %masked_sort3A_511 = tpu.sort %add3A_507, %add3A_496 masked %masked_sort3A_508 : (vector<16xf32>, vector<16xi32>, vector<16xi1>) -> (vector<16xi1>, vector<16xf32>, vector<16xi32>)
        %rev3A_512 = arith.constant 15 : i32
        %rev3A_513 = vector.broadcast %rev3A_512 : i32 to vector<16xi32>
        %rev3A_514 = tpu.iota {dimensions = array<i32: 0>} : vector<16xi32>
        %rev3A_515 = arith.subi %rev3A_513, %rev3A_514 : vector<16xi32>
        %rev3A_516 = tpu.dynamic_gather %masked_sort3A_510[%rev3A_515] in [0] : vector<16xf32>, vector<16xi32> -> vector<16xf32>
        %rev3A_517 = arith.constant 15 : i32
        %rev3A_518 = vector.broadcast %rev3A_517 : i32 to vector<16xi32>
        %rev3A_519 = tpu.iota {dimensions = array<i32: 0>} : vector<16xi32>
        %rev3A_520 = arith.subi %rev3A_518, %rev3A_519 : vector<16xi32>
        %rev3A_521 = tpu.dynamic_gather %masked_sort3A_511[%rev3A_520] in [0] : vector<16xi32>, vector<16xi32> -> vector<16xi32>
        %le3A_522 = arith.cmpf ole, %masked_sort3A_487, %rev3A_516 : vector<16xf32>
        %select_n3A_523 = arith.select %le3A_522, %masked_sort3A_487, %rev3A_516 : vector<16xi1>, vector<16xf32>
        %select_n3A_524 = arith.select %le3A_522, %masked_sort3A_488, %rev3A_521 : vector<16xi1>, vector<16xi32>
        %masked_sort3A_525 = arith.constant dense<true> : vector<16xi1>
        %masked_sort3A_526, %masked_sort3A_527, %masked_sort3A_528 = tpu.sort %select_n3A_523, %select_n3A_524 masked %masked_sort3A_525 : (vector<16xf32>, vector<16xi32>, vector<16xi1>) -> (vector<16xi1>, vector<16xf32>, vector<16xi32>)
        %bitcast3A_529 = vector.bitcast %scan3A_304#6 : vector<16xf32> to vector<16xi32>
        %and3A_530 = arith.constant 2047 : i32
        %and3A_531 = vector.broadcast %and3A_530 : i32 to vector<16xi32>
        %and3A_532 = arith.andi %bitcast3A_529, %and3A_531 : vector<16xi32>
        %mul3A_533 = arith.constant 16 : i32
        %mul3A_534 = vector.broadcast %mul3A_533 : i32 to vector<16xi32>
        %mul3A_535 = arith.muli %and3A_532, %mul3A_534 : vector<16xi32>
        %add3A_536 = arith.addi %mul3A_535, %iota3A : vector<16xi32>
        %gather3A_537 = tpu.vector_load_idx %arg13[%add3A_536] : memref<20000xf32, #tpu.memory_space<vmem>>[vector<16xi32>], vector<16xf32>,
        %add3A_538 = arith.addf %gather3A_537, %add3A_43 : vector<16xf32>
        %gather3A_539 = tpu.vector_load_idx %arg10[%add3A_536] : memref<20000xf32, #tpu.memory_space<vmem>>[vector<16xi32>], vector<16xf32>,
        %mul3A_540 = arith.mulf %bitcast3A_55, %gather3A_539 : vector<16xf32>
        %gather3A_541 = tpu.vector_load_idx %arg11[%add3A_536] : memref<20000xf32, #tpu.memory_space<vmem>>[vector<16xi32>], vector<16xf32>,
        %mul3A_542 = arith.mulf %bitcast3A_70, %gather3A_541 : vector<16xf32>
        %add3A_543 = arith.addf %mul3A_540, %mul3A_542 : vector<16xf32>
        %gather3A_544 = tpu.vector_load_idx %arg12[%add3A_536] : memref<20000xf32, #tpu.memory_space<vmem>>[vector<16xi32>], vector<16xf32>,
        %mul3A_545 = arith.mulf %bitcast3A_85, %gather3A_544 : vector<16xf32>
        %add3A_546 = arith.addf %add3A_543, %mul3A_545 : vector<16xf32>
        %add3A_547 = arith.addf %add3A_538, %add3A_546 : vector<16xf32>
        %masked_sort3A_548 = arith.constant dense<true> : vector<16xi1>
        %masked_sort3A_549, %masked_sort3A_550, %masked_sort3A_551 = tpu.sort %add3A_547, %add3A_536 masked %masked_sort3A_548 : (vector<16xf32>, vector<16xi32>, vector<16xi1>) -> (vector<16xi1>, vector<16xf32>, vector<16xi32>)
        %rev3A_552 = arith.constant 15 : i32
        %rev3A_553 = vector.broadcast %rev3A_552 : i32 to vector<16xi32>
        %rev3A_554 = tpu.iota {dimensions = array<i32: 0>} : vector<16xi32>
        %rev3A_555 = arith.subi %rev3A_553, %rev3A_554 : vector<16xi32>
        %rev3A_556 = tpu.dynamic_gather %masked_sort3A_550[%rev3A_555] in [0] : vector<16xf32>, vector<16xi32> -> vector<16xf32>
        %rev3A_557 = arith.constant 15 : i32
        %rev3A_558 = vector.broadcast %rev3A_557 : i32 to vector<16xi32>
        %rev3A_559 = tpu.iota {dimensions = array<i32: 0>} : vector<16xi32>
        %rev3A_560 = arith.subi %rev3A_558, %rev3A_559 : vector<16xi32>
        %rev3A_561 = tpu.dynamic_gather %masked_sort3A_551[%rev3A_560] in [0] : vector<16xi32>, vector<16xi32> -> vector<16xi32>
        %le3A_562 = arith.cmpf ole, %masked_sort3A_527, %rev3A_556 : vector<16xf32>
        %select_n3A_563 = arith.select %le3A_562, %masked_sort3A_527, %rev3A_556 : vector<16xi1>, vector<16xf32>
        %select_n3A_564 = arith.select %le3A_562, %masked_sort3A_528, %rev3A_561 : vector<16xi1>, vector<16xi32>
        %masked_sort3A_565 = arith.constant dense<true> : vector<16xi1>
        %masked_sort3A_566, %masked_sort3A_567, %masked_sort3A_568 = tpu.sort %select_n3A_563, %select_n3A_564 masked %masked_sort3A_565 : (vector<16xf32>, vector<16xi32>, vector<16xi1>) -> (vector<16xi1>, vector<16xf32>, vector<16xi32>)
        %bitcast3A_569 = vector.bitcast %scan3A_304#7 : vector<16xf32> to vector<16xi32>
        %and3A_570 = arith.constant 2047 : i32
        %and3A_571 = vector.broadcast %and3A_570 : i32 to vector<16xi32>
        %and3A_572 = arith.andi %bitcast3A_569, %and3A_571 : vector<16xi32>
        %mul3A_573 = arith.constant 16 : i32
        %mul3A_574 = vector.broadcast %mul3A_573 : i32 to vector<16xi32>
        %mul3A_575 = arith.muli %and3A_572, %mul3A_574 : vector<16xi32>
        %add3A_576 = arith.addi %mul3A_575, %iota3A : vector<16xi32>
        %gather3A_577 = tpu.vector_load_idx %arg13[%add3A_576] : memref<20000xf32, #tpu.memory_space<vmem>>[vector<16xi32>], vector<16xf32>,
        %add3A_578 = arith.addf %gather3A_577, %add3A_43 : vector<16xf32>
        %gather3A_579 = tpu.vector_load_idx %arg10[%add3A_576] : memref<20000xf32, #tpu.memory_space<vmem>>[vector<16xi32>], vector<16xf32>,
        %mul3A_580 = arith.mulf %bitcast3A_55, %gather3A_579 : vector<16xf32>
        %gather3A_581 = tpu.vector_load_idx %arg11[%add3A_576] : memref<20000xf32, #tpu.memory_space<vmem>>[vector<16xi32>], vector<16xf32>,
        %mul3A_582 = arith.mulf %bitcast3A_70, %gather3A_581 : vector<16xf32>
        %add3A_583 = arith.addf %mul3A_580, %mul3A_582 : vector<16xf32>
        %gather3A_584 = tpu.vector_load_idx %arg12[%add3A_576] : memref<20000xf32, #tpu.memory_space<vmem>>[vector<16xi32>], vector<16xf32>,
        %mul3A_585 = arith.mulf %bitcast3A_85, %gather3A_584 : vector<16xf32>
        %add3A_586 = arith.addf %add3A_583, %mul3A_585 : vector<16xf32>
        %add3A_587 = arith.addf %add3A_578, %add3A_586 : vector<16xf32>
        %masked_sort3A_588 = arith.constant dense<true> : vector<16xi1>
        %masked_sort3A_589, %masked_sort3A_590, %masked_sort3A_591 = tpu.sort %add3A_587, %add3A_576 masked %masked_sort3A_588 : (vector<16xf32>, vector<16xi32>, vector<16xi1>) -> (vector<16xi1>, vector<16xf32>, vector<16xi32>)
        %rev3A_592 = arith.constant 15 : i32
        %rev3A_593 = vector.broadcast %rev3A_592 : i32 to vector<16xi32>
        %rev3A_594 = tpu.iota {dimensions = array<i32: 0>} : vector<16xi32>
        %rev3A_595 = arith.subi %rev3A_593, %rev3A_594 : vector<16xi32>
        %rev3A_596 = tpu.dynamic_gather %masked_sort3A_590[%rev3A_595] in [0] : vector<16xf32>, vector<16xi32> -> vector<16xf32>
        %rev3A_597 = arith.constant 15 : i32
        %rev3A_598 = vector.broadcast %rev3A_597 : i32 to vector<16xi32>
        %rev3A_599 = tpu.iota {dimensions = array<i32: 0>} : vector<16xi32>
        %rev3A_600 = arith.subi %rev3A_598, %rev3A_599 : vector<16xi32>
        %rev3A_601 = tpu.dynamic_gather %masked_sort3A_591[%rev3A_600] in [0] : vector<16xi32>, vector<16xi32> -> vector<16xi32>
        %le3A_602 = arith.cmpf ole, %masked_sort3A_567, %rev3A_596 : vector<16xf32>
        %select_n3A_603 = arith.select %le3A_602, %masked_sort3A_567, %rev3A_596 : vector<16xi1>, vector<16xf32>
        %select_n3A_604 = arith.select %le3A_602, %masked_sort3A_568, %rev3A_601 : vector<16xi1>, vector<16xi32>
        %masked_sort3A_605 = arith.constant dense<true> : vector<16xi1>
        %masked_sort3A_606, %masked_sort3A_607, %masked_sort3A_608 = tpu.sort %select_n3A_603, %select_n3A_604 masked %masked_sort3A_605 : (vector<16xf32>, vector<16xi32>, vector<16xi1>) -> (vector<16xi1>, vector<16xf32>, vector<16xi32>)
        %bitcast3A_609 = vector.bitcast %scan3A_304#8 : vector<16xf32> to vector<16xi32>
        %and3A_610 = arith.constant 2047 : i32
        %and3A_611 = vector.broadcast %and3A_610 : i32 to vector<16xi32>
        %and3A_612 = arith.andi %bitcast3A_609, %and3A_611 : vector<16xi32>
        %mul3A_613 = arith.constant 16 : i32
        %mul3A_614 = vector.broadcast %mul3A_613 : i32 to vector<16xi32>
        %mul3A_615 = arith.muli %and3A_612, %mul3A_614 : vector<16xi32>
        %add3A_616 = arith.addi %mul3A_615, %iota3A : vector<16xi32>
        %gather3A_617 = tpu.vector_load_idx %arg13[%add3A_616] : memref<20000xf32, #tpu.memory_space<vmem>>[vector<16xi32>], vector<16xf32>,
        %add3A_618 = arith.addf %gather3A_617, %add3A_43 : vector<16xf32>
        %gather3A_619 = tpu.vector_load_idx %arg10[%add3A_616] : memref<20000xf32, #tpu.memory_space<vmem>>[vector<16xi32>], vector<16xf32>,
        %mul3A_620 = arith.mulf %bitcast3A_55, %gather3A_619 : vector<16xf32>
        %gather3A_621 = tpu.vector_load_idx %arg11[%add3A_616] : memref<20000xf32, #tpu.memory_space<vmem>>[vector<16xi32>], vector<16xf32>,
        %mul3A_622 = arith.mulf %bitcast3A_70, %gather3A_621 : vector<16xf32>
        %add3A_623 = arith.addf %mul3A_620, %mul3A_622 : vector<16xf32>
        %gather3A_624 = tpu.vector_load_idx %arg12[%add3A_616] : memref<20000xf32, #tpu.memory_space<vmem>>[vector<16xi32>], vector<16xf32>,
        %mul3A_625 = arith.mulf %bitcast3A_85, %gather3A_624 : vector<16xf32>
        %add3A_626 = arith.addf %add3A_623, %mul3A_625 : vector<16xf32>
        %add3A_627 = arith.addf %add3A_618, %add3A_626 : vector<16xf32>
        %masked_sort3A_628 = arith.constant dense<true> : vector<16xi1>
        %masked_sort3A_629, %masked_sort3A_630, %masked_sort3A_631 = tpu.sort %add3A_627, %add3A_616 masked %masked_sort3A_628 : (vector<16xf32>, vector<16xi32>, vector<16xi1>) -> (vector<16xi1>, vector<16xf32>, vector<16xi32>)
        %rev3A_632 = arith.constant 15 : i32
        %rev3A_633 = vector.broadcast %rev3A_632 : i32 to vector<16xi32>
        %rev3A_634 = tpu.iota {dimensions = array<i32: 0>} : vector<16xi32>
        %rev3A_635 = arith.subi %rev3A_633, %rev3A_634 : vector<16xi32>
        %rev3A_636 = tpu.dynamic_gather %masked_sort3A_630[%rev3A_635] in [0] : vector<16xf32>, vector<16xi32> -> vector<16xf32>
        %rev3A_637 = arith.constant 15 : i32
        %rev3A_638 = vector.broadcast %rev3A_637 : i32 to vector<16xi32>
        %rev3A_639 = tpu.iota {dimensions = array<i32: 0>} : vector<16xi32>
        %rev3A_640 = arith.subi %rev3A_638, %rev3A_639 : vector<16xi32>
        %rev3A_641 = tpu.dynamic_gather %masked_sort3A_631[%rev3A_640] in [0] : vector<16xi32>, vector<16xi32> -> vector<16xi32>
        %le3A_642 = arith.cmpf ole, %masked_sort3A_607, %rev3A_636 : vector<16xf32>
        %select_n3A_643 = arith.select %le3A_642, %masked_sort3A_607, %rev3A_636 : vector<16xi1>, vector<16xf32>
        %select_n3A_644 = arith.select %le3A_642, %masked_sort3A_608, %rev3A_641 : vector<16xi1>, vector<16xi32>
        %masked_sort3A_645 = arith.constant dense<true> : vector<16xi1>
        %masked_sort3A_646, %masked_sort3A_647, %masked_sort3A_648 = tpu.sort %select_n3A_643, %select_n3A_644 masked %masked_sort3A_645 : (vector<16xf32>, vector<16xi32>, vector<16xi1>) -> (vector<16xi1>, vector<16xf32>, vector<16xi32>)
        %bitcast3A_649 = vector.bitcast %scan3A_304#9 : vector<16xf32> to vector<16xi32>
        %and3A_650 = arith.constant 2047 : i32
        %and3A_651 = vector.broadcast %and3A_650 : i32 to vector<16xi32>
        %and3A_652 = arith.andi %bitcast3A_649, %and3A_651 : vector<16xi32>
        %mul3A_653 = arith.constant 16 : i32
        %mul3A_654 = vector.broadcast %mul3A_653 : i32 to vector<16xi32>
        %mul3A_655 = arith.muli %and3A_652, %mul3A_654 : vector<16xi32>
        %add3A_656 = arith.addi %mul3A_655, %iota3A : vector<16xi32>
        %gather3A_657 = tpu.vector_load_idx %arg13[%add3A_656] : memref<20000xf32, #tpu.memory_space<vmem>>[vector<16xi32>], vector<16xf32>,
        %add3A_658 = arith.addf %gather3A_657, %add3A_43 : vector<16xf32>
        %gather3A_659 = tpu.vector_load_idx %arg10[%add3A_656] : memref<20000xf32, #tpu.memory_space<vmem>>[vector<16xi32>], vector<16xf32>,
        %mul3A_660 = arith.mulf %bitcast3A_55, %gather3A_659 : vector<16xf32>
        %gather3A_661 = tpu.vector_load_idx %arg11[%add3A_656] : memref<20000xf32, #tpu.memory_space<vmem>>[vector<16xi32>], vector<16xf32>,
        %mul3A_662 = arith.mulf %bitcast3A_70, %gather3A_661 : vector<16xf32>
        %add3A_663 = arith.addf %mul3A_660, %mul3A_662 : vector<16xf32>
        %gather3A_664 = tpu.vector_load_idx %arg12[%add3A_656] : memref<20000xf32, #tpu.memory_space<vmem>>[vector<16xi32>], vector<16xf32>,
        %mul3A_665 = arith.mulf %bitcast3A_85, %gather3A_664 : vector<16xf32>
        %add3A_666 = arith.addf %add3A_663, %mul3A_665 : vector<16xf32>
        %add3A_667 = arith.addf %add3A_658, %add3A_666 : vector<16xf32>
        %masked_sort3A_668 = arith.constant dense<true> : vector<16xi1>
        %masked_sort3A_669, %masked_sort3A_670, %masked_sort3A_671 = tpu.sort %add3A_667, %add3A_656 masked %masked_sort3A_668 : (vector<16xf32>, vector<16xi32>, vector<16xi1>) -> (vector<16xi1>, vector<16xf32>, vector<16xi32>)
        %rev3A_672 = arith.constant 15 : i32
        %rev3A_673 = vector.broadcast %rev3A_672 : i32 to vector<16xi32>
        %rev3A_674 = tpu.iota {dimensions = array<i32: 0>} : vector<16xi32>
        %rev3A_675 = arith.subi %rev3A_673, %rev3A_674 : vector<16xi32>
        %rev3A_676 = tpu.dynamic_gather %masked_sort3A_670[%rev3A_675] in [0] : vector<16xf32>, vector<16xi32> -> vector<16xf32>
        %rev3A_677 = arith.constant 15 : i32
        %rev3A_678 = vector.broadcast %rev3A_677 : i32 to vector<16xi32>
        %rev3A_679 = tpu.iota {dimensions = array<i32: 0>} : vector<16xi32>
        %rev3A_680 = arith.subi %rev3A_678, %rev3A_679 : vector<16xi32>
        %rev3A_681 = tpu.dynamic_gather %masked_sort3A_671[%rev3A_680] in [0] : vector<16xi32>, vector<16xi32> -> vector<16xi32>
        %le3A_682 = arith.cmpf ole, %masked_sort3A_647, %rev3A_676 : vector<16xf32>
        %select_n3A_683 = arith.select %le3A_682, %masked_sort3A_647, %rev3A_676 : vector<16xi1>, vector<16xf32>
        %select_n3A_684 = arith.select %le3A_682, %masked_sort3A_648, %rev3A_681 : vector<16xi1>, vector<16xi32>
        %masked_sort3A_685 = arith.constant dense<true> : vector<16xi1>
        %masked_sort3A_686, %masked_sort3A_687, %masked_sort3A_688 = tpu.sort %select_n3A_683, %select_n3A_684 masked %masked_sort3A_685 : (vector<16xf32>, vector<16xi32>, vector<16xi1>) -> (vector<16xi1>, vector<16xf32>, vector<16xi32>)
        %bitcast3A_689 = vector.bitcast %scan3A_304#10 : vector<16xf32> to vector<16xi32>
        %and3A_690 = arith.constant 2047 : i32
        %and3A_691 = vector.broadcast %and3A_690 : i32 to vector<16xi32>
        %and3A_692 = arith.andi %bitcast3A_689, %and3A_691 : vector<16xi32>
        %mul3A_693 = arith.constant 16 : i32
        %mul3A_694 = vector.broadcast %mul3A_693 : i32 to vector<16xi32>
        %mul3A_695 = arith.muli %and3A_692, %mul3A_694 : vector<16xi32>
        %add3A_696 = arith.addi %mul3A_695, %iota3A : vector<16xi32>
        %gather3A_697 = tpu.vector_load_idx %arg13[%add3A_696] : memref<20000xf32, #tpu.memory_space<vmem>>[vector<16xi32>], vector<16xf32>,
        %add3A_698 = arith.addf %gather3A_697, %add3A_43 : vector<16xf32>
        %gather3A_699 = tpu.vector_load_idx %arg10[%add3A_696] : memref<20000xf32, #tpu.memory_space<vmem>>[vector<16xi32>], vector<16xf32>,
        %mul3A_700 = arith.mulf %bitcast3A_55, %gather3A_699 : vector<16xf32>
        %gather3A_701 = tpu.vector_load_idx %arg11[%add3A_696] : memref<20000xf32, #tpu.memory_space<vmem>>[vector<16xi32>], vector<16xf32>,
        %mul3A_702 = arith.mulf %bitcast3A_70, %gather3A_701 : vector<16xf32>
        %add3A_703 = arith.addf %mul3A_700, %mul3A_702 : vector<16xf32>
        %gather3A_704 = tpu.vector_load_idx %arg12[%add3A_696] : memref<20000xf32, #tpu.memory_space<vmem>>[vector<16xi32>], vector<16xf32>,
        %mul3A_705 = arith.mulf %bitcast3A_85, %gather3A_704 : vector<16xf32>
        %add3A_706 = arith.addf %add3A_703, %mul3A_705 : vector<16xf32>
        %add3A_707 = arith.addf %add3A_698, %add3A_706 : vector<16xf32>
        %masked_sort3A_708 = arith.constant dense<true> : vector<16xi1>
        %masked_sort3A_709, %masked_sort3A_710, %masked_sort3A_711 = tpu.sort %add3A_707, %add3A_696 masked %masked_sort3A_708 : (vector<16xf32>, vector<16xi32>, vector<16xi1>) -> (vector<16xi1>, vector<16xf32>, vector<16xi32>)
        %rev3A_712 = arith.constant 15 : i32
        %rev3A_713 = vector.broadcast %rev3A_712 : i32 to vector<16xi32>
        %rev3A_714 = tpu.iota {dimensions = array<i32: 0>} : vector<16xi32>
        %rev3A_715 = arith.subi %rev3A_713, %rev3A_714 : vector<16xi32>
        %rev3A_716 = tpu.dynamic_gather %masked_sort3A_710[%rev3A_715] in [0] : vector<16xf32>, vector<16xi32> -> vector<16xf32>
        %rev3A_717 = arith.constant 15 : i32
        %rev3A_718 = vector.broadcast %rev3A_717 : i32 to vector<16xi32>
        %rev3A_719 = tpu.iota {dimensions = array<i32: 0>} : vector<16xi32>
        %rev3A_720 = arith.subi %rev3A_718, %rev3A_719 : vector<16xi32>
        %rev3A_721 = tpu.dynamic_gather %masked_sort3A_711[%rev3A_720] in [0] : vector<16xi32>, vector<16xi32> -> vector<16xi32>
        %le3A_722 = arith.cmpf ole, %masked_sort3A_687, %rev3A_716 : vector<16xf32>
        %select_n3A_723 = arith.select %le3A_722, %masked_sort3A_687, %rev3A_716 : vector<16xi1>, vector<16xf32>
        %select_n3A_724 = arith.select %le3A_722, %masked_sort3A_688, %rev3A_721 : vector<16xi1>, vector<16xi32>
        %masked_sort3A_725 = arith.constant dense<true> : vector<16xi1>
        %masked_sort3A_726, %masked_sort3A_727, %masked_sort3A_728 = tpu.sort %select_n3A_723, %select_n3A_724 masked %masked_sort3A_725 : (vector<16xf32>, vector<16xi32>, vector<16xi1>) -> (vector<16xi1>, vector<16xf32>, vector<16xi32>)
        %bitcast3A_729 = vector.bitcast %scan3A_304#11 : vector<16xf32> to vector<16xi32>
        %and3A_730 = arith.constant 2047 : i32
        %and3A_731 = vector.broadcast %and3A_730 : i32 to vector<16xi32>
        %and3A_732 = arith.andi %bitcast3A_729, %and3A_731 : vector<16xi32>
        %mul3A_733 = arith.constant 16 : i32
        %mul3A_734 = vector.broadcast %mul3A_733 : i32 to vector<16xi32>
        %mul3A_735 = arith.muli %and3A_732, %mul3A_734 : vector<16xi32>
        %add3A_736 = arith.addi %mul3A_735, %iota3A : vector<16xi32>
        %gather3A_737 = tpu.vector_load_idx %arg13[%add3A_736] : memref<20000xf32, #tpu.memory_space<vmem>>[vector<16xi32>], vector<16xf32>,
        %add3A_738 = arith.addf %gather3A_737, %add3A_43 : vector<16xf32>
        %gather3A_739 = tpu.vector_load_idx %arg10[%add3A_736] : memref<20000xf32, #tpu.memory_space<vmem>>[vector<16xi32>], vector<16xf32>,
        %mul3A_740 = arith.mulf %bitcast3A_55, %gather3A_739 : vector<16xf32>
        %gather3A_741 = tpu.vector_load_idx %arg11[%add3A_736] : memref<20000xf32, #tpu.memory_space<vmem>>[vector<16xi32>], vector<16xf32>,
        %mul3A_742 = arith.mulf %bitcast3A_70, %gather3A_741 : vector<16xf32>
        %add3A_743 = arith.addf %mul3A_740, %mul3A_742 : vector<16xf32>
        %gather3A_744 = tpu.vector_load_idx %arg12[%add3A_736] : memref<20000xf32, #tpu.memory_space<vmem>>[vector<16xi32>], vector<16xf32>,
        %mul3A_745 = arith.mulf %bitcast3A_85, %gather3A_744 : vector<16xf32>
        %add3A_746 = arith.addf %add3A_743, %mul3A_745 : vector<16xf32>
        %add3A_747 = arith.addf %add3A_738, %add3A_746 : vector<16xf32>
        %masked_sort3A_748 = arith.constant dense<true> : vector<16xi1>
        %masked_sort3A_749, %masked_sort3A_750, %masked_sort3A_751 = tpu.sort %add3A_747, %add3A_736 masked %masked_sort3A_748 : (vector<16xf32>, vector<16xi32>, vector<16xi1>) -> (vector<16xi1>, vector<16xf32>, vector<16xi32>)
        %rev3A_752 = arith.constant 15 : i32
        %rev3A_753 = vector.broadcast %rev3A_752 : i32 to vector<16xi32>
        %rev3A_754 = tpu.iota {dimensions = array<i32: 0>} : vector<16xi32>
        %rev3A_755 = arith.subi %rev3A_753, %rev3A_754 : vector<16xi32>
        %rev3A_756 = tpu.dynamic_gather %masked_sort3A_750[%rev3A_755] in [0] : vector<16xf32>, vector<16xi32> -> vector<16xf32>
        %rev3A_757 = arith.constant 15 : i32
        %rev3A_758 = vector.broadcast %rev3A_757 : i32 to vector<16xi32>
        %rev3A_759 = tpu.iota {dimensions = array<i32: 0>} : vector<16xi32>
        %rev3A_760 = arith.subi %rev3A_758, %rev3A_759 : vector<16xi32>
        %rev3A_761 = tpu.dynamic_gather %masked_sort3A_751[%rev3A_760] in [0] : vector<16xi32>, vector<16xi32> -> vector<16xi32>
        %le3A_762 = arith.cmpf ole, %masked_sort3A_727, %rev3A_756 : vector<16xf32>
        %select_n3A_763 = arith.select %le3A_762, %masked_sort3A_727, %rev3A_756 : vector<16xi1>, vector<16xf32>
        %select_n3A_764 = arith.select %le3A_762, %masked_sort3A_728, %rev3A_761 : vector<16xi1>, vector<16xi32>
        %masked_sort3A_765 = arith.constant dense<true> : vector<16xi1>
        %masked_sort3A_766, %masked_sort3A_767, %masked_sort3A_768 = tpu.sort %select_n3A_763, %select_n3A_764 masked %masked_sort3A_765 : (vector<16xf32>, vector<16xi32>, vector<16xi1>) -> (vector<16xi1>, vector<16xf32>, vector<16xi32>)
        %bitcast3A_769 = vector.bitcast %scan3A_304#12 : vector<16xf32> to vector<16xi32>
        %and3A_770 = arith.constant 2047 : i32
        %and3A_771 = vector.broadcast %and3A_770 : i32 to vector<16xi32>
        %and3A_772 = arith.andi %bitcast3A_769, %and3A_771 : vector<16xi32>
        %mul3A_773 = arith.constant 16 : i32
        %mul3A_774 = vector.broadcast %mul3A_773 : i32 to vector<16xi32>
        %mul3A_775 = arith.muli %and3A_772, %mul3A_774 : vector<16xi32>
        %add3A_776 = arith.addi %mul3A_775, %iota3A : vector<16xi32>
        %gather3A_777 = tpu.vector_load_idx %arg13[%add3A_776] : memref<20000xf32, #tpu.memory_space<vmem>>[vector<16xi32>], vector<16xf32>,
        %add3A_778 = arith.addf %gather3A_777, %add3A_43 : vector<16xf32>
        %gather3A_779 = tpu.vector_load_idx %arg10[%add3A_776] : memref<20000xf32, #tpu.memory_space<vmem>>[vector<16xi32>], vector<16xf32>,
        %mul3A_780 = arith.mulf %bitcast3A_55, %gather3A_779 : vector<16xf32>
        %gather3A_781 = tpu.vector_load_idx %arg11[%add3A_776] : memref<20000xf32, #tpu.memory_space<vmem>>[vector<16xi32>], vector<16xf32>,
        %mul3A_782 = arith.mulf %bitcast3A_70, %gather3A_781 : vector<16xf32>
        %add3A_783 = arith.addf %mul3A_780, %mul3A_782 : vector<16xf32>
        %gather3A_784 = tpu.vector_load_idx %arg12[%add3A_776] : memref<20000xf32, #tpu.memory_space<vmem>>[vector<16xi32>], vector<16xf32>,
        %mul3A_785 = arith.mulf %bitcast3A_85, %gather3A_784 : vector<16xf32>
        %add3A_786 = arith.addf %add3A_783, %mul3A_785 : vector<16xf32>
        %add3A_787 = arith.addf %add3A_778, %add3A_786 : vector<16xf32>
        %masked_sort3A_788 = arith.constant dense<true> : vector<16xi1>
        %masked_sort3A_789, %masked_sort3A_790, %masked_sort3A_791 = tpu.sort %add3A_787, %add3A_776 masked %masked_sort3A_788 : (vector<16xf32>, vector<16xi32>, vector<16xi1>) -> (vector<16xi1>, vector<16xf32>, vector<16xi32>)
        %rev3A_792 = arith.constant 15 : i32
        %rev3A_793 = vector.broadcast %rev3A_792 : i32 to vector<16xi32>
        %rev3A_794 = tpu.iota {dimensions = array<i32: 0>} : vector<16xi32>
        %rev3A_795 = arith.subi %rev3A_793, %rev3A_794 : vector<16xi32>
        %rev3A_796 = tpu.dynamic_gather %masked_sort3A_790[%rev3A_795] in [0] : vector<16xf32>, vector<16xi32> -> vector<16xf32>
        %rev3A_797 = arith.constant 15 : i32
        %rev3A_798 = vector.broadcast %rev3A_797 : i32 to vector<16xi32>
        %rev3A_799 = tpu.iota {dimensions = array<i32: 0>} : vector<16xi32>
        %rev3A_800 = arith.subi %rev3A_798, %rev3A_799 : vector<16xi32>
        %rev3A_801 = tpu.dynamic_gather %masked_sort3A_791[%rev3A_800] in [0] : vector<16xi32>, vector<16xi32> -> vector<16xi32>
        %le3A_802 = arith.cmpf ole, %masked_sort3A_767, %rev3A_796 : vector<16xf32>
        %select_n3A_803 = arith.select %le3A_802, %masked_sort3A_767, %rev3A_796 : vector<16xi1>, vector<16xf32>
        %select_n3A_804 = arith.select %le3A_802, %masked_sort3A_768, %rev3A_801 : vector<16xi1>, vector<16xi32>
        %masked_sort3A_805 = arith.constant dense<true> : vector<16xi1>
        %masked_sort3A_806, %masked_sort3A_807, %masked_sort3A_808 = tpu.sort %select_n3A_803, %select_n3A_804 masked %masked_sort3A_805 : (vector<16xf32>, vector<16xi32>, vector<16xi1>) -> (vector<16xi1>, vector<16xf32>, vector<16xi32>)
        %bitcast3A_809 = vector.bitcast %scan3A_304#13 : vector<16xf32> to vector<16xi32>
        %and3A_810 = arith.constant 2047 : i32
        %and3A_811 = vector.broadcast %and3A_810 : i32 to vector<16xi32>
        %and3A_812 = arith.andi %bitcast3A_809, %and3A_811 : vector<16xi32>
        %mul3A_813 = arith.constant 16 : i32
        %mul3A_814 = vector.broadcast %mul3A_813 : i32 to vector<16xi32>
        %mul3A_815 = arith.muli %and3A_812, %mul3A_814 : vector<16xi32>
        %add3A_816 = arith.addi %mul3A_815, %iota3A : vector<16xi32>
        %gather3A_817 = tpu.vector_load_idx %arg13[%add3A_816] : memref<20000xf32, #tpu.memory_space<vmem>>[vector<16xi32>], vector<16xf32>,
        %add3A_818 = arith.addf %gather3A_817, %add3A_43 : vector<16xf32>
        %gather3A_819 = tpu.vector_load_idx %arg10[%add3A_816] : memref<20000xf32, #tpu.memory_space<vmem>>[vector<16xi32>], vector<16xf32>,
        %mul3A_820 = arith.mulf %bitcast3A_55, %gather3A_819 : vector<16xf32>
        %gather3A_821 = tpu.vector_load_idx %arg11[%add3A_816] : memref<20000xf32, #tpu.memory_space<vmem>>[vector<16xi32>], vector<16xf32>,
        %mul3A_822 = arith.mulf %bitcast3A_70, %gather3A_821 : vector<16xf32>
        %add3A_823 = arith.addf %mul3A_820, %mul3A_822 : vector<16xf32>
        %gather3A_824 = tpu.vector_load_idx %arg12[%add3A_816] : memref<20000xf32, #tpu.memory_space<vmem>>[vector<16xi32>], vector<16xf32>,
        %mul3A_825 = arith.mulf %bitcast3A_85, %gather3A_824 : vector<16xf32>
        %add3A_826 = arith.addf %add3A_823, %mul3A_825 : vector<16xf32>
        %add3A_827 = arith.addf %add3A_818, %add3A_826 : vector<16xf32>
        %masked_sort3A_828 = arith.constant dense<true> : vector<16xi1>
        %masked_sort3A_829, %masked_sort3A_830, %masked_sort3A_831 = tpu.sort %add3A_827, %add3A_816 masked %masked_sort3A_828 : (vector<16xf32>, vector<16xi32>, vector<16xi1>) -> (vector<16xi1>, vector<16xf32>, vector<16xi32>)
        %rev3A_832 = arith.constant 15 : i32
        %rev3A_833 = vector.broadcast %rev3A_832 : i32 to vector<16xi32>
        %rev3A_834 = tpu.iota {dimensions = array<i32: 0>} : vector<16xi32>
        %rev3A_835 = arith.subi %rev3A_833, %rev3A_834 : vector<16xi32>
        %rev3A_836 = tpu.dynamic_gather %masked_sort3A_830[%rev3A_835] in [0] : vector<16xf32>, vector<16xi32> -> vector<16xf32>
        %rev3A_837 = arith.constant 15 : i32
        %rev3A_838 = vector.broadcast %rev3A_837 : i32 to vector<16xi32>
        %rev3A_839 = tpu.iota {dimensions = array<i32: 0>} : vector<16xi32>
        %rev3A_840 = arith.subi %rev3A_838, %rev3A_839 : vector<16xi32>
        %rev3A_841 = tpu.dynamic_gather %masked_sort3A_831[%rev3A_840] in [0] : vector<16xi32>, vector<16xi32> -> vector<16xi32>
        %le3A_842 = arith.cmpf ole, %masked_sort3A_807, %rev3A_836 : vector<16xf32>
        %select_n3A_843 = arith.select %le3A_842, %masked_sort3A_807, %rev3A_836 : vector<16xi1>, vector<16xf32>
        %select_n3A_844 = arith.select %le3A_842, %masked_sort3A_808, %rev3A_841 : vector<16xi1>, vector<16xi32>
        %masked_sort3A_845 = arith.constant dense<true> : vector<16xi1>
        %masked_sort3A_846, %masked_sort3A_847, %masked_sort3A_848 = tpu.sort %select_n3A_843, %select_n3A_844 masked %masked_sort3A_845 : (vector<16xf32>, vector<16xi32>, vector<16xi1>) -> (vector<16xi1>, vector<16xf32>, vector<16xi32>)
        %bitcast3A_849 = vector.bitcast %scan3A_304#14 : vector<16xf32> to vector<16xi32>
        %and3A_850 = arith.constant 2047 : i32
        %and3A_851 = vector.broadcast %and3A_850 : i32 to vector<16xi32>
        %and3A_852 = arith.andi %bitcast3A_849, %and3A_851 : vector<16xi32>
        %mul3A_853 = arith.constant 16 : i32
        %mul3A_854 = vector.broadcast %mul3A_853 : i32 to vector<16xi32>
        %mul3A_855 = arith.muli %and3A_852, %mul3A_854 : vector<16xi32>
        %add3A_856 = arith.addi %mul3A_855, %iota3A : vector<16xi32>
        %gather3A_857 = tpu.vector_load_idx %arg13[%add3A_856] : memref<20000xf32, #tpu.memory_space<vmem>>[vector<16xi32>], vector<16xf32>,
        %add3A_858 = arith.addf %gather3A_857, %add3A_43 : vector<16xf32>
        %gather3A_859 = tpu.vector_load_idx %arg10[%add3A_856] : memref<20000xf32, #tpu.memory_space<vmem>>[vector<16xi32>], vector<16xf32>,
        %mul3A_860 = arith.mulf %bitcast3A_55, %gather3A_859 : vector<16xf32>
        %gather3A_861 = tpu.vector_load_idx %arg11[%add3A_856] : memref<20000xf32, #tpu.memory_space<vmem>>[vector<16xi32>], vector<16xf32>,
        %mul3A_862 = arith.mulf %bitcast3A_70, %gather3A_861 : vector<16xf32>
        %add3A_863 = arith.addf %mul3A_860, %mul3A_862 : vector<16xf32>
        %gather3A_864 = tpu.vector_load_idx %arg12[%add3A_856] : memref<20000xf32, #tpu.memory_space<vmem>>[vector<16xi32>], vector<16xf32>,
        %mul3A_865 = arith.mulf %bitcast3A_85, %gather3A_864 : vector<16xf32>
        %add3A_866 = arith.addf %add3A_863, %mul3A_865 : vector<16xf32>
        %add3A_867 = arith.addf %add3A_858, %add3A_866 : vector<16xf32>
        %masked_sort3A_868 = arith.constant dense<true> : vector<16xi1>
        %masked_sort3A_869, %masked_sort3A_870, %masked_sort3A_871 = tpu.sort %add3A_867, %add3A_856 masked %masked_sort3A_868 : (vector<16xf32>, vector<16xi32>, vector<16xi1>) -> (vector<16xi1>, vector<16xf32>, vector<16xi32>)
        %rev3A_872 = arith.constant 15 : i32
        %rev3A_873 = vector.broadcast %rev3A_872 : i32 to vector<16xi32>
        %rev3A_874 = tpu.iota {dimensions = array<i32: 0>} : vector<16xi32>
        %rev3A_875 = arith.subi %rev3A_873, %rev3A_874 : vector<16xi32>
        %rev3A_876 = tpu.dynamic_gather %masked_sort3A_870[%rev3A_875] in [0] : vector<16xf32>, vector<16xi32> -> vector<16xf32>
        %rev3A_877 = arith.constant 15 : i32
        %rev3A_878 = vector.broadcast %rev3A_877 : i32 to vector<16xi32>
        %rev3A_879 = tpu.iota {dimensions = array<i32: 0>} : vector<16xi32>
        %rev3A_880 = arith.subi %rev3A_878, %rev3A_879 : vector<16xi32>
        %rev3A_881 = tpu.dynamic_gather %masked_sort3A_871[%rev3A_880] in [0] : vector<16xi32>, vector<16xi32> -> vector<16xi32>
        %le3A_882 = arith.cmpf ole, %masked_sort3A_847, %rev3A_876 : vector<16xf32>
        %select_n3A_883 = arith.select %le3A_882, %masked_sort3A_847, %rev3A_876 : vector<16xi1>, vector<16xf32>
        %select_n3A_884 = arith.select %le3A_882, %masked_sort3A_848, %rev3A_881 : vector<16xi1>, vector<16xi32>
        %masked_sort3A_885 = arith.constant dense<true> : vector<16xi1>
        %masked_sort3A_886, %masked_sort3A_887, %masked_sort3A_888 = tpu.sort %select_n3A_883, %select_n3A_884 masked %masked_sort3A_885 : (vector<16xf32>, vector<16xi32>, vector<16xi1>) -> (vector<16xi1>, vector<16xf32>, vector<16xi32>)
        %bitcast3A_889 = vector.bitcast %scan3A_304#15 : vector<16xf32> to vector<16xi32>
        %and3A_890 = arith.constant 2047 : i32
        %and3A_891 = vector.broadcast %and3A_890 : i32 to vector<16xi32>
        %and3A_892 = arith.andi %bitcast3A_889, %and3A_891 : vector<16xi32>
        %mul3A_893 = arith.constant 16 : i32
        %mul3A_894 = vector.broadcast %mul3A_893 : i32 to vector<16xi32>
        %mul3A_895 = arith.muli %and3A_892, %mul3A_894 : vector<16xi32>
        %add3A_896 = arith.addi %mul3A_895, %iota3A : vector<16xi32>
        %gather3A_897 = tpu.vector_load_idx %arg13[%add3A_896] : memref<20000xf32, #tpu.memory_space<vmem>>[vector<16xi32>], vector<16xf32>,
        %add3A_898 = arith.addf %gather3A_897, %add3A_43 : vector<16xf32>
        %gather3A_899 = tpu.vector_load_idx %arg10[%add3A_896] : memref<20000xf32, #tpu.memory_space<vmem>>[vector<16xi32>], vector<16xf32>,
        %mul3A_900 = arith.mulf %bitcast3A_55, %gather3A_899 : vector<16xf32>
        %gather3A_901 = tpu.vector_load_idx %arg11[%add3A_896] : memref<20000xf32, #tpu.memory_space<vmem>>[vector<16xi32>], vector<16xf32>,
        %mul3A_902 = arith.mulf %bitcast3A_70, %gather3A_901 : vector<16xf32>
        %add3A_903 = arith.addf %mul3A_900, %mul3A_902 : vector<16xf32>
        %gather3A_904 = tpu.vector_load_idx %arg12[%add3A_896] : memref<20000xf32, #tpu.memory_space<vmem>>[vector<16xi32>], vector<16xf32>,
        %mul3A_905 = arith.mulf %bitcast3A_85, %gather3A_904 : vector<16xf32>
        %add3A_906 = arith.addf %add3A_903, %mul3A_905 : vector<16xf32>
        %add3A_907 = arith.addf %add3A_898, %add3A_906 : vector<16xf32>
        %masked_sort3A_908 = arith.constant dense<true> : vector<16xi1>
        %masked_sort3A_909, %masked_sort3A_910, %masked_sort3A_911 = tpu.sort %add3A_907, %add3A_896 masked %masked_sort3A_908 : (vector<16xf32>, vector<16xi32>, vector<16xi1>) -> (vector<16xi1>, vector<16xf32>, vector<16xi32>)
        %rev3A_912 = arith.constant 15 : i32
        %rev3A_913 = vector.broadcast %rev3A_912 : i32 to vector<16xi32>
        %rev3A_914 = tpu.iota {dimensions = array<i32: 0>} : vector<16xi32>
        %rev3A_915 = arith.subi %rev3A_913, %rev3A_914 : vector<16xi32>
        %rev3A_916 = tpu.dynamic_gather %masked_sort3A_910[%rev3A_915] in [0] : vector<16xf32>, vector<16xi32> -> vector<16xf32>
        %rev3A_917 = arith.constant 15 : i32
        %rev3A_918 = vector.broadcast %rev3A_917 : i32 to vector<16xi32>
        %rev3A_919 = tpu.iota {dimensions = array<i32: 0>} : vector<16xi32>
        %rev3A_920 = arith.subi %rev3A_918, %rev3A_919 : vector<16xi32>
        %rev3A_921 = tpu.dynamic_gather %masked_sort3A_911[%rev3A_920] in [0] : vector<16xi32>, vector<16xi32> -> vector<16xi32>
        %le3A_922 = arith.cmpf ole, %masked_sort3A_887, %rev3A_916 : vector<16xf32>
        %select_n3A_923 = arith.select %le3A_922, %masked_sort3A_887, %rev3A_916 : vector<16xi1>, vector<16xf32>
        %select_n3A_924 = arith.select %le3A_922, %masked_sort3A_888, %rev3A_921 : vector<16xi1>, vector<16xi32>
        %masked_sort3A_925 = arith.constant dense<true> : vector<16xi1>
        %masked_sort3A_926, %masked_sort3A_927, %masked_sort3A_928 = tpu.sort %select_n3A_923, %select_n3A_924 masked %masked_sort3A_925 : (vector<16xf32>, vector<16xi32>, vector<16xi1>) -> (vector<16xi1>, vector<16xf32>, vector<16xi32>)
        scf.yield %masked_sort3A_927, %masked_sort3A_928 : vector<16xf32>, vector<16xi32>
      } else {
        scf.yield %masked_sort3A_269, %masked_sort3A_270 : vector<16xf32>, vector<16xi32>
      }
      %mul3A_296 = arith.constant 16 : i32
      %mul3A_297 = arith.muli %scan3A_28, %mul3A_296 : i32
      %swap3A = arith.index_cast %mul3A_297 : i32 to index
      %swap3A_298 = tpu.vector_load %arg15[%swap3A] {strides = array<i32>} : memref<2560xi32, #tpu.memory_space<vmem>>, vector<16xi32>,
      tpu.vector_store %arg15[%swap3A], %cond3A_295#1 {strides = array<i32>} : memref<2560xi32, #tpu.memory_space<vmem>>, vector<16xi32>,
      %scan3A_299 = arith.constant 0 : i32
      scf.yield %scan3A_299 : i32
    }
    %scan3A_18 = arith.constant 160 : i32
    "tpu.region"() ({
      %run_scoped3A = tpu.sem_alloc : memref<!tpu.dma_semaphore, #tpu.memory_space<semaphore_mem>>
      tpu.enqueue_dma source(%arg2 : memref<20000xf32, #tpu.memory_space<hbm>>) target(%arg10 : memref<20000xf32, #tpu.memory_space<vmem>>) target_semaphore(%run_scoped3A : memref<!tpu.dma_semaphore, #tpu.memory_space<semaphore_mem>>)
      tpu.wait_dma2 semaphore(%run_scoped3A : memref<!tpu.dma_semaphore, #tpu.memory_space<semaphore_mem>>) src(%arg2 : memref<20000xf32, #tpu.memory_space<hbm>>) dst(%arg10 : memref<20000xf32, #tpu.memory_space<vmem>>)
      tpu.yield
    }) : () -> ()
    "tpu.region"() ({
      %run_scoped3A = tpu.sem_alloc : memref<!tpu.dma_semaphore, #tpu.memory_space<semaphore_mem>>
      tpu.enqueue_dma source(%arg3 : memref<20000xf32, #tpu.memory_space<hbm>>) target(%arg11 : memref<20000xf32, #tpu.memory_space<vmem>>) target_semaphore(%run_scoped3A : memref<!tpu.dma_semaphore, #tpu.memory_space<semaphore_mem>>)
      tpu.wait_dma2 semaphore(%run_scoped3A : memref<!tpu.dma_semaphore, #tpu.memory_space<semaphore_mem>>) src(%arg3 : memref<20000xf32, #tpu.memory_space<hbm>>) dst(%arg11 : memref<20000xf32, #tpu.memory_space<vmem>>)
      tpu.yield
    }) : () -> ()
    "tpu.region"() ({
      %run_scoped3A = tpu.sem_alloc : memref<!tpu.dma_semaphore, #tpu.memory_space<semaphore_mem>>
      tpu.enqueue_dma source(%arg4 : memref<20000xf32, #tpu.memory_space<hbm>>) target(%arg12 : memref<20000xf32, #tpu.memory_space<vmem>>) target_semaphore(%run_scoped3A : memref<!tpu.dma_semaphore, #tpu.memory_space<semaphore_mem>>)
      tpu.wait_dma2 semaphore(%run_scoped3A : memref<!tpu.dma_semaphore, #tpu.memory_space<semaphore_mem>>) src(%arg4 : memref<20000xf32, #tpu.memory_space<hbm>>) dst(%arg12 : memref<20000xf32, #tpu.memory_space<vmem>>)
      tpu.yield
    }) : () -> ()
    %scan3A_19 = arith.constant 0 : i32
    %scan3A_20 = arith.constant 0 : i32
    %scan3A_21 = arith.constant 160 : i32
    %scan3A_22 = arith.addi %scan3A_20, %scan3A_21 : i32
    %scan3A_23 = arith.constant 1 : i32
    %scan3A_24 = scf.for %scan3A_28 = %scan3A_20 to %scan3A_22 step %scan3A_23 iter_args(%scan3A_29 = %scan3A_19) -> (i32)  : i32 {
      %broadcast_in_dim3A_30 = vector.broadcast %scan3A_28 : i32 to vector<16xi32>
      %gather3A = tpu.vector_load_idx %arg14[%broadcast_in_dim3A_30] : memref<480xf32, #tpu.memory_space<vmem>>[vector<16xi32>], vector<16xf32>,
      %add3A_31 = arith.constant 160 : i32
      %add3A_32 = vector.broadcast %add3A_31 : i32 to vector<16xi32>
      %add3A_33 = arith.addi %broadcast_in_dim3A_30, %add3A_32 : vector<16xi32>
      %gather3A_34 = tpu.vector_load_idx %arg14[%add3A_33] : memref<480xf32, #tpu.memory_space<vmem>>[vector<16xi32>], vector<16xf32>,
      %add3A_35 = arith.constant 320 : i32
      %add3A_36 = vector.broadcast %add3A_35 : i32 to vector<16xi32>
      %add3A_37 = arith.addi %broadcast_in_dim3A_30, %add3A_36 : vector<16xi32>
      %gather3A_38 = tpu.vector_load_idx %arg14[%add3A_37] : memref<480xf32, #tpu.memory_space<vmem>>[vector<16xi32>], vector<16xf32>,
      %mul3A_39 = arith.constant 16 : i32
      %mul3A_40 = arith.muli %scan3A_28, %mul3A_39 : i32
      %get3A = arith.index_cast %mul3A_40 : i32 to index
      %get3A_41 = tpu.vector_load %arg15[%get3A] {strides = array<i32>} : memref<2560xi32, #tpu.memory_space<vmem>>, vector<16xi32>,
      %gather3A_42 = tpu.vector_load_idx %arg10[%get3A_41] : memref<20000xf32, #tpu.memory_space<vmem>>[vector<16xi32>], vector<16xf32>,
      %sub3A = arith.subf %gather3A_42, %gather3A : vector<16xf32>
      %swap3A = arith.index_cast %mul3A_40 : i32 to index
      %swap3A_43 = tpu.vector_load %arg16[%swap3A] {strides = array<i32>} : memref<2560xf32, #tpu.memory_space<vmem>>, vector<16xf32>,
      tpu.vector_store %arg16[%swap3A], %sub3A {strides = array<i32>} : memref<2560xf32, #tpu.memory_space<vmem>>, vector<16xf32>,
      %gather3A_44 = tpu.vector_load_idx %arg11[%get3A_41] : memref<20000xf32, #tpu.memory_space<vmem>>[vector<16xi32>], vector<16xf32>,
      %sub3A_45 = arith.subf %gather3A_44, %gather3A_34 : vector<16xf32>
      %swap3A_46 = arith.index_cast %mul3A_40 : i32 to index
      %swap3A_47 = tpu.vector_load %arg17[%swap3A_46] {strides = array<i32>} : memref<2560xf32, #tpu.memory_space<vmem>>, vector<16xf32>,
      tpu.vector_store %arg17[%swap3A_46], %sub3A_45 {strides = array<i32>} : memref<2560xf32, #tpu.memory_space<vmem>>, vector<16xf32>,
      %gather3A_48 = tpu.vector_load_idx %arg12[%get3A_41] : memref<20000xf32, #tpu.memory_space<vmem>>[vector<16xi32>], vector<16xf32>,
      %sub3A_49 = arith.subf %gather3A_48, %gather3A_38 : vector<16xf32>
      %swap3A_50 = arith.index_cast %mul3A_40 : i32 to index
      %swap3A_51 = tpu.vector_load %arg18[%swap3A_50] {strides = array<i32>} : memref<2560xf32, #tpu.memory_space<vmem>>, vector<16xf32>,
      tpu.vector_store %arg18[%swap3A_50], %sub3A_49 {strides = array<i32>} : memref<2560xf32, #tpu.memory_space<vmem>>, vector<16xf32>,
      %scan3A_52 = arith.constant 0 : i32
      scf.yield %scan3A_52 : i32
    }
    %scan3A_25 = arith.constant 160 : i32
    %mul3A_26 = arith.constant 2560 : i32
    %mul3A_27 = arith.muli %add3A, %mul3A_26 : i32
    "tpu.region"() ({
      %run_scoped3A = tpu.sem_alloc : memref<!tpu.dma_semaphore, #tpu.memory_space<semaphore_mem>>
      %dma_start3A = tpu.memref_slice %arg6[%mul3A_27] : memref<81920xi32, #tpu.memory_space<hbm>> -> memref<2560xi32, #tpu.memory_space<hbm>>
      %dma_start3A_28 = tpu.memref_slice %arg6[%mul3A_27] : memref<81920xi32, #tpu.memory_space<hbm>> -> memref<2560xi32, #tpu.memory_space<hbm>>
      tpu.enqueue_dma source(%arg15 : memref<2560xi32, #tpu.memory_space<vmem>>) target(%dma_start3A_28 : memref<2560xi32, #tpu.memory_space<hbm>>) target_semaphore(%run_scoped3A : memref<!tpu.dma_semaphore, #tpu.memory_space<semaphore_mem>>)
      %dma_wait3A = tpu.memref_slice %arg6[%mul3A_27] : memref<81920xi32, #tpu.memory_space<hbm>> -> memref<2560xi32, #tpu.memory_space<hbm>>
      %dma_wait3A_29 = tpu.memref_slice %arg6[%mul3A_27] : memref<81920xi32, #tpu.memory_space<hbm>> -> memref<2560xi32, #tpu.memory_space<hbm>>
      tpu.wait_dma2 semaphore(%run_scoped3A : memref<!tpu.dma_semaphore, #tpu.memory_space<semaphore_mem>>) src(%arg15 : memref<2560xi32, #tpu.memory_space<vmem>>) dst(%dma_wait3A_29 : memref<2560xi32, #tpu.memory_space<hbm>>)
      tpu.yield
    }) : () -> ()
    "tpu.region"() ({
      %run_scoped3A = tpu.sem_alloc : memref<!tpu.dma_semaphore, #tpu.memory_space<semaphore_mem>>
      %dma_start3A = tpu.memref_slice %arg7[%mul3A_27] : memref<81920xf32, #tpu.memory_space<hbm>> -> memref<2560xf32, #tpu.memory_space<hbm>>
      %dma_start3A_28 = tpu.memref_slice %arg7[%mul3A_27] : memref<81920xf32, #tpu.memory_space<hbm>> -> memref<2560xf32, #tpu.memory_space<hbm>>
      tpu.enqueue_dma source(%arg16 : memref<2560xf32, #tpu.memory_space<vmem>>) target(%dma_start3A_28 : memref<2560xf32, #tpu.memory_space<hbm>>) target_semaphore(%run_scoped3A : memref<!tpu.dma_semaphore, #tpu.memory_space<semaphore_mem>>)
      %dma_wait3A = tpu.memref_slice %arg7[%mul3A_27] : memref<81920xf32, #tpu.memory_space<hbm>> -> memref<2560xf32, #tpu.memory_space<hbm>>
      %dma_wait3A_29 = tpu.memref_slice %arg7[%mul3A_27] : memref<81920xf32, #tpu.memory_space<hbm>> -> memref<2560xf32, #tpu.memory_space<hbm>>
      tpu.wait_dma2 semaphore(%run_scoped3A : memref<!tpu.dma_semaphore, #tpu.memory_space<semaphore_mem>>) src(%arg16 : memref<2560xf32, #tpu.memory_space<vmem>>) dst(%dma_wait3A_29 : memref<2560xf32, #tpu.memory_space<hbm>>)
      tpu.yield
    }) : () -> ()
    "tpu.region"() ({
      %run_scoped3A = tpu.sem_alloc : memref<!tpu.dma_semaphore, #tpu.memory_space<semaphore_mem>>
      %dma_start3A = tpu.memref_slice %arg8[%mul3A_27] : memref<81920xf32, #tpu.memory_space<hbm>> -> memref<2560xf32, #tpu.memory_space<hbm>>
      %dma_start3A_28 = tpu.memref_slice %arg8[%mul3A_27] : memref<81920xf32, #tpu.memory_space<hbm>> -> memref<2560xf32, #tpu.memory_space<hbm>>
      tpu.enqueue_dma source(%arg17 : memref<2560xf32, #tpu.memory_space<vmem>>) target(%dma_start3A_28 : memref<2560xf32, #tpu.memory_space<hbm>>) target_semaphore(%run_scoped3A : memref<!tpu.dma_semaphore, #tpu.memory_space<semaphore_mem>>)
      %dma_wait3A = tpu.memref_slice %arg8[%mul3A_27] : memref<81920xf32, #tpu.memory_space<hbm>> -> memref<2560xf32, #tpu.memory_space<hbm>>
      %dma_wait3A_29 = tpu.memref_slice %arg8[%mul3A_27] : memref<81920xf32, #tpu.memory_space<hbm>> -> memref<2560xf32, #tpu.memory_space<hbm>>
      tpu.wait_dma2 semaphore(%run_scoped3A : memref<!tpu.dma_semaphore, #tpu.memory_space<semaphore_mem>>) src(%arg17 : memref<2560xf32, #tpu.memory_space<vmem>>) dst(%dma_wait3A_29 : memref<2560xf32, #tpu.memory_space<hbm>>)
      tpu.yield
    }) : () -> ()
    "tpu.region"() ({
      %run_scoped3A = tpu.sem_alloc : memref<!tpu.dma_semaphore, #tpu.memory_space<semaphore_mem>>
      %dma_start3A = tpu.memref_slice %arg9[%mul3A_27] : memref<81920xf32, #tpu.memory_space<hbm>> -> memref<2560xf32, #tpu.memory_space<hbm>>
      %dma_start3A_28 = tpu.memref_slice %arg9[%mul3A_27] : memref<81920xf32, #tpu.memory_space<hbm>> -> memref<2560xf32, #tpu.memory_space<hbm>>
      tpu.enqueue_dma source(%arg18 : memref<2560xf32, #tpu.memory_space<vmem>>) target(%dma_start3A_28 : memref<2560xf32, #tpu.memory_space<hbm>>) target_semaphore(%run_scoped3A : memref<!tpu.dma_semaphore, #tpu.memory_space<semaphore_mem>>)
      %dma_wait3A = tpu.memref_slice %arg9[%mul3A_27] : memref<81920xf32, #tpu.memory_space<hbm>> -> memref<2560xf32, #tpu.memory_space<hbm>>
      %dma_wait3A_29 = tpu.memref_slice %arg9[%mul3A_27] : memref<81920xf32, #tpu.memory_space<hbm>> -> memref<2560xf32, #tpu.memory_space<hbm>>
      tpu.wait_dma2 semaphore(%run_scoped3A : memref<!tpu.dma_semaphore, #tpu.memory_space<semaphore_mem>>) src(%arg18 : memref<2560xf32, #tpu.memory_space<vmem>>) dst(%dma_wait3A_29 : memref<2560xf32, #tpu.memory_space<hbm>>)
      tpu.yield
    }) : () -> ()
    return
  }
}

#map = affine_map<(d0, d1) -> (0)>
module attributes {stable_mosaic.version = 14 : i64} {
  func.func @upscatter(%arg0: i32, %arg1: i32, %arg2: memref<163840xf32, #tpu.memory_space<hbm>>, %arg3: memref<81920xi32, #tpu.memory_space<hbm>>, %arg4: memref<1310720xf32, #tpu.memory_space<hbm>>, %arg5: memref<5242880xf32, #tpu.memory_space<hbm>>, %arg6: memref<81920xf32, #tpu.memory_space<vmem>>, %arg7: memref<8192xi32, #tpu.memory_space<vmem>>, %arg8: memref<8192xf32, #tpu.memory_space<vmem>>, %arg9: memref<20480xf32, #tpu.memory_space<vmem>>) attributes {dimension_semantics = [#tpu.dimension_semantics<core_parallel>, #tpu.dimension_semantics<subcore_parallel>], iteration_bounds = array<i64: 2, 16>, scalar_prefetch = 0 : i64, scratch_operands = 4 : i64, tpu.core_type = #tpu.core_type<sc_vector_subcore>, window_params = [{transform_indices = #map}, {transform_indices = #map}, {transform_indices = #map}, {transform_indices = #map}]} {
    %mul3A = arith.constant 2 : i32
    %mul3A_0 = arith.muli %arg1, %mul3A : i32
    %add3A = arith.addi %mul3A_0, %arg0 : i32
    %mul3A_1 = arith.constant 8 : i32
    %mul3A_2 = arith.muli %add3A, %mul3A_1 : i32
    %add3A_3 = arith.constant 0 : i32
    %add3A_4 = arith.addi %mul3A_2, %add3A_3 : i32
    %scan3A = arith.constant 0 : i32
    %scan3A_5 = arith.constant 0 : i32
    %scan3A_6 = arith.constant 5120 : i32
    %scan3A_7 = arith.addi %scan3A_5, %scan3A_6 : i32
    %scan3A_8 = arith.constant 1 : i32
    %scan3A_9 = scf.for %scan3A_72 = %scan3A_5 to %scan3A_7 step %scan3A_8 iter_args(%scan3A_73 = %scan3A) -> (i32)  : i32 {
      %broadcast_in_dim3A = arith.constant 0.000000e+00 : f32
      %broadcast_in_dim3A_74 = vector.broadcast %broadcast_in_dim3A : f32 to vector<16xf32>
      %mul3A_75 = arith.constant 16 : i32
      %mul3A_76 = arith.muli %scan3A_72, %mul3A_75 : i32
      %swap3A = arith.index_cast %mul3A_76 : i32 to index
      %swap3A_77 = tpu.vector_load %arg6[%swap3A] {strides = array<i32>} : memref<81920xf32, #tpu.memory_space<vmem>>, vector<16xf32>,
      tpu.vector_store %arg6[%swap3A], %broadcast_in_dim3A_74 {strides = array<i32>} : memref<81920xf32, #tpu.memory_space<vmem>>, vector<16xf32>,
      %scan3A_78 = arith.constant 0 : i32
      scf.yield %scan3A_78 : i32
    }
    %scan3A_10 = arith.constant 5120 : i32
    %mul3A_11 = arith.constant 5120 : i32
    %mul3A_12 = arith.muli %add3A_4, %mul3A_11 : i32
    "tpu.region"() ({
      %run_scoped3A = tpu.sem_alloc : memref<!tpu.dma_semaphore, #tpu.memory_space<semaphore_mem>>
      %dma_start3A = tpu.memref_slice %arg4[%mul3A_12] : memref<1310720xf32, #tpu.memory_space<hbm>> -> memref<20480xf32, #tpu.memory_space<hbm>>
      %dma_start3A_72 = tpu.memref_slice %arg4[%mul3A_12] : memref<1310720xf32, #tpu.memory_space<hbm>> -> memref<20480xf32, #tpu.memory_space<hbm>>
      tpu.enqueue_dma source(%dma_start3A_72 : memref<20480xf32, #tpu.memory_space<hbm>>) target(%arg9 : memref<20480xf32, #tpu.memory_space<vmem>>) target_semaphore(%run_scoped3A : memref<!tpu.dma_semaphore, #tpu.memory_space<semaphore_mem>>)
      %dma_wait3A = tpu.memref_slice %arg4[%mul3A_12] : memref<1310720xf32, #tpu.memory_space<hbm>> -> memref<20480xf32, #tpu.memory_space<hbm>>
      %dma_wait3A_73 = tpu.memref_slice %arg4[%mul3A_12] : memref<1310720xf32, #tpu.memory_space<hbm>> -> memref<20480xf32, #tpu.memory_space<hbm>>
      tpu.wait_dma2 semaphore(%run_scoped3A : memref<!tpu.dma_semaphore, #tpu.memory_space<semaphore_mem>>) src(%dma_wait3A_73 : memref<20480xf32, #tpu.memory_space<hbm>>) dst(%arg9 : memref<20480xf32, #tpu.memory_space<vmem>>)
      tpu.yield
    }) : () -> ()
    %scan3A_13 = arith.constant 0 : i32
    %scan3A_14 = arith.constant 0 : i32
    %scan3A_15 = arith.constant 10 : i32
    %scan3A_16 = arith.addi %scan3A_14, %scan3A_15 : i32
    %scan3A_17 = arith.constant 1 : i32
    %scan3A_18 = scf.for %scan3A_72 = %scan3A_14 to %scan3A_16 step %scan3A_17 iter_args(%scan3A_73 = %scan3A_13) -> (i32)  : i32 {
      %mul3A_74 = arith.constant 8192 : i32
      %mul3A_75 = arith.muli %scan3A_72, %mul3A_74 : i32
      "tpu.region"() ({
        %run_scoped3A = tpu.sem_alloc : memref<!tpu.dma_semaphore, #tpu.memory_space<semaphore_mem>>
        %dma_start3A = tpu.memref_slice %arg3[%mul3A_75] : memref<81920xi32, #tpu.memory_space<hbm>> -> memref<8192xi32, #tpu.memory_space<hbm>>
        %dma_start3A_87 = tpu.memref_slice %arg3[%mul3A_75] : memref<81920xi32, #tpu.memory_space<hbm>> -> memref<8192xi32, #tpu.memory_space<hbm>>
        tpu.enqueue_dma source(%dma_start3A_87 : memref<8192xi32, #tpu.memory_space<hbm>>) target(%arg7 : memref<8192xi32, #tpu.memory_space<vmem>>) target_semaphore(%run_scoped3A : memref<!tpu.dma_semaphore, #tpu.memory_space<semaphore_mem>>)
        %dma_wait3A = tpu.memref_slice %arg3[%mul3A_75] : memref<81920xi32, #tpu.memory_space<hbm>> -> memref<8192xi32, #tpu.memory_space<hbm>>
        %dma_wait3A_88 = tpu.memref_slice %arg3[%mul3A_75] : memref<81920xi32, #tpu.memory_space<hbm>> -> memref<8192xi32, #tpu.memory_space<hbm>>
        tpu.wait_dma2 semaphore(%run_scoped3A : memref<!tpu.dma_semaphore, #tpu.memory_space<semaphore_mem>>) src(%dma_wait3A_88 : memref<8192xi32, #tpu.memory_space<hbm>>) dst(%arg7 : memref<8192xi32, #tpu.memory_space<vmem>>)
        tpu.yield
      }) : () -> ()
      %mul3A_76 = arith.constant 81920 : i32
      %mul3A_77 = arith.muli %arg0, %mul3A_76 : i32
      %add3A_78 = arith.addi %mul3A_77, %mul3A_75 : i32
      "tpu.region"() ({
        %run_scoped3A = tpu.sem_alloc : memref<!tpu.dma_semaphore, #tpu.memory_space<semaphore_mem>>
        %dma_start3A = tpu.memref_slice %arg2[%add3A_78] : memref<163840xf32, #tpu.memory_space<hbm>> -> memref<8192xf32, #tpu.memory_space<hbm>>
        %dma_start3A_87 = tpu.memref_slice %arg2[%add3A_78] : memref<163840xf32, #tpu.memory_space<hbm>> -> memref<8192xf32, #tpu.memory_space<hbm>>
        tpu.enqueue_dma source(%dma_start3A_87 : memref<8192xf32, #tpu.memory_space<hbm>>) target(%arg8 : memref<8192xf32, #tpu.memory_space<vmem>>) target_semaphore(%run_scoped3A : memref<!tpu.dma_semaphore, #tpu.memory_space<semaphore_mem>>)
        %dma_wait3A = tpu.memref_slice %arg2[%add3A_78] : memref<163840xf32, #tpu.memory_space<hbm>> -> memref<8192xf32, #tpu.memory_space<hbm>>
        %dma_wait3A_88 = tpu.memref_slice %arg2[%add3A_78] : memref<163840xf32, #tpu.memory_space<hbm>> -> memref<8192xf32, #tpu.memory_space<hbm>>
        tpu.wait_dma2 semaphore(%run_scoped3A : memref<!tpu.dma_semaphore, #tpu.memory_space<semaphore_mem>>) src(%dma_wait3A_88 : memref<8192xf32, #tpu.memory_space<hbm>>) dst(%arg8 : memref<8192xf32, #tpu.memory_space<vmem>>)
        tpu.yield
      }) : () -> ()
      %scan3A_79 = arith.constant 0 : i32
      %scan3A_80 = arith.constant 0 : i32
      %scan3A_81 = arith.constant 128 : i32
      %scan3A_82 = arith.addi %scan3A_80, %scan3A_81 : i32
      %scan3A_83 = arith.constant 1 : i32
      %scan3A_84 = scf.for %scan3A_87 = %scan3A_80 to %scan3A_82 step %scan3A_83 iter_args(%scan3A_88 = %scan3A_79) -> (i32)  : i32 {
        %mul3A_89 = arith.constant 4 : i32
        %mul3A_90 = arith.muli %scan3A_87, %mul3A_89 : i32
        %add3A_91 = arith.constant 0 : i32
        %add3A_92 = arith.addi %mul3A_90, %add3A_91 : i32
        %mul3A_93 = arith.constant 16 : i32
        %mul3A_94 = arith.muli %add3A_92, %mul3A_93 : i32
        %get3A = arith.index_cast %mul3A_94 : i32 to index
        %get3A_95 = tpu.vector_load %arg7[%get3A] {strides = array<i32>} : memref<8192xi32, #tpu.memory_space<vmem>>, vector<16xi32>,
        %get3A_96 = arith.index_cast %mul3A_94 : i32 to index
        %get3A_97 = tpu.vector_load %arg8[%get3A_96] {strides = array<i32>} : memref<8192xf32, #tpu.memory_space<vmem>>, vector<16xf32>,
        %mul3A_98 = arith.constant 512 : i32
        %mul3A_99 = arith.muli %scan3A_72, %mul3A_98 : i32
        %add3A_100 = arith.addi %mul3A_99, %add3A_92 : i32
        %broadcast_in_dim3A = vector.broadcast %add3A_100 : i32 to vector<16xi32>
        %add3A_101 = arith.constant 0 : i32
        %add3A_102 = vector.broadcast %add3A_101 : i32 to vector<16xi32>
        %add3A_103 = arith.addi %broadcast_in_dim3A, %add3A_102 : vector<16xi32>
        %gather3A = tpu.vector_load_idx %arg9[%add3A_103] : memref<20480xf32, #tpu.memory_space<vmem>>[vector<16xi32>], vector<16xf32>,
        %add3A_104 = arith.constant 0 : i32
        %add3A_105 = vector.broadcast %add3A_104 : i32 to vector<16xi32>
        %add3A_106 = arith.addi %get3A_95, %add3A_105 : vector<16xi32>
        %mul3A_107 = arith.mulf %get3A_97, %gather3A : vector<16xf32>
        tpu.vector_store_idx %arg6[%add3A_106], %mul3A_107 {add = true} : memref<81920xf32, #tpu.memory_space<vmem>>[vector<16xi32>], vector<16xf32>,
        %add3A_108 = arith.constant 5120 : i32
        %add3A_109 = vector.broadcast %add3A_108 : i32 to vector<16xi32>
        %add3A_110 = arith.addi %broadcast_in_dim3A, %add3A_109 : vector<16xi32>
        %gather3A_111 = tpu.vector_load_idx %arg9[%add3A_110] : memref<20480xf32, #tpu.memory_space<vmem>>[vector<16xi32>], vector<16xf32>,
        %add3A_112 = arith.constant 20480 : i32
        %add3A_113 = vector.broadcast %add3A_112 : i32 to vector<16xi32>
        %add3A_114 = arith.addi %get3A_95, %add3A_113 : vector<16xi32>
        %mul3A_115 = arith.mulf %get3A_97, %gather3A_111 : vector<16xf32>
        tpu.vector_store_idx %arg6[%add3A_114], %mul3A_115 {add = true} : memref<81920xf32, #tpu.memory_space<vmem>>[vector<16xi32>], vector<16xf32>,
        %add3A_116 = arith.constant 10240 : i32
        %add3A_117 = vector.broadcast %add3A_116 : i32 to vector<16xi32>
        %add3A_118 = arith.addi %broadcast_in_dim3A, %add3A_117 : vector<16xi32>
        %gather3A_119 = tpu.vector_load_idx %arg9[%add3A_118] : memref<20480xf32, #tpu.memory_space<vmem>>[vector<16xi32>], vector<16xf32>,
        %add3A_120 = arith.constant 40960 : i32
        %add3A_121 = vector.broadcast %add3A_120 : i32 to vector<16xi32>
        %add3A_122 = arith.addi %get3A_95, %add3A_121 : vector<16xi32>
        %mul3A_123 = arith.mulf %get3A_97, %gather3A_119 : vector<16xf32>
        tpu.vector_store_idx %arg6[%add3A_122], %mul3A_123 {add = true} : memref<81920xf32, #tpu.memory_space<vmem>>[vector<16xi32>], vector<16xf32>,
        %add3A_124 = arith.constant 15360 : i32
        %add3A_125 = vector.broadcast %add3A_124 : i32 to vector<16xi32>
        %add3A_126 = arith.addi %broadcast_in_dim3A, %add3A_125 : vector<16xi32>
        %gather3A_127 = tpu.vector_load_idx %arg9[%add3A_126] : memref<20480xf32, #tpu.memory_space<vmem>>[vector<16xi32>], vector<16xf32>,
        %add3A_128 = arith.constant 61440 : i32
        %add3A_129 = vector.broadcast %add3A_128 : i32 to vector<16xi32>
        %add3A_130 = arith.addi %get3A_95, %add3A_129 : vector<16xi32>
        %mul3A_131 = arith.mulf %get3A_97, %gather3A_127 : vector<16xf32>
        tpu.vector_store_idx %arg6[%add3A_130], %mul3A_131 {add = true} : memref<81920xf32, #tpu.memory_space<vmem>>[vector<16xi32>], vector<16xf32>,
        %mul3A_132 = arith.constant 4 : i32
        %mul3A_133 = arith.muli %scan3A_87, %mul3A_132 : i32
        %add3A_134 = arith.constant 1 : i32
        %add3A_135 = arith.addi %mul3A_133, %add3A_134 : i32
        %mul3A_136 = arith.constant 16 : i32
        %mul3A_137 = arith.muli %add3A_135, %mul3A_136 : i32
        %get3A_138 = arith.index_cast %mul3A_137 : i32 to index
        %get3A_139 = tpu.vector_load %arg7[%get3A_138] {strides = array<i32>} : memref<8192xi32, #tpu.memory_space<vmem>>, vector<16xi32>,
        %get3A_140 = arith.index_cast %mul3A_137 : i32 to index
        %get3A_141 = tpu.vector_load %arg8[%get3A_140] {strides = array<i32>} : memref<8192xf32, #tpu.memory_space<vmem>>, vector<16xf32>,
        %mul3A_142 = arith.constant 512 : i32
        %mul3A_143 = arith.muli %scan3A_72, %mul3A_142 : i32
        %add3A_144 = arith.addi %mul3A_143, %add3A_135 : i32
        %broadcast_in_dim3A_145 = vector.broadcast %add3A_144 : i32 to vector<16xi32>
        %add3A_146 = arith.constant 0 : i32
        %add3A_147 = vector.broadcast %add3A_146 : i32 to vector<16xi32>
        %add3A_148 = arith.addi %broadcast_in_dim3A_145, %add3A_147 : vector<16xi32>
        %gather3A_149 = tpu.vector_load_idx %arg9[%add3A_148] : memref<20480xf32, #tpu.memory_space<vmem>>[vector<16xi32>], vector<16xf32>,
        %add3A_150 = arith.constant 0 : i32
        %add3A_151 = vector.broadcast %add3A_150 : i32 to vector<16xi32>
        %add3A_152 = arith.addi %get3A_139, %add3A_151 : vector<16xi32>
        %mul3A_153 = arith.mulf %get3A_141, %gather3A_149 : vector<16xf32>
        tpu.vector_store_idx %arg6[%add3A_152], %mul3A_153 {add = true} : memref<81920xf32, #tpu.memory_space<vmem>>[vector<16xi32>], vector<16xf32>,
        %add3A_154 = arith.constant 5120 : i32
        %add3A_155 = vector.broadcast %add3A_154 : i32 to vector<16xi32>
        %add3A_156 = arith.addi %broadcast_in_dim3A_145, %add3A_155 : vector<16xi32>
        %gather3A_157 = tpu.vector_load_idx %arg9[%add3A_156] : memref<20480xf32, #tpu.memory_space<vmem>>[vector<16xi32>], vector<16xf32>,
        %add3A_158 = arith.constant 20480 : i32
        %add3A_159 = vector.broadcast %add3A_158 : i32 to vector<16xi32>
        %add3A_160 = arith.addi %get3A_139, %add3A_159 : vector<16xi32>
        %mul3A_161 = arith.mulf %get3A_141, %gather3A_157 : vector<16xf32>
        tpu.vector_store_idx %arg6[%add3A_160], %mul3A_161 {add = true} : memref<81920xf32, #tpu.memory_space<vmem>>[vector<16xi32>], vector<16xf32>,
        %add3A_162 = arith.constant 10240 : i32
        %add3A_163 = vector.broadcast %add3A_162 : i32 to vector<16xi32>
        %add3A_164 = arith.addi %broadcast_in_dim3A_145, %add3A_163 : vector<16xi32>
        %gather3A_165 = tpu.vector_load_idx %arg9[%add3A_164] : memref<20480xf32, #tpu.memory_space<vmem>>[vector<16xi32>], vector<16xf32>,
        %add3A_166 = arith.constant 40960 : i32
        %add3A_167 = vector.broadcast %add3A_166 : i32 to vector<16xi32>
        %add3A_168 = arith.addi %get3A_139, %add3A_167 : vector<16xi32>
        %mul3A_169 = arith.mulf %get3A_141, %gather3A_165 : vector<16xf32>
        tpu.vector_store_idx %arg6[%add3A_168], %mul3A_169 {add = true} : memref<81920xf32, #tpu.memory_space<vmem>>[vector<16xi32>], vector<16xf32>,
        %add3A_170 = arith.constant 15360 : i32
        %add3A_171 = vector.broadcast %add3A_170 : i32 to vector<16xi32>
        %add3A_172 = arith.addi %broadcast_in_dim3A_145, %add3A_171 : vector<16xi32>
        %gather3A_173 = tpu.vector_load_idx %arg9[%add3A_172] : memref<20480xf32, #tpu.memory_space<vmem>>[vector<16xi32>], vector<16xf32>,
        %add3A_174 = arith.constant 61440 : i32
        %add3A_175 = vector.broadcast %add3A_174 : i32 to vector<16xi32>
        %add3A_176 = arith.addi %get3A_139, %add3A_175 : vector<16xi32>
        %mul3A_177 = arith.mulf %get3A_141, %gather3A_173 : vector<16xf32>
        tpu.vector_store_idx %arg6[%add3A_176], %mul3A_177 {add = true} : memref<81920xf32, #tpu.memory_space<vmem>>[vector<16xi32>], vector<16xf32>,
        %mul3A_178 = arith.constant 4 : i32
        %mul3A_179 = arith.muli %scan3A_87, %mul3A_178 : i32
        %add3A_180 = arith.constant 2 : i32
        %add3A_181 = arith.addi %mul3A_179, %add3A_180 : i32
        %mul3A_182 = arith.constant 16 : i32
        %mul3A_183 = arith.muli %add3A_181, %mul3A_182 : i32
        %get3A_184 = arith.index_cast %mul3A_183 : i32 to index
        %get3A_185 = tpu.vector_load %arg7[%get3A_184] {strides = array<i32>} : memref<8192xi32, #tpu.memory_space<vmem>>, vector<16xi32>,
        %get3A_186 = arith.index_cast %mul3A_183 : i32 to index
        %get3A_187 = tpu.vector_load %arg8[%get3A_186] {strides = array<i32>} : memref<8192xf32, #tpu.memory_space<vmem>>, vector<16xf32>,
        %mul3A_188 = arith.constant 512 : i32
        %mul3A_189 = arith.muli %scan3A_72, %mul3A_188 : i32
        %add3A_190 = arith.addi %mul3A_189, %add3A_181 : i32
        %broadcast_in_dim3A_191 = vector.broadcast %add3A_190 : i32 to vector<16xi32>
        %add3A_192 = arith.constant 0 : i32
        %add3A_193 = vector.broadcast %add3A_192 : i32 to vector<16xi32>
        %add3A_194 = arith.addi %broadcast_in_dim3A_191, %add3A_193 : vector<16xi32>
        %gather3A_195 = tpu.vector_load_idx %arg9[%add3A_194] : memref<20480xf32, #tpu.memory_space<vmem>>[vector<16xi32>], vector<16xf32>,
        %add3A_196 = arith.constant 0 : i32
        %add3A_197 = vector.broadcast %add3A_196 : i32 to vector<16xi32>
        %add3A_198 = arith.addi %get3A_185, %add3A_197 : vector<16xi32>
        %mul3A_199 = arith.mulf %get3A_187, %gather3A_195 : vector<16xf32>
        tpu.vector_store_idx %arg6[%add3A_198], %mul3A_199 {add = true} : memref<81920xf32, #tpu.memory_space<vmem>>[vector<16xi32>], vector<16xf32>,
        %add3A_200 = arith.constant 5120 : i32
        %add3A_201 = vector.broadcast %add3A_200 : i32 to vector<16xi32>
        %add3A_202 = arith.addi %broadcast_in_dim3A_191, %add3A_201 : vector<16xi32>
        %gather3A_203 = tpu.vector_load_idx %arg9[%add3A_202] : memref<20480xf32, #tpu.memory_space<vmem>>[vector<16xi32>], vector<16xf32>,
        %add3A_204 = arith.constant 20480 : i32
        %add3A_205 = vector.broadcast %add3A_204 : i32 to vector<16xi32>
        %add3A_206 = arith.addi %get3A_185, %add3A_205 : vector<16xi32>
        %mul3A_207 = arith.mulf %get3A_187, %gather3A_203 : vector<16xf32>
        tpu.vector_store_idx %arg6[%add3A_206], %mul3A_207 {add = true} : memref<81920xf32, #tpu.memory_space<vmem>>[vector<16xi32>], vector<16xf32>,
        %add3A_208 = arith.constant 10240 : i32
        %add3A_209 = vector.broadcast %add3A_208 : i32 to vector<16xi32>
        %add3A_210 = arith.addi %broadcast_in_dim3A_191, %add3A_209 : vector<16xi32>
        %gather3A_211 = tpu.vector_load_idx %arg9[%add3A_210] : memref<20480xf32, #tpu.memory_space<vmem>>[vector<16xi32>], vector<16xf32>,
        %add3A_212 = arith.constant 40960 : i32
        %add3A_213 = vector.broadcast %add3A_212 : i32 to vector<16xi32>
        %add3A_214 = arith.addi %get3A_185, %add3A_213 : vector<16xi32>
        %mul3A_215 = arith.mulf %get3A_187, %gather3A_211 : vector<16xf32>
        tpu.vector_store_idx %arg6[%add3A_214], %mul3A_215 {add = true} : memref<81920xf32, #tpu.memory_space<vmem>>[vector<16xi32>], vector<16xf32>,
        %add3A_216 = arith.constant 15360 : i32
        %add3A_217 = vector.broadcast %add3A_216 : i32 to vector<16xi32>
        %add3A_218 = arith.addi %broadcast_in_dim3A_191, %add3A_217 : vector<16xi32>
        %gather3A_219 = tpu.vector_load_idx %arg9[%add3A_218] : memref<20480xf32, #tpu.memory_space<vmem>>[vector<16xi32>], vector<16xf32>,
        %add3A_220 = arith.constant 61440 : i32
        %add3A_221 = vector.broadcast %add3A_220 : i32 to vector<16xi32>
        %add3A_222 = arith.addi %get3A_185, %add3A_221 : vector<16xi32>
        %mul3A_223 = arith.mulf %get3A_187, %gather3A_219 : vector<16xf32>
        tpu.vector_store_idx %arg6[%add3A_222], %mul3A_223 {add = true} : memref<81920xf32, #tpu.memory_space<vmem>>[vector<16xi32>], vector<16xf32>,
        %mul3A_224 = arith.constant 4 : i32
        %mul3A_225 = arith.muli %scan3A_87, %mul3A_224 : i32
        %add3A_226 = arith.constant 3 : i32
        %add3A_227 = arith.addi %mul3A_225, %add3A_226 : i32
        %mul3A_228 = arith.constant 16 : i32
        %mul3A_229 = arith.muli %add3A_227, %mul3A_228 : i32
        %get3A_230 = arith.index_cast %mul3A_229 : i32 to index
        %get3A_231 = tpu.vector_load %arg7[%get3A_230] {strides = array<i32>} : memref<8192xi32, #tpu.memory_space<vmem>>, vector<16xi32>,
        %get3A_232 = arith.index_cast %mul3A_229 : i32 to index
        %get3A_233 = tpu.vector_load %arg8[%get3A_232] {strides = array<i32>} : memref<8192xf32, #tpu.memory_space<vmem>>, vector<16xf32>,
        %mul3A_234 = arith.constant 512 : i32
        %mul3A_235 = arith.muli %scan3A_72, %mul3A_234 : i32
        %add3A_236 = arith.addi %mul3A_235, %add3A_227 : i32
        %broadcast_in_dim3A_237 = vector.broadcast %add3A_236 : i32 to vector<16xi32>
        %add3A_238 = arith.constant 0 : i32
        %add3A_239 = vector.broadcast %add3A_238 : i32 to vector<16xi32>
        %add3A_240 = arith.addi %broadcast_in_dim3A_237, %add3A_239 : vector<16xi32>
        %gather3A_241 = tpu.vector_load_idx %arg9[%add3A_240] : memref<20480xf32, #tpu.memory_space<vmem>>[vector<16xi32>], vector<16xf32>,
        %add3A_242 = arith.constant 0 : i32
        %add3A_243 = vector.broadcast %add3A_242 : i32 to vector<16xi32>
        %add3A_244 = arith.addi %get3A_231, %add3A_243 : vector<16xi32>
        %mul3A_245 = arith.mulf %get3A_233, %gather3A_241 : vector<16xf32>
        tpu.vector_store_idx %arg6[%add3A_244], %mul3A_245 {add = true} : memref<81920xf32, #tpu.memory_space<vmem>>[vector<16xi32>], vector<16xf32>,
        %add3A_246 = arith.constant 5120 : i32
        %add3A_247 = vector.broadcast %add3A_246 : i32 to vector<16xi32>
        %add3A_248 = arith.addi %broadcast_in_dim3A_237, %add3A_247 : vector<16xi32>
        %gather3A_249 = tpu.vector_load_idx %arg9[%add3A_248] : memref<20480xf32, #tpu.memory_space<vmem>>[vector<16xi32>], vector<16xf32>,
        %add3A_250 = arith.constant 20480 : i32
        %add3A_251 = vector.broadcast %add3A_250 : i32 to vector<16xi32>
        %add3A_252 = arith.addi %get3A_231, %add3A_251 : vector<16xi32>
        %mul3A_253 = arith.mulf %get3A_233, %gather3A_249 : vector<16xf32>
        tpu.vector_store_idx %arg6[%add3A_252], %mul3A_253 {add = true} : memref<81920xf32, #tpu.memory_space<vmem>>[vector<16xi32>], vector<16xf32>,
        %add3A_254 = arith.constant 10240 : i32
        %add3A_255 = vector.broadcast %add3A_254 : i32 to vector<16xi32>
        %add3A_256 = arith.addi %broadcast_in_dim3A_237, %add3A_255 : vector<16xi32>
        %gather3A_257 = tpu.vector_load_idx %arg9[%add3A_256] : memref<20480xf32, #tpu.memory_space<vmem>>[vector<16xi32>], vector<16xf32>,
        %add3A_258 = arith.constant 40960 : i32
        %add3A_259 = vector.broadcast %add3A_258 : i32 to vector<16xi32>
        %add3A_260 = arith.addi %get3A_231, %add3A_259 : vector<16xi32>
        %mul3A_261 = arith.mulf %get3A_233, %gather3A_257 : vector<16xf32>
        tpu.vector_store_idx %arg6[%add3A_260], %mul3A_261 {add = true} : memref<81920xf32, #tpu.memory_space<vmem>>[vector<16xi32>], vector<16xf32>,
        %add3A_262 = arith.constant 15360 : i32
        %add3A_263 = vector.broadcast %add3A_262 : i32 to vector<16xi32>
        %add3A_264 = arith.addi %broadcast_in_dim3A_237, %add3A_263 : vector<16xi32>
        %gather3A_265 = tpu.vector_load_idx %arg9[%add3A_264] : memref<20480xf32, #tpu.memory_space<vmem>>[vector<16xi32>], vector<16xf32>,
        %add3A_266 = arith.constant 61440 : i32
        %add3A_267 = vector.broadcast %add3A_266 : i32 to vector<16xi32>
        %add3A_268 = arith.addi %get3A_231, %add3A_267 : vector<16xi32>
        %mul3A_269 = arith.mulf %get3A_233, %gather3A_265 : vector<16xf32>
        tpu.vector_store_idx %arg6[%add3A_268], %mul3A_269 {add = true} : memref<81920xf32, #tpu.memory_space<vmem>>[vector<16xi32>], vector<16xf32>,
        %scan3A_270 = arith.constant 0 : i32
        scf.yield %scan3A_270 : i32
      }
      %scan3A_85 = arith.constant 128 : i32
      %scan3A_86 = arith.constant 0 : i32
      scf.yield %scan3A_86 : i32
    }
    %scan3A_19 = arith.constant 10 : i32
    %add3A_20 = arith.constant 0 : i32
    %add3A_21 = arith.addi %add3A_4, %add3A_20 : i32
    %mul3A_22 = arith.constant 20480 : i32
    %mul3A_23 = arith.muli %add3A_21, %mul3A_22 : i32
    "tpu.region"() ({
      %run_scoped3A = tpu.sem_alloc : memref<!tpu.dma_semaphore, #tpu.memory_space<semaphore_mem>>
      %dma_start3A = arith.constant 0 : i32
      %dma_start3A_72 = tpu.memref_slice %arg6[%dma_start3A] : memref<81920xf32, #tpu.memory_space<vmem>> -> memref<20480xf32, #tpu.memory_space<vmem>>
      %dma_start3A_73 = tpu.memref_slice %arg5[%mul3A_23] : memref<5242880xf32, #tpu.memory_space<hbm>> -> memref<20480xf32, #tpu.memory_space<hbm>>
      %dma_start3A_74 = tpu.memref_slice %arg5[%mul3A_23] : memref<5242880xf32, #tpu.memory_space<hbm>> -> memref<20480xf32, #tpu.memory_space<hbm>>
      %dma_start3A_75 = arith.constant 0 : i32
      %dma_start3A_76 = tpu.memref_slice %arg6[%dma_start3A_75] : memref<81920xf32, #tpu.memory_space<vmem>> -> memref<20480xf32, #tpu.memory_space<vmem>>
      tpu.enqueue_dma source(%dma_start3A_76 : memref<20480xf32, #tpu.memory_space<vmem>>) target(%dma_start3A_74 : memref<20480xf32, #tpu.memory_space<hbm>>) target_semaphore(%run_scoped3A : memref<!tpu.dma_semaphore, #tpu.memory_space<semaphore_mem>>)
      %dma_wait3A = arith.constant 0 : i32
      %dma_wait3A_77 = tpu.memref_slice %arg6[%dma_wait3A] : memref<81920xf32, #tpu.memory_space<vmem>> -> memref<20480xf32, #tpu.memory_space<vmem>>
      %dma_wait3A_78 = tpu.memref_slice %arg5[%mul3A_23] : memref<5242880xf32, #tpu.memory_space<hbm>> -> memref<20480xf32, #tpu.memory_space<hbm>>
      %dma_wait3A_79 = tpu.memref_slice %arg5[%mul3A_23] : memref<5242880xf32, #tpu.memory_space<hbm>> -> memref<20480xf32, #tpu.memory_space<hbm>>
      %dma_wait3A_80 = arith.constant 0 : i32
      %dma_wait3A_81 = tpu.memref_slice %arg6[%dma_wait3A_80] : memref<81920xf32, #tpu.memory_space<vmem>> -> memref<20480xf32, #tpu.memory_space<vmem>>
      tpu.wait_dma2 semaphore(%run_scoped3A : memref<!tpu.dma_semaphore, #tpu.memory_space<semaphore_mem>>) src(%dma_wait3A_81 : memref<20480xf32, #tpu.memory_space<vmem>>) dst(%dma_wait3A_79 : memref<20480xf32, #tpu.memory_space<hbm>>)
      tpu.yield
    }) : () -> ()
    %add3A_24 = arith.constant 1 : i32
    %add3A_25 = arith.addi %add3A_4, %add3A_24 : i32
    %mul3A_26 = arith.constant 20480 : i32
    %mul3A_27 = arith.muli %add3A_25, %mul3A_26 : i32
    "tpu.region"() ({
      %run_scoped3A = tpu.sem_alloc : memref<!tpu.dma_semaphore, #tpu.memory_space<semaphore_mem>>
      %dma_start3A = arith.constant 20480 : i32
      %dma_start3A_72 = tpu.memref_slice %arg6[%dma_start3A] : memref<81920xf32, #tpu.memory_space<vmem>> -> memref<20480xf32, #tpu.memory_space<vmem>>
      %dma_start3A_73 = tpu.memref_slice %arg5[%mul3A_27] : memref<5242880xf32, #tpu.memory_space<hbm>> -> memref<20480xf32, #tpu.memory_space<hbm>>
      %dma_start3A_74 = tpu.memref_slice %arg5[%mul3A_27] : memref<5242880xf32, #tpu.memory_space<hbm>> -> memref<20480xf32, #tpu.memory_space<hbm>>
      %dma_start3A_75 = arith.constant 20480 : i32
      %dma_start3A_76 = tpu.memref_slice %arg6[%dma_start3A_75] : memref<81920xf32, #tpu.memory_space<vmem>> -> memref<20480xf32, #tpu.memory_space<vmem>>
      tpu.enqueue_dma source(%dma_start3A_76 : memref<20480xf32, #tpu.memory_space<vmem>>) target(%dma_start3A_74 : memref<20480xf32, #tpu.memory_space<hbm>>) target_semaphore(%run_scoped3A : memref<!tpu.dma_semaphore, #tpu.memory_space<semaphore_mem>>)
      %dma_wait3A = arith.constant 20480 : i32
      %dma_wait3A_77 = tpu.memref_slice %arg6[%dma_wait3A] : memref<81920xf32, #tpu.memory_space<vmem>> -> memref<20480xf32, #tpu.memory_space<vmem>>
      %dma_wait3A_78 = tpu.memref_slice %arg5[%mul3A_27] : memref<5242880xf32, #tpu.memory_space<hbm>> -> memref<20480xf32, #tpu.memory_space<hbm>>
      %dma_wait3A_79 = tpu.memref_slice %arg5[%mul3A_27] : memref<5242880xf32, #tpu.memory_space<hbm>> -> memref<20480xf32, #tpu.memory_space<hbm>>
      %dma_wait3A_80 = arith.constant 20480 : i32
      %dma_wait3A_81 = tpu.memref_slice %arg6[%dma_wait3A_80] : memref<81920xf32, #tpu.memory_space<vmem>> -> memref<20480xf32, #tpu.memory_space<vmem>>
      tpu.wait_dma2 semaphore(%run_scoped3A : memref<!tpu.dma_semaphore, #tpu.memory_space<semaphore_mem>>) src(%dma_wait3A_81 : memref<20480xf32, #tpu.memory_space<vmem>>) dst(%dma_wait3A_79 : memref<20480xf32, #tpu.memory_space<hbm>>)
      tpu.yield
    }) : () -> ()
    %add3A_28 = arith.constant 2 : i32
    %add3A_29 = arith.addi %add3A_4, %add3A_28 : i32
    %mul3A_30 = arith.constant 20480 : i32
    %mul3A_31 = arith.muli %add3A_29, %mul3A_30 : i32
    "tpu.region"() ({
      %run_scoped3A = tpu.sem_alloc : memref<!tpu.dma_semaphore, #tpu.memory_space<semaphore_mem>>
      %dma_start3A = arith.constant 40960 : i32
      %dma_start3A_72 = tpu.memref_slice %arg6[%dma_start3A] : memref<81920xf32, #tpu.memory_space<vmem>> -> memref<20480xf32, #tpu.memory_space<vmem>>
      %dma_start3A_73 = tpu.memref_slice %arg5[%mul3A_31] : memref<5242880xf32, #tpu.memory_space<hbm>> -> memref<20480xf32, #tpu.memory_space<hbm>>
      %dma_start3A_74 = tpu.memref_slice %arg5[%mul3A_31] : memref<5242880xf32, #tpu.memory_space<hbm>> -> memref<20480xf32, #tpu.memory_space<hbm>>
      %dma_start3A_75 = arith.constant 40960 : i32
      %dma_start3A_76 = tpu.memref_slice %arg6[%dma_start3A_75] : memref<81920xf32, #tpu.memory_space<vmem>> -> memref<20480xf32, #tpu.memory_space<vmem>>
      tpu.enqueue_dma source(%dma_start3A_76 : memref<20480xf32, #tpu.memory_space<vmem>>) target(%dma_start3A_74 : memref<20480xf32, #tpu.memory_space<hbm>>) target_semaphore(%run_scoped3A : memref<!tpu.dma_semaphore, #tpu.memory_space<semaphore_mem>>)
      %dma_wait3A = arith.constant 40960 : i32
      %dma_wait3A_77 = tpu.memref_slice %arg6[%dma_wait3A] : memref<81920xf32, #tpu.memory_space<vmem>> -> memref<20480xf32, #tpu.memory_space<vmem>>
      %dma_wait3A_78 = tpu.memref_slice %arg5[%mul3A_31] : memref<5242880xf32, #tpu.memory_space<hbm>> -> memref<20480xf32, #tpu.memory_space<hbm>>
      %dma_wait3A_79 = tpu.memref_slice %arg5[%mul3A_31] : memref<5242880xf32, #tpu.memory_space<hbm>> -> memref<20480xf32, #tpu.memory_space<hbm>>
      %dma_wait3A_80 = arith.constant 40960 : i32
      %dma_wait3A_81 = tpu.memref_slice %arg6[%dma_wait3A_80] : memref<81920xf32, #tpu.memory_space<vmem>> -> memref<20480xf32, #tpu.memory_space<vmem>>
      tpu.wait_dma2 semaphore(%run_scoped3A : memref<!tpu.dma_semaphore, #tpu.memory_space<semaphore_mem>>) src(%dma_wait3A_81 : memref<20480xf32, #tpu.memory_space<vmem>>) dst(%dma_wait3A_79 : memref<20480xf32, #tpu.memory_space<hbm>>)
      tpu.yield
    }) : () -> ()
    %add3A_32 = arith.constant 3 : i32
    %add3A_33 = arith.addi %add3A_4, %add3A_32 : i32
    %mul3A_34 = arith.constant 20480 : i32
    %mul3A_35 = arith.muli %add3A_33, %mul3A_34 : i32
    "tpu.region"() ({
      %run_scoped3A = tpu.sem_alloc : memref<!tpu.dma_semaphore, #tpu.memory_space<semaphore_mem>>
      %dma_start3A = arith.constant 61440 : i32
      %dma_start3A_72 = tpu.memref_slice %arg6[%dma_start3A] : memref<81920xf32, #tpu.memory_space<vmem>> -> memref<20480xf32, #tpu.memory_space<vmem>>
      %dma_start3A_73 = tpu.memref_slice %arg5[%mul3A_35] : memref<5242880xf32, #tpu.memory_space<hbm>> -> memref<20480xf32, #tpu.memory_space<hbm>>
      %dma_start3A_74 = tpu.memref_slice %arg5[%mul3A_35] : memref<5242880xf32, #tpu.memory_space<hbm>> -> memref<20480xf32, #tpu.memory_space<hbm>>
      %dma_start3A_75 = arith.constant 61440 : i32
      %dma_start3A_76 = tpu.memref_slice %arg6[%dma_start3A_75] : memref<81920xf32, #tpu.memory_space<vmem>> -> memref<20480xf32, #tpu.memory_space<vmem>>
      tpu.enqueue_dma source(%dma_start3A_76 : memref<20480xf32, #tpu.memory_space<vmem>>) target(%dma_start3A_74 : memref<20480xf32, #tpu.memory_space<hbm>>) target_semaphore(%run_scoped3A : memref<!tpu.dma_semaphore, #tpu.memory_space<semaphore_mem>>)
      %dma_wait3A = arith.constant 61440 : i32
      %dma_wait3A_77 = tpu.memref_slice %arg6[%dma_wait3A] : memref<81920xf32, #tpu.memory_space<vmem>> -> memref<20480xf32, #tpu.memory_space<vmem>>
      %dma_wait3A_78 = tpu.memref_slice %arg5[%mul3A_35] : memref<5242880xf32, #tpu.memory_space<hbm>> -> memref<20480xf32, #tpu.memory_space<hbm>>
      %dma_wait3A_79 = tpu.memref_slice %arg5[%mul3A_35] : memref<5242880xf32, #tpu.memory_space<hbm>> -> memref<20480xf32, #tpu.memory_space<hbm>>
      %dma_wait3A_80 = arith.constant 61440 : i32
      %dma_wait3A_81 = tpu.memref_slice %arg6[%dma_wait3A_80] : memref<81920xf32, #tpu.memory_space<vmem>> -> memref<20480xf32, #tpu.memory_space<vmem>>
      tpu.wait_dma2 semaphore(%run_scoped3A : memref<!tpu.dma_semaphore, #tpu.memory_space<semaphore_mem>>) src(%dma_wait3A_81 : memref<20480xf32, #tpu.memory_space<vmem>>) dst(%dma_wait3A_79 : memref<20480xf32, #tpu.memory_space<hbm>>)
      tpu.yield
    }) : () -> ()
    %mul3A_36 = arith.constant 8 : i32
    %mul3A_37 = arith.muli %add3A, %mul3A_36 : i32
    %add3A_38 = arith.constant 4 : i32
    %add3A_39 = arith.addi %mul3A_37, %add3A_38 : i32
    %scan3A_40 = arith.constant 0 : i32
    %scan3A_41 = arith.constant 0 : i32
    %scan3A_42 = arith.constant 5120 : i32
    %scan3A_43 = arith.addi %scan3A_41, %scan3A_42 : i32
    %scan3A_44 = arith.constant 1 : i32
    %scan3A_45 = scf.for %scan3A_72 = %scan3A_41 to %scan3A_43 step %scan3A_44 iter_args(%scan3A_73 = %scan3A_40) -> (i32)  : i32 {
      %broadcast_in_dim3A = arith.constant 0.000000e+00 : f32
      %broadcast_in_dim3A_74 = vector.broadcast %broadcast_in_dim3A : f32 to vector<16xf32>
      %mul3A_75 = arith.constant 16 : i32
      %mul3A_76 = arith.muli %scan3A_72, %mul3A_75 : i32
      %swap3A = arith.index_cast %mul3A_76 : i32 to index
      %swap3A_77 = tpu.vector_load %arg6[%swap3A] {strides = array<i32>} : memref<81920xf32, #tpu.memory_space<vmem>>, vector<16xf32>,
      tpu.vector_store %arg6[%swap3A], %broadcast_in_dim3A_74 {strides = array<i32>} : memref<81920xf32, #tpu.memory_space<vmem>>, vector<16xf32>,
      %scan3A_78 = arith.constant 0 : i32
      scf.yield %scan3A_78 : i32
    }
    %scan3A_46 = arith.constant 5120 : i32
    %mul3A_47 = arith.constant 5120 : i32
    %mul3A_48 = arith.muli %add3A_39, %mul3A_47 : i32
    "tpu.region"() ({
      %run_scoped3A = tpu.sem_alloc : memref<!tpu.dma_semaphore, #tpu.memory_space<semaphore_mem>>
      %dma_start3A = tpu.memref_slice %arg4[%mul3A_48] : memref<1310720xf32, #tpu.memory_space<hbm>> -> memref<20480xf32, #tpu.memory_space<hbm>>
      %dma_start3A_72 = tpu.memref_slice %arg4[%mul3A_48] : memref<1310720xf32, #tpu.memory_space<hbm>> -> memref<20480xf32, #tpu.memory_space<hbm>>
      tpu.enqueue_dma source(%dma_start3A_72 : memref<20480xf32, #tpu.memory_space<hbm>>) target(%arg9 : memref<20480xf32, #tpu.memory_space<vmem>>) target_semaphore(%run_scoped3A : memref<!tpu.dma_semaphore, #tpu.memory_space<semaphore_mem>>)
      %dma_wait3A = tpu.memref_slice %arg4[%mul3A_48] : memref<1310720xf32, #tpu.memory_space<hbm>> -> memref<20480xf32, #tpu.memory_space<hbm>>
      %dma_wait3A_73 = tpu.memref_slice %arg4[%mul3A_48] : memref<1310720xf32, #tpu.memory_space<hbm>> -> memref<20480xf32, #tpu.memory_space<hbm>>
      tpu.wait_dma2 semaphore(%run_scoped3A : memref<!tpu.dma_semaphore, #tpu.memory_space<semaphore_mem>>) src(%dma_wait3A_73 : memref<20480xf32, #tpu.memory_space<hbm>>) dst(%arg9 : memref<20480xf32, #tpu.memory_space<vmem>>)
      tpu.yield
    }) : () -> ()
    %scan3A_49 = arith.constant 0 : i32
    %scan3A_50 = arith.constant 0 : i32
    %scan3A_51 = arith.constant 10 : i32
    %scan3A_52 = arith.addi %scan3A_50, %scan3A_51 : i32
    %scan3A_53 = arith.constant 1 : i32
    %scan3A_54 = scf.for %scan3A_72 = %scan3A_50 to %scan3A_52 step %scan3A_53 iter_args(%scan3A_73 = %scan3A_49) -> (i32)  : i32 {
      %mul3A_74 = arith.constant 8192 : i32
      %mul3A_75 = arith.muli %scan3A_72, %mul3A_74 : i32
      "tpu.region"() ({
        %run_scoped3A = tpu.sem_alloc : memref<!tpu.dma_semaphore, #tpu.memory_space<semaphore_mem>>
        %dma_start3A = tpu.memref_slice %arg3[%mul3A_75] : memref<81920xi32, #tpu.memory_space<hbm>> -> memref<8192xi32, #tpu.memory_space<hbm>>
        %dma_start3A_87 = tpu.memref_slice %arg3[%mul3A_75] : memref<81920xi32, #tpu.memory_space<hbm>> -> memref<8192xi32, #tpu.memory_space<hbm>>
        tpu.enqueue_dma source(%dma_start3A_87 : memref<8192xi32, #tpu.memory_space<hbm>>) target(%arg7 : memref<8192xi32, #tpu.memory_space<vmem>>) target_semaphore(%run_scoped3A : memref<!tpu.dma_semaphore, #tpu.memory_space<semaphore_mem>>)
        %dma_wait3A = tpu.memref_slice %arg3[%mul3A_75] : memref<81920xi32, #tpu.memory_space<hbm>> -> memref<8192xi32, #tpu.memory_space<hbm>>
        %dma_wait3A_88 = tpu.memref_slice %arg3[%mul3A_75] : memref<81920xi32, #tpu.memory_space<hbm>> -> memref<8192xi32, #tpu.memory_space<hbm>>
        tpu.wait_dma2 semaphore(%run_scoped3A : memref<!tpu.dma_semaphore, #tpu.memory_space<semaphore_mem>>) src(%dma_wait3A_88 : memref<8192xi32, #tpu.memory_space<hbm>>) dst(%arg7 : memref<8192xi32, #tpu.memory_space<vmem>>)
        tpu.yield
      }) : () -> ()
      %mul3A_76 = arith.constant 81920 : i32
      %mul3A_77 = arith.muli %arg0, %mul3A_76 : i32
      %add3A_78 = arith.addi %mul3A_77, %mul3A_75 : i32
      "tpu.region"() ({
        %run_scoped3A = tpu.sem_alloc : memref<!tpu.dma_semaphore, #tpu.memory_space<semaphore_mem>>
        %dma_start3A = tpu.memref_slice %arg2[%add3A_78] : memref<163840xf32, #tpu.memory_space<hbm>> -> memref<8192xf32, #tpu.memory_space<hbm>>
        %dma_start3A_87 = tpu.memref_slice %arg2[%add3A_78] : memref<163840xf32, #tpu.memory_space<hbm>> -> memref<8192xf32, #tpu.memory_space<hbm>>
        tpu.enqueue_dma source(%dma_start3A_87 : memref<8192xf32, #tpu.memory_space<hbm>>) target(%arg8 : memref<8192xf32, #tpu.memory_space<vmem>>) target_semaphore(%run_scoped3A : memref<!tpu.dma_semaphore, #tpu.memory_space<semaphore_mem>>)
        %dma_wait3A = tpu.memref_slice %arg2[%add3A_78] : memref<163840xf32, #tpu.memory_space<hbm>> -> memref<8192xf32, #tpu.memory_space<hbm>>
        %dma_wait3A_88 = tpu.memref_slice %arg2[%add3A_78] : memref<163840xf32, #tpu.memory_space<hbm>> -> memref<8192xf32, #tpu.memory_space<hbm>>
        tpu.wait_dma2 semaphore(%run_scoped3A : memref<!tpu.dma_semaphore, #tpu.memory_space<semaphore_mem>>) src(%dma_wait3A_88 : memref<8192xf32, #tpu.memory_space<hbm>>) dst(%arg8 : memref<8192xf32, #tpu.memory_space<vmem>>)
        tpu.yield
      }) : () -> ()
      %scan3A_79 = arith.constant 0 : i32
      %scan3A_80 = arith.constant 0 : i32
      %scan3A_81 = arith.constant 128 : i32
      %scan3A_82 = arith.addi %scan3A_80, %scan3A_81 : i32
      %scan3A_83 = arith.constant 1 : i32
      %scan3A_84 = scf.for %scan3A_87 = %scan3A_80 to %scan3A_82 step %scan3A_83 iter_args(%scan3A_88 = %scan3A_79) -> (i32)  : i32 {
        %mul3A_89 = arith.constant 4 : i32
        %mul3A_90 = arith.muli %scan3A_87, %mul3A_89 : i32
        %add3A_91 = arith.constant 0 : i32
        %add3A_92 = arith.addi %mul3A_90, %add3A_91 : i32
        %mul3A_93 = arith.constant 16 : i32
        %mul3A_94 = arith.muli %add3A_92, %mul3A_93 : i32
        %get3A = arith.index_cast %mul3A_94 : i32 to index
        %get3A_95 = tpu.vector_load %arg7[%get3A] {strides = array<i32>} : memref<8192xi32, #tpu.memory_space<vmem>>, vector<16xi32>,
        %get3A_96 = arith.index_cast %mul3A_94 : i32 to index
        %get3A_97 = tpu.vector_load %arg8[%get3A_96] {strides = array<i32>} : memref<8192xf32, #tpu.memory_space<vmem>>, vector<16xf32>,
        %mul3A_98 = arith.constant 512 : i32
        %mul3A_99 = arith.muli %scan3A_72, %mul3A_98 : i32
        %add3A_100 = arith.addi %mul3A_99, %add3A_92 : i32
        %broadcast_in_dim3A = vector.broadcast %add3A_100 : i32 to vector<16xi32>
        %add3A_101 = arith.constant 0 : i32
        %add3A_102 = vector.broadcast %add3A_101 : i32 to vector<16xi32>
        %add3A_103 = arith.addi %broadcast_in_dim3A, %add3A_102 : vector<16xi32>
        %gather3A = tpu.vector_load_idx %arg9[%add3A_103] : memref<20480xf32, #tpu.memory_space<vmem>>[vector<16xi32>], vector<16xf32>,
        %add3A_104 = arith.constant 0 : i32
        %add3A_105 = vector.broadcast %add3A_104 : i32 to vector<16xi32>
        %add3A_106 = arith.addi %get3A_95, %add3A_105 : vector<16xi32>
        %mul3A_107 = arith.mulf %get3A_97, %gather3A : vector<16xf32>
        tpu.vector_store_idx %arg6[%add3A_106], %mul3A_107 {add = true} : memref<81920xf32, #tpu.memory_space<vmem>>[vector<16xi32>], vector<16xf32>,
        %add3A_108 = arith.constant 5120 : i32
        %add3A_109 = vector.broadcast %add3A_108 : i32 to vector<16xi32>
        %add3A_110 = arith.addi %broadcast_in_dim3A, %add3A_109 : vector<16xi32>
        %gather3A_111 = tpu.vector_load_idx %arg9[%add3A_110] : memref<20480xf32, #tpu.memory_space<vmem>>[vector<16xi32>], vector<16xf32>,
        %add3A_112 = arith.constant 20480 : i32
        %add3A_113 = vector.broadcast %add3A_112 : i32 to vector<16xi32>
        %add3A_114 = arith.addi %get3A_95, %add3A_113 : vector<16xi32>
        %mul3A_115 = arith.mulf %get3A_97, %gather3A_111 : vector<16xf32>
        tpu.vector_store_idx %arg6[%add3A_114], %mul3A_115 {add = true} : memref<81920xf32, #tpu.memory_space<vmem>>[vector<16xi32>], vector<16xf32>,
        %add3A_116 = arith.constant 10240 : i32
        %add3A_117 = vector.broadcast %add3A_116 : i32 to vector<16xi32>
        %add3A_118 = arith.addi %broadcast_in_dim3A, %add3A_117 : vector<16xi32>
        %gather3A_119 = tpu.vector_load_idx %arg9[%add3A_118] : memref<20480xf32, #tpu.memory_space<vmem>>[vector<16xi32>], vector<16xf32>,
        %add3A_120 = arith.constant 40960 : i32
        %add3A_121 = vector.broadcast %add3A_120 : i32 to vector<16xi32>
        %add3A_122 = arith.addi %get3A_95, %add3A_121 : vector<16xi32>
        %mul3A_123 = arith.mulf %get3A_97, %gather3A_119 : vector<16xf32>
        tpu.vector_store_idx %arg6[%add3A_122], %mul3A_123 {add = true} : memref<81920xf32, #tpu.memory_space<vmem>>[vector<16xi32>], vector<16xf32>,
        %add3A_124 = arith.constant 15360 : i32
        %add3A_125 = vector.broadcast %add3A_124 : i32 to vector<16xi32>
        %add3A_126 = arith.addi %broadcast_in_dim3A, %add3A_125 : vector<16xi32>
        %gather3A_127 = tpu.vector_load_idx %arg9[%add3A_126] : memref<20480xf32, #tpu.memory_space<vmem>>[vector<16xi32>], vector<16xf32>,
        %add3A_128 = arith.constant 61440 : i32
        %add3A_129 = vector.broadcast %add3A_128 : i32 to vector<16xi32>
        %add3A_130 = arith.addi %get3A_95, %add3A_129 : vector<16xi32>
        %mul3A_131 = arith.mulf %get3A_97, %gather3A_127 : vector<16xf32>
        tpu.vector_store_idx %arg6[%add3A_130], %mul3A_131 {add = true} : memref<81920xf32, #tpu.memory_space<vmem>>[vector<16xi32>], vector<16xf32>,
        %mul3A_132 = arith.constant 4 : i32
        %mul3A_133 = arith.muli %scan3A_87, %mul3A_132 : i32
        %add3A_134 = arith.constant 1 : i32
        %add3A_135 = arith.addi %mul3A_133, %add3A_134 : i32
        %mul3A_136 = arith.constant 16 : i32
        %mul3A_137 = arith.muli %add3A_135, %mul3A_136 : i32
        %get3A_138 = arith.index_cast %mul3A_137 : i32 to index
        %get3A_139 = tpu.vector_load %arg7[%get3A_138] {strides = array<i32>} : memref<8192xi32, #tpu.memory_space<vmem>>, vector<16xi32>,
        %get3A_140 = arith.index_cast %mul3A_137 : i32 to index
        %get3A_141 = tpu.vector_load %arg8[%get3A_140] {strides = array<i32>} : memref<8192xf32, #tpu.memory_space<vmem>>, vector<16xf32>,
        %mul3A_142 = arith.constant 512 : i32
        %mul3A_143 = arith.muli %scan3A_72, %mul3A_142 : i32
        %add3A_144 = arith.addi %mul3A_143, %add3A_135 : i32
        %broadcast_in_dim3A_145 = vector.broadcast %add3A_144 : i32 to vector<16xi32>
        %add3A_146 = arith.constant 0 : i32
        %add3A_147 = vector.broadcast %add3A_146 : i32 to vector<16xi32>
        %add3A_148 = arith.addi %broadcast_in_dim3A_145, %add3A_147 : vector<16xi32>
        %gather3A_149 = tpu.vector_load_idx %arg9[%add3A_148] : memref<20480xf32, #tpu.memory_space<vmem>>[vector<16xi32>], vector<16xf32>,
        %add3A_150 = arith.constant 0 : i32
        %add3A_151 = vector.broadcast %add3A_150 : i32 to vector<16xi32>
        %add3A_152 = arith.addi %get3A_139, %add3A_151 : vector<16xi32>
        %mul3A_153 = arith.mulf %get3A_141, %gather3A_149 : vector<16xf32>
        tpu.vector_store_idx %arg6[%add3A_152], %mul3A_153 {add = true} : memref<81920xf32, #tpu.memory_space<vmem>>[vector<16xi32>], vector<16xf32>,
        %add3A_154 = arith.constant 5120 : i32
        %add3A_155 = vector.broadcast %add3A_154 : i32 to vector<16xi32>
        %add3A_156 = arith.addi %broadcast_in_dim3A_145, %add3A_155 : vector<16xi32>
        %gather3A_157 = tpu.vector_load_idx %arg9[%add3A_156] : memref<20480xf32, #tpu.memory_space<vmem>>[vector<16xi32>], vector<16xf32>,
        %add3A_158 = arith.constant 20480 : i32
        %add3A_159 = vector.broadcast %add3A_158 : i32 to vector<16xi32>
        %add3A_160 = arith.addi %get3A_139, %add3A_159 : vector<16xi32>
        %mul3A_161 = arith.mulf %get3A_141, %gather3A_157 : vector<16xf32>
        tpu.vector_store_idx %arg6[%add3A_160], %mul3A_161 {add = true} : memref<81920xf32, #tpu.memory_space<vmem>>[vector<16xi32>], vector<16xf32>,
        %add3A_162 = arith.constant 10240 : i32
        %add3A_163 = vector.broadcast %add3A_162 : i32 to vector<16xi32>
        %add3A_164 = arith.addi %broadcast_in_dim3A_145, %add3A_163 : vector<16xi32>
        %gather3A_165 = tpu.vector_load_idx %arg9[%add3A_164] : memref<20480xf32, #tpu.memory_space<vmem>>[vector<16xi32>], vector<16xf32>,
        %add3A_166 = arith.constant 40960 : i32
        %add3A_167 = vector.broadcast %add3A_166 : i32 to vector<16xi32>
        %add3A_168 = arith.addi %get3A_139, %add3A_167 : vector<16xi32>
        %mul3A_169 = arith.mulf %get3A_141, %gather3A_165 : vector<16xf32>
        tpu.vector_store_idx %arg6[%add3A_168], %mul3A_169 {add = true} : memref<81920xf32, #tpu.memory_space<vmem>>[vector<16xi32>], vector<16xf32>,
        %add3A_170 = arith.constant 15360 : i32
        %add3A_171 = vector.broadcast %add3A_170 : i32 to vector<16xi32>
        %add3A_172 = arith.addi %broadcast_in_dim3A_145, %add3A_171 : vector<16xi32>
        %gather3A_173 = tpu.vector_load_idx %arg9[%add3A_172] : memref<20480xf32, #tpu.memory_space<vmem>>[vector<16xi32>], vector<16xf32>,
        %add3A_174 = arith.constant 61440 : i32
        %add3A_175 = vector.broadcast %add3A_174 : i32 to vector<16xi32>
        %add3A_176 = arith.addi %get3A_139, %add3A_175 : vector<16xi32>
        %mul3A_177 = arith.mulf %get3A_141, %gather3A_173 : vector<16xf32>
        tpu.vector_store_idx %arg6[%add3A_176], %mul3A_177 {add = true} : memref<81920xf32, #tpu.memory_space<vmem>>[vector<16xi32>], vector<16xf32>,
        %mul3A_178 = arith.constant 4 : i32
        %mul3A_179 = arith.muli %scan3A_87, %mul3A_178 : i32
        %add3A_180 = arith.constant 2 : i32
        %add3A_181 = arith.addi %mul3A_179, %add3A_180 : i32
        %mul3A_182 = arith.constant 16 : i32
        %mul3A_183 = arith.muli %add3A_181, %mul3A_182 : i32
        %get3A_184 = arith.index_cast %mul3A_183 : i32 to index
        %get3A_185 = tpu.vector_load %arg7[%get3A_184] {strides = array<i32>} : memref<8192xi32, #tpu.memory_space<vmem>>, vector<16xi32>,
        %get3A_186 = arith.index_cast %mul3A_183 : i32 to index
        %get3A_187 = tpu.vector_load %arg8[%get3A_186] {strides = array<i32>} : memref<8192xf32, #tpu.memory_space<vmem>>, vector<16xf32>,
        %mul3A_188 = arith.constant 512 : i32
        %mul3A_189 = arith.muli %scan3A_72, %mul3A_188 : i32
        %add3A_190 = arith.addi %mul3A_189, %add3A_181 : i32
        %broadcast_in_dim3A_191 = vector.broadcast %add3A_190 : i32 to vector<16xi32>
        %add3A_192 = arith.constant 0 : i32
        %add3A_193 = vector.broadcast %add3A_192 : i32 to vector<16xi32>
        %add3A_194 = arith.addi %broadcast_in_dim3A_191, %add3A_193 : vector<16xi32>
        %gather3A_195 = tpu.vector_load_idx %arg9[%add3A_194] : memref<20480xf32, #tpu.memory_space<vmem>>[vector<16xi32>], vector<16xf32>,
        %add3A_196 = arith.constant 0 : i32
        %add3A_197 = vector.broadcast %add3A_196 : i32 to vector<16xi32>
        %add3A_198 = arith.addi %get3A_185, %add3A_197 : vector<16xi32>
        %mul3A_199 = arith.mulf %get3A_187, %gather3A_195 : vector<16xf32>
        tpu.vector_store_idx %arg6[%add3A_198], %mul3A_199 {add = true} : memref<81920xf32, #tpu.memory_space<vmem>>[vector<16xi32>], vector<16xf32>,
        %add3A_200 = arith.constant 5120 : i32
        %add3A_201 = vector.broadcast %add3A_200 : i32 to vector<16xi32>
        %add3A_202 = arith.addi %broadcast_in_dim3A_191, %add3A_201 : vector<16xi32>
        %gather3A_203 = tpu.vector_load_idx %arg9[%add3A_202] : memref<20480xf32, #tpu.memory_space<vmem>>[vector<16xi32>], vector<16xf32>,
        %add3A_204 = arith.constant 20480 : i32
        %add3A_205 = vector.broadcast %add3A_204 : i32 to vector<16xi32>
        %add3A_206 = arith.addi %get3A_185, %add3A_205 : vector<16xi32>
        %mul3A_207 = arith.mulf %get3A_187, %gather3A_203 : vector<16xf32>
        tpu.vector_store_idx %arg6[%add3A_206], %mul3A_207 {add = true} : memref<81920xf32, #tpu.memory_space<vmem>>[vector<16xi32>], vector<16xf32>,
        %add3A_208 = arith.constant 10240 : i32
        %add3A_209 = vector.broadcast %add3A_208 : i32 to vector<16xi32>
        %add3A_210 = arith.addi %broadcast_in_dim3A_191, %add3A_209 : vector<16xi32>
        %gather3A_211 = tpu.vector_load_idx %arg9[%add3A_210] : memref<20480xf32, #tpu.memory_space<vmem>>[vector<16xi32>], vector<16xf32>,
        %add3A_212 = arith.constant 40960 : i32
        %add3A_213 = vector.broadcast %add3A_212 : i32 to vector<16xi32>
        %add3A_214 = arith.addi %get3A_185, %add3A_213 : vector<16xi32>
        %mul3A_215 = arith.mulf %get3A_187, %gather3A_211 : vector<16xf32>
        tpu.vector_store_idx %arg6[%add3A_214], %mul3A_215 {add = true} : memref<81920xf32, #tpu.memory_space<vmem>>[vector<16xi32>], vector<16xf32>,
        %add3A_216 = arith.constant 15360 : i32
        %add3A_217 = vector.broadcast %add3A_216 : i32 to vector<16xi32>
        %add3A_218 = arith.addi %broadcast_in_dim3A_191, %add3A_217 : vector<16xi32>
        %gather3A_219 = tpu.vector_load_idx %arg9[%add3A_218] : memref<20480xf32, #tpu.memory_space<vmem>>[vector<16xi32>], vector<16xf32>,
        %add3A_220 = arith.constant 61440 : i32
        %add3A_221 = vector.broadcast %add3A_220 : i32 to vector<16xi32>
        %add3A_222 = arith.addi %get3A_185, %add3A_221 : vector<16xi32>
        %mul3A_223 = arith.mulf %get3A_187, %gather3A_219 : vector<16xf32>
        tpu.vector_store_idx %arg6[%add3A_222], %mul3A_223 {add = true} : memref<81920xf32, #tpu.memory_space<vmem>>[vector<16xi32>], vector<16xf32>,
        %mul3A_224 = arith.constant 4 : i32
        %mul3A_225 = arith.muli %scan3A_87, %mul3A_224 : i32
        %add3A_226 = arith.constant 3 : i32
        %add3A_227 = arith.addi %mul3A_225, %add3A_226 : i32
        %mul3A_228 = arith.constant 16 : i32
        %mul3A_229 = arith.muli %add3A_227, %mul3A_228 : i32
        %get3A_230 = arith.index_cast %mul3A_229 : i32 to index
        %get3A_231 = tpu.vector_load %arg7[%get3A_230] {strides = array<i32>} : memref<8192xi32, #tpu.memory_space<vmem>>, vector<16xi32>,
        %get3A_232 = arith.index_cast %mul3A_229 : i32 to index
        %get3A_233 = tpu.vector_load %arg8[%get3A_232] {strides = array<i32>} : memref<8192xf32, #tpu.memory_space<vmem>>, vector<16xf32>,
        %mul3A_234 = arith.constant 512 : i32
        %mul3A_235 = arith.muli %scan3A_72, %mul3A_234 : i32
        %add3A_236 = arith.addi %mul3A_235, %add3A_227 : i32
        %broadcast_in_dim3A_237 = vector.broadcast %add3A_236 : i32 to vector<16xi32>
        %add3A_238 = arith.constant 0 : i32
        %add3A_239 = vector.broadcast %add3A_238 : i32 to vector<16xi32>
        %add3A_240 = arith.addi %broadcast_in_dim3A_237, %add3A_239 : vector<16xi32>
        %gather3A_241 = tpu.vector_load_idx %arg9[%add3A_240] : memref<20480xf32, #tpu.memory_space<vmem>>[vector<16xi32>], vector<16xf32>,
        %add3A_242 = arith.constant 0 : i32
        %add3A_243 = vector.broadcast %add3A_242 : i32 to vector<16xi32>
        %add3A_244 = arith.addi %get3A_231, %add3A_243 : vector<16xi32>
        %mul3A_245 = arith.mulf %get3A_233, %gather3A_241 : vector<16xf32>
        tpu.vector_store_idx %arg6[%add3A_244], %mul3A_245 {add = true} : memref<81920xf32, #tpu.memory_space<vmem>>[vector<16xi32>], vector<16xf32>,
        %add3A_246 = arith.constant 5120 : i32
        %add3A_247 = vector.broadcast %add3A_246 : i32 to vector<16xi32>
        %add3A_248 = arith.addi %broadcast_in_dim3A_237, %add3A_247 : vector<16xi32>
        %gather3A_249 = tpu.vector_load_idx %arg9[%add3A_248] : memref<20480xf32, #tpu.memory_space<vmem>>[vector<16xi32>], vector<16xf32>,
        %add3A_250 = arith.constant 20480 : i32
        %add3A_251 = vector.broadcast %add3A_250 : i32 to vector<16xi32>
        %add3A_252 = arith.addi %get3A_231, %add3A_251 : vector<16xi32>
        %mul3A_253 = arith.mulf %get3A_233, %gather3A_249 : vector<16xf32>
        tpu.vector_store_idx %arg6[%add3A_252], %mul3A_253 {add = true} : memref<81920xf32, #tpu.memory_space<vmem>>[vector<16xi32>], vector<16xf32>,
        %add3A_254 = arith.constant 10240 : i32
        %add3A_255 = vector.broadcast %add3A_254 : i32 to vector<16xi32>
        %add3A_256 = arith.addi %broadcast_in_dim3A_237, %add3A_255 : vector<16xi32>
        %gather3A_257 = tpu.vector_load_idx %arg9[%add3A_256] : memref<20480xf32, #tpu.memory_space<vmem>>[vector<16xi32>], vector<16xf32>,
        %add3A_258 = arith.constant 40960 : i32
        %add3A_259 = vector.broadcast %add3A_258 : i32 to vector<16xi32>
        %add3A_260 = arith.addi %get3A_231, %add3A_259 : vector<16xi32>
        %mul3A_261 = arith.mulf %get3A_233, %gather3A_257 : vector<16xf32>
        tpu.vector_store_idx %arg6[%add3A_260], %mul3A_261 {add = true} : memref<81920xf32, #tpu.memory_space<vmem>>[vector<16xi32>], vector<16xf32>,
        %add3A_262 = arith.constant 15360 : i32
        %add3A_263 = vector.broadcast %add3A_262 : i32 to vector<16xi32>
        %add3A_264 = arith.addi %broadcast_in_dim3A_237, %add3A_263 : vector<16xi32>
        %gather3A_265 = tpu.vector_load_idx %arg9[%add3A_264] : memref<20480xf32, #tpu.memory_space<vmem>>[vector<16xi32>], vector<16xf32>,
        %add3A_266 = arith.constant 61440 : i32
        %add3A_267 = vector.broadcast %add3A_266 : i32 to vector<16xi32>
        %add3A_268 = arith.addi %get3A_231, %add3A_267 : vector<16xi32>
        %mul3A_269 = arith.mulf %get3A_233, %gather3A_265 : vector<16xf32>
        tpu.vector_store_idx %arg6[%add3A_268], %mul3A_269 {add = true} : memref<81920xf32, #tpu.memory_space<vmem>>[vector<16xi32>], vector<16xf32>,
        %scan3A_270 = arith.constant 0 : i32
        scf.yield %scan3A_270 : i32
      }
      %scan3A_85 = arith.constant 128 : i32
      %scan3A_86 = arith.constant 0 : i32
      scf.yield %scan3A_86 : i32
    }
    %scan3A_55 = arith.constant 10 : i32
    %add3A_56 = arith.constant 0 : i32
    %add3A_57 = arith.addi %add3A_39, %add3A_56 : i32
    %mul3A_58 = arith.constant 20480 : i32
    %mul3A_59 = arith.muli %add3A_57, %mul3A_58 : i32
    "tpu.region"() ({
      %run_scoped3A = tpu.sem_alloc : memref<!tpu.dma_semaphore, #tpu.memory_space<semaphore_mem>>
      %dma_start3A = arith.constant 0 : i32
      %dma_start3A_72 = tpu.memref_slice %arg6[%dma_start3A] : memref<81920xf32, #tpu.memory_space<vmem>> -> memref<20480xf32, #tpu.memory_space<vmem>>
      %dma_start3A_73 = tpu.memref_slice %arg5[%mul3A_59] : memref<5242880xf32, #tpu.memory_space<hbm>> -> memref<20480xf32, #tpu.memory_space<hbm>>
      %dma_start3A_74 = tpu.memref_slice %arg5[%mul3A_59] : memref<5242880xf32, #tpu.memory_space<hbm>> -> memref<20480xf32, #tpu.memory_space<hbm>>
      %dma_start3A_75 = arith.constant 0 : i32
      %dma_start3A_76 = tpu.memref_slice %arg6[%dma_start3A_75] : memref<81920xf32, #tpu.memory_space<vmem>> -> memref<20480xf32, #tpu.memory_space<vmem>>
      tpu.enqueue_dma source(%dma_start3A_76 : memref<20480xf32, #tpu.memory_space<vmem>>) target(%dma_start3A_74 : memref<20480xf32, #tpu.memory_space<hbm>>) target_semaphore(%run_scoped3A : memref<!tpu.dma_semaphore, #tpu.memory_space<semaphore_mem>>)
      %dma_wait3A = arith.constant 0 : i32
      %dma_wait3A_77 = tpu.memref_slice %arg6[%dma_wait3A] : memref<81920xf32, #tpu.memory_space<vmem>> -> memref<20480xf32, #tpu.memory_space<vmem>>
      %dma_wait3A_78 = tpu.memref_slice %arg5[%mul3A_59] : memref<5242880xf32, #tpu.memory_space<hbm>> -> memref<20480xf32, #tpu.memory_space<hbm>>
      %dma_wait3A_79 = tpu.memref_slice %arg5[%mul3A_59] : memref<5242880xf32, #tpu.memory_space<hbm>> -> memref<20480xf32, #tpu.memory_space<hbm>>
      %dma_wait3A_80 = arith.constant 0 : i32
      %dma_wait3A_81 = tpu.memref_slice %arg6[%dma_wait3A_80] : memref<81920xf32, #tpu.memory_space<vmem>> -> memref<20480xf32, #tpu.memory_space<vmem>>
      tpu.wait_dma2 semaphore(%run_scoped3A : memref<!tpu.dma_semaphore, #tpu.memory_space<semaphore_mem>>) src(%dma_wait3A_81 : memref<20480xf32, #tpu.memory_space<vmem>>) dst(%dma_wait3A_79 : memref<20480xf32, #tpu.memory_space<hbm>>)
      tpu.yield
    }) : () -> ()
    %add3A_60 = arith.constant 1 : i32
    %add3A_61 = arith.addi %add3A_39, %add3A_60 : i32
    %mul3A_62 = arith.constant 20480 : i32
    %mul3A_63 = arith.muli %add3A_61, %mul3A_62 : i32
    "tpu.region"() ({
      %run_scoped3A = tpu.sem_alloc : memref<!tpu.dma_semaphore, #tpu.memory_space<semaphore_mem>>
      %dma_start3A = arith.constant 20480 : i32
      %dma_start3A_72 = tpu.memref_slice %arg6[%dma_start3A] : memref<81920xf32, #tpu.memory_space<vmem>> -> memref<20480xf32, #tpu.memory_space<vmem>>
      %dma_start3A_73 = tpu.memref_slice %arg5[%mul3A_63] : memref<5242880xf32, #tpu.memory_space<hbm>> -> memref<20480xf32, #tpu.memory_space<hbm>>
      %dma_start3A_74 = tpu.memref_slice %arg5[%mul3A_63] : memref<5242880xf32, #tpu.memory_space<hbm>> -> memref<20480xf32, #tpu.memory_space<hbm>>
      %dma_start3A_75 = arith.constant 20480 : i32
      %dma_start3A_76 = tpu.memref_slice %arg6[%dma_start3A_75] : memref<81920xf32, #tpu.memory_space<vmem>> -> memref<20480xf32, #tpu.memory_space<vmem>>
      tpu.enqueue_dma source(%dma_start3A_76 : memref<20480xf32, #tpu.memory_space<vmem>>) target(%dma_start3A_74 : memref<20480xf32, #tpu.memory_space<hbm>>) target_semaphore(%run_scoped3A : memref<!tpu.dma_semaphore, #tpu.memory_space<semaphore_mem>>)
      %dma_wait3A = arith.constant 20480 : i32
      %dma_wait3A_77 = tpu.memref_slice %arg6[%dma_wait3A] : memref<81920xf32, #tpu.memory_space<vmem>> -> memref<20480xf32, #tpu.memory_space<vmem>>
      %dma_wait3A_78 = tpu.memref_slice %arg5[%mul3A_63] : memref<5242880xf32, #tpu.memory_space<hbm>> -> memref<20480xf32, #tpu.memory_space<hbm>>
      %dma_wait3A_79 = tpu.memref_slice %arg5[%mul3A_63] : memref<5242880xf32, #tpu.memory_space<hbm>> -> memref<20480xf32, #tpu.memory_space<hbm>>
      %dma_wait3A_80 = arith.constant 20480 : i32
      %dma_wait3A_81 = tpu.memref_slice %arg6[%dma_wait3A_80] : memref<81920xf32, #tpu.memory_space<vmem>> -> memref<20480xf32, #tpu.memory_space<vmem>>
      tpu.wait_dma2 semaphore(%run_scoped3A : memref<!tpu.dma_semaphore, #tpu.memory_space<semaphore_mem>>) src(%dma_wait3A_81 : memref<20480xf32, #tpu.memory_space<vmem>>) dst(%dma_wait3A_79 : memref<20480xf32, #tpu.memory_space<hbm>>)
      tpu.yield
    }) : () -> ()
    %add3A_64 = arith.constant 2 : i32
    %add3A_65 = arith.addi %add3A_39, %add3A_64 : i32
    %mul3A_66 = arith.constant 20480 : i32
    %mul3A_67 = arith.muli %add3A_65, %mul3A_66 : i32
    "tpu.region"() ({
      %run_scoped3A = tpu.sem_alloc : memref<!tpu.dma_semaphore, #tpu.memory_space<semaphore_mem>>
      %dma_start3A = arith.constant 40960 : i32
      %dma_start3A_72 = tpu.memref_slice %arg6[%dma_start3A] : memref<81920xf32, #tpu.memory_space<vmem>> -> memref<20480xf32, #tpu.memory_space<vmem>>
      %dma_start3A_73 = tpu.memref_slice %arg5[%mul3A_67] : memref<5242880xf32, #tpu.memory_space<hbm>> -> memref<20480xf32, #tpu.memory_space<hbm>>
      %dma_start3A_74 = tpu.memref_slice %arg5[%mul3A_67] : memref<5242880xf32, #tpu.memory_space<hbm>> -> memref<20480xf32, #tpu.memory_space<hbm>>
      %dma_start3A_75 = arith.constant 40960 : i32
      %dma_start3A_76 = tpu.memref_slice %arg6[%dma_start3A_75] : memref<81920xf32, #tpu.memory_space<vmem>> -> memref<20480xf32, #tpu.memory_space<vmem>>
      tpu.enqueue_dma source(%dma_start3A_76 : memref<20480xf32, #tpu.memory_space<vmem>>) target(%dma_start3A_74 : memref<20480xf32, #tpu.memory_space<hbm>>) target_semaphore(%run_scoped3A : memref<!tpu.dma_semaphore, #tpu.memory_space<semaphore_mem>>)
      %dma_wait3A = arith.constant 40960 : i32
      %dma_wait3A_77 = tpu.memref_slice %arg6[%dma_wait3A] : memref<81920xf32, #tpu.memory_space<vmem>> -> memref<20480xf32, #tpu.memory_space<vmem>>
      %dma_wait3A_78 = tpu.memref_slice %arg5[%mul3A_67] : memref<5242880xf32, #tpu.memory_space<hbm>> -> memref<20480xf32, #tpu.memory_space<hbm>>
      %dma_wait3A_79 = tpu.memref_slice %arg5[%mul3A_67] : memref<5242880xf32, #tpu.memory_space<hbm>> -> memref<20480xf32, #tpu.memory_space<hbm>>
      %dma_wait3A_80 = arith.constant 40960 : i32
      %dma_wait3A_81 = tpu.memref_slice %arg6[%dma_wait3A_80] : memref<81920xf32, #tpu.memory_space<vmem>> -> memref<20480xf32, #tpu.memory_space<vmem>>
      tpu.wait_dma2 semaphore(%run_scoped3A : memref<!tpu.dma_semaphore, #tpu.memory_space<semaphore_mem>>) src(%dma_wait3A_81 : memref<20480xf32, #tpu.memory_space<vmem>>) dst(%dma_wait3A_79 : memref<20480xf32, #tpu.memory_space<hbm>>)
      tpu.yield
    }) : () -> ()
    %add3A_68 = arith.constant 3 : i32
    %add3A_69 = arith.addi %add3A_39, %add3A_68 : i32
    %mul3A_70 = arith.constant 20480 : i32
    %mul3A_71 = arith.muli %add3A_69, %mul3A_70 : i32
    "tpu.region"() ({
      %run_scoped3A = tpu.sem_alloc : memref<!tpu.dma_semaphore, #tpu.memory_space<semaphore_mem>>
      %dma_start3A = arith.constant 61440 : i32
      %dma_start3A_72 = tpu.memref_slice %arg6[%dma_start3A] : memref<81920xf32, #tpu.memory_space<vmem>> -> memref<20480xf32, #tpu.memory_space<vmem>>
      %dma_start3A_73 = tpu.memref_slice %arg5[%mul3A_71] : memref<5242880xf32, #tpu.memory_space<hbm>> -> memref<20480xf32, #tpu.memory_space<hbm>>
      %dma_start3A_74 = tpu.memref_slice %arg5[%mul3A_71] : memref<5242880xf32, #tpu.memory_space<hbm>> -> memref<20480xf32, #tpu.memory_space<hbm>>
      %dma_start3A_75 = arith.constant 61440 : i32
      %dma_start3A_76 = tpu.memref_slice %arg6[%dma_start3A_75] : memref<81920xf32, #tpu.memory_space<vmem>> -> memref<20480xf32, #tpu.memory_space<vmem>>
      tpu.enqueue_dma source(%dma_start3A_76 : memref<20480xf32, #tpu.memory_space<vmem>>) target(%dma_start3A_74 : memref<20480xf32, #tpu.memory_space<hbm>>) target_semaphore(%run_scoped3A : memref<!tpu.dma_semaphore, #tpu.memory_space<semaphore_mem>>)
      %dma_wait3A = arith.constant 61440 : i32
      %dma_wait3A_77 = tpu.memref_slice %arg6[%dma_wait3A] : memref<81920xf32, #tpu.memory_space<vmem>> -> memref<20480xf32, #tpu.memory_space<vmem>>
      %dma_wait3A_78 = tpu.memref_slice %arg5[%mul3A_71] : memref<5242880xf32, #tpu.memory_space<hbm>> -> memref<20480xf32, #tpu.memory_space<hbm>>
      %dma_wait3A_79 = tpu.memref_slice %arg5[%mul3A_71] : memref<5242880xf32, #tpu.memory_space<hbm>> -> memref<20480xf32, #tpu.memory_space<hbm>>
      %dma_wait3A_80 = arith.constant 61440 : i32
      %dma_wait3A_81 = tpu.memref_slice %arg6[%dma_wait3A_80] : memref<81920xf32, #tpu.memory_space<vmem>> -> memref<20480xf32, #tpu.memory_space<vmem>>
      tpu.wait_dma2 semaphore(%run_scoped3A : memref<!tpu.dma_semaphore, #tpu.memory_space<semaphore_mem>>) src(%dma_wait3A_81 : memref<20480xf32, #tpu.memory_space<vmem>>) dst(%dma_wait3A_79 : memref<20480xf32, #tpu.memory_space<hbm>>)
      tpu.yield
    }) : () -> ()
    return
  }
}

#map = affine_map<(d0, d1) -> (0)>
module attributes {stable_mosaic.version = 14 : i64} {
  func.func @exden(%arg0: i32, %arg1: i32, %arg2: memref<81920xf32, #tpu.memory_space<hbm>>, %arg3: memref<81920xi32, #tpu.memory_space<hbm>>, %arg4: memref<655360xf32, #tpu.memory_space<hbm>>, %arg5: memref<163840xf32, #tpu.memory_space<hbm>>, %arg6: memref<5120xf32, #tpu.memory_space<vmem>>, %arg7: memref<5120xi32, #tpu.memory_space<vmem>>, %arg8: memref<20480xf32, #tpu.memory_space<vmem>>) attributes {dimension_semantics = [#tpu.dimension_semantics<core_parallel>, #tpu.dimension_semantics<subcore_parallel>], iteration_bounds = array<i64: 2, 16>, scalar_prefetch = 0 : i64, scratch_operands = 3 : i64, tpu.core_type = #tpu.core_type<sc_vector_subcore>, window_params = [{transform_indices = #map}, {transform_indices = #map}, {transform_indices = #map}, {transform_indices = #map}]} {
    %broadcast_in_dim3A = arith.constant 0xFF800000 : f32
    %broadcast_in_dim3A_0 = vector.broadcast %broadcast_in_dim3A : f32 to vector<16xf32>
    %scan3A = arith.constant 0 : i32
    %scan3A_1 = arith.constant 16 : i32
    %scan3A_2 = arith.addi %scan3A, %scan3A_1 : i32
    %scan3A_3 = arith.constant 1 : i32
    %scan3A_4 = scf.for %scan3A_34 = %scan3A to %scan3A_2 step %scan3A_3 iter_args(%scan3A_35 = %broadcast_in_dim3A_0) -> (vector<16xf32>)  : i32 {
      %mul3A_36 = arith.constant 5120 : i32
      %mul3A_37 = arith.muli %scan3A_34, %mul3A_36 : i32
      "tpu.region"() ({
        %run_scoped3A = tpu.sem_alloc : memref<!tpu.dma_semaphore, #tpu.memory_space<semaphore_mem>>
        %dma_start3A = tpu.memref_slice %arg2[%mul3A_37] : memref<81920xf32, #tpu.memory_space<hbm>> -> memref<5120xf32, #tpu.memory_space<hbm>>
        %dma_start3A_44 = tpu.memref_slice %arg2[%mul3A_37] : memref<81920xf32, #tpu.memory_space<hbm>> -> memref<5120xf32, #tpu.memory_space<hbm>>
        tpu.enqueue_dma source(%dma_start3A_44 : memref<5120xf32, #tpu.memory_space<hbm>>) target(%arg6 : memref<5120xf32, #tpu.memory_space<vmem>>) target_semaphore(%run_scoped3A : memref<!tpu.dma_semaphore, #tpu.memory_space<semaphore_mem>>)
        %dma_wait3A = tpu.memref_slice %arg2[%mul3A_37] : memref<81920xf32, #tpu.memory_space<hbm>> -> memref<5120xf32, #tpu.memory_space<hbm>>
        %dma_wait3A_45 = tpu.memref_slice %arg2[%mul3A_37] : memref<81920xf32, #tpu.memory_space<hbm>> -> memref<5120xf32, #tpu.memory_space<hbm>>
        tpu.wait_dma2 semaphore(%run_scoped3A : memref<!tpu.dma_semaphore, #tpu.memory_space<semaphore_mem>>) src(%dma_wait3A_45 : memref<5120xf32, #tpu.memory_space<hbm>>) dst(%arg6 : memref<5120xf32, #tpu.memory_space<vmem>>)
        tpu.yield
      }) : () -> ()
      %scan3A_38 = arith.constant 0 : i32
      %scan3A_39 = arith.constant 320 : i32
      %scan3A_40 = arith.addi %scan3A_38, %scan3A_39 : i32
      %scan3A_41 = arith.constant 1 : i32
      %scan3A_42 = scf.for %scan3A_44 = %scan3A_38 to %scan3A_40 step %scan3A_41 iter_args(%scan3A_45 = %scan3A_35) -> (vector<16xf32>)  : i32 {
        %mul3A_46 = arith.constant 16 : i32
        %mul3A_47 = arith.muli %scan3A_44, %mul3A_46 : i32
        %get3A = arith.index_cast %mul3A_47 : i32 to index
        %get3A_48 = tpu.vector_load %arg6[%get3A] {strides = array<i32>} : memref<5120xf32, #tpu.memory_space<vmem>>, vector<16xf32>,
        %max3A = arith.maximumf %scan3A_45, %get3A_48 : vector<16xf32>
        scf.yield %max3A : vector<16xf32>
      }
      %scan3A_43 = arith.constant 320 : i32
      scf.yield %scan3A_42 : vector<16xf32>
    }
    %scan3A_5 = arith.constant 16 : i32
    %reduce_max3A = arith.constant true
    %reduce_max3A_6 = vector.broadcast %reduce_max3A : i1 to vector<16xi1>
    %reduce_max3A_7 = tpu.scan <max>, %scan3A_4 masked %reduce_max3A_6 : vector<16xf32>, vector<16xi1> -> vector<16xf32>
    %reduce_max3A_8 = vector.extract %reduce_max3A_7[15] : f32 from vector<16xf32>
    %broadcast_in_dim3A_9 = vector.broadcast %reduce_max3A_8 : f32 to vector<16xf32>
    %mul3A = arith.constant 5120 : i32
    %mul3A_10 = arith.muli %arg1, %mul3A : i32
    "tpu.region"() ({
      %run_scoped3A = tpu.sem_alloc : memref<!tpu.dma_semaphore, #tpu.memory_space<semaphore_mem>>
      %dma_start3A = tpu.memref_slice %arg2[%mul3A_10] : memref<81920xf32, #tpu.memory_space<hbm>> -> memref<5120xf32, #tpu.memory_space<hbm>>
      %dma_start3A_34 = tpu.memref_slice %arg2[%mul3A_10] : memref<81920xf32, #tpu.memory_space<hbm>> -> memref<5120xf32, #tpu.memory_space<hbm>>
      tpu.enqueue_dma source(%dma_start3A_34 : memref<5120xf32, #tpu.memory_space<hbm>>) target(%arg6 : memref<5120xf32, #tpu.memory_space<vmem>>) target_semaphore(%run_scoped3A : memref<!tpu.dma_semaphore, #tpu.memory_space<semaphore_mem>>)
      %dma_wait3A = tpu.memref_slice %arg2[%mul3A_10] : memref<81920xf32, #tpu.memory_space<hbm>> -> memref<5120xf32, #tpu.memory_space<hbm>>
      %dma_wait3A_35 = tpu.memref_slice %arg2[%mul3A_10] : memref<81920xf32, #tpu.memory_space<hbm>> -> memref<5120xf32, #tpu.memory_space<hbm>>
      tpu.wait_dma2 semaphore(%run_scoped3A : memref<!tpu.dma_semaphore, #tpu.memory_space<semaphore_mem>>) src(%dma_wait3A_35 : memref<5120xf32, #tpu.memory_space<hbm>>) dst(%arg6 : memref<5120xf32, #tpu.memory_space<vmem>>)
      tpu.yield
    }) : () -> ()
    "tpu.region"() ({
      %run_scoped3A = tpu.sem_alloc : memref<!tpu.dma_semaphore, #tpu.memory_space<semaphore_mem>>
      %dma_start3A = tpu.memref_slice %arg3[%mul3A_10] : memref<81920xi32, #tpu.memory_space<hbm>> -> memref<5120xi32, #tpu.memory_space<hbm>>
      %dma_start3A_34 = tpu.memref_slice %arg3[%mul3A_10] : memref<81920xi32, #tpu.memory_space<hbm>> -> memref<5120xi32, #tpu.memory_space<hbm>>
      tpu.enqueue_dma source(%dma_start3A_34 : memref<5120xi32, #tpu.memory_space<hbm>>) target(%arg7 : memref<5120xi32, #tpu.memory_space<vmem>>) target_semaphore(%run_scoped3A : memref<!tpu.dma_semaphore, #tpu.memory_space<semaphore_mem>>)
      %dma_wait3A = tpu.memref_slice %arg3[%mul3A_10] : memref<81920xi32, #tpu.memory_space<hbm>> -> memref<5120xi32, #tpu.memory_space<hbm>>
      %dma_wait3A_35 = tpu.memref_slice %arg3[%mul3A_10] : memref<81920xi32, #tpu.memory_space<hbm>> -> memref<5120xi32, #tpu.memory_space<hbm>>
      tpu.wait_dma2 semaphore(%run_scoped3A : memref<!tpu.dma_semaphore, #tpu.memory_space<semaphore_mem>>) src(%dma_wait3A_35 : memref<5120xi32, #tpu.memory_space<hbm>>) dst(%arg7 : memref<5120xi32, #tpu.memory_space<vmem>>)
      tpu.yield
    }) : () -> ()
    %scan3A_11 = arith.constant 0 : i32
    %scan3A_12 = arith.constant 0 : i32
    %scan3A_13 = arith.constant 1280 : i32
    %scan3A_14 = arith.addi %scan3A_12, %scan3A_13 : i32
    %scan3A_15 = arith.constant 1 : i32
    %scan3A_16 = scf.for %scan3A_34 = %scan3A_12 to %scan3A_14 step %scan3A_15 iter_args(%scan3A_35 = %scan3A_11) -> (i32)  : i32 {
      %broadcast_in_dim3A_36 = arith.constant 0.000000e+00 : f32
      %broadcast_in_dim3A_37 = vector.broadcast %broadcast_in_dim3A_36 : f32 to vector<16xf32>
      %mul3A_38 = arith.constant 16 : i32
      %mul3A_39 = arith.muli %scan3A_34, %mul3A_38 : i32
      %swap3A = arith.index_cast %mul3A_39 : i32 to index
      %swap3A_40 = tpu.vector_load %arg8[%swap3A] {strides = array<i32>} : memref<20480xf32, #tpu.memory_space<vmem>>, vector<16xf32>,
      tpu.vector_store %arg8[%swap3A], %broadcast_in_dim3A_37 {strides = array<i32>} : memref<20480xf32, #tpu.memory_space<vmem>>, vector<16xf32>,
      %scan3A_41 = arith.constant 0 : i32
      scf.yield %scan3A_41 : i32
    }
    %scan3A_17 = arith.constant 1280 : i32
    %mul3A_18 = arith.constant 320 : i32
    %mul3A_19 = arith.muli %arg1, %mul3A_18 : i32
    %scan3A_20 = arith.constant 0 : i32
    %scan3A_21 = arith.constant 0 : i32
    %scan3A_22 = arith.constant 320 : i32
    %scan3A_23 = arith.addi %scan3A_21, %scan3A_22 : i32
    %scan3A_24 = arith.constant 1 : i32
    %scan3A_25 = scf.for %scan3A_34 = %scan3A_21 to %scan3A_23 step %scan3A_24 iter_args(%scan3A_35 = %scan3A_20) -> (i32)  : i32 {
      %mul3A_36 = arith.constant 16 : i32
      %mul3A_37 = arith.muli %scan3A_34, %mul3A_36 : i32
      %get3A = arith.index_cast %mul3A_37 : i32 to index
      %get3A_38 = tpu.vector_load %arg6[%get3A] {strides = array<i32>} : memref<5120xf32, #tpu.memory_space<vmem>>, vector<16xf32>,
      %sub3A = arith.subf %get3A_38, %broadcast_in_dim3A_9 : vector<16xf32>
      %exp3A = math.exp %sub3A : vector<16xf32>
      %add3A_39 = arith.addi %mul3A_19, %scan3A_34 : i32
      %lt3A = arith.constant 5000 : i32
      %lt3A_40 = arith.cmpi slt, %add3A_39, %lt3A : i32
      %convert_element_type3A = arith.extui %lt3A_40 : i1 to i32
      %convert_element_type3A_41 = arith.sitofp %convert_element_type3A : i32 to f32
      %mul3A_42 = vector.broadcast %convert_element_type3A_41 : f32 to vector<16xf32>
      %mul3A_43 = arith.mulf %exp3A, %mul3A_42 : vector<16xf32>
      %swap3A = arith.index_cast %mul3A_37 : i32 to index
      %swap3A_44 = tpu.vector_load %arg6[%swap3A] {strides = array<i32>} : memref<5120xf32, #tpu.memory_space<vmem>>, vector<16xf32>,
      tpu.vector_store %arg6[%swap3A], %mul3A_43 {strides = array<i32>} : memref<5120xf32, #tpu.memory_space<vmem>>, vector<16xf32>,
      %get3A_45 = arith.index_cast %mul3A_37 : i32 to index
      %get3A_46 = tpu.vector_load %arg7[%get3A_45] {strides = array<i32>} : memref<5120xi32, #tpu.memory_space<vmem>>, vector<16xi32>,
      tpu.vector_store_idx %arg8[%get3A_46], %mul3A_43 {add = true} : memref<20480xf32, #tpu.memory_space<vmem>>[vector<16xi32>], vector<16xf32>,
      %scan3A_47 = arith.constant 0 : i32
      scf.yield %scan3A_47 : i32
    }
    %scan3A_26 = arith.constant 320 : i32
    %mul3A_27 = arith.constant 16 : i32
    %mul3A_28 = arith.muli %arg0, %mul3A_27 : i32
    %add3A = arith.addi %mul3A_28, %arg1 : i32
    %mul3A_29 = arith.constant 20480 : i32
    %mul3A_30 = arith.muli %add3A, %mul3A_29 : i32
    "tpu.region"() ({
      %run_scoped3A = tpu.sem_alloc : memref<!tpu.dma_semaphore, #tpu.memory_space<semaphore_mem>>
      %dma_start3A = tpu.memref_slice %arg4[%mul3A_30] : memref<655360xf32, #tpu.memory_space<hbm>> -> memref<20480xf32, #tpu.memory_space<hbm>>
      %dma_start3A_34 = tpu.memref_slice %arg4[%mul3A_30] : memref<655360xf32, #tpu.memory_space<hbm>> -> memref<20480xf32, #tpu.memory_space<hbm>>
      tpu.enqueue_dma source(%arg8 : memref<20480xf32, #tpu.memory_space<vmem>>) target(%dma_start3A_34 : memref<20480xf32, #tpu.memory_space<hbm>>) target_semaphore(%run_scoped3A : memref<!tpu.dma_semaphore, #tpu.memory_space<semaphore_mem>>)
      %dma_wait3A = tpu.memref_slice %arg4[%mul3A_30] : memref<655360xf32, #tpu.memory_space<hbm>> -> memref<20480xf32, #tpu.memory_space<hbm>>
      %dma_wait3A_35 = tpu.memref_slice %arg4[%mul3A_30] : memref<655360xf32, #tpu.memory_space<hbm>> -> memref<20480xf32, #tpu.memory_space<hbm>>
      tpu.wait_dma2 semaphore(%run_scoped3A : memref<!tpu.dma_semaphore, #tpu.memory_space<semaphore_mem>>) src(%arg8 : memref<20480xf32, #tpu.memory_space<vmem>>) dst(%dma_wait3A_35 : memref<20480xf32, #tpu.memory_space<hbm>>)
      tpu.yield
    }) : () -> ()
    %mul3A_31 = arith.constant 81920 : i32
    %mul3A_32 = arith.muli %arg0, %mul3A_31 : i32
    %add3A_33 = arith.addi %mul3A_32, %mul3A_10 : i32
    "tpu.region"() ({
      %run_scoped3A = tpu.sem_alloc : memref<!tpu.dma_semaphore, #tpu.memory_space<semaphore_mem>>
      %dma_start3A = tpu.memref_slice %arg5[%add3A_33] : memref<163840xf32, #tpu.memory_space<hbm>> -> memref<5120xf32, #tpu.memory_space<hbm>>
      %dma_start3A_34 = tpu.memref_slice %arg5[%add3A_33] : memref<163840xf32, #tpu.memory_space<hbm>> -> memref<5120xf32, #tpu.memory_space<hbm>>
      tpu.enqueue_dma source(%arg6 : memref<5120xf32, #tpu.memory_space<vmem>>) target(%dma_start3A_34 : memref<5120xf32, #tpu.memory_space<hbm>>) target_semaphore(%run_scoped3A : memref<!tpu.dma_semaphore, #tpu.memory_space<semaphore_mem>>)
      %dma_wait3A = tpu.memref_slice %arg5[%add3A_33] : memref<163840xf32, #tpu.memory_space<hbm>> -> memref<5120xf32, #tpu.memory_space<hbm>>
      %dma_wait3A_35 = tpu.memref_slice %arg5[%add3A_33] : memref<163840xf32, #tpu.memory_space<hbm>> -> memref<5120xf32, #tpu.memory_space<hbm>>
      tpu.wait_dma2 semaphore(%run_scoped3A : memref<!tpu.dma_semaphore, #tpu.memory_space<semaphore_mem>>) src(%arg6 : memref<5120xf32, #tpu.memory_space<vmem>>) dst(%dma_wait3A_35 : memref<5120xf32, #tpu.memory_space<hbm>>)
      tpu.yield
    }) : () -> ()
    return
  }
}

#map = affine_map<(d0, d1) -> (0)>
module attributes {stable_mosaic.version = 14 : i64} {
  func.func @probs(%arg0: i32, %arg1: i32, %arg2: memref<655360xf32, #tpu.memory_space<hbm>>, %arg3: memref<163840xf32, #tpu.memory_space<hbm>>, %arg4: memref<81920xi32, #tpu.memory_space<hbm>>, %arg5: memref<163840xf32, #tpu.memory_space<hbm>>, %arg6: memref<20480xf32, #tpu.memory_space<vmem>>, %arg7: memref<20480xf32, #tpu.memory_space<vmem>>, %arg8: memref<5120xf32, #tpu.memory_space<vmem>>, %arg9: memref<5120xi32, #tpu.memory_space<vmem>>) attributes {dimension_semantics = [#tpu.dimension_semantics<core_parallel>, #tpu.dimension_semantics<subcore_parallel>], iteration_bounds = array<i64: 2, 16>, scalar_prefetch = 0 : i64, scratch_operands = 4 : i64, tpu.core_type = #tpu.core_type<sc_vector_subcore>, window_params = [{transform_indices = #map}, {transform_indices = #map}, {transform_indices = #map}, {transform_indices = #map}]} {
    %mul3A = arith.constant 16 : i32
    %mul3A_0 = arith.muli %arg0, %mul3A : i32
    %mul3A_1 = arith.constant 20480 : i32
    %mul3A_2 = arith.muli %mul3A_0, %mul3A_1 : i32
    "tpu.region"() ({
      %run_scoped3A = tpu.sem_alloc : memref<!tpu.dma_semaphore, #tpu.memory_space<semaphore_mem>>
      %dma_start3A = tpu.memref_slice %arg2[%mul3A_2] : memref<655360xf32, #tpu.memory_space<hbm>> -> memref<20480xf32, #tpu.memory_space<hbm>>
      %dma_start3A_23 = tpu.memref_slice %arg2[%mul3A_2] : memref<655360xf32, #tpu.memory_space<hbm>> -> memref<20480xf32, #tpu.memory_space<hbm>>
      tpu.enqueue_dma source(%dma_start3A_23 : memref<20480xf32, #tpu.memory_space<hbm>>) target(%arg6 : memref<20480xf32, #tpu.memory_space<vmem>>) target_semaphore(%run_scoped3A : memref<!tpu.dma_semaphore, #tpu.memory_space<semaphore_mem>>)
      %dma_wait3A = tpu.memref_slice %arg2[%mul3A_2] : memref<655360xf32, #tpu.memory_space<hbm>> -> memref<20480xf32, #tpu.memory_space<hbm>>
      %dma_wait3A_24 = tpu.memref_slice %arg2[%mul3A_2] : memref<655360xf32, #tpu.memory_space<hbm>> -> memref<20480xf32, #tpu.memory_space<hbm>>
      tpu.wait_dma2 semaphore(%run_scoped3A : memref<!tpu.dma_semaphore, #tpu.memory_space<semaphore_mem>>) src(%dma_wait3A_24 : memref<20480xf32, #tpu.memory_space<hbm>>) dst(%arg6 : memref<20480xf32, #tpu.memory_space<vmem>>)
      tpu.yield
    }) : () -> ()
    %scan3A = arith.constant 0 : i32
    %scan3A_3 = arith.constant 1 : i32
    %scan3A_4 = arith.constant 15 : i32
    %scan3A_5 = arith.addi %scan3A_3, %scan3A_4 : i32
    %scan3A_6 = arith.constant 1 : i32
    %scan3A_7 = scf.for %scan3A_23 = %scan3A_3 to %scan3A_5 step %scan3A_6 iter_args(%scan3A_24 = %scan3A) -> (i32)  : i32 {
      %mul3A_25 = arith.constant 20480 : i32
      %mul3A_26 = arith.muli %scan3A_23, %mul3A_25 : i32
      %add3A_27 = arith.addi %mul3A_2, %mul3A_26 : i32
      "tpu.region"() ({
        %run_scoped3A = tpu.sem_alloc : memref<!tpu.dma_semaphore, #tpu.memory_space<semaphore_mem>>
        %dma_start3A = tpu.memref_slice %arg2[%add3A_27] : memref<655360xf32, #tpu.memory_space<hbm>> -> memref<20480xf32, #tpu.memory_space<hbm>>
        %dma_start3A_36 = tpu.memref_slice %arg2[%add3A_27] : memref<655360xf32, #tpu.memory_space<hbm>> -> memref<20480xf32, #tpu.memory_space<hbm>>
        tpu.enqueue_dma source(%dma_start3A_36 : memref<20480xf32, #tpu.memory_space<hbm>>) target(%arg7 : memref<20480xf32, #tpu.memory_space<vmem>>) target_semaphore(%run_scoped3A : memref<!tpu.dma_semaphore, #tpu.memory_space<semaphore_mem>>)
        %dma_wait3A = tpu.memref_slice %arg2[%add3A_27] : memref<655360xf32, #tpu.memory_space<hbm>> -> memref<20480xf32, #tpu.memory_space<hbm>>
        %dma_wait3A_37 = tpu.memref_slice %arg2[%add3A_27] : memref<655360xf32, #tpu.memory_space<hbm>> -> memref<20480xf32, #tpu.memory_space<hbm>>
        tpu.wait_dma2 semaphore(%run_scoped3A : memref<!tpu.dma_semaphore, #tpu.memory_space<semaphore_mem>>) src(%dma_wait3A_37 : memref<20480xf32, #tpu.memory_space<hbm>>) dst(%arg7 : memref<20480xf32, #tpu.memory_space<vmem>>)
        tpu.yield
      }) : () -> ()
      %scan3A_28 = arith.constant 0 : i32
      %scan3A_29 = arith.constant 0 : i32
      %scan3A_30 = arith.constant 320 : i32
      %scan3A_31 = arith.addi %scan3A_29, %scan3A_30 : i32
      %scan3A_32 = arith.constant 1 : i32
      %scan3A_33 = scf.for %scan3A_36 = %scan3A_29 to %scan3A_31 step %scan3A_32 iter_args(%scan3A_37 = %scan3A_28) -> (i32)  : i32 {
        %mul3A_38 = arith.constant 64 : i32
        %mul3A_39 = arith.muli %scan3A_36, %mul3A_38 : i32
        %add3A_40 = arith.constant 0 : i32
        %add3A_41 = arith.addi %mul3A_39, %add3A_40 : i32
        %get3A = arith.index_cast %add3A_41 : i32 to index
        %get3A_42 = tpu.vector_load %arg6[%get3A] {strides = array<i32>} : memref<20480xf32, #tpu.memory_space<vmem>>, vector<16xf32>,
        %get3A_43 = arith.index_cast %add3A_41 : i32 to index
        %get3A_44 = tpu.vector_load %arg7[%get3A_43] {strides = array<i32>} : memref<20480xf32, #tpu.memory_space<vmem>>, vector<16xf32>,
        %add3A_45 = arith.addf %get3A_42, %get3A_44 : vector<16xf32>
        %swap3A = arith.index_cast %add3A_41 : i32 to index
        %swap3A_46 = tpu.vector_load %arg6[%swap3A] {strides = array<i32>} : memref<20480xf32, #tpu.memory_space<vmem>>, vector<16xf32>,
        tpu.vector_store %arg6[%swap3A], %add3A_45 {strides = array<i32>} : memref<20480xf32, #tpu.memory_space<vmem>>, vector<16xf32>,
        %add3A_47 = arith.constant 16 : i32
        %add3A_48 = arith.addi %mul3A_39, %add3A_47 : i32
        %get3A_49 = arith.index_cast %add3A_48 : i32 to index
        %get3A_50 = tpu.vector_load %arg6[%get3A_49] {strides = array<i32>} : memref<20480xf32, #tpu.memory_space<vmem>>, vector<16xf32>,
        %get3A_51 = arith.index_cast %add3A_48 : i32 to index
        %get3A_52 = tpu.vector_load %arg7[%get3A_51] {strides = array<i32>} : memref<20480xf32, #tpu.memory_space<vmem>>, vector<16xf32>,
        %add3A_53 = arith.addf %get3A_50, %get3A_52 : vector<16xf32>
        %swap3A_54 = arith.index_cast %add3A_48 : i32 to index
        %swap3A_55 = tpu.vector_load %arg6[%swap3A_54] {strides = array<i32>} : memref<20480xf32, #tpu.memory_space<vmem>>, vector<16xf32>,
        tpu.vector_store %arg6[%swap3A_54], %add3A_53 {strides = array<i32>} : memref<20480xf32, #tpu.memory_space<vmem>>, vector<16xf32>,
        %add3A_56 = arith.constant 32 : i32
        %add3A_57 = arith.addi %mul3A_39, %add3A_56 : i32
        %get3A_58 = arith.index_cast %add3A_57 : i32 to index
        %get3A_59 = tpu.vector_load %arg6[%get3A_58] {strides = array<i32>} : memref<20480xf32, #tpu.memory_space<vmem>>, vector<16xf32>,
        %get3A_60 = arith.index_cast %add3A_57 : i32 to index
        %get3A_61 = tpu.vector_load %arg7[%get3A_60] {strides = array<i32>} : memref<20480xf32, #tpu.memory_space<vmem>>, vector<16xf32>,
        %add3A_62 = arith.addf %get3A_59, %get3A_61 : vector<16xf32>
        %swap3A_63 = arith.index_cast %add3A_57 : i32 to index
        %swap3A_64 = tpu.vector_load %arg6[%swap3A_63] {strides = array<i32>} : memref<20480xf32, #tpu.memory_space<vmem>>, vector<16xf32>,
        tpu.vector_store %arg6[%swap3A_63], %add3A_62 {strides = array<i32>} : memref<20480xf32, #tpu.memory_space<vmem>>, vector<16xf32>,
        %add3A_65 = arith.constant 48 : i32
        %add3A_66 = arith.addi %mul3A_39, %add3A_65 : i32
        %get3A_67 = arith.index_cast %add3A_66 : i32 to index
        %get3A_68 = tpu.vector_load %arg6[%get3A_67] {strides = array<i32>} : memref<20480xf32, #tpu.memory_space<vmem>>, vector<16xf32>,
        %get3A_69 = arith.index_cast %add3A_66 : i32 to index
        %get3A_70 = tpu.vector_load %arg7[%get3A_69] {strides = array<i32>} : memref<20480xf32, #tpu.memory_space<vmem>>, vector<16xf32>,
        %add3A_71 = arith.addf %get3A_68, %get3A_70 : vector<16xf32>
        %swap3A_72 = arith.index_cast %add3A_66 : i32 to index
        %swap3A_73 = tpu.vector_load %arg6[%swap3A_72] {strides = array<i32>} : memref<20480xf32, #tpu.memory_space<vmem>>, vector<16xf32>,
        tpu.vector_store %arg6[%swap3A_72], %add3A_71 {strides = array<i32>} : memref<20480xf32, #tpu.memory_space<vmem>>, vector<16xf32>,
        %scan3A_74 = arith.constant 0 : i32
        scf.yield %scan3A_74 : i32
      }
      %scan3A_34 = arith.constant 320 : i32
      %scan3A_35 = arith.constant 0 : i32
      scf.yield %scan3A_35 : i32
    }
    %scan3A_8 = arith.constant 15 : i32
    %mul3A_9 = arith.constant 5120 : i32
    %mul3A_10 = arith.muli %arg1, %mul3A_9 : i32
    %mul3A_11 = arith.constant 81920 : i32
    %mul3A_12 = arith.muli %arg0, %mul3A_11 : i32
    %add3A = arith.addi %mul3A_12, %mul3A_10 : i32
    "tpu.region"() ({
      %run_scoped3A = tpu.sem_alloc : memref<!tpu.dma_semaphore, #tpu.memory_space<semaphore_mem>>
      %dma_start3A = tpu.memref_slice %arg3[%add3A] : memref<163840xf32, #tpu.memory_space<hbm>> -> memref<5120xf32, #tpu.memory_space<hbm>>
      %dma_start3A_23 = tpu.memref_slice %arg3[%add3A] : memref<163840xf32, #tpu.memory_space<hbm>> -> memref<5120xf32, #tpu.memory_space<hbm>>
      tpu.enqueue_dma source(%dma_start3A_23 : memref<5120xf32, #tpu.memory_space<hbm>>) target(%arg8 : memref<5120xf32, #tpu.memory_space<vmem>>) target_semaphore(%run_scoped3A : memref<!tpu.dma_semaphore, #tpu.memory_space<semaphore_mem>>)
      %dma_wait3A = tpu.memref_slice %arg3[%add3A] : memref<163840xf32, #tpu.memory_space<hbm>> -> memref<5120xf32, #tpu.memory_space<hbm>>
      %dma_wait3A_24 = tpu.memref_slice %arg3[%add3A] : memref<163840xf32, #tpu.memory_space<hbm>> -> memref<5120xf32, #tpu.memory_space<hbm>>
      tpu.wait_dma2 semaphore(%run_scoped3A : memref<!tpu.dma_semaphore, #tpu.memory_space<semaphore_mem>>) src(%dma_wait3A_24 : memref<5120xf32, #tpu.memory_space<hbm>>) dst(%arg8 : memref<5120xf32, #tpu.memory_space<vmem>>)
      tpu.yield
    }) : () -> ()
    "tpu.region"() ({
      %run_scoped3A = tpu.sem_alloc : memref<!tpu.dma_semaphore, #tpu.memory_space<semaphore_mem>>
      %dma_start3A = tpu.memref_slice %arg4[%mul3A_10] : memref<81920xi32, #tpu.memory_space<hbm>> -> memref<5120xi32, #tpu.memory_space<hbm>>
      %dma_start3A_23 = tpu.memref_slice %arg4[%mul3A_10] : memref<81920xi32, #tpu.memory_space<hbm>> -> memref<5120xi32, #tpu.memory_space<hbm>>
      tpu.enqueue_dma source(%dma_start3A_23 : memref<5120xi32, #tpu.memory_space<hbm>>) target(%arg9 : memref<5120xi32, #tpu.memory_space<vmem>>) target_semaphore(%run_scoped3A : memref<!tpu.dma_semaphore, #tpu.memory_space<semaphore_mem>>)
      %dma_wait3A = tpu.memref_slice %arg4[%mul3A_10] : memref<81920xi32, #tpu.memory_space<hbm>> -> memref<5120xi32, #tpu.memory_space<hbm>>
      %dma_wait3A_24 = tpu.memref_slice %arg4[%mul3A_10] : memref<81920xi32, #tpu.memory_space<hbm>> -> memref<5120xi32, #tpu.memory_space<hbm>>
      tpu.wait_dma2 semaphore(%run_scoped3A : memref<!tpu.dma_semaphore, #tpu.memory_space<semaphore_mem>>) src(%dma_wait3A_24 : memref<5120xi32, #tpu.memory_space<hbm>>) dst(%arg9 : memref<5120xi32, #tpu.memory_space<vmem>>)
      tpu.yield
    }) : () -> ()
    %scan3A_13 = arith.constant 0 : i32
    %scan3A_14 = arith.constant 0 : i32
    %scan3A_15 = arith.constant 320 : i32
    %scan3A_16 = arith.addi %scan3A_14, %scan3A_15 : i32
    %scan3A_17 = arith.constant 1 : i32
    %scan3A_18 = scf.for %scan3A_23 = %scan3A_14 to %scan3A_16 step %scan3A_17 iter_args(%scan3A_24 = %scan3A_13) -> (i32)  : i32 {
      %mul3A_25 = arith.constant 16 : i32
      %mul3A_26 = arith.muli %scan3A_23, %mul3A_25 : i32
      %get3A = arith.index_cast %mul3A_26 : i32 to index
      %get3A_27 = tpu.vector_load %arg9[%get3A] {strides = array<i32>} : memref<5120xi32, #tpu.memory_space<vmem>>, vector<16xi32>,
      %gather3A = tpu.vector_load_idx %arg6[%get3A_27] : memref<20480xf32, #tpu.memory_space<vmem>>[vector<16xi32>], vector<16xf32>,
      %add3A_28 = arith.constant 1.000000e-16 : f32
      %add3A_29 = vector.broadcast %add3A_28 : f32 to vector<16xf32>
      %add3A_30 = arith.addf %gather3A, %add3A_29 : vector<16xf32>
      %get3A_31 = arith.index_cast %mul3A_26 : i32 to index
      %get3A_32 = tpu.vector_load %arg8[%get3A_31] {strides = array<i32>} : memref<5120xf32, #tpu.memory_space<vmem>>, vector<16xf32>,
      %div3A = arith.divf %get3A_32, %add3A_30 : vector<16xf32>
      %swap3A = arith.index_cast %mul3A_26 : i32 to index
      %swap3A_33 = tpu.vector_load %arg8[%swap3A] {strides = array<i32>} : memref<5120xf32, #tpu.memory_space<vmem>>, vector<16xf32>,
      tpu.vector_store %arg8[%swap3A], %div3A {strides = array<i32>} : memref<5120xf32, #tpu.memory_space<vmem>>, vector<16xf32>,
      %scan3A_34 = arith.constant 0 : i32
      scf.yield %scan3A_34 : i32
    }
    %scan3A_19 = arith.constant 320 : i32
    %mul3A_20 = arith.constant 81920 : i32
    %mul3A_21 = arith.muli %arg0, %mul3A_20 : i32
    %add3A_22 = arith.addi %mul3A_21, %mul3A_10 : i32
    "tpu.region"() ({
      %run_scoped3A = tpu.sem_alloc : memref<!tpu.dma_semaphore, #tpu.memory_space<semaphore_mem>>
      %dma_start3A = tpu.memref_slice %arg5[%add3A_22] : memref<163840xf32, #tpu.memory_space<hbm>> -> memref<5120xf32, #tpu.memory_space<hbm>>
      %dma_start3A_23 = tpu.memref_slice %arg5[%add3A_22] : memref<163840xf32, #tpu.memory_space<hbm>> -> memref<5120xf32, #tpu.memory_space<hbm>>
      tpu.enqueue_dma source(%arg8 : memref<5120xf32, #tpu.memory_space<vmem>>) target(%dma_start3A_23 : memref<5120xf32, #tpu.memory_space<hbm>>) target_semaphore(%run_scoped3A : memref<!tpu.dma_semaphore, #tpu.memory_space<semaphore_mem>>)
      %dma_wait3A = tpu.memref_slice %arg5[%add3A_22] : memref<163840xf32, #tpu.memory_space<hbm>> -> memref<5120xf32, #tpu.memory_space<hbm>>
      %dma_wait3A_24 = tpu.memref_slice %arg5[%add3A_22] : memref<163840xf32, #tpu.memory_space<hbm>> -> memref<5120xf32, #tpu.memory_space<hbm>>
      tpu.wait_dma2 semaphore(%run_scoped3A : memref<!tpu.dma_semaphore, #tpu.memory_space<semaphore_mem>>) src(%arg8 : memref<5120xf32, #tpu.memory_space<vmem>>) dst(%dma_wait3A_24 : memref<5120xf32, #tpu.memory_space<hbm>>)
      tpu.yield
    }) : () -> ()
    return
  }
}

module attributes {stable_mosaic.version = 14 : i64} {
  func.func @_dense2_body(%arg0: i32, %arg1: memref<1024x512xf32, #tpu.memory_space<vmem>>, %arg2: memref<512x256xf32, #tpu.memory_space<vmem>>, %arg3: memref<1x256xf32, #tpu.memory_space<vmem>>, %arg4: memref<1x256xf32, #tpu.memory_space<vmem>>, %arg5: memref<1x256xf32, #tpu.memory_space<vmem>>, %arg6: memref<512x512xf32, #tpu.memory_space<vmem>>, %arg7: memref<1x512xf32, #tpu.memory_space<vmem>>, %arg8: memref<256x1024xf32, #tpu.memory_space<vmem>>, %arg9: memref<1024x512xf32, #tpu.memory_space<vmem>>) attributes {dimension_semantics = [#tpu.dimension_semantics<arbitrary>], iteration_bounds = array<i64: 5>, scalar_prefetch = 0 : i64, scratch_operands = 0 : i64, tpu.core_type = #tpu.core_type<tc>, window_params = [{transform_indices = @transform_0, window_bounds = array<i64: 1024, 512>}, {pipeline_mode = #tpu.pipeline_mode<synchronous>, transform_indices = @transform_1, window_bounds = array<i64: 512, 256>}, {pipeline_mode = #tpu.pipeline_mode<synchronous>, transform_indices = @transform_2, window_bounds = array<i64: 1, 256>}, {pipeline_mode = #tpu.pipeline_mode<synchronous>, transform_indices = @transform_3, window_bounds = array<i64: 1, 256>}, {pipeline_mode = #tpu.pipeline_mode<synchronous>, transform_indices = @transform_4, window_bounds = array<i64: 1, 256>}, {pipeline_mode = #tpu.pipeline_mode<synchronous>, transform_indices = @transform_5, window_bounds = array<i64: 512, 512>}, {pipeline_mode = #tpu.pipeline_mode<synchronous>, transform_indices = @transform_6, window_bounds = array<i64: 1, 512>}, {transform_indices = @transform_7, window_bounds = array<i64: 256, 1024>}, {transform_indices = @transform_8, window_bounds = array<i64: 1024, 512>}]} {
    %get3A = arith.constant 0 : index
    %get3A_0 = arith.constant 0 : index
    %get3A_1 = vector.load %arg1[%get3A, %get3A_0] : memref<1024x512xf32, #tpu.memory_space<vmem>>, vector<1024x512xf32>
    %get3A_2 = arith.constant 0 : index
    %get3A_3 = arith.constant 0 : index
    %get3A_4 = vector.load %arg2[%get3A_2, %get3A_3] : memref<512x256xf32, #tpu.memory_space<vmem>>, vector<512x256xf32>
    %dot_general3A = arith.constant dense<0.000000e+00> : vector<1024x256xf32>
    %dot_general3A_5 = tpu.matmul %get3A_1, %get3A_4, %dot_general3A {dimension_numbers = #tpu.dot_dimension_numbers<[1], [0], [0], [1], [0, 0, 1, 1], [], []>, transpose_lhs_hint = false} : vector<1024x512xf32>, vector<512x256xf32>, vector<1024x256xf32> -> vector<1024x256xf32>
    %get3A_6 = arith.constant 0 : index
    %get3A_7 = arith.constant 0 : index
    %get3A_8 = vector.load %arg3[%get3A_6, %get3A_7] : memref<1x256xf32, #tpu.memory_space<vmem>>, vector<1x256xf32>
    %add3A = vector.broadcast %get3A_8 : vector<1x256xf32> to vector<1024x256xf32>
    %add3A_9 = arith.addf %dot_general3A_5, %add3A : vector<1024x256xf32>
    %get3A_10 = arith.constant 0 : index
    %get3A_11 = arith.constant 0 : index
    %get3A_12 = vector.load %arg4[%get3A_10, %get3A_11] : memref<1x256xf32, #tpu.memory_space<vmem>>, vector<1x256xf32>
    %mul3A = arith.constant 0.999994993 : f32
    %mul3A_13 = vector.broadcast %mul3A : f32 to vector<1x256xf32>
    %mul3A_14 = arith.mulf %get3A_12, %mul3A_13 : vector<1x256xf32>
    %mul3A_15 = vector.broadcast %mul3A_14 : vector<1x256xf32> to vector<1024x256xf32>
    %mul3A_16 = arith.mulf %add3A_9, %mul3A_15 : vector<1024x256xf32>
    %get3A_17 = arith.constant 0 : index
    %get3A_18 = arith.constant 0 : index
    %get3A_19 = vector.load %arg5[%get3A_17, %get3A_18] : memref<1x256xf32, #tpu.memory_space<vmem>>, vector<1x256xf32>
    %add3A_20 = vector.broadcast %get3A_19 : vector<1x256xf32> to vector<1024x256xf32>
    %add3A_21 = arith.addf %mul3A_16, %add3A_20 : vector<1024x256xf32>
    %max3A = arith.constant 0.000000e+00 : f32
    %max3A_22 = vector.broadcast %max3A : f32 to vector<1024x256xf32>
    %max3A_23 = arith.maximumf %add3A_21, %max3A_22 : vector<1024x256xf32>
    %transpose3A = tpu.transpose %max3A_23, [1, 0] : vector<1024x256xf32> -> vector<256x1024xf32>
    %swap3A = arith.constant 0 : index
    %swap3A_24 = arith.constant 0 : index
    %swap3A_25 = vector.load %arg8[%swap3A, %swap3A_24] : memref<256x1024xf32, #tpu.memory_space<vmem>>, vector<256x1024xf32>
    tpu.vector_store %arg8[%swap3A, %swap3A_24], %transpose3A {strides = array<i32>} : memref<256x1024xf32, #tpu.memory_space<vmem>>, vector<256x1024xf32>,
    %get3A_26 = arith.constant 0 : index
    %get3A_27 = arith.constant 0 : index
    %get3A_28 = vector.load %arg6[%get3A_26, %get3A_27] : memref<512x512xf32, #tpu.memory_space<vmem>>, vector<512x512xf32>
    %dot_general3A_29 = arith.constant dense<0.000000e+00> : vector<1024x512xf32>
    %dot_general3A_30 = tpu.matmul %get3A_1, %get3A_28, %dot_general3A_29 {dimension_numbers = #tpu.dot_dimension_numbers<[1], [0], [0], [1], [0, 0, 1, 1], [], []>, transpose_lhs_hint = false} : vector<1024x512xf32>, vector<512x512xf32>, vector<1024x512xf32> -> vector<1024x512xf32>
    %get3A_31 = arith.constant 0 : index
    %get3A_32 = arith.constant 0 : index
    %get3A_33 = vector.load %arg7[%get3A_31, %get3A_32] : memref<1x512xf32, #tpu.memory_space<vmem>>, vector<1x512xf32>
    %add3A_34 = vector.broadcast %get3A_33 : vector<1x512xf32> to vector<1024x512xf32>
    %add3A_35 = arith.addf %dot_general3A_30, %add3A_34 : vector<1024x512xf32>
    %swap3A_36 = arith.constant 0 : index
    %swap3A_37 = arith.constant 0 : index
    %swap3A_38 = vector.load %arg9[%swap3A_36, %swap3A_37] : memref<1024x512xf32, #tpu.memory_space<vmem>>, vector<1024x512xf32>
    tpu.vector_store %arg9[%swap3A_36, %swap3A_37], %add3A_35 {strides = array<i32>} : memref<1024x512xf32, #tpu.memory_space<vmem>>, vector<1024x512xf32>,
    return
  }
  func.func @transform_0(%arg0: i32) -> (i32, i32) {
    %c0_i32 = arith.constant 0 : i32
    %c0_i32_0 = arith.constant 0 : i32
    return %arg0, %c0_i32 : i32, i32
  }
  func.func @transform_1(%arg0: i32) -> (i32, i32) {
    %c0_i32 = arith.constant 0 : i32
    %c0_i32_0 = arith.constant 0 : i32
    %c0_i32_1 = arith.constant 0 : i32
    return %c0_i32, %c0_i32_0 : i32, i32
  }
  func.func @transform_2(%arg0: i32) -> (i32, i32) {
    %c0_i32 = arith.constant 0 : i32
    %c0_i32_0 = arith.constant 0 : i32
    %c0_i32_1 = arith.constant 0 : i32
    return %c0_i32, %c0_i32_0 : i32, i32
  }
  func.func @transform_3(%arg0: i32) -> (i32, i32) {
    %c0_i32 = arith.constant 0 : i32
    %c0_i32_0 = arith.constant 0 : i32
    %c0_i32_1 = arith.constant 0 : i32
    return %c0_i32, %c0_i32_0 : i32, i32
  }
  func.func @transform_4(%arg0: i32) -> (i32, i32) {
    %c0_i32 = arith.constant 0 : i32
    %c0_i32_0 = arith.constant 0 : i32
    %c0_i32_1 = arith.constant 0 : i32
    return %c0_i32, %c0_i32_0 : i32, i32
  }
  func.func @transform_5(%arg0: i32) -> (i32, i32) {
    %c0_i32 = arith.constant 0 : i32
    %c0_i32_0 = arith.constant 0 : i32
    %c0_i32_1 = arith.constant 0 : i32
    return %c0_i32, %c0_i32_0 : i32, i32
  }
  func.func @transform_6(%arg0: i32) -> (i32, i32) {
    %c0_i32 = arith.constant 0 : i32
    %c0_i32_0 = arith.constant 0 : i32
    %c0_i32_1 = arith.constant 0 : i32
    return %c0_i32, %c0_i32_0 : i32, i32
  }
  func.func @transform_7(%arg0: i32) -> (i32, i32) {
    %c0_i32 = arith.constant 0 : i32
    %c0_i32_0 = arith.constant 0 : i32
    return %c0_i32, %arg0 : i32, i32
  }
  func.func @transform_8(%arg0: i32) -> (i32, i32) {
    %c0_i32 = arith.constant 0 : i32
    %c0_i32_0 = arith.constant 0 : i32
    return %arg0, %c0_i32 : i32, i32
  }
}

module attributes {stable_mosaic.version = 14 : i64} {
  func.func @_shrink_body(%arg0: i32, %arg1: memref<1024x512xf32, #tpu.memory_space<vmem>>, %arg2: memref<1024x16xf32, #tpu.memory_space<vmem>>, %arg3: memref<1024x16xf32, #tpu.memory_space<vmem>>, %arg4: memref<1024x16xf32, #tpu.memory_space<vmem>>, %arg5: memref<8x512xf32, #tpu.memory_space<vmem>>, %arg6: memref<1x512xf32, #tpu.memory_space<vmem>>, %arg7: memref<1x512xf32, #tpu.memory_space<vmem>>, %arg8: memref<1x512xf32, #tpu.memory_space<vmem>>, %arg9: memref<1x1xf32, #tpu.memory_space<vmem>>, %arg10: memref<1024x16xf32, #tpu.memory_space<vmem>>) attributes {dimension_semantics = [#tpu.dimension_semantics<arbitrary>], iteration_bounds = array<i64: 5>, scalar_prefetch = 0 : i64, scratch_operands = 0 : i64, tpu.core_type = #tpu.core_type<tc>, window_params = [{transform_indices = @transform_0, window_bounds = array<i64: 1024, 512>}, {transform_indices = @transform_1, window_bounds = array<i64: 1024, 16>}, {transform_indices = @transform_2, window_bounds = array<i64: 1024, 16>}, {transform_indices = @transform_3, window_bounds = array<i64: 1024, 16>}, {pipeline_mode = #tpu.pipeline_mode<synchronous>, transform_indices = @transform_4, window_bounds = array<i64: 8, 512>}, {pipeline_mode = #tpu.pipeline_mode<synchronous>, transform_indices = @transform_5, window_bounds = array<i64: 1, 512>}, {pipeline_mode = #tpu.pipeline_mode<synchronous>, transform_indices = @transform_6, window_bounds = array<i64: 1, 512>}, {pipeline_mode = #tpu.pipeline_mode<synchronous>, transform_indices = @transform_7, window_bounds = array<i64: 1, 512>}, {pipeline_mode = #tpu.pipeline_mode<synchronous>, transform_indices = @transform_8, window_bounds = array<i64: 1, 1>}, {transform_indices = @transform_9, window_bounds = array<i64: 1024, 16>}]} {
    %get3A = arith.constant 0 : index
    %get3A_0 = arith.constant 0 : index
    %get3A_1 = vector.load %arg6[%get3A, %get3A_0] : memref<1x512xf32, #tpu.memory_space<vmem>>, vector<1x512xf32>
    %mul3A = arith.constant 0.999994993 : f32
    %mul3A_2 = vector.broadcast %mul3A : f32 to vector<1x512xf32>
    %mul3A_3 = arith.mulf %get3A_1, %mul3A_2 : vector<1x512xf32>
    %get3A_4 = arith.constant 0 : index
    %get3A_5 = arith.constant 0 : index
    %get3A_6 = vector.load %arg1[%get3A_4, %get3A_5] : memref<1024x512xf32, #tpu.memory_space<vmem>>, vector<1024x512xf32>
    %mul3A_7 = vector.broadcast %mul3A_3 : vector<1x512xf32> to vector<1024x512xf32>
    %mul3A_8 = arith.mulf %get3A_6, %mul3A_7 : vector<1024x512xf32>
    %get3A_9 = arith.constant 0 : index
    %get3A_10 = arith.constant 0 : index
    %get3A_11 = vector.load %arg7[%get3A_9, %get3A_10] : memref<1x512xf32, #tpu.memory_space<vmem>>, vector<1x512xf32>
    %add3A = vector.broadcast %get3A_11 : vector<1x512xf32> to vector<1024x512xf32>
    %add3A_12 = arith.addf %mul3A_8, %add3A : vector<1024x512xf32>
    %get3A_13 = arith.constant 0 : index
    %get3A_14 = arith.constant 0 : index
    %get3A_15 = vector.load %arg5[%get3A_13, %get3A_14] : memref<8x512xf32, #tpu.memory_space<vmem>>, vector<1x512xf32>
    %mul3A_16 = arith.mulf %get3A_15, %mul3A_3 : vector<1x512xf32>
    %get3A_17 = arith.constant 1 : index
    %get3A_18 = arith.constant 0 : index
    %get3A_19 = vector.load %arg5[%get3A_17, %get3A_18] : memref<8x512xf32, #tpu.memory_space<vmem>>, vector<1x512xf32>
    %mul3A_20 = arith.mulf %get3A_19, %mul3A_3 : vector<1x512xf32>
    %get3A_21 = arith.constant 2 : index
    %get3A_22 = arith.constant 0 : index
    %get3A_23 = vector.load %arg5[%get3A_21, %get3A_22] : memref<8x512xf32, #tpu.memory_space<vmem>>, vector<1x512xf32>
    %mul3A_24 = arith.mulf %get3A_23, %mul3A_3 : vector<1x512xf32>
    %get3A_25 = arith.constant 0 : index
    %get3A_26 = arith.constant 0 : index
    %get3A_27 = vector.load %arg8[%get3A_25, %get3A_26] : memref<1x512xf32, #tpu.memory_space<vmem>>, vector<1x512xf32>
    %get3A_28 = arith.constant 0 : index
    %get3A_29 = arith.constant 0 : index
    %get3A_30 = vector.load %arg2[%get3A_28, %get3A_29] : memref<1024x16xf32, #tpu.memory_space<vmem>>, vector<1024x1xf32>
    %mul3A_31 = vector.broadcast %get3A_30 : vector<1024x1xf32> to vector<1024x512xf32>
    %mul3A_32 = vector.broadcast %mul3A_16 : vector<1x512xf32> to vector<1024x512xf32>
    %mul3A_33 = arith.mulf %mul3A_31, %mul3A_32 : vector<1024x512xf32>
    %get3A_34 = arith.constant 0 : index
    %get3A_35 = arith.constant 0 : index
    %get3A_36 = vector.load %arg3[%get3A_34, %get3A_35] : memref<1024x16xf32, #tpu.memory_space<vmem>>, vector<1024x1xf32>
    %mul3A_37 = vector.broadcast %get3A_36 : vector<1024x1xf32> to vector<1024x512xf32>
    %mul3A_38 = vector.broadcast %mul3A_20 : vector<1x512xf32> to vector<1024x512xf32>
    %mul3A_39 = arith.mulf %mul3A_37, %mul3A_38 : vector<1024x512xf32>
    %add3A_40 = arith.addf %mul3A_33, %mul3A_39 : vector<1024x512xf32>
    %get3A_41 = arith.constant 0 : index
    %get3A_42 = arith.constant 0 : index
    %get3A_43 = vector.load %arg4[%get3A_41, %get3A_42] : memref<1024x16xf32, #tpu.memory_space<vmem>>, vector<1024x1xf32>
    %mul3A_44 = vector.broadcast %get3A_43 : vector<1024x1xf32> to vector<1024x512xf32>
    %mul3A_45 = vector.broadcast %mul3A_24 : vector<1x512xf32> to vector<1024x512xf32>
    %mul3A_46 = arith.mulf %mul3A_44, %mul3A_45 : vector<1024x512xf32>
    %add3A_47 = arith.addf %add3A_40, %mul3A_46 : vector<1024x512xf32>
    %add3A_48 = arith.addf %add3A_12, %add3A_47 : vector<1024x512xf32>
    %max3A = arith.constant 0.000000e+00 : f32
    %max3A_49 = vector.broadcast %max3A : f32 to vector<1024x512xf32>
    %max3A_50 = arith.maximumf %add3A_48, %max3A_49 : vector<1024x512xf32>
    %mul3A_51 = vector.broadcast %get3A_27 : vector<1x512xf32> to vector<1024x512xf32>
    %mul3A_52 = arith.mulf %max3A_50, %mul3A_51 : vector<1024x512xf32>
    %reduce_sum3A = arith.constant dense<0.000000e+00> : vector<1024xf32>
    %reduce_sum3A_53 = vector.multi_reduction <add>, %mul3A_52, %reduce_sum3A [1] : vector<1024x512xf32> to vector<1024xf32>
    %broadcast_in_dim3A = vector.shape_cast %reduce_sum3A_53 : vector<1024xf32> to vector<1024x1xf32>
    %get3A_54 = arith.constant 0 : index
    %get3A_55 = arith.constant 1 : index
    %get3A_56 = vector.load %arg2[%get3A_54, %get3A_55] : memref<1024x16xf32, #tpu.memory_space<vmem>>, vector<1024x1xf32>
    %mul3A_57 = vector.broadcast %get3A_56 : vector<1024x1xf32> to vector<1024x512xf32>
    %mul3A_58 = vector.broadcast %mul3A_16 : vector<1x512xf32> to vector<1024x512xf32>
    %mul3A_59 = arith.mulf %mul3A_57, %mul3A_58 : vector<1024x512xf32>
    %get3A_60 = arith.constant 0 : index
    %get3A_61 = arith.constant 1 : index
    %get3A_62 = vector.load %arg3[%get3A_60, %get3A_61] : memref<1024x16xf32, #tpu.memory_space<vmem>>, vector<1024x1xf32>
    %mul3A_63 = vector.broadcast %get3A_62 : vector<1024x1xf32> to vector<1024x512xf32>
    %mul3A_64 = vector.broadcast %mul3A_20 : vector<1x512xf32> to vector<1024x512xf32>
    %mul3A_65 = arith.mulf %mul3A_63, %mul3A_64 : vector<1024x512xf32>
    %add3A_66 = arith.addf %mul3A_59, %mul3A_65 : vector<1024x512xf32>
    %get3A_67 = arith.constant 0 : index
    %get3A_68 = arith.constant 1 : index
    %get3A_69 = vector.load %arg4[%get3A_67, %get3A_68] : memref<1024x16xf32, #tpu.memory_space<vmem>>, vector<1024x1xf32>
    %mul3A_70 = vector.broadcast %get3A_69 : vector<1024x1xf32> to vector<1024x512xf32>
    %mul3A_71 = vector.broadcast %mul3A_24 : vector<1x512xf32> to vector<1024x512xf32>
    %mul3A_72 = arith.mulf %mul3A_70, %mul3A_71 : vector<1024x512xf32>
    %add3A_73 = arith.addf %add3A_66, %mul3A_72 : vector<1024x512xf32>
    %add3A_74 = arith.addf %add3A_12, %add3A_73 : vector<1024x512xf32>
    %max3A_75 = arith.constant 0.000000e+00 : f32
    %max3A_76 = vector.broadcast %max3A_75 : f32 to vector<1024x512xf32>
    %max3A_77 = arith.maximumf %add3A_74, %max3A_76 : vector<1024x512xf32>
    %mul3A_78 = vector.broadcast %get3A_27 : vector<1x512xf32> to vector<1024x512xf32>
    %mul3A_79 = arith.mulf %max3A_77, %mul3A_78 : vector<1024x512xf32>
    %reduce_sum3A_80 = arith.constant dense<0.000000e+00> : vector<1024xf32>
    %reduce_sum3A_81 = vector.multi_reduction <add>, %mul3A_79, %reduce_sum3A_80 [1] : vector<1024x512xf32> to vector<1024xf32>
    %broadcast_in_dim3A_82 = vector.shape_cast %reduce_sum3A_81 : vector<1024xf32> to vector<1024x1xf32>
    %get3A_83 = arith.constant 0 : index
    %get3A_84 = arith.constant 2 : index
    %get3A_85 = vector.load %arg2[%get3A_83, %get3A_84] : memref<1024x16xf32, #tpu.memory_space<vmem>>, vector<1024x1xf32>
    %mul3A_86 = vector.broadcast %get3A_85 : vector<1024x1xf32> to vector<1024x512xf32>
    %mul3A_87 = vector.broadcast %mul3A_16 : vector<1x512xf32> to vector<1024x512xf32>
    %mul3A_88 = arith.mulf %mul3A_86, %mul3A_87 : vector<1024x512xf32>
    %get3A_89 = arith.constant 0 : index
    %get3A_90 = arith.constant 2 : index
    %get3A_91 = vector.load %arg3[%get3A_89, %get3A_90] : memref<1024x16xf32, #tpu.memory_space<vmem>>, vector<1024x1xf32>
    %mul3A_92 = vector.broadcast %get3A_91 : vector<1024x1xf32> to vector<1024x512xf32>
    %mul3A_93 = vector.broadcast %mul3A_20 : vector<1x512xf32> to vector<1024x512xf32>
    %mul3A_94 = arith.mulf %mul3A_92, %mul3A_93 : vector<1024x512xf32>
    %add3A_95 = arith.addf %mul3A_88, %mul3A_94 : vector<1024x512xf32>
    %get3A_96 = arith.constant 0 : index
    %get3A_97 = arith.constant 2 : index
    %get3A_98 = vector.load %arg4[%get3A_96, %get3A_97] : memref<1024x16xf32, #tpu.memory_space<vmem>>, vector<1024x1xf32>
    %mul3A_99 = vector.broadcast %get3A_98 : vector<1024x1xf32> to vector<1024x512xf32>
    %mul3A_100 = vector.broadcast %mul3A_24 : vector<1x512xf32> to vector<1024x512xf32>
    %mul3A_101 = arith.mulf %mul3A_99, %mul3A_100 : vector<1024x512xf32>
    %add3A_102 = arith.addf %add3A_95, %mul3A_101 : vector<1024x512xf32>
    %add3A_103 = arith.addf %add3A_12, %add3A_102 : vector<1024x512xf32>
    %max3A_104 = arith.constant 0.000000e+00 : f32
    %max3A_105 = vector.broadcast %max3A_104 : f32 to vector<1024x512xf32>
    %max3A_106 = arith.maximumf %add3A_103, %max3A_105 : vector<1024x512xf32>
    %mul3A_107 = vector.broadcast %get3A_27 : vector<1x512xf32> to vector<1024x512xf32>
    %mul3A_108 = arith.mulf %max3A_106, %mul3A_107 : vector<1024x512xf32>
    %reduce_sum3A_109 = arith.constant dense<0.000000e+00> : vector<1024xf32>
    %reduce_sum3A_110 = vector.multi_reduction <add>, %mul3A_108, %reduce_sum3A_109 [1] : vector<1024x512xf32> to vector<1024xf32>
    %broadcast_in_dim3A_111 = vector.shape_cast %reduce_sum3A_110 : vector<1024xf32> to vector<1024x1xf32>
    %get3A_112 = arith.constant 0 : index
    %get3A_113 = arith.constant 3 : index
    %get3A_114 = vector.load %arg2[%get3A_112, %get3A_113] : memref<1024x16xf32, #tpu.memory_space<vmem>>, vector<1024x1xf32>
    %mul3A_115 = vector.broadcast %get3A_114 : vector<1024x1xf32> to vector<1024x512xf32>
    %mul3A_116 = vector.broadcast %mul3A_16 : vector<1x512xf32> to vector<1024x512xf32>
    %mul3A_117 = arith.mulf %mul3A_115, %mul3A_116 : vector<1024x512xf32>
    %get3A_118 = arith.constant 0 : index
    %get3A_119 = arith.constant 3 : index
    %get3A_120 = vector.load %arg3[%get3A_118, %get3A_119] : memref<1024x16xf32, #tpu.memory_space<vmem>>, vector<1024x1xf32>
    %mul3A_121 = vector.broadcast %get3A_120 : vector<1024x1xf32> to vector<1024x512xf32>
    %mul3A_122 = vector.broadcast %mul3A_20 : vector<1x512xf32> to vector<1024x512xf32>
    %mul3A_123 = arith.mulf %mul3A_121, %mul3A_122 : vector<1024x512xf32>
    %add3A_124 = arith.addf %mul3A_117, %mul3A_123 : vector<1024x512xf32>
    %get3A_125 = arith.constant 0 : index
    %get3A_126 = arith.constant 3 : index
    %get3A_127 = vector.load %arg4[%get3A_125, %get3A_126] : memref<1024x16xf32, #tpu.memory_space<vmem>>, vector<1024x1xf32>
    %mul3A_128 = vector.broadcast %get3A_127 : vector<1024x1xf32> to vector<1024x512xf32>
    %mul3A_129 = vector.broadcast %mul3A_24 : vector<1x512xf32> to vector<1024x512xf32>
    %mul3A_130 = arith.mulf %mul3A_128, %mul3A_129 : vector<1024x512xf32>
    %add3A_131 = arith.addf %add3A_124, %mul3A_130 : vector<1024x512xf32>
    %add3A_132 = arith.addf %add3A_12, %add3A_131 : vector<1024x512xf32>
    %max3A_133 = arith.constant 0.000000e+00 : f32
    %max3A_134 = vector.broadcast %max3A_133 : f32 to vector<1024x512xf32>
    %max3A_135 = arith.maximumf %add3A_132, %max3A_134 : vector<1024x512xf32>
    %mul3A_136 = vector.broadcast %get3A_27 : vector<1x512xf32> to vector<1024x512xf32>
    %mul3A_137 = arith.mulf %max3A_135, %mul3A_136 : vector<1024x512xf32>
    %reduce_sum3A_138 = arith.constant dense<0.000000e+00> : vector<1024xf32>
    %reduce_sum3A_139 = vector.multi_reduction <add>, %mul3A_137, %reduce_sum3A_138 [1] : vector<1024x512xf32> to vector<1024xf32>
    %broadcast_in_dim3A_140 = vector.shape_cast %reduce_sum3A_139 : vector<1024xf32> to vector<1024x1xf32>
    %get3A_141 = arith.constant 0 : index
    %get3A_142 = arith.constant 4 : index
    %get3A_143 = vector.load %arg2[%get3A_141, %get3A_142] : memref<1024x16xf32, #tpu.memory_space<vmem>>, vector<1024x1xf32>
    %mul3A_144 = vector.broadcast %get3A_143 : vector<1024x1xf32> to vector<1024x512xf32>
    %mul3A_145 = vector.broadcast %mul3A_16 : vector<1x512xf32> to vector<1024x512xf32>
    %mul3A_146 = arith.mulf %mul3A_144, %mul3A_145 : vector<1024x512xf32>
    %get3A_147 = arith.constant 0 : index
    %get3A_148 = arith.constant 4 : index
    %get3A_149 = vector.load %arg3[%get3A_147, %get3A_148] : memref<1024x16xf32, #tpu.memory_space<vmem>>, vector<1024x1xf32>
    %mul3A_150 = vector.broadcast %get3A_149 : vector<1024x1xf32> to vector<1024x512xf32>
    %mul3A_151 = vector.broadcast %mul3A_20 : vector<1x512xf32> to vector<1024x512xf32>
    %mul3A_152 = arith.mulf %mul3A_150, %mul3A_151 : vector<1024x512xf32>
    %add3A_153 = arith.addf %mul3A_146, %mul3A_152 : vector<1024x512xf32>
    %get3A_154 = arith.constant 0 : index
    %get3A_155 = arith.constant 4 : index
    %get3A_156 = vector.load %arg4[%get3A_154, %get3A_155] : memref<1024x16xf32, #tpu.memory_space<vmem>>, vector<1024x1xf32>
    %mul3A_157 = vector.broadcast %get3A_156 : vector<1024x1xf32> to vector<1024x512xf32>
    %mul3A_158 = vector.broadcast %mul3A_24 : vector<1x512xf32> to vector<1024x512xf32>
    %mul3A_159 = arith.mulf %mul3A_157, %mul3A_158 : vector<1024x512xf32>
    %add3A_160 = arith.addf %add3A_153, %mul3A_159 : vector<1024x512xf32>
    %add3A_161 = arith.addf %add3A_12, %add3A_160 : vector<1024x512xf32>
    %max3A_162 = arith.constant 0.000000e+00 : f32
    %max3A_163 = vector.broadcast %max3A_162 : f32 to vector<1024x512xf32>
    %max3A_164 = arith.maximumf %add3A_161, %max3A_163 : vector<1024x512xf32>
    %mul3A_165 = vector.broadcast %get3A_27 : vector<1x512xf32> to vector<1024x512xf32>
    %mul3A_166 = arith.mulf %max3A_164, %mul3A_165 : vector<1024x512xf32>
    %reduce_sum3A_167 = arith.constant dense<0.000000e+00> : vector<1024xf32>
    %reduce_sum3A_168 = vector.multi_reduction <add>, %mul3A_166, %reduce_sum3A_167 [1] : vector<1024x512xf32> to vector<1024xf32>
    %broadcast_in_dim3A_169 = vector.shape_cast %reduce_sum3A_168 : vector<1024xf32> to vector<1024x1xf32>
    %get3A_170 = arith.constant 0 : index
    %get3A_171 = arith.constant 5 : index
    %get3A_172 = vector.load %arg2[%get3A_170, %get3A_171] : memref<1024x16xf32, #tpu.memory_space<vmem>>, vector<1024x1xf32>
    %mul3A_173 = vector.broadcast %get3A_172 : vector<1024x1xf32> to vector<1024x512xf32>
    %mul3A_174 = vector.broadcast %mul3A_16 : vector<1x512xf32> to vector<1024x512xf32>
    %mul3A_175 = arith.mulf %mul3A_173, %mul3A_174 : vector<1024x512xf32>
    %get3A_176 = arith.constant 0 : index
    %get3A_177 = arith.constant 5 : index
    %get3A_178 = vector.load %arg3[%get3A_176, %get3A_177] : memref<1024x16xf32, #tpu.memory_space<vmem>>, vector<1024x1xf32>
    %mul3A_179 = vector.broadcast %get3A_178 : vector<1024x1xf32> to vector<1024x512xf32>
    %mul3A_180 = vector.broadcast %mul3A_20 : vector<1x512xf32> to vector<1024x512xf32>
    %mul3A_181 = arith.mulf %mul3A_179, %mul3A_180 : vector<1024x512xf32>
    %add3A_182 = arith.addf %mul3A_175, %mul3A_181 : vector<1024x512xf32>
    %get3A_183 = arith.constant 0 : index
    %get3A_184 = arith.constant 5 : index
    %get3A_185 = vector.load %arg4[%get3A_183, %get3A_184] : memref<1024x16xf32, #tpu.memory_space<vmem>>, vector<1024x1xf32>
    %mul3A_186 = vector.broadcast %get3A_185 : vector<1024x1xf32> to vector<1024x512xf32>
    %mul3A_187 = vector.broadcast %mul3A_24 : vector<1x512xf32> to vector<1024x512xf32>
    %mul3A_188 = arith.mulf %mul3A_186, %mul3A_187 : vector<1024x512xf32>
    %add3A_189 = arith.addf %add3A_182, %mul3A_188 : vector<1024x512xf32>
    %add3A_190 = arith.addf %add3A_12, %add3A_189 : vector<1024x512xf32>
    %max3A_191 = arith.constant 0.000000e+00 : f32
    %max3A_192 = vector.broadcast %max3A_191 : f32 to vector<1024x512xf32>
    %max3A_193 = arith.maximumf %add3A_190, %max3A_192 : vector<1024x512xf32>
    %mul3A_194 = vector.broadcast %get3A_27 : vector<1x512xf32> to vector<1024x512xf32>
    %mul3A_195 = arith.mulf %max3A_193, %mul3A_194 : vector<1024x512xf32>
    %reduce_sum3A_196 = arith.constant dense<0.000000e+00> : vector<1024xf32>
    %reduce_sum3A_197 = vector.multi_reduction <add>, %mul3A_195, %reduce_sum3A_196 [1] : vector<1024x512xf32> to vector<1024xf32>
    %broadcast_in_dim3A_198 = vector.shape_cast %reduce_sum3A_197 : vector<1024xf32> to vector<1024x1xf32>
    %get3A_199 = arith.constant 0 : index
    %get3A_200 = arith.constant 6 : index
    %get3A_201 = vector.load %arg2[%get3A_199, %get3A_200] : memref<1024x16xf32, #tpu.memory_space<vmem>>, vector<1024x1xf32>
    %mul3A_202 = vector.broadcast %get3A_201 : vector<1024x1xf32> to vector<1024x512xf32>
    %mul3A_203 = vector.broadcast %mul3A_16 : vector<1x512xf32> to vector<1024x512xf32>
    %mul3A_204 = arith.mulf %mul3A_202, %mul3A_203 : vector<1024x512xf32>
    %get3A_205 = arith.constant 0 : index
    %get3A_206 = arith.constant 6 : index
    %get3A_207 = vector.load %arg3[%get3A_205, %get3A_206] : memref<1024x16xf32, #tpu.memory_space<vmem>>, vector<1024x1xf32>
    %mul3A_208 = vector.broadcast %get3A_207 : vector<1024x1xf32> to vector<1024x512xf32>
    %mul3A_209 = vector.broadcast %mul3A_20 : vector<1x512xf32> to vector<1024x512xf32>
    %mul3A_210 = arith.mulf %mul3A_208, %mul3A_209 : vector<1024x512xf32>
    %add3A_211 = arith.addf %mul3A_204, %mul3A_210 : vector<1024x512xf32>
    %get3A_212 = arith.constant 0 : index
    %get3A_213 = arith.constant 6 : index
    %get3A_214 = vector.load %arg4[%get3A_212, %get3A_213] : memref<1024x16xf32, #tpu.memory_space<vmem>>, vector<1024x1xf32>
    %mul3A_215 = vector.broadcast %get3A_214 : vector<1024x1xf32> to vector<1024x512xf32>
    %mul3A_216 = vector.broadcast %mul3A_24 : vector<1x512xf32> to vector<1024x512xf32>
    %mul3A_217 = arith.mulf %mul3A_215, %mul3A_216 : vector<1024x512xf32>
    %add3A_218 = arith.addf %add3A_211, %mul3A_217 : vector<1024x512xf32>
    %add3A_219 = arith.addf %add3A_12, %add3A_218 : vector<1024x512xf32>
    %max3A_220 = arith.constant 0.000000e+00 : f32
    %max3A_221 = vector.broadcast %max3A_220 : f32 to vector<1024x512xf32>
    %max3A_222 = arith.maximumf %add3A_219, %max3A_221 : vector<1024x512xf32>
    %mul3A_223 = vector.broadcast %get3A_27 : vector<1x512xf32> to vector<1024x512xf32>
    %mul3A_224 = arith.mulf %max3A_222, %mul3A_223 : vector<1024x512xf32>
    %reduce_sum3A_225 = arith.constant dense<0.000000e+00> : vector<1024xf32>
    %reduce_sum3A_226 = vector.multi_reduction <add>, %mul3A_224, %reduce_sum3A_225 [1] : vector<1024x512xf32> to vector<1024xf32>
    %broadcast_in_dim3A_227 = vector.shape_cast %reduce_sum3A_226 : vector<1024xf32> to vector<1024x1xf32>
    %get3A_228 = arith.constant 0 : index
    %get3A_229 = arith.constant 7 : index
    %get3A_230 = vector.load %arg2[%get3A_228, %get3A_229] : memref<1024x16xf32, #tpu.memory_space<vmem>>, vector<1024x1xf32>
    %mul3A_231 = vector.broadcast %get3A_230 : vector<1024x1xf32> to vector<1024x512xf32>
    %mul3A_232 = vector.broadcast %mul3A_16 : vector<1x512xf32> to vector<1024x512xf32>
    %mul3A_233 = arith.mulf %mul3A_231, %mul3A_232 : vector<1024x512xf32>
    %get3A_234 = arith.constant 0 : index
    %get3A_235 = arith.constant 7 : index
    %get3A_236 = vector.load %arg3[%get3A_234, %get3A_235] : memref<1024x16xf32, #tpu.memory_space<vmem>>, vector<1024x1xf32>
    %mul3A_237 = vector.broadcast %get3A_236 : vector<1024x1xf32> to vector<1024x512xf32>
    %mul3A_238 = vector.broadcast %mul3A_20 : vector<1x512xf32> to vector<1024x512xf32>
    %mul3A_239 = arith.mulf %mul3A_237, %mul3A_238 : vector<1024x512xf32>
    %add3A_240 = arith.addf %mul3A_233, %mul3A_239 : vector<1024x512xf32>
    %get3A_241 = arith.constant 0 : index
    %get3A_242 = arith.constant 7 : index
    %get3A_243 = vector.load %arg4[%get3A_241, %get3A_242] : memref<1024x16xf32, #tpu.memory_space<vmem>>, vector<1024x1xf32>
    %mul3A_244 = vector.broadcast %get3A_243 : vector<1024x1xf32> to vector<1024x512xf32>
    %mul3A_245 = vector.broadcast %mul3A_24 : vector<1x512xf32> to vector<1024x512xf32>
    %mul3A_246 = arith.mulf %mul3A_244, %mul3A_245 : vector<1024x512xf32>
    %add3A_247 = arith.addf %add3A_240, %mul3A_246 : vector<1024x512xf32>
    %add3A_248 = arith.addf %add3A_12, %add3A_247 : vector<1024x512xf32>
    %max3A_249 = arith.constant 0.000000e+00 : f32
    %max3A_250 = vector.broadcast %max3A_249 : f32 to vector<1024x512xf32>
    %max3A_251 = arith.maximumf %add3A_248, %max3A_250 : vector<1024x512xf32>
    %mul3A_252 = vector.broadcast %get3A_27 : vector<1x512xf32> to vector<1024x512xf32>
    %mul3A_253 = arith.mulf %max3A_251, %mul3A_252 : vector<1024x512xf32>
    %reduce_sum3A_254 = arith.constant dense<0.000000e+00> : vector<1024xf32>
    %reduce_sum3A_255 = vector.multi_reduction <add>, %mul3A_253, %reduce_sum3A_254 [1] : vector<1024x512xf32> to vector<1024xf32>
    %broadcast_in_dim3A_256 = vector.shape_cast %reduce_sum3A_255 : vector<1024xf32> to vector<1024x1xf32>
    %get3A_257 = arith.constant 0 : index
    %get3A_258 = arith.constant 8 : index
    %get3A_259 = vector.load %arg2[%get3A_257, %get3A_258] : memref<1024x16xf32, #tpu.memory_space<vmem>>, vector<1024x1xf32>
    %mul3A_260 = vector.broadcast %get3A_259 : vector<1024x1xf32> to vector<1024x512xf32>
    %mul3A_261 = vector.broadcast %mul3A_16 : vector<1x512xf32> to vector<1024x512xf32>
    %mul3A_262 = arith.mulf %mul3A_260, %mul3A_261 : vector<1024x512xf32>
    %get3A_263 = arith.constant 0 : index
    %get3A_264 = arith.constant 8 : index
    %get3A_265 = vector.load %arg3[%get3A_263, %get3A_264] : memref<1024x16xf32, #tpu.memory_space<vmem>>, vector<1024x1xf32>
    %mul3A_266 = vector.broadcast %get3A_265 : vector<1024x1xf32> to vector<1024x512xf32>
    %mul3A_267 = vector.broadcast %mul3A_20 : vector<1x512xf32> to vector<1024x512xf32>
    %mul3A_268 = arith.mulf %mul3A_266, %mul3A_267 : vector<1024x512xf32>
    %add3A_269 = arith.addf %mul3A_262, %mul3A_268 : vector<1024x512xf32>
    %get3A_270 = arith.constant 0 : index
    %get3A_271 = arith.constant 8 : index
    %get3A_272 = vector.load %arg4[%get3A_270, %get3A_271] : memref<1024x16xf32, #tpu.memory_space<vmem>>, vector<1024x1xf32>
    %mul3A_273 = vector.broadcast %get3A_272 : vector<1024x1xf32> to vector<1024x512xf32>
    %mul3A_274 = vector.broadcast %mul3A_24 : vector<1x512xf32> to vector<1024x512xf32>
    %mul3A_275 = arith.mulf %mul3A_273, %mul3A_274 : vector<1024x512xf32>
    %add3A_276 = arith.addf %add3A_269, %mul3A_275 : vector<1024x512xf32>
    %add3A_277 = arith.addf %add3A_12, %add3A_276 : vector<1024x512xf32>
    %max3A_278 = arith.constant 0.000000e+00 : f32
    %max3A_279 = vector.broadcast %max3A_278 : f32 to vector<1024x512xf32>
    %max3A_280 = arith.maximumf %add3A_277, %max3A_279 : vector<1024x512xf32>
    %mul3A_281 = vector.broadcast %get3A_27 : vector<1x512xf32> to vector<1024x512xf32>
    %mul3A_282 = arith.mulf %max3A_280, %mul3A_281 : vector<1024x512xf32>
    %reduce_sum3A_283 = arith.constant dense<0.000000e+00> : vector<1024xf32>
    %reduce_sum3A_284 = vector.multi_reduction <add>, %mul3A_282, %reduce_sum3A_283 [1] : vector<1024x512xf32> to vector<1024xf32>
    %broadcast_in_dim3A_285 = vector.shape_cast %reduce_sum3A_284 : vector<1024xf32> to vector<1024x1xf32>
    %get3A_286 = arith.constant 0 : index
    %get3A_287 = arith.constant 9 : index
    %get3A_288 = vector.load %arg2[%get3A_286, %get3A_287] : memref<1024x16xf32, #tpu.memory_space<vmem>>, vector<1024x1xf32>
    %mul3A_289 = vector.broadcast %get3A_288 : vector<1024x1xf32> to vector<1024x512xf32>
    %mul3A_290 = vector.broadcast %mul3A_16 : vector<1x512xf32> to vector<1024x512xf32>
    %mul3A_291 = arith.mulf %mul3A_289, %mul3A_290 : vector<1024x512xf32>
    %get3A_292 = arith.constant 0 : index
    %get3A_293 = arith.constant 9 : index
    %get3A_294 = vector.load %arg3[%get3A_292, %get3A_293] : memref<1024x16xf32, #tpu.memory_space<vmem>>, vector<1024x1xf32>
    %mul3A_295 = vector.broadcast %get3A_294 : vector<1024x1xf32> to vector<1024x512xf32>
    %mul3A_296 = vector.broadcast %mul3A_20 : vector<1x512xf32> to vector<1024x512xf32>
    %mul3A_297 = arith.mulf %mul3A_295, %mul3A_296 : vector<1024x512xf32>
    %add3A_298 = arith.addf %mul3A_291, %mul3A_297 : vector<1024x512xf32>
    %get3A_299 = arith.constant 0 : index
    %get3A_300 = arith.constant 9 : index
    %get3A_301 = vector.load %arg4[%get3A_299, %get3A_300] : memref<1024x16xf32, #tpu.memory_space<vmem>>, vector<1024x1xf32>
    %mul3A_302 = vector.broadcast %get3A_301 : vector<1024x1xf32> to vector<1024x512xf32>
    %mul3A_303 = vector.broadcast %mul3A_24 : vector<1x512xf32> to vector<1024x512xf32>
    %mul3A_304 = arith.mulf %mul3A_302, %mul3A_303 : vector<1024x512xf32>
    %add3A_305 = arith.addf %add3A_298, %mul3A_304 : vector<1024x512xf32>
    %add3A_306 = arith.addf %add3A_12, %add3A_305 : vector<1024x512xf32>
    %max3A_307 = arith.constant 0.000000e+00 : f32
    %max3A_308 = vector.broadcast %max3A_307 : f32 to vector<1024x512xf32>
    %max3A_309 = arith.maximumf %add3A_306, %max3A_308 : vector<1024x512xf32>
    %mul3A_310 = vector.broadcast %get3A_27 : vector<1x512xf32> to vector<1024x512xf32>
    %mul3A_311 = arith.mulf %max3A_309, %mul3A_310 : vector<1024x512xf32>
    %reduce_sum3A_312 = arith.constant dense<0.000000e+00> : vector<1024xf32>
    %reduce_sum3A_313 = vector.multi_reduction <add>, %mul3A_311, %reduce_sum3A_312 [1] : vector<1024x512xf32> to vector<1024xf32>
    %broadcast_in_dim3A_314 = vector.shape_cast %reduce_sum3A_313 : vector<1024xf32> to vector<1024x1xf32>
    %get3A_315 = arith.constant 0 : index
    %get3A_316 = arith.constant 10 : index
    %get3A_317 = vector.load %arg2[%get3A_315, %get3A_316] : memref<1024x16xf32, #tpu.memory_space<vmem>>, vector<1024x1xf32>
    %mul3A_318 = vector.broadcast %get3A_317 : vector<1024x1xf32> to vector<1024x512xf32>
    %mul3A_319 = vector.broadcast %mul3A_16 : vector<1x512xf32> to vector<1024x512xf32>
    %mul3A_320 = arith.mulf %mul3A_318, %mul3A_319 : vector<1024x512xf32>
    %get3A_321 = arith.constant 0 : index
    %get3A_322 = arith.constant 10 : index
    %get3A_323 = vector.load %arg3[%get3A_321, %get3A_322] : memref<1024x16xf32, #tpu.memory_space<vmem>>, vector<1024x1xf32>
    %mul3A_324 = vector.broadcast %get3A_323 : vector<1024x1xf32> to vector<1024x512xf32>
    %mul3A_325 = vector.broadcast %mul3A_20 : vector<1x512xf32> to vector<1024x512xf32>
    %mul3A_326 = arith.mulf %mul3A_324, %mul3A_325 : vector<1024x512xf32>
    %add3A_327 = arith.addf %mul3A_320, %mul3A_326 : vector<1024x512xf32>
    %get3A_328 = arith.constant 0 : index
    %get3A_329 = arith.constant 10 : index
    %get3A_330 = vector.load %arg4[%get3A_328, %get3A_329] : memref<1024x16xf32, #tpu.memory_space<vmem>>, vector<1024x1xf32>
    %mul3A_331 = vector.broadcast %get3A_330 : vector<1024x1xf32> to vector<1024x512xf32>
    %mul3A_332 = vector.broadcast %mul3A_24 : vector<1x512xf32> to vector<1024x512xf32>
    %mul3A_333 = arith.mulf %mul3A_331, %mul3A_332 : vector<1024x512xf32>
    %add3A_334 = arith.addf %add3A_327, %mul3A_333 : vector<1024x512xf32>
    %add3A_335 = arith.addf %add3A_12, %add3A_334 : vector<1024x512xf32>
    %max3A_336 = arith.constant 0.000000e+00 : f32
    %max3A_337 = vector.broadcast %max3A_336 : f32 to vector<1024x512xf32>
    %max3A_338 = arith.maximumf %add3A_335, %max3A_337 : vector<1024x512xf32>
    %mul3A_339 = vector.broadcast %get3A_27 : vector<1x512xf32> to vector<1024x512xf32>
    %mul3A_340 = arith.mulf %max3A_338, %mul3A_339 : vector<1024x512xf32>
    %reduce_sum3A_341 = arith.constant dense<0.000000e+00> : vector<1024xf32>
    %reduce_sum3A_342 = vector.multi_reduction <add>, %mul3A_340, %reduce_sum3A_341 [1] : vector<1024x512xf32> to vector<1024xf32>
    %broadcast_in_dim3A_343 = vector.shape_cast %reduce_sum3A_342 : vector<1024xf32> to vector<1024x1xf32>
    %get3A_344 = arith.constant 0 : index
    %get3A_345 = arith.constant 11 : index
    %get3A_346 = vector.load %arg2[%get3A_344, %get3A_345] : memref<1024x16xf32, #tpu.memory_space<vmem>>, vector<1024x1xf32>
    %mul3A_347 = vector.broadcast %get3A_346 : vector<1024x1xf32> to vector<1024x512xf32>
    %mul3A_348 = vector.broadcast %mul3A_16 : vector<1x512xf32> to vector<1024x512xf32>
    %mul3A_349 = arith.mulf %mul3A_347, %mul3A_348 : vector<1024x512xf32>
    %get3A_350 = arith.constant 0 : index
    %get3A_351 = arith.constant 11 : index
    %get3A_352 = vector.load %arg3[%get3A_350, %get3A_351] : memref<1024x16xf32, #tpu.memory_space<vmem>>, vector<1024x1xf32>
    %mul3A_353 = vector.broadcast %get3A_352 : vector<1024x1xf32> to vector<1024x512xf32>
    %mul3A_354 = vector.broadcast %mul3A_20 : vector<1x512xf32> to vector<1024x512xf32>
    %mul3A_355 = arith.mulf %mul3A_353, %mul3A_354 : vector<1024x512xf32>
    %add3A_356 = arith.addf %mul3A_349, %mul3A_355 : vector<1024x512xf32>
    %get3A_357 = arith.constant 0 : index
    %get3A_358 = arith.constant 11 : index
    %get3A_359 = vector.load %arg4[%get3A_357, %get3A_358] : memref<1024x16xf32, #tpu.memory_space<vmem>>, vector<1024x1xf32>
    %mul3A_360 = vector.broadcast %get3A_359 : vector<1024x1xf32> to vector<1024x512xf32>
    %mul3A_361 = vector.broadcast %mul3A_24 : vector<1x512xf32> to vector<1024x512xf32>
    %mul3A_362 = arith.mulf %mul3A_360, %mul3A_361 : vector<1024x512xf32>
    %add3A_363 = arith.addf %add3A_356, %mul3A_362 : vector<1024x512xf32>
    %add3A_364 = arith.addf %add3A_12, %add3A_363 : vector<1024x512xf32>
    %max3A_365 = arith.constant 0.000000e+00 : f32
    %max3A_366 = vector.broadcast %max3A_365 : f32 to vector<1024x512xf32>
    %max3A_367 = arith.maximumf %add3A_364, %max3A_366 : vector<1024x512xf32>
    %mul3A_368 = vector.broadcast %get3A_27 : vector<1x512xf32> to vector<1024x512xf32>
    %mul3A_369 = arith.mulf %max3A_367, %mul3A_368 : vector<1024x512xf32>
    %reduce_sum3A_370 = arith.constant dense<0.000000e+00> : vector<1024xf32>
    %reduce_sum3A_371 = vector.multi_reduction <add>, %mul3A_369, %reduce_sum3A_370 [1] : vector<1024x512xf32> to vector<1024xf32>
    %broadcast_in_dim3A_372 = vector.shape_cast %reduce_sum3A_371 : vector<1024xf32> to vector<1024x1xf32>
    %get3A_373 = arith.constant 0 : index
    %get3A_374 = arith.constant 12 : index
    %get3A_375 = vector.load %arg2[%get3A_373, %get3A_374] : memref<1024x16xf32, #tpu.memory_space<vmem>>, vector<1024x1xf32>
    %mul3A_376 = vector.broadcast %get3A_375 : vector<1024x1xf32> to vector<1024x512xf32>
    %mul3A_377 = vector.broadcast %mul3A_16 : vector<1x512xf32> to vector<1024x512xf32>
    %mul3A_378 = arith.mulf %mul3A_376, %mul3A_377 : vector<1024x512xf32>
    %get3A_379 = arith.constant 0 : index
    %get3A_380 = arith.constant 12 : index
    %get3A_381 = vector.load %arg3[%get3A_379, %get3A_380] : memref<1024x16xf32, #tpu.memory_space<vmem>>, vector<1024x1xf32>
    %mul3A_382 = vector.broadcast %get3A_381 : vector<1024x1xf32> to vector<1024x512xf32>
    %mul3A_383 = vector.broadcast %mul3A_20 : vector<1x512xf32> to vector<1024x512xf32>
    %mul3A_384 = arith.mulf %mul3A_382, %mul3A_383 : vector<1024x512xf32>
    %add3A_385 = arith.addf %mul3A_378, %mul3A_384 : vector<1024x512xf32>
    %get3A_386 = arith.constant 0 : index
    %get3A_387 = arith.constant 12 : index
    %get3A_388 = vector.load %arg4[%get3A_386, %get3A_387] : memref<1024x16xf32, #tpu.memory_space<vmem>>, vector<1024x1xf32>
    %mul3A_389 = vector.broadcast %get3A_388 : vector<1024x1xf32> to vector<1024x512xf32>
    %mul3A_390 = vector.broadcast %mul3A_24 : vector<1x512xf32> to vector<1024x512xf32>
    %mul3A_391 = arith.mulf %mul3A_389, %mul3A_390 : vector<1024x512xf32>
    %add3A_392 = arith.addf %add3A_385, %mul3A_391 : vector<1024x512xf32>
    %add3A_393 = arith.addf %add3A_12, %add3A_392 : vector<1024x512xf32>
    %max3A_394 = arith.constant 0.000000e+00 : f32
    %max3A_395 = vector.broadcast %max3A_394 : f32 to vector<1024x512xf32>
    %max3A_396 = arith.maximumf %add3A_393, %max3A_395 : vector<1024x512xf32>
    %mul3A_397 = vector.broadcast %get3A_27 : vector<1x512xf32> to vector<1024x512xf32>
    %mul3A_398 = arith.mulf %max3A_396, %mul3A_397 : vector<1024x512xf32>
    %reduce_sum3A_399 = arith.constant dense<0.000000e+00> : vector<1024xf32>
    %reduce_sum3A_400 = vector.multi_reduction <add>, %mul3A_398, %reduce_sum3A_399 [1] : vector<1024x512xf32> to vector<1024xf32>
    %broadcast_in_dim3A_401 = vector.shape_cast %reduce_sum3A_400 : vector<1024xf32> to vector<1024x1xf32>
    %get3A_402 = arith.constant 0 : index
    %get3A_403 = arith.constant 13 : index
    %get3A_404 = vector.load %arg2[%get3A_402, %get3A_403] : memref<1024x16xf32, #tpu.memory_space<vmem>>, vector<1024x1xf32>
    %mul3A_405 = vector.broadcast %get3A_404 : vector<1024x1xf32> to vector<1024x512xf32>
    %mul3A_406 = vector.broadcast %mul3A_16 : vector<1x512xf32> to vector<1024x512xf32>
    %mul3A_407 = arith.mulf %mul3A_405, %mul3A_406 : vector<1024x512xf32>
    %get3A_408 = arith.constant 0 : index
    %get3A_409 = arith.constant 13 : index
    %get3A_410 = vector.load %arg3[%get3A_408, %get3A_409] : memref<1024x16xf32, #tpu.memory_space<vmem>>, vector<1024x1xf32>
    %mul3A_411 = vector.broadcast %get3A_410 : vector<1024x1xf32> to vector<1024x512xf32>
    %mul3A_412 = vector.broadcast %mul3A_20 : vector<1x512xf32> to vector<1024x512xf32>
    %mul3A_413 = arith.mulf %mul3A_411, %mul3A_412 : vector<1024x512xf32>
    %add3A_414 = arith.addf %mul3A_407, %mul3A_413 : vector<1024x512xf32>
    %get3A_415 = arith.constant 0 : index
    %get3A_416 = arith.constant 13 : index
    %get3A_417 = vector.load %arg4[%get3A_415, %get3A_416] : memref<1024x16xf32, #tpu.memory_space<vmem>>, vector<1024x1xf32>
    %mul3A_418 = vector.broadcast %get3A_417 : vector<1024x1xf32> to vector<1024x512xf32>
    %mul3A_419 = vector.broadcast %mul3A_24 : vector<1x512xf32> to vector<1024x512xf32>
    %mul3A_420 = arith.mulf %mul3A_418, %mul3A_419 : vector<1024x512xf32>
    %add3A_421 = arith.addf %add3A_414, %mul3A_420 : vector<1024x512xf32>
    %add3A_422 = arith.addf %add3A_12, %add3A_421 : vector<1024x512xf32>
    %max3A_423 = arith.constant 0.000000e+00 : f32
    %max3A_424 = vector.broadcast %max3A_423 : f32 to vector<1024x512xf32>
    %max3A_425 = arith.maximumf %add3A_422, %max3A_424 : vector<1024x512xf32>
    %mul3A_426 = vector.broadcast %get3A_27 : vector<1x512xf32> to vector<1024x512xf32>
    %mul3A_427 = arith.mulf %max3A_425, %mul3A_426 : vector<1024x512xf32>
    %reduce_sum3A_428 = arith.constant dense<0.000000e+00> : vector<1024xf32>
    %reduce_sum3A_429 = vector.multi_reduction <add>, %mul3A_427, %reduce_sum3A_428 [1] : vector<1024x512xf32> to vector<1024xf32>
    %broadcast_in_dim3A_430 = vector.shape_cast %reduce_sum3A_429 : vector<1024xf32> to vector<1024x1xf32>
    %get3A_431 = arith.constant 0 : index
    %get3A_432 = arith.constant 14 : index
    %get3A_433 = vector.load %arg2[%get3A_431, %get3A_432] : memref<1024x16xf32, #tpu.memory_space<vmem>>, vector<1024x1xf32>
    %mul3A_434 = vector.broadcast %get3A_433 : vector<1024x1xf32> to vector<1024x512xf32>
    %mul3A_435 = vector.broadcast %mul3A_16 : vector<1x512xf32> to vector<1024x512xf32>
    %mul3A_436 = arith.mulf %mul3A_434, %mul3A_435 : vector<1024x512xf32>
    %get3A_437 = arith.constant 0 : index
    %get3A_438 = arith.constant 14 : index
    %get3A_439 = vector.load %arg3[%get3A_437, %get3A_438] : memref<1024x16xf32, #tpu.memory_space<vmem>>, vector<1024x1xf32>
    %mul3A_440 = vector.broadcast %get3A_439 : vector<1024x1xf32> to vector<1024x512xf32>
    %mul3A_441 = vector.broadcast %mul3A_20 : vector<1x512xf32> to vector<1024x512xf32>
    %mul3A_442 = arith.mulf %mul3A_440, %mul3A_441 : vector<1024x512xf32>
    %add3A_443 = arith.addf %mul3A_436, %mul3A_442 : vector<1024x512xf32>
    %get3A_444 = arith.constant 0 : index
    %get3A_445 = arith.constant 14 : index
    %get3A_446 = vector.load %arg4[%get3A_444, %get3A_445] : memref<1024x16xf32, #tpu.memory_space<vmem>>, vector<1024x1xf32>
    %mul3A_447 = vector.broadcast %get3A_446 : vector<1024x1xf32> to vector<1024x512xf32>
    %mul3A_448 = vector.broadcast %mul3A_24 : vector<1x512xf32> to vector<1024x512xf32>
    %mul3A_449 = arith.mulf %mul3A_447, %mul3A_448 : vector<1024x512xf32>
    %add3A_450 = arith.addf %add3A_443, %mul3A_449 : vector<1024x512xf32>
    %add3A_451 = arith.addf %add3A_12, %add3A_450 : vector<1024x512xf32>
    %max3A_452 = arith.constant 0.000000e+00 : f32
    %max3A_453 = vector.broadcast %max3A_452 : f32 to vector<1024x512xf32>
    %max3A_454 = arith.maximumf %add3A_451, %max3A_453 : vector<1024x512xf32>
    %mul3A_455 = vector.broadcast %get3A_27 : vector<1x512xf32> to vector<1024x512xf32>
    %mul3A_456 = arith.mulf %max3A_454, %mul3A_455 : vector<1024x512xf32>
    %reduce_sum3A_457 = arith.constant dense<0.000000e+00> : vector<1024xf32>
    %reduce_sum3A_458 = vector.multi_reduction <add>, %mul3A_456, %reduce_sum3A_457 [1] : vector<1024x512xf32> to vector<1024xf32>
    %broadcast_in_dim3A_459 = vector.shape_cast %reduce_sum3A_458 : vector<1024xf32> to vector<1024x1xf32>
    %get3A_460 = arith.constant 0 : index
    %get3A_461 = arith.constant 15 : index
    %get3A_462 = vector.load %arg2[%get3A_460, %get3A_461] : memref<1024x16xf32, #tpu.memory_space<vmem>>, vector<1024x1xf32>
    %mul3A_463 = vector.broadcast %get3A_462 : vector<1024x1xf32> to vector<1024x512xf32>
    %mul3A_464 = vector.broadcast %mul3A_16 : vector<1x512xf32> to vector<1024x512xf32>
    %mul3A_465 = arith.mulf %mul3A_463, %mul3A_464 : vector<1024x512xf32>
    %get3A_466 = arith.constant 0 : index
    %get3A_467 = arith.constant 15 : index
    %get3A_468 = vector.load %arg3[%get3A_466, %get3A_467] : memref<1024x16xf32, #tpu.memory_space<vmem>>, vector<1024x1xf32>
    %mul3A_469 = vector.broadcast %get3A_468 : vector<1024x1xf32> to vector<1024x512xf32>
    %mul3A_470 = vector.broadcast %mul3A_20 : vector<1x512xf32> to vector<1024x512xf32>
    %mul3A_471 = arith.mulf %mul3A_469, %mul3A_470 : vector<1024x512xf32>
    %add3A_472 = arith.addf %mul3A_465, %mul3A_471 : vector<1024x512xf32>
    %get3A_473 = arith.constant 0 : index
    %get3A_474 = arith.constant 15 : index
    %get3A_475 = vector.load %arg4[%get3A_473, %get3A_474] : memref<1024x16xf32, #tpu.memory_space<vmem>>, vector<1024x1xf32>
    %mul3A_476 = vector.broadcast %get3A_475 : vector<1024x1xf32> to vector<1024x512xf32>
    %mul3A_477 = vector.broadcast %mul3A_24 : vector<1x512xf32> to vector<1024x512xf32>
    %mul3A_478 = arith.mulf %mul3A_476, %mul3A_477 : vector<1024x512xf32>
    %add3A_479 = arith.addf %add3A_472, %mul3A_478 : vector<1024x512xf32>
    %add3A_480 = arith.addf %add3A_12, %add3A_479 : vector<1024x512xf32>
    %max3A_481 = arith.constant 0.000000e+00 : f32
    %max3A_482 = vector.broadcast %max3A_481 : f32 to vector<1024x512xf32>
    %max3A_483 = arith.maximumf %add3A_480, %max3A_482 : vector<1024x512xf32>
    %mul3A_484 = vector.broadcast %get3A_27 : vector<1x512xf32> to vector<1024x512xf32>
    %mul3A_485 = arith.mulf %max3A_483, %mul3A_484 : vector<1024x512xf32>
    %reduce_sum3A_486 = arith.constant dense<0.000000e+00> : vector<1024xf32>
    %reduce_sum3A_487 = vector.multi_reduction <add>, %mul3A_485, %reduce_sum3A_486 [1] : vector<1024x512xf32> to vector<1024xf32>
    %broadcast_in_dim3A_488 = vector.shape_cast %reduce_sum3A_487 : vector<1024xf32> to vector<1024x1xf32>
    %concatenate3A = tpu.concatenate %broadcast_in_dim3A, %broadcast_in_dim3A_82, %broadcast_in_dim3A_111, %broadcast_in_dim3A_140, %broadcast_in_dim3A_169, %broadcast_in_dim3A_198, %broadcast_in_dim3A_227, %broadcast_in_dim3A_256, %broadcast_in_dim3A_285, %broadcast_in_dim3A_314, %broadcast_in_dim3A_343, %broadcast_in_dim3A_372, %broadcast_in_dim3A_401, %broadcast_in_dim3A_430, %broadcast_in_dim3A_459, %broadcast_in_dim3A_488 in 1 : vector<1024x1xf32>, vector<1024x1xf32>, vector<1024x1xf32>, vector<1024x1xf32>, vector<1024x1xf32>, vector<1024x1xf32>, vector<1024x1xf32>, vector<1024x1xf32>, vector<1024x1xf32>, vector<1024x1xf32>, vector<1024x1xf32>, vector<1024x1xf32>, vector<1024x1xf32>, vector<1024x1xf32>, vector<1024x1xf32>, vector<1024x1xf32> -> vector<1024x16xf32>
    %get3A_489 = arith.constant 0 : index
    %get3A_490 = arith.constant 0 : index
    %get3A_491 = vector.load %arg9[%get3A_489, %get3A_490] : memref<1x1xf32, #tpu.memory_space<vmem>>, vector<1x1xf32>
    %get3A_492 = vector.extract %get3A_491[0, 0] : f32 from vector<1x1xf32>
    %add3A_493 = vector.broadcast %get3A_492 : f32 to vector<1024x16xf32>
    %add3A_494 = arith.addf %concatenate3A, %add3A_493 : vector<1024x16xf32>
    %swap3A = arith.constant 0 : index
    %swap3A_495 = arith.constant 0 : index
    %swap3A_496 = vector.load %arg10[%swap3A, %swap3A_495] : memref<1024x16xf32, #tpu.memory_space<vmem>>, vector<1024x16xf32>
    tpu.vector_store %arg10[%swap3A, %swap3A_495], %add3A_494 {strides = array<i32>} : memref<1024x16xf32, #tpu.memory_space<vmem>>, vector<1024x16xf32>,
    return
  }
  func.func @transform_0(%arg0: i32) -> (i32, i32) {
    %c0_i32 = arith.constant 0 : i32
    %c0_i32_0 = arith.constant 0 : i32
    return %arg0, %c0_i32 : i32, i32
  }
  func.func @transform_1(%arg0: i32) -> (i32, i32) {
    %c0_i32 = arith.constant 0 : i32
    %c0_i32_0 = arith.constant 0 : i32
    return %arg0, %c0_i32 : i32, i32
  }
  func.func @transform_2(%arg0: i32) -> (i32, i32) {
    %c0_i32 = arith.constant 0 : i32
    %c0_i32_0 = arith.constant 0 : i32
    return %arg0, %c0_i32 : i32, i32
  }
  func.func @transform_3(%arg0: i32) -> (i32, i32) {
    %c0_i32 = arith.constant 0 : i32
    %c0_i32_0 = arith.constant 0 : i32
    return %arg0, %c0_i32 : i32, i32
  }
  func.func @transform_4(%arg0: i32) -> (i32, i32) {
    %c0_i32 = arith.constant 0 : i32
    %c0_i32_0 = arith.constant 0 : i32
    %c0_i32_1 = arith.constant 0 : i32
    return %c0_i32, %c0_i32_0 : i32, i32
  }
  func.func @transform_5(%arg0: i32) -> (i32, i32) {
    %c0_i32 = arith.constant 0 : i32
    %c0_i32_0 = arith.constant 0 : i32
    %c0_i32_1 = arith.constant 0 : i32
    return %c0_i32, %c0_i32_0 : i32, i32
  }
  func.func @transform_6(%arg0: i32) -> (i32, i32) {
    %c0_i32 = arith.constant 0 : i32
    %c0_i32_0 = arith.constant 0 : i32
    %c0_i32_1 = arith.constant 0 : i32
    return %c0_i32, %c0_i32_0 : i32, i32
  }
  func.func @transform_7(%arg0: i32) -> (i32, i32) {
    %c0_i32 = arith.constant 0 : i32
    %c0_i32_0 = arith.constant 0 : i32
    %c0_i32_1 = arith.constant 0 : i32
    return %c0_i32, %c0_i32_0 : i32, i32
  }
  func.func @transform_8(%arg0: i32) -> (i32, i32) {
    %c0_i32 = arith.constant 0 : i32
    %c0_i32_0 = arith.constant 0 : i32
    %c0_i32_1 = arith.constant 0 : i32
    return %c0_i32, %c0_i32_0 : i32, i32
  }
  func.func @transform_9(%arg0: i32) -> (i32, i32) {
    %c0_i32 = arith.constant 0 : i32
    %c0_i32_0 = arith.constant 0 : i32
    return %arg0, %c0_i32 : i32, i32
  }
}

module attributes {stable_mosaic.version = 14 : i64} {
  func.func @_lin_body(%arg0: i32, %arg1: memref<2000x256xf32, #tpu.memory_space<vmem>>, %arg2: memref<256x256xf32, #tpu.memory_space<vmem>>, %arg3: memref<1x256xf32, #tpu.memory_space<vmem>>, %arg4: memref<1x256xf32, #tpu.memory_space<vmem>>, %arg5: memref<1x256xf32, #tpu.memory_space<vmem>>, %arg6: memref<2000x256xf32, #tpu.memory_space<vmem>>) attributes {dimension_semantics = [#tpu.dimension_semantics<arbitrary>], iteration_bounds = array<i64: 10>, scalar_prefetch = 0 : i64, scratch_operands = 0 : i64, tpu.core_type = #tpu.core_type<tc>, window_params = [{transform_indices = @transform_0, window_bounds = array<i64: 2000, 256>}, {pipeline_mode = #tpu.pipeline_mode<synchronous>, transform_indices = @transform_1, window_bounds = array<i64: 256, 256>}, {pipeline_mode = #tpu.pipeline_mode<synchronous>, transform_indices = @transform_2, window_bounds = array<i64: 1, 256>}, {pipeline_mode = #tpu.pipeline_mode<synchronous>, transform_indices = @transform_3, window_bounds = array<i64: 1, 256>}, {pipeline_mode = #tpu.pipeline_mode<synchronous>, transform_indices = @transform_4, window_bounds = array<i64: 1, 256>}, {transform_indices = @transform_5, window_bounds = array<i64: 2000, 256>}]} {
    %get3A = arith.constant 0 : index
    %get3A_0 = arith.constant 0 : index
    %get3A_1 = vector.load %arg1[%get3A, %get3A_0] : memref<2000x256xf32, #tpu.memory_space<vmem>>, vector<2000x256xf32>
    %get3A_2 = arith.constant 0 : index
    %get3A_3 = arith.constant 0 : index
    %get3A_4 = vector.load %arg2[%get3A_2, %get3A_3] : memref<256x256xf32, #tpu.memory_space<vmem>>, vector<256x256xf32>
    %dot_general3A = arith.constant dense<0.000000e+00> : vector<2000x256xf32>
    %dot_general3A_5 = tpu.matmul %get3A_1, %get3A_4, %dot_general3A {dimension_numbers = #tpu.dot_dimension_numbers<[1], [0], [0], [1], [0, 0, 1, 1], [], []>, transpose_lhs_hint = false} : vector<2000x256xf32>, vector<256x256xf32>, vector<2000x256xf32> -> vector<2000x256xf32>
    %get3A_6 = arith.constant 0 : index
    %get3A_7 = arith.constant 0 : index
    %get3A_8 = vector.load %arg3[%get3A_6, %get3A_7] : memref<1x256xf32, #tpu.memory_space<vmem>>, vector<1x256xf32>
    %add3A = vector.broadcast %get3A_8 : vector<1x256xf32> to vector<2000x256xf32>
    %add3A_9 = arith.addf %dot_general3A_5, %add3A : vector<2000x256xf32>
    %get3A_10 = arith.constant 0 : index
    %get3A_11 = arith.constant 0 : index
    %get3A_12 = vector.load %arg4[%get3A_10, %get3A_11] : memref<1x256xf32, #tpu.memory_space<vmem>>, vector<1x256xf32>
    %mul3A = arith.constant 0.999994993 : f32
    %mul3A_13 = vector.broadcast %mul3A : f32 to vector<1x256xf32>
    %mul3A_14 = arith.mulf %get3A_12, %mul3A_13 : vector<1x256xf32>
    %mul3A_15 = vector.broadcast %mul3A_14 : vector<1x256xf32> to vector<2000x256xf32>
    %mul3A_16 = arith.mulf %add3A_9, %mul3A_15 : vector<2000x256xf32>
    %get3A_17 = arith.constant 0 : index
    %get3A_18 = arith.constant 0 : index
    %get3A_19 = vector.load %arg5[%get3A_17, %get3A_18] : memref<1x256xf32, #tpu.memory_space<vmem>>, vector<1x256xf32>
    %add3A_20 = vector.broadcast %get3A_19 : vector<1x256xf32> to vector<2000x256xf32>
    %add3A_21 = arith.addf %mul3A_16, %add3A_20 : vector<2000x256xf32>
    %max3A = arith.constant 0.000000e+00 : f32
    %max3A_22 = vector.broadcast %max3A : f32 to vector<2000x256xf32>
    %max3A_23 = arith.maximumf %add3A_21, %max3A_22 : vector<2000x256xf32>
    %swap3A = arith.constant 0 : index
    %swap3A_24 = arith.constant 0 : index
    %swap3A_25 = vector.load %arg6[%swap3A, %swap3A_24] : memref<2000x256xf32, #tpu.memory_space<vmem>>, vector<2000x256xf32>
    tpu.vector_store %arg6[%swap3A, %swap3A_24], %max3A_23 {strides = array<i32>} : memref<2000x256xf32, #tpu.memory_space<vmem>>, vector<2000x256xf32>,
    return
  }
  func.func @transform_0(%arg0: i32) -> (i32, i32) {
    %c0_i32 = arith.constant 0 : i32
    %c0_i32_0 = arith.constant 0 : i32
    return %arg0, %c0_i32 : i32, i32
  }
  func.func @transform_1(%arg0: i32) -> (i32, i32) {
    %c0_i32 = arith.constant 0 : i32
    %c0_i32_0 = arith.constant 0 : i32
    %c0_i32_1 = arith.constant 0 : i32
    return %c0_i32, %c0_i32_0 : i32, i32
  }
  func.func @transform_2(%arg0: i32) -> (i32, i32) {
    %c0_i32 = arith.constant 0 : i32
    %c0_i32_0 = arith.constant 0 : i32
    %c0_i32_1 = arith.constant 0 : i32
    return %c0_i32, %c0_i32_0 : i32, i32
  }
  func.func @transform_3(%arg0: i32) -> (i32, i32) {
    %c0_i32 = arith.constant 0 : i32
    %c0_i32_0 = arith.constant 0 : i32
    %c0_i32_1 = arith.constant 0 : i32
    return %c0_i32, %c0_i32_0 : i32, i32
  }
  func.func @transform_4(%arg0: i32) -> (i32, i32) {
    %c0_i32 = arith.constant 0 : i32
    %c0_i32_0 = arith.constant 0 : i32
    %c0_i32_1 = arith.constant 0 : i32
    return %c0_i32, %c0_i32_0 : i32, i32
  }
  func.func @transform_5(%arg0: i32) -> (i32, i32) {
    %c0_i32 = arith.constant 0 : i32
    %c0_i32_0 = arith.constant 0 : i32
    return %arg0, %c0_i32 : i32, i32
  }
}

module attributes {stable_mosaic.version = 14 : i64} {
  func.func @_final_body(%arg0: i32, %arg1: memref<2048x256xf32, #tpu.memory_space<vmem>>, %arg2: memref<256x2048xf32, #tpu.memory_space<vmem>>, %arg3: memref<2048x256xf32, #tpu.memory_space<vmem>>) attributes {dimension_semantics = [#tpu.dimension_semantics<arbitrary>], iteration_bounds = array<i64: 10>, scalar_prefetch = 0 : i64, scratch_operands = 0 : i64, tpu.core_type = #tpu.core_type<tc>, window_params = [{transform_indices = @transform_0, window_bounds = array<i64: 2048, 256>}, {transform_indices = @transform_1, window_bounds = array<i64: 256, 2048>}, {transform_indices = @transform_2, window_bounds = array<i64: 2048, 256>}]} {
    %get3A = arith.constant 0 : index
    %get3A_0 = arith.constant 0 : index
    %get3A_1 = vector.load %arg1[%get3A, %get3A_0] : memref<2048x256xf32, #tpu.memory_space<vmem>>, vector<2048x256xf32>
    %get3A_2 = arith.constant 0 : index
    %get3A_3 = arith.constant 0 : index
    %get3A_4 = vector.load %arg2[%get3A_2, %get3A_3] : memref<256x2048xf32, #tpu.memory_space<vmem>>, vector<256x2048xf32>
    %transpose3A = tpu.transpose %get3A_4, [1, 0] : vector<256x2048xf32> -> vector<2048x256xf32>
    %add3A = arith.addf %get3A_1, %transpose3A : vector<2048x256xf32>
    %swap3A = arith.constant 0 : index
    %swap3A_5 = arith.constant 0 : index
    %swap3A_6 = vector.load %arg3[%swap3A, %swap3A_5] : memref<2048x256xf32, #tpu.memory_space<vmem>>, vector<2048x256xf32>
    tpu.vector_store %arg3[%swap3A, %swap3A_5], %add3A {strides = array<i32>} : memref<2048x256xf32, #tpu.memory_space<vmem>>, vector<2048x256xf32>,
    return
  }
  func.func @transform_0(%arg0: i32) -> (i32, i32) {
    %c0_i32 = arith.constant 0 : i32
    %c0_i32_0 = arith.constant 0 : i32
    return %arg0, %c0_i32 : i32, i32
  }
  func.func @transform_1(%arg0: i32) -> (i32, i32) {
    %c0_i32 = arith.constant 0 : i32
    %c0_i32_0 = arith.constant 0 : i32
    return %c0_i32, %arg0 : i32, i32
  }
  func.func @transform_2(%arg0: i32) -> (i32, i32) {
    %c0_i32 = arith.constant 0 : i32
    %c0_i32_0 = arith.constant 0 : i32
    return %arg0, %c0_i32 : i32, i32
  }
}

</mosaic_0001>

<sc_bundles>
// kernel: kernel.10.cloned.1.call-start
scs
__scs_entry_jumppad:
0x0: {  	(pc) =	sbr.rel $0x88, $3  }
0x1: {  	(tag) =	ssettag $0x0;
	lr =	simm.s32 $0x1  }
0x2: {  	[smem:$0x3F8F] =	sst lr;
	_ =	strace $0xD0000000  }
0x3: {  	_ = 	snop  }
0x4: {  	_ = 	snop  }
0x5: {  	_ = 	snop  }
0x6: {  	_ = 	snop  }
0x7: {  	_ = 	snop  }
__scs_overlays_trampoline_lowered:
0x8: {  	[smem:$0x3F9E] =	sst s0  }
0x9: {  	[smem:$0x3F9F] =	sst s1  }
0xa: {  	[smem:$0x3FA0] =	sst s2  }
0xb: {  	[smem:$0x3FA1] =	sst s3  }
0xc: {  	[smem:$0x3FA2] =	sst s4  }
0xd: {  	[smem:$0x3FA3] =	sst s5  }
0xe: {  	[smem:$0x3FA4] =	sst s6  }
0xf: {  	[smem:$0x3FA5] =	sst s7  }
0x10: {  	[smem:$0x3FA6] =	sst s8  }
0x11: {  	[smem:$0x3FA7] =	sst s9;
	s0 =	simm.s32 @!p0 $0x0  }
0x12: {  	s1 =	sld [smem:$0x3F8D];
	s0 =	simm.s32 @p0 $0x1  }
0x13: {  	[smem:$0x3FA8] =	sst s0;
	s0 =	simm.s32 @!p1 $0x0  }
0x14: {  	s2 =	sld [smem:$0x3F8C];
	s0 =	simm.s32 @p1 $0x1  }
0x15: {  	[smem:$0x3FA9] =	sst s0;
	s0 =	simm.s32 @!p2 $0x0  }
0x16: {  	s3 =	sld [smem:$0x3FDB];
	s0 =	simm.s32 @p2 $0x1  }
0x17: {  	s4 =	simm.s32 $0x1BF5;
	[smem:$0x3FAB] =	sst s0  }
0x18: {  	s0 =	sld [smem:$0x3F8E];
	_ =	swait.ge [sflag:s4], $0x0  }
0x19: {  	s7 =	sld [smem:$0x3F8F]  }
0x1a: {  	s8 =	sadd.s32 $0xFFFFE003, lr  }
0x1b: {  	s9 =	sadd.s32 $0xFFFFFEF7, lr;
	s5 =	simm.s32 $0xFFFFFFFF;
	p2 =	slt.u32 s8, $0xFFFFF086  }
0x1c: {  	p1 =	slt.u32 s9, $0xF7A;
	s5 =	simm.s32 @!p2 $0x0  }
0x1d: {  	s5 =	simm.s32 @p1 $0x1;
	p0 =	seq.s32 s7, s2  }
0x1e: {  	s7 =	smul.u32 @!p0 $0xF7A, s2;
	p2 =	seq.s32 @!p0 s5, $0x0  }
0x1f: {  	s9 =	smul.u32 $0xF7A, s1;
	s8 =	simm.s32 @!p0 $0x1BF5;
	p2 =	por !p2, p0  }
0x20: {  	[sflag:s8] =	ssyncset.s32 @!p0 $0xFFFFF086;
	s6 =	sadd.s32 @!p0 s3, s7;
	s7 =	simm.s32 @!p0 $0x108  }
0x21: {  	s3 =	sadd.s32 s3, s9;
	s6 =	sadd.s32 @!p0 $0x88, s6;
	s7 =	simm.s32 @p2 $0x1082  }
0x22: {  	[simem:s7], [sflag:s8] =	dma.local @!p0 [hbm:s6], $0xF7A  }
0x23: {  	s9 =	sor.u32 $0xD0000000, s2;
	s6 =	simm.s32 $0x108;
	_ =	swait.ge @!p0 [sflag:s8], $0x0  }
0x24: {  	s3 =	sadd.s32 $0x88, s3;
	s6 =	simm.s32 @!p1 $0x1082;
	[sflag:s4] =	ssyncset.s32 $0xFFFFF086  }
0x25: {  	[simem:s6], [sflag:s4] =	dma.local [hbm:s3], $0xF7A  }
0x26: {  	[smem:$0x3F8F] =	sst s1;
	(tag) =	ssettag s2;
	_ =	strace s9  }
0x27: {  	s1 =	sld [smem:$0x3F9F]  }
0x28: {  	s2 =	sld [smem:$0x3FA0]  }
0x29: {  	s4 =	sld [smem:$0x3FA2]  }
0x2a: {  	p0 =	seq.s32 s5, $0x0;
	s5 =	sld [smem:$0x3FA3]  }
0x2b: {  	s6 =	sld [smem:$0x3FA4]  }
0x2c: {  	s7 =	sld [smem:$0x3FA5]  }
0x2d: {  	s3 =	simm.s32 $0x108;
	s8 =	sld [smem:$0x3FA6]  }
0x2e: {  	s3 =	simm.s32 @!p0 $0x1082;
	s9 =	sld [smem:$0x3FA7]  }
0x2f: {  	lr =	sadd.s32 s0, s3;
	s0 =	sld [smem:$0x3F9E]  }
0x30: {  	s3 =	sld [smem:$0x3FA1]  }
0x31: {  	[smem:$0x3FAA] =	sst s10  }
0x32: {  	s10 =	sld [smem:$0x3FA8];
	_ =	sdelay $0x3  }
0x33: {  	p0 =	seq.s32 s10, $0x1;
	s10 =	sld [smem:$0x3FAA];
	_ =	sdelay $0x3  }
0x34: {  	[smem:$0x3FAA] =	sst s10  }
0x35: {  	s10 =	sld [smem:$0x3FA9];
	_ =	sdelay $0x3  }
0x36: {  	p1 =	seq.s32 s10, $0x1;
	s10 =	sld [smem:$0x3FAA];
	_ =	sdelay $0x3  }
0x37: {  	[smem:$0x3FAA] =	sst s10  }
0x38: {  	s10 =	sld [smem:$0x3FAB]  }
0x39: {  	_ = 	snop;
	(pc) =	sbr.ind lr, $3  }
0x3a: {  	_ = 	snop  }
0x3b: {  	_ = 	snop  }
0x3c: {  	p2 =	seq.s32 s10, $0x1;
	s10 =	sld [smem:$0x3FAA]  }
0x3d: {  	_ =	shalt  }
0x3e: {  	_ =	shalt  }
0x3f: {  	_ =	shalt  }
0x40: {  	_ =	shalt  }
0x41: {  	_ =	shalt  }
0x42: {  	_ =	shalt  }
0x43: {  	_ =	shalt  }
0x44: {  	_ =	shalt  }
0x45: {  	_ =	shalt  }
0x46: {  	_ =	shalt  }
0x47: {  	_ =	shalt  }
0x48: {  	_ =	shalt  }
0x49: {  	_ =	shalt  }
0x4a: {  	_ =	shalt  }
0x4b: {  	_ =	shalt  }
0x4c: {  	_ =	shalt  }
0x4d: {  	_ =	shalt  }
0x4e: {  	_ =	shalt  }
0x4f: {  	_ =	shalt  }
0x50: {  	_ =	shalt  }
0x51: {  	_ =	shalt  }
0x52: {  	_ =	shalt  }
0x53: {  	_ =	shalt  }
0x54: {  	_ =	shalt  }
0x55: {  	_ =	shalt  }
0x56: {  	_ =	shalt  }
0x57: {  	_ =	shalt  }
0x58: {  	_ =	shalt  }
0x59: {  	_ =	shalt  }
0x5a: {  	_ =	shalt  }
0x5b: {  	_ =	shalt  }
0x5c: {  	_ =	shalt  }
0x5d: {  	_ =	shalt  }
0x5e: {  	_ =	shalt  }
0x5f: {  	_ =	shalt  }
0x60: {  	_ =	shalt  }
0x61: {  	_ =	shalt  }
0x62: {  	_ =	shalt  }
0x63: {  	_ =	shalt  }
0x64: {  	_ =	shalt  }
0x65: {  	_ =	shalt  }
0x66: {  	_ =	shalt  }
0x67: {  	_ =	shalt  }
0x68: {  	_ =	shalt  }
0x69: {  	_ =	shalt  }
0x6a: {  	_ =	shalt  }
0x6b: {  	_ =	shalt  }
0x6c: {  	_ =	shalt  }
0x6d: {  	_ =	shalt  }
0x6e: {  	_ =	shalt  }
0x6f: {  	_ =	shalt  }
0x70: {  	_ =	shalt  }
0x71: {  	_ =	shalt  }
0x72: {  	_ =	shalt  }
0x73: {  	_ =	shalt  }
0x74: {  	_ =	shalt  }
0x75: {  	_ =	shalt  }
0x76: {  	_ =	shalt  }
0x77: {  	_ =	shalt  }
0x78: {  	_ =	shalt  }
0x79: {  	_ =	shalt  }
0x7a: {  	_ =	shalt  }
0x7b: {  	_ =	shalt  }
0x7c: {  	_ =	shalt  }
0x7d: {  	_ =	shalt  }
0x7e: {  	_ =	shalt  }
0x7f: {  	_ =	shalt  }
0x80: {  	_ =	shalt  }
0x81: {  	_ =	shalt  }
0x82: {  	_ =	shalt  }
0x83: {  	_ =	shalt  }
0x84: {  	_ =	shalt  }
0x85: {  	_ =	shalt  }
0x86: {  	_ =	shalt  }
0x87: {  	_ =	shalt  }
.Lfunc_end0:
.L_simem_size_0:
called_computation_lowered:
.L_overlay_start_0:
0x88: {  	s2 =	sld [smem:$0x3FD9]  }
0x89: {  	s3 =	sld [smem:$0x3FFE];
	_ =	sdelay $0x1  }
0x8a: {  	s1 =	srdreg.scid  }
0x8b: {  	s0 =	sand.u32 $0x1, s1  }
0x8c: {  	s16 =	sshll.u32 s0, $0xA;
	s2 =	sadd.s32 s3, s2  }
0x8d: {  	s2 =	sadd.s32 s2, s16  }
0x8e: {  	[smem:$0x3FB6] =	sst s2  }
0x8f: {  	_ = 	snop  }
0x90: {  	(tm) =	ssettm $0x1  }
0x91: {  	s17 =	sld [smem:$0x3FFB];
	_ =	sdelay $0x3  }
0x92: {  	_ =	strace s17  }
0x93: {  	s2 =	sld [smem:$0x3FFC];
	_ =	sdelay $0x3  }
0x94: {  	_ =	strace s2  }
0x95: {  	s2 =	sld [smem:$0x3FFD];
	_ =	sdelay $0x3  }
0x96: {  	_ =	strace s2  }
0x97: {  	_ =	strace $0x8FFFFFFF  }
0x98: {  	s18 =	sld [smem:$0x3FDB];
	_ =	sdelay $0x1  }
0x99: {  	s19 =	simm.s32 $_scs_section_size  }
0x9a: {  	s4 =	simm.s32 $_size__tile_overlayer_lowered;
	s5 =	simm.s32 $_tile_overlayer_lowered  }
0x9b: {  	s22 =	simm.s32 $0x1BFF;
	s21 =	sshll.u32 s5, $0x1;
	s2 =	sadd.s32 s19, s18  }
0x9c: {  	s6 =	simm.s32 $0x0;
	s20 =	sshll.u32 s4, $0x1;
	s4 =	sadd.s32 s21, s2  }
0x9d: {  	[timem:s6], [sflag:s22] =	dma.local [hbm:s4], s20  }
0x9e: {  	_ =	swait.ge [sflag:s22], s20  }
0x9f: {  	s3 =	ssub.s32 $0x0, s20;
	[sflag:s22] =	ssyncset.done $0x0  }
0xa0: {  	[sflag:s22] =	ssyncadd.s32 s3;
	_ =	sdelay $0x1  }
0xa1: {  	s23 =	simm.s32 $0x1B8B  }
0xa2: {  	_ =	swait.ge [sflag:s23], $0x1  }
0xa3: {  	[sflag:s23] =	ssyncset.done $0x0  }
0xa4: {  	s25 =	simm.s32 $0x1B8E;
	s24 =	sld [smem:$0x3FFE];
	[sflag:s23] =	ssyncadd.s32 $0xFFFFFFFF  }
0xa5: {  	s26 =	simm.s32 $execute0_lowered;
	[smem:$0x3FD2] =	sst s25  }
0xa6: {  	s4 =	sshll.u32 s26, $0x1;
	_ =	strace $0x80000046;
	[dreg:$0x1] =	wrdreg $0xFFFFFFFF  }
0xa7: {  	s28 =	simm.s32 $_size_execute0_lowered;
	s2 =	sadd.s32 s2, s4;
	[dreg:$0x0] =	wrdreg $0x0  }
0xa8: {  	s4 =	sshll.u32 s28, $0x1;
	[dreg:$0x2] =	wrdreg s2  }
0xa9: {  	[dreg:$0x3] =	wrdreg s4  }
0xaa: {  	[dreg:$0x4] =	wrdreg $0xC0  }
0xab: {  	_ =	task [dreg:s6], $0x5FFFF  }
0xac: {  	[dreg:$0x1] =	wrdreg $0xFFFFFFFF  }
0xad: {  	[dreg:$0x0] =	wrdreg $0x60  }
0xae: {  	[dreg:$0x2] =	wrdreg s24  }
0xaf: {  	[dreg:$0x3] =	wrdreg $0x9  }
0xb0: {  	_ =	task.clear_ibuf [dreg:s6], $0x4FFFF;
	_ =	strace $0x90000046  }
0xb1: {  	s29 =	simm.s32 $0x9;
	_ =	strace $0x80000048  }
0xb2: {  	_ =	swait.ge [sflag:s29], $0x1  }
0xb3: {  	[sflag:s29] =	ssyncadd.s32 $0xFFFFFFFF  }
0xb4: {  	_ =	strace $0x90000048  }
0xb5: {  	_ =	sfence  }
0xb6: {  	s30 =	sld [smem:$0x0];
	_ =	sdelay $0x2  }
0xb7: {  	s31 =	sshll.u32 s1, $0xD;
	s1 =	sshrl.u32 s1, $0x2  }
0xb8: {  	s3 =	sand.u32 $0x4000, s31;
	s1 =	sadd.s32 s1, s30  }
0xb9: {  	s0 =	sor.u32 s3, s0;
	s1 =	sshll.u32 s1, $0x11  }
0xba: {  	s0 =	sor.u32 s1, s0  }
0xbb: {  	s0 =	sadd.s32 $0x8F2B, s0  }
0xbc: {  	[sflag:s0] =	ssyncadd.remote.s32 $0x1  }
0xbd: {  	_ =	sfence.sel $0xFFFF  }
0xbe: {  	[dreg:$0x0] =	wrdreg $0xFFFFFFFF;
	(pc) =	sbr.abs _section_cstart, $3  }
0xbf: {  	[dreg:$0x1] =	wrdreg $0xFFFFFFFF  }
0xc0: {  	_ =	task.clear_ibuf [dreg:s6], $0x2FFFF;
	_ =	strace $0x9FFFFFFF  }
0xc1: {  	(tm) =	ssettm $0x7FFFFFFF  }
tec
execute0_lowered:
.L_overlay_start_1:
0x0: {  	(tag) =	ssettag $0x1  }
0x1: {  	s0 =	rddreg [dreg:$0x0]  }
0x2: {  	s1 =	srdreg.scid;
	s3 =	stileid.u32  }
0x3: {  	s2 =	simm.s32 $0x0;
	s12 =	simm.s32 $0x1;
	s13 =	simm.s32 $0x4E80  }
0x4: {  	s14 =	simm.s32 $0x9D00;
	s15 =	simm.s32 $0x13A00;
	s16 =	simm.s32 $0xEB80  }
0x5: {  	s19 =	simm.s32 $0x15000;
	s1 =	sand.u32 $0x1, s1;
	s3 =	sshll.u32 s3, $0x1  }
0x6: {  	s20 =	simm.s32 $0x15A00;
	s21 =	simm.s32 $0x0;
	s5 =	sor.u32 s1, s3  }
0x7: {  	[smem:$0x7FF] =	sst s2;
	s4 =	sadd.s32 $0x3800, s0;
	s6 =	smul.u32 $0x3C, s5  }
0x8: {  	_ =	strace $0x80000047;
	s1 =	ssub.s32 $0x2, s1;
	s7 =	smul.u32 $0x140, s5  }
0x9: {  	v0 =	vlaneseq.u32;
	s3 =	sadd.s32 $0x4200, s0;
	s5 =	sadd.s32 $0x2E00, s0;
	s8 =	sshrl.u32 s1, $0x1  }
0xa: {  	v1 =	vmul.u32 $0xFFFFFFFF, v0;
	s1 =	ssub.s32 s1, s8;
	s6 =	sadd.s32 s6, s0;
	s0 =	sadd.s32 s7, s0  }
0xb: {  	s11 =	smax.u32 s1, $0x1;
	s6 =	sadd.s32 $0x2600, s6;
	s7 =	sadd.s32 $0xC400, s0  }
0xc: {  	v2 =	vimm.f32 $0.0e+00;
	v1 =	vadd.s32 $0xF, v1;
	s8 =	sadd.s32 $0x4C00, s0;
	s9 =	sadd.s32 $0x7400, s0;
	s10 =	sadd.s32 $0x9C00, s0  }
.LBB2_1:
0xd: {  	[tilespmem:s2], [sflag:$0x1] =	stream.linear.gather [hbm4b:s3+s2], $0x4E80, $0x38;
	[tilespmem:$0x16400] =	vst v63  }
0xe: {  	_ =	swait.ge [sflag:s12], $0x4E80  }
0xf: {  	[sflag:s12] =	ssyncset.done $0x0  }
0x10: {  	[sflag:s12] =	ssyncadd.s32 $0xFFFFB180  }
0x11: {  	[tilespmem:s13], [sflag:$0x1] =	stream.linear.gather [hbm4b:s4+s2], $0x4E80, $0x38;
	[tilespmem:$0x16400] =	vst v63  }
0x12: {  	_ =	swait.ge [sflag:s12], $0x4E80  }
0x13: {  	[sflag:s12] =	ssyncset.done $0x0  }
0x14: {  	[sflag:s12] =	ssyncadd.s32 $0xFFFFB180  }
0x15: {  	[tilespmem:s14], [sflag:$0x1] =	stream.linear.gather [hbm4b:s5+s2], $0x4E80, $0x38;
	[tilespmem:$0x16400] =	vst v63  }
0x16: {  	_ =	swait.ge [sflag:s12], $0x4E80  }
0x17: {  	[sflag:s12] =	ssyncset.done $0x0  }
0x18: {  	[sflag:s12] =	ssyncadd.s32 $0xFFFFB180  }
0x19: {  	[tilespmem:s15], [sflag:$0x1] =	stream.linear.gather [hbm4b:s6+s2], $0x1E0, $0x38;
	[tilespmem:$0x16400] =	vst v63  }
0x1a: {  	_ =	swait.ge [sflag:s12], $0x1E0  }
0x1b: {  	[sflag:s12] =	ssyncset.done $0x0  }
0x1c: {  	s22 =	simm.s32 $0x0;
	[sflag:s12] =	ssyncadd.s32 $0xFFFFFE20  }
0x1d: {  	v3 =	vld [tilespmem:s22+$0x0]  }
0x1e: {  	v4 =	vld [tilespmem:s22+$0x4E80]  }
0x1f: {  	v5 =	vld [tilespmem:s22+$0x9D00];
	_ =	sdelay $0x2  }
0x20: {  	v6 =	vshrl.u32 v3, $0x10  }
0x21: {  	v6 =	vand.u32 $0x1, v6  }
0x22: {  	v7 =	vshrl.u32 v4, $0x10;
	v8 =	vshrl.u32 v5, $0x10;
	v6 =	vadd.s32 v6, v3  }
0x23: {  	v9 =	vmul.f32 v4, v4;
	v7 =	vand.u32 $0x1, v7;
	v6 =	vadd.s32 $0x7FFF, v6  }
0x24: {  	v8 =	vand.u32 $0x1, v8;
	v7 =	vadd.s32 v7, v4;
	v6 =	vand.u32 $0xFFFF0000, v6  }
0x25: {  	v8 =	vadd.s32 v8, v5;
	v7 =	vadd.s32 $0x7FFF, v7;
	v6 =	vmul.f32 $-2.000000000e+00, v6  }
0x26: {  	v3 =	vmul.f32 v3, v3;
	v4 =	vadd.s32 $0x7FFF, v8;
	v7 =	vand.u32 $0xFFFF0000, v7  }
0x27: {  	v7 =	vmul.f32 $-2.000000000e+00, v7;
	[tilespmem:s22+$0x0] =	vst v6;
	v6 =	vand.u32 $0xFFFF0000, v4  }
0x28: {  	s23 =	simm.s32 $0x10;
	v5 =	vmul.f32 v5, v5;
	v63 =	vadd.f32 v9, v3;
	v6 =	vmul.f32 $-2.000000000e+00, v6  }
0x29: {  	v4 =	vld [tilespmem:s23+$0x0];
	[tilespmem:s22+$0x4E80] =	vst v7  }
0x2a: {  	s0 =	simm.s32 $0x80;
	v5 =	vadd.f32 v5, v63;
	v3 =	vld [tilespmem:s23+$0x4E80];
	[tilespmem:s22+$0x9D00] =	vst v6  }
.LBB2_2:
0x2b: {  	p0 =	sne.s32 s0, $0x13840;
	v6 =	vld [tilespmem:s23+$0x9D00]  }
0x2c: {  	[tilespmem:s22+$0xEB80] =	vst v5;
	s22 =	smov.u32 s23;
	_ =	sdelay $0x1  }
0x2d: {  	v5 =	vmul.f32 v4, v4;
	v7 =	vshrl.u32 v4, $0x10  }
0x2e: {  	v8 =	vmul.f32 v3, v3;
	v7 =	vand.u32 $0x1, v7;
	v9 =	vshrl.u32 v3, $0x10  }
0x2f: {  	v4 =	vadd.s32 v7, v4;
	v7 =	vand.u32 $0x1, v9;
	v9 =	vshrl.u32 v6, $0x10  }
0x30: {  	v4 =	vadd.s32 $0x7FFF, v4;
	v3 =	vadd.s32 v7, v3;
	v7 =	vand.u32 $0x1, v9  }
0x31: {  	v4 =	vand.u32 $0xFFFF0000, v4;
	v3 =	vadd.s32 $0x7FFF, v3;
	v7 =	vadd.s32 v7, v6  }
.Ltmp0:
0x32: {  	v4 =	vmul.f32 $-2.000000000e+00, v4;
	v3 =	vand.u32 $0xFFFF0000, v3;
	v7 =	vadd.s32 $0x7FFF, v7;
	(pc) =	sbr.rel @p0 .LBB2_2-.Ltmp0, $4  }
0x33: {  	v5 =	vadd.f32 v8, v5;
	v3 =	vmul.f32 $-2.000000000e+00, v3;
	v7 =	vand.u32 $0xFFFF0000, v7  }
0x34: {  	s23 =	sshra.s32 s0, $0x2;
	v6 =	vmul.f32 v6, v6;
	[tilespmem:s22+$0x0] =	vst v4;
	v7 =	vmul.f32 $-2.000000000e+00, v7  }
0x35: {  	v4 =	vld [tilespmem:s23+$0x0];
	[tilespmem:s22+$0x4E80] =	vst v3  }
0x36: {  	s0 =	sadd.s32 $0x40, s0;
	v5 =	vadd.f32 v6, v5;
	v3 =	vld [tilespmem:s23+$0x4E80];
	[tilespmem:s22+$0x9D00] =	vst v7  }
0x37: {  	_ = 	snop  }
0x38: {  	v6 =	vld [tilespmem:s23+$0x9D00];
	_ =	sdelay $0x1  }
0x39: {  	v7 =	vshrl.u32 v4, $0x10  }
0x3a: {  	v7 =	vand.u32 $0x1, v7;
	v8 =	vshrl.u32 v3, $0x10  }
0x3b: {  	v9 =	vmul.f32 v4, v4;
	v58 =	vadd.s32 v7, v4;
	v59 =	vand.u32 $0x1, v8  }
0x3c: {  	v60 =	vshrl.u32 v6, $0x10;
	v4 =	vadd.s32 $0x7FFF, v58;
	v7 =	vadd.s32 v59, v3  }
0x3d: {  	v3 =	vmul.f32 v3, v3;
	v8 =	vand.u32 $0x1, v60;
	v4 =	vand.u32 $0xFFFF0000, v4  }
0x3e: {  	v7 =	vadd.s32 $0x7FFF, v7;
	v8 =	vadd.s32 v8, v6;
	v6 =	vmul.f32 v6, v6  }
0x3f: {  	v4 =	vmul.f32 $-2.000000000e+00, v4;
	v7 =	vand.u32 $0xFFFF0000, v7;
	v8 =	vadd.s32 $0x7FFF, v8  }
.Ltmp1:
0x40: {  	[tilespmem:s22+$0xEB80] =	vst v5;
	v3 =	vadd.f32 v3, v9;
	v61 =	vmul.f32 $-2.000000000e+00, v7;
	v62 =	vand.u32 $0xFFFF0000, v8;
	(pc) =	sbr.rel .LBB2_4-.Ltmp1, $4  }
0x41: {  	[tilespmem:s23+$0x0] =	vst v4;
	v63 =	vmul.f32 $-2.000000000e+00, v62  }
0x42: {  	v3 =	vadd.f32 v6, v3;
	[tilespmem:s23+$0x4E80] =	vst v61  }
0x43: {  	[tilespmem:s23+$0x9D00] =	vst v63  }
0x44: {  	s22 =	simm.s32 $0x0;
	[tilespmem:s23+$0xEB80] =	vst v3;
	s23 =	simm.s32 $0x0  }
.LBB2_18:
0x45: {  	s0 =	sshll.u32 s23, $0x4;
	s23 =	sadd.s32 $0x1, s23  }
0x46: {  	p0 =	sne.s32 s23, $0xA0  }
.Ltmp2:
0x47: {  	_ = 	snop;
	(pc) =	sbr.rel @!p0 .LBB2_19-.Ltmp2, $3  }
0x48: {  	_ =	sdelay $0x1  }
0x49: {  	s0 =	sand.u32 $0x3FFFFFF0, s0  }
0x4a: {  	[tilespmem:s0+$0x13C00] =	vst v7  }
.LBB2_4:
0x4b: {  	v3 =	vmov s23  }
0x4c: {  	v4 =	vadd.s32 $0xA0, v3;
	_ =	sdelay $0x1  }
0x4d: {  	v5 =	vadd.s32 $0x140, v3;
	_ =	sdelay $0x1  }
0x4e: {  	v6 =	vld.idx.msk [tilespmem:v3+s15+$0x0], $0xffff  }
0x4f: {  	v4 =	vld.idx.msk [tilespmem:v4+s15+$0x0], $0xffff;
	_ =	sdelay $0x1  }
0x50: {  	v5 =	vld.idx.msk [tilespmem:v5+s15+$0x0], $0xffff;
	_ =	sdelay $0x2  }
0x51: {  	v3 =	vmul.f32 v6, v6;
	v7 =	vmul.f32 v4, v4;
	_ =	sdelay $0x1  }
0x52: {  	v3 =	vadd.f32 v7, v3;
	v7 =	vmul.f32 v5, v5;
	_ =	sdelay $0x1  }
0x53: {  	v11 =	vld [tilespmem:s22+$0x0];
	p3 =	por $0x1, $0x1;
	v10 =	vimm.f32 $+Inf;
	v3 =	vadd.f32 v7, v3;
	v7 =	vshrl.u32 v6, $0x10  }
.Ltmp3:
0x54: {  	v8 =	vshrl.u32 v4, $0x10;
	v9 =	vshrl.u32 v5, $0x10;
	v7 =	vand.u32 $0x1, v7;
	(pc) =	sbr.rel @!p3 .LBB2_5-.Ltmp3, $4  }
0x55: {  	s26 =	simm.s32 $0x9D00;
	v8 =	vand.u32 $0x1, v8;
	v6 =	vadd.s32 v7, v6;
	v7 =	vand.u32 $0x1, v9  }
0x56: {  	s24 =	simm.s32 $0x4E80;
	v14 =	vld [tilespmem:s26+$0x0];
	v4 =	vadd.s32 v8, v4;
	v6 =	vadd.s32 $0x7FFF, v6;
	v7 =	vadd.s32 v7, v5  }
0x57: {  	s25 =	simm.s32 $0xEB80;
	s29 =	simm.s32 $0x1;
	s0 =	simm.s32 $0x10;
	v8 =	vadd.s32 $0x7FFF, v4;
	v9 =	vld [tilespmem:s24+$0x0];
	v4 =	vand.u32 $0xFFFF0000, v6;
	v6 =	vadd.s32 $0x7FFF, v7  }
0x58: {  	p0 =	por $0x0, $0x0;
	p1 =	por $0x0, $0x0;
	p2 =	por $0x0, $0x0;
	v5 =	vand.u32 $0xFFFF0000, v8;
	v7 =	vld [tilespmem:s25+$0x0];
	v6 =	vand.u32 $0xFFFF0000, v6;
	v12 =	vmul.f32 v4, v11  }
0x59: {  	v8 =	vld [tilespmem:s0+$0x0];
	p3 =	por $0x1, $0x1  }
.Ltmp4:
0x5a: {  	_ = 	snop;
	(pc) =	sbr.rel @!p3 .LBB2_7-.Ltmp4, $4  }
0x5b: {  	s30 =	simm.s32 $0xEB90  }
0x5c: {  	s31 =	simm.s32 $0x9D10;
	v17 =	vld [tilespmem:s30+$0x0];
	v11 =	vmul.f32 v5, v9  }
0x5d: {  	s18 =	simm.s32 $0x4E90;
	v18 =	vmul.f32 v6, v14;
	v14 =	vld [tilespmem:s31+$0x0]  }
0x5e: {  	s28 =	simm.s32 $0x2;
	s0 =	simm.s32 $0x20;
	p0 =	por $0x1, $0x1;
	v9 =	vld [tilespmem:s18+$0x0];
	v15 =	vadd.f32 v7, v3;
	v22 =	vadd.f32 v11, v12;
	v12 =	vmul.f32 v4, v8  }
0x5f: {  	_ =	sdelay $0x1  }
0x60: {  	v8 =	vld [tilespmem:s0+$0x0];
	p3 =	por $0x1, $0x1;
	v7 =	vadd.f32 v18, v22  }
.Ltmp5:
0x61: {  	_ = 	snop;
	(pc) =	sbr.rel @!p3 .LBB2_9-.Ltmp5, $4  }
0x62: {  	s18 =	simm.s32 $0xEBA0;
	v13 =	vadd.f32 v7, v15;
	v11 =	vmul.f32 v5, v9  }
0x63: {  	s31 =	simm.s32 $0x9D20;
	v7 =	vld [tilespmem:s18+$0x0]  }
0x64: {  	s17 =	simm.s32 $0x4EA0;
	v18 =	vmul.f32 v6, v14;
	v14 =	vld [tilespmem:s31+$0x0];
	v22 =	vadd.f32 v11, v12;
	v11 =	vand.u32 $0xFFFFF800, v13  }
0x65: {  	s30 =	simm.s32 $0x3;
	s0 =	simm.s32 $0x30;
	p1 =	por $0x1, $0x1;
	v15 =	vadd.f32 v17, v3;
	v9 =	vld [tilespmem:s17+$0x0];
	v12 =	vmul.f32 v4, v8;
	v19 =	vor.u32 s22, v11  }
0x66: {  	_ = 	snop  }
0x67: {  	v8 =	vadd.f32 v18, v22  }
0x68: {  	v11 =	vld [tilespmem:s0+$0x0];
	v20 =	vmax.f32 v10, v19;
	p3 =	por $0x1, $0x1;
	v21 =	vmin.f32 v10, v19  }
.Ltmp6:
0x69: {  	s31 =	simm.s32 $0x4EB0;
	v24 =	vimm.f32 $+Inf;
	v13 =	vmax.f32 v10, v20;
	v17 =	vadd.f32 v8, v15;
	(pc) =	sbr.rel @!p3 .LBB2_11-.Ltmp6, $4  }
0x6a: {  	s0 =	simm.s32 $0xEBB0;
	v8 =	vmax.f32 v10, v13;
	v15 =	vadd.f32 v7, v3;
	v16 =	vmul.f32 v5, v9;
	v9 =	vld [tilespmem:s31+$0x0]  }
0x6b: {  	s1 =	simm.s32 $0x9D30;
	v18 =	vmul.f32 v6, v14;
	v7 =	vmax.f32 v10, v8;
	v14 =	vand.u32 $0xFFFFF800, v17;
	v17 =	vld [tilespmem:s0+$0x0]  }
0x6c: {  	v7 =	vmin.f32 v10, v7;
	v23 =	vor.u32 s29, v14;
	v14 =	vld [tilespmem:s1+$0x0];
	v22 =	vadd.f32 v16, v12  }
0x6d: {  	s17 =	simm.s32 $0x40;
	p2 =	por $0x1, $0x1;
	s29 =	simm.s32 $0x4;
	v12 =	vmul.f32 v4, v11;
	v16 =	vimm.f32 $+Inf;
	v11 =	vimm.f32 $+Inf  }
.LBB2_12:
0x6e: {  	v25 =	vld [tilespmem:s17+$0x0];
	v18 =	vadd.f32 v18, v22;
	v24 =	vmin.f32 v24, v20;
	v20 =	vmax.f32 v21, v23;
	s18 =	smov.u32 s29;
	p3 =	sne.s32 s29, $0x4E1  }
.Ltmp7:
0x6f: {  	s31 =	sadd.s32 $0x10, s31;
	v16 =	vmin.f32 v16, v13;
	v22 =	vmul.f32 v5, v9;
	v13 =	vmax.f32 v24, v20;
	(pc) =	sbr.rel @p3 .LBB2_12-.Ltmp7, $4  }
0x70: {  	s0 =	sadd.s32 $0x10, s0;
	v11 =	vmin.f32 v11, v8;
	v9 =	vld [tilespmem:s31+$0x0];
	v26 =	vadd.f32 v18, v15;
	v8 =	vmax.f32 v16, v13  }
0x71: {  	s29 =	sadd.s32 $0x1, s29;
	s1 =	sadd.s32 $0x10, s1;
	v15 =	vadd.f32 v17, v3;
	v17 =	vld [tilespmem:s0+$0x0];
	v18 =	vmul.f32 v6, v14;
	v27 =	vmax.f32 v11, v8  }
0x72: {  	v22 =	vadd.f32 v22, v12;
	v14 =	vld [tilespmem:s1+$0x0];
	v26 =	vand.u32 $0xFFFFF800, v26;
	v7 =	vmin.f32 v7, v27  }
0x73: {  	s17 =	sadd.s32 $0x10, s17;
	v21 =	vmin.f32 v21, v23;
	v12 =	vmul.f32 v4, v25;
	v23 =	vor.u32 s28, v26;
	s28 =	smov.u32 s30;
	s30 =	smov.u32 s18  }
0x74: {  	s29 =	smov.u32 s30  }
.LBB2_14:
0x75: {  	v18 =	vadd.f32 @p0 v18, v22;
	v9 =	vmul.f32 v5, v9;
	_ =	sdelay $0x1  }
0x76: {  	v15 =	vadd.f32 @p0 v18, v15;
	v14 =	vmul.f32 v6, v14;
	v9 =	vadd.f32 v9, v12  }
0x77: {  	v17 =	vadd.f32 v17, v3;
	v12 =	vmax.f32 @p1 v21, v23;
	v18 =	vmin.f32 @p2 v24, v20  }
0x78: {  	v20 =	vmin.f32 @p1 v21, v23;
	v15 =	vand.u32 @p0 $0xFFFFF800, v15;
	v9 =	vadd.f32 v14, v9  }
0x79: {  	v14 =	vpsel p2, v18, v10;
	v18 =	vpsel p1, v20, v10;
	v15 =	vor.u32 @p0 s28, v15  }
0x7a: {  	v15 =	vpsel p0, v15, v19;
	v19 =	vpsel p1, v12, v0;
	v9 =	vadd.f32 v9, v17  }
0x7b: {  	v17 =	vmax.f32 @p0 v18, v15;
	v19 =	vmin.f32 @p1 v14, v19  }
0x7c: {  	v15 =	vmin.f32 @p0 v18, v15;
	v19 =	vpsel p1, v19, v10;
	v9 =	vand.u32 $0xFFFFF800, v9  }
0x7d: {  	v15 =	vpsel p0, v15, v10;
	v18 =	vpsel p0, v17, v0;
	v9 =	vor.u32 s29, v9  }
0x7e: {  	v18 =	vmin.f32 @p0 v19, v18;
	v46 =	vmin.f32 v15, v9  }
0x7f: {  	v9 =	vmax.f32 v15, v9;
	v47 =	vpsel p0, v18, v10;
	v48 =	vshll.u32 v46, $0x4  }
0x80: {  	v49 =	vmin.f32 v47, v9;
	v50 =	vand.u32 $0x7FF0, v48  }
0x81: {  	v20 =	vshll.u32 v49, $0x4;
	v21 =	vor.u32 v0, v50  }
0x82: {  	v18 =	vand.u32 $0x7F80, v48;
	v52 =	vand.u32 $0x7FF0, v20;
	v51 =	vand.u32 $0x7F, v21  }
0x83: {  	v53 =	vor.u32 v0, v52;
	v18 =	vor.u32 v18, v51  }
0x84: {  	v20 =	vand.u32 $0x7F80, v20;
	v23 =	vand.u32 $0x7F, v53  }
0x85: {  	v20 =	vor.u32 v20, v23;
	_ =	sdelay $0x1  }
0x86: {  	s28 =	simm.s32 $0x0  }
0x87: {  	v54 =	vld.idx.msk [tilespmem:v18+s28+$0x0], $0xffff  }
0x88: {  	v55 =	vld.idx.msk [tilespmem:v18+s24+$0x0], $0xffff  }
0x89: {  	v25 =	vld.idx.msk [tilespmem:v20+s28+$0x0], $0xffff  }
0x8a: {  	v26 =	vld.idx.msk [tilespmem:v20+s24+$0x0], $0xffff  }
0x8b: {  	v13 =	vmin.f32 @p2 v16, v13;
	v12 =	vmax.f32 @p1 v14, v12;
	v27 =	vld.idx.msk [tilespmem:v18+s26+$0x0], $0xffff  }
0x8c: {  	v13 =	vpsel p2, v13, v10;
	v16 =	vmax.f32 @p0 v19, v17;
	v17 =	vpsel p1, v12, v0;
	v56 =	vld.idx.msk [tilespmem:v20+s26+$0x0], $0xffff  }
0x8d: {  	v17 =	vmin.f32 @p1 v13, v17;
	v57 =	vld.idx.msk [tilespmem:v18+s25+$0x0], $0xffff  }
0x8e: {  	v24 =	vpsel p0, v16, v0;
	v20 =	vld.idx.msk [tilespmem:v20+s25+$0x0], $0xffff;
	v58 =	vmul.f32 v4, v54;
	v59 =	vmul.f32 v5, v55  }
0x8f: {  	v9 =	vmax.f32 v47, v9;
	v60 =	vmul.f32 v4, v25;
	v61 =	vmul.f32 v5, v26  }
0x90: {  	v17 =	vpsel p1, v17, v10;
	v62 =	vmul.f32 v6, v27;
	v18 =	vadd.f32 v59, v58  }
0x91: {  	v24 =	vmin.f32 @p0 v17, v24;
	v14 =	vmul.f32 v6, v56;
	v23 =	vadd.f32 v61, v60  }
0x92: {  	v63 =	vpsel p0, v24, v10;
	v15 =	vadd.f32 v57, v3;
	v18 =	vadd.f32 v62, v18  }
0x93: {  	v20 =	vadd.f32 v20, v3;
	v26 =	vmin.f32 v63, v9;
	v14 =	vadd.f32 v14, v23  }
0x94: {  	v27 =	vshll.u32 v26, $0x4;
	v15 =	vadd.f32 v18, v15  }
0x95: {  	v28 =	vand.u32 $0x7FF0, v27;
	v14 =	vadd.f32 v14, v20  }
0x96: {  	v29 =	vor.u32 v0, v28;
	(xrf1) =	vsort.ascd.msk.f32 $0xffff, v15, v21  }
0x97: {  	v30 =	vand.u32 $0x7F80, v27;
	v31 =	vand.u32 $0x7F, v29;
	(xrf1) =	vsort.ascd.msk.f32 $0xffff, v14, v53  }
0x98: {  	v15 =	vor.u32 v30, v31;
	_ =	sdelay $0x4  }
0x99: {  	v18 =	vld.idx.msk [tilespmem:v15+s28+$0x0], $0xffff  }
0x9a: {  	v32 =	vld.idx.msk [tilespmem:v15+s24+$0x0], $0xffff  }
0x9b: {  	v8 =	vmin.f32 @p2 v11, v8;
	v12 =	vmax.f32 @p1 v13, v12  }
0x9c: {  	v8 =	vpsel p2, v8, v10;
	v11 =	vpsel p1, v12, v0;
	v33 =	vld.idx.msk [tilespmem:v15+s26+$0x0], $0xffff  }
0x9d: {  	v11 =	vmin.f32 @p1 v8, v11;
	v16 =	vmax.f32 @p0 v17, v16  }
0x9e: {  	v11 =	vpsel p1, v11, v10;
	v17 =	vpsel p0, v16, v0;
	v15 =	vld.idx.msk [tilespmem:v15+s25+$0x0], $0xffff  }
0x9f: {  	v17 =	vmin.f32 @p0 v11, v17;
	v18 =	vmul.f32 v4, v18;
	v20 =	vmul.f32 v5, v32  }
0xa0: {  	v17 =	vpsel p0, v17, v10;
	v9 =	vmax.f32 v63, v9;
	v21, v34, _ =	vpop (xrf1)  }
0xa1: {  	v38 =	vmin.f32 v17, v9;
	v13 =	vmul.f32 v6, v33;
	v18 =	vadd.f32 v20, v18;
	v36, v35, _ =	vpop (xrf1)  }
0xa2: {  	v40 =	vshll.u32 v38, $0x4;
	v23 =	vperm.xlane v36, v1  }
0xa3: {  	v15 =	vadd.f32 v15, v3;
	v13 =	vadd.f32 v13, v18;
	v37 =	vperm.xlane v35, v1  }
0xa4: {  	v18 =	vand.u32 $0x7FF0, v40;
	vm0 =	vle.f32 v21, v23  }
0xa5: {  	v13 =	vadd.f32 v13, v15;
	v39 =	vsel vm0, v21, v23;
	v19 =	vsel vm0, v34, v37  }
0xa6: {  	v41 =	vor.u32 v0, v18;
	(xrf1) =	vsort.ascd.msk.f32 $0xffff, v39, v19  }
0xa7: {  	v42 =	vand.u32 $0x7F80, v40;
	v43 =	vand.u32 $0x7F, v41;
	(xrf1) =	vsort.ascd.msk.f32 $0xffff, v13, v29  }
0xa8: {  	v14 =	vor.u32 v42, v43;
	_ =	sdelay $0x4  }
0xa9: {  	v15 =	vld.idx.msk [tilespmem:v14+s28+$0x0], $0xffff  }
0xaa: {  	v44 =	vld.idx.msk [tilespmem:v14+s24+$0x0], $0xffff;
	_ =	sdelay $0x1  }
0xab: {  	v8 =	vmax.f32 @p1 v8, v12;
	v45 =	vld.idx.msk [tilespmem:v14+s26+$0x0], $0xffff  }
0xac: {  	v7 =	vmin.f32 @p1 v7, v8;
	v8 =	vmax.f32 @p0 v11, v16  }
0xad: {  	v7 =	vpsel p1, v7, v10;
	v11 =	vld.idx.msk [tilespmem:v14+s25+$0x0], $0xffff  }
0xae: {  	v7 =	vmin.f32 @p0 v7, v8;
	v15 =	vmul.f32 v4, v15;
	v47 =	vmul.f32 v5, v44  }
0xaf: {  	v7 =	vpsel p0, v7, v10;
	v9 =	vmax.f32 v17, v9;
	v8, v46, _ =	vpop (xrf1)  }
0xb0: {  	v9 =	vmin.f32 v7, v9;
	v12 =	vmul.f32 v6, v45;
	v15 =	vadd.f32 v47, v15;
	v49, v48, _ =	vpop (xrf1)  }
0xb1: {  	v50 =	vshll.u32 v9, $0x4;
	v17 =	vperm.xlane v49, v1  }
0xb2: {  	v11 =	vadd.f32 v11, v3;
	v12 =	vadd.f32 v12, v15;
	v7 =	vperm.xlane v48, v1  }
0xb3: {  	v51 =	vand.u32 $0x7FF0, v50;
	vm12 =	vle.f32 v8, v17  }
0xb4: {  	v11 =	vadd.f32 v12, v11;
	v8 =	vsel vm12, v8, v17;
	v7 =	vsel vm12, v46, v7  }
0xb5: {  	(xrf1) =	vsort.ascd.msk.f32 $0xffff, v8, v7;
	v7 =	vor.u32 v0, v51  }
0xb6: {  	v8 =	vand.u32 $0x7F80, v50;
	(xrf1) =	vsort.ascd.msk.f32 $0xffff, v11, v41;
	v11 =	vand.u32 $0x7F, v7  }
0xb7: {  	v8 =	vor.u32 v8, v11;
	_ =	sdelay $0x4  }
0xb8: {  	v11 =	vld.idx.msk [tilespmem:v8+s28+$0x0], $0xffff  }
0xb9: {  	v52 =	vld.idx.msk [tilespmem:v8+s24+$0x0], $0xffff;
	_ =	sdelay $0x1  }
0xba: {  	v53 =	vld.idx.msk [tilespmem:v8+s26+$0x0], $0xffff;
	_ =	sdelay $0x1  }
0xbb: {  	v8 =	vld.idx.msk [tilespmem:v8+s25+$0x0], $0xffff  }
0xbc: {  	v11 =	vmul.f32 v4, v11;
	v12 =	vmul.f32 v5, v52  }
0xbd: {  	v54, v55, _ =	vpop (xrf1)  }
0xbe: {  	v58 =	vmul.f32 v6, v53;
	v11 =	vadd.f32 v12, v11;
	v56, v57, _ =	vpop (xrf1)  }
0xbf: {  	v59 =	vperm.xlane v56, v1  }
0xc0: {  	v8 =	vadd.f32 v8, v3;
	v60 =	vperm.xlane v57, v1;
	v11 =	vadd.f32 v58, v11  }
0xc1: {  	vm13 =	vle.f32 v54, v59  }
0xc2: {  	v8 =	vadd.f32 v11, v8;
	v61 =	vsel vm13, v54, v59;
	v62 =	vsel vm13, v55, v60  }
0xc3: {  	(xrf1) =	vsort.ascd.msk.f32 $0xffff, v61, v62  }
0xc4: {  	(xrf1) =	vsort.ascd.msk.f32 $0xffff, v8, v7;
	_ =	sdelay $0xc  }
0xc5: {  	v7, v8, _ =	vpop (xrf1)  }
0xc6: {  	v11, v63, _ =	vpop (xrf1)  }
0xc7: {  	v11 =	vperm.xlane v11, v1  }
0xc8: {  	v12 =	vperm.xlane v63, v1  }
0xc9: {  	vm14 =	vle.f32 v7, v11  }
0xca: {  	v7 =	vsel vm14, v7, v11;
	v8 =	vsel vm14, v8, v12  }
0xcb: {  	(xrf1) =	vsort.ascd.msk.f32 $0xffff, v7, v8;
	_ =	sdelay $0xd  }
0xcc: {  	v8, v7, _ =	vpop (xrf1)  }
0xcd: {  	(xrf0) =	vmax.scan.msk.f32 $0xffff, v8;
	_ =	sdelay $0x2  }
0xce: {  	v8 =	vand.u32 $0xFFFFF800, v9  }
0xcf: {  	v9 =	vand.u32 $0x7FFFFFFF, v8  }
0xd0: {  	v9 =	vmul.f32 $-2.000000090e-03, v9  }
0xd1: {  	v11, _, _ =	vpop (xrf0)  }
0xd2: {  	v8 =	vadd.f32 v9, v8;
	v11 =	vbroadcast v11, $0xF;
	_ =	sdelay $0x1  }
0xd3: {  	vm15 =	vlt.f32 v8, v11  }
0xd4: {  	v8 =	vsel vm15, $0x3F800000, v2  }
0xd5: {  	(xrf0) =	vmax.scan.msk.f32 $0xffff, v8;
	_ =	sdelay $0x5  }
0xd6: {  	v8, _, _ =	vpop (xrf0)  }
0xd7: {  	(v2sf) =	vpush v8, $0xF;
	_ =	sdelay $0xe  }
0xd8: {  	s0 =	spop (v2sf)  }
0xd9: {  	p0 =	sgt.f32 s0, $0.0e+00  }
.Ltmp8:
0xda: {  	_ = 	snop;
	(pc) =	sbr.rel @!p0 .LBB2_18-.Ltmp8, $1  }
0xdb: {  	_ =	sdelay $0x3  }
0xdc: {  	v7 =	vld [tilespmem:s28+$0x0]  }
0xdd: {  	v8 =	vld [tilespmem:s24+$0x0];
	_ =	sdelay $0x1  }
0xde: {  	v9 =	vld [tilespmem:s26+$0x0];
	_ =	sdelay $0x1  }
0xdf: {  	v11 =	vld [tilespmem:s25+$0x0]  }
0xe0: {  	v7 =	vmul.f32 v4, v7;
	v8 =	vmul.f32 v5, v8;
	_ =	sdelay $0x1  }
0xe1: {  	v9 =	vmul.f32 v6, v9;
	v7 =	vadd.f32 v8, v7;
	_ =	sdelay $0x1  }
0xe2: {  	v8 =	vadd.f32 v11, v3;
	v7 =	vadd.f32 v9, v7;
	_ =	sdelay $0x1  }
0xe3: {  	v7 =	vadd.f32 v7, v8  }
0xe4: {  	s25 =	simm.s32 $0x4E90  }
0xe5: {  	s0 =	simm.s32 $0x10;
	v9 =	vld [tilespmem:s25+$0x0];
	v7 =	vand.u32 $0xFFFFF800, v7  }
0xe6: {  	v8 =	vld [tilespmem:s0+$0x0];
	v7 =	vor.u32 s28, v7  }
0xe7: {  	s26 =	simm.s32 $0x9D10;
	v35 =	vmax.f32 v10, v7  }
0xe8: {  	v11 =	vld [tilespmem:s26+$0x0];
	v32 =	vmax.f32 v10, v35  }
0xe9: {  	s24 =	simm.s32 $0xEB90;
	v34 =	vimm.f32 $+Inf;
	v33 =	vimm.f32 $+Inf;
	v31 =	vmax.f32 v10, v32  }
0xea: {  	v30 =	vimm.f32 $+Inf;
	v28 =	vimm.f32 $+Inf;
	v12 =	vld [tilespmem:s24+$0x0];
	v29 =	vmax.f32 v10, v31  }
0xeb: {  	v9 =	vmul.f32 v5, v9;
	v8 =	vmul.f32 v4, v8;
	v27 =	vmax.f32 v10, v29  }
0xec: {  	v26 =	vimm.f32 $+Inf;
	v24 =	vimm.f32 $+Inf;
	v25 =	vmax.f32 v10, v27  }
0xed: {  	v11 =	vmul.f32 v6, v11;
	v8 =	vadd.f32 v9, v8;
	v23 =	vmax.f32 v10, v25  }
0xee: {  	v22 =	vimm.f32 $+Inf;
	v20 =	vimm.f32 $+Inf;
	v21 =	vmax.f32 v10, v23  }
0xef: {  	v9 =	vadd.f32 v12, v3;
	v8 =	vadd.f32 v11, v8;
	v19 =	vmax.f32 v10, v21  }
0xf0: {  	v18 =	vimm.f32 $+Inf;
	v16 =	vimm.f32 $+Inf;
	v17 =	vmax.f32 v10, v19  }
0xf1: {  	v14 =	vimm.f32 $+Inf;
	s25 =	simm.s32 $0x20;
	v8 =	vadd.f32 v8, v9;
	v15 =	vmax.f32 v10, v17  }
0xf2: {  	s26 =	simm.s32 $0x4EA0;
	v38 =	vld [tilespmem:s25+$0x0];
	v36 =	vmin.f32 v10, v7;
	v7 =	vimm.f32 $+Inf;
	v13 =	vmax.f32 v10, v15  }
0xf3: {  	s31 =	simm.s32 $0x1;
	s29 =	simm.s32 $0x9D20;
	v39 =	vld [tilespmem:s26+$0x0];
	v12 =	vimm.f32 $+Inf;
	v8 =	vand.u32 $0xFFFFF800, v8;
	v11 =	vmax.f32 v10, v13  }
0xf4: {  	s30 =	simm.s32 $0x3;
	v40 =	vld [tilespmem:s29+$0x0];
	s28 =	simm.s32 $0x2;
	v9 =	vimm.f32 $+Inf;
	v37 =	vor.u32 s31, v8;
	v8 =	vmax.f32 v10, v11  }
.LBB2_16:
0xf5: {  	p0 =	sne.s32 s30, $0x4E1;
	s24 =	sadd.s32 $0x10, s24;
	v10 =	vmin.f32 v10, v35;
	v35 =	vmax.f32 v36, v37;
	v41 =	vmax.f32 v7, v8  }
0xf6: {  	v34 =	vmin.f32 v34, v32;
	v42 =	vld [tilespmem:s24+$0x0];
	v32 =	vmax.f32 v10, v35;
	v9 =	vmin.f32 v9, v41  }
0xf7: {  	v33 =	vmin.f32 v33, v31;
	v38 =	vmul.f32 v4, v38;
	v31 =	vmax.f32 v34, v32  }
0xf8: {  	v30 =	vmin.f32 v30, v29;
	v39 =	vmul.f32 v5, v39;
	v29 =	vmax.f32 v33, v31  }
0xf9: {  	v28 =	vmin.f32 v28, v27;
	v40 =	vmul.f32 v6, v40;
	v27 =	vmax.f32 v30, v29  }
0xfa: {  	v26 =	vmin.f32 v26, v25;
	v38 =	vadd.f32 v39, v38;
	v25 =	vmax.f32 v28, v27  }
0xfb: {  	v24 =	vmin.f32 v24, v23;
	v39 =	vadd.f32 v42, v3;
	v23 =	vmax.f32 v26, v25  }
0xfc: {  	v22 =	vmin.f32 v22, v21;
	v38 =	vadd.f32 v40, v38;
	v21 =	vmax.f32 v24, v23  }
0xfd: {  	v20 =	vmin.f32 v20, v19;
	v19 =	vmax.f32 v22, v21  }
.Ltmp9:
0xfe: {  	v18 =	vmin.f32 v18, v17;
	v39 =	vadd.f32 v38, v39;
	v17 =	vmax.f32 v20, v19;
	(pc) =	sbr.rel @p0 .LBB2_16-.Ltmp9, $4  }
0xff: {  	s25 =	sadd.s32 $0x10, s25;
	v16 =	vmin.f32 v16, v15;
	v15 =	vmax.f32 v18, v17  }
0x100: {  	s26 =	sadd.s32 $0x10, s26;
	v14 =	vmin.f32 v14, v13;
	v38 =	vld [tilespmem:s25+$0x0];
	v40 =	vand.u32 $0xFFFFF800, v39;
	v13 =	vmax.f32 v16, v15  }
0x101: {  	s29 =	sadd.s32 $0x10, s29;
	v12 =	vmin.f32 v12, v11;
	v39 =	vld [tilespmem:s26+$0x0];
	v41 =	vor.u32 s28, v40;
	v11 =	vmax.f32 v14, v13;
	s28 =	smov.u32 s30  }
0x102: {  	v36 =	vmin.f32 v36, v37;
	v7 =	vmin.f32 v7, v8;
	s30 =	sadd.s32 $0x1, s30;
	v40 =	vld [tilespmem:s29+$0x0];
	v8 =	vmax.f32 v12, v11;
	v37 =	vmovc v41  }
0x103: {  	_ = 	snop  }
0x104: {  	s0 =	sadd.s32 $0x10, s24  }
0x105: {  	v41 =	vld [tilespmem:s0+$0x0]  }
0x106: {  	v38 =	vmul.f32 v4, v38;
	v39 =	vmul.f32 v5, v39;
	_ =	sdelay $0x1  }
0x107: {  	v40 =	vmul.f32 v6, v40;
	v38 =	vadd.f32 v39, v38;
	_ =	sdelay $0x1  }
0x108: {  	v55 =	vadd.f32 v41, v3;
	v38 =	vadd.f32 v40, v38;
	_ =	sdelay $0x1  }
0x109: {  	v38 =	vadd.f32 v38, v55;
	_ =	sdelay $0x1  }
0x10a: {  	v38 =	vand.u32 $0xFFFFF800, v38  }
0x10b: {  	v56 =	vmin.f32 v36, v37;
	v38 =	vor.u32 s28, v38  }
0x10c: {  	v57 =	vmax.f32 v36, v37;
	v10 =	vmin.f32 v10, v35;
	v58 =	vmin.f32 v56, v38  }
0x10d: {  	v60 =	vmin.f32 v10, v57;
	v59 =	vmax.f32 v56, v38;
	v35 =	vshll.u32 v58, $0x4  }
0x10e: {  	v39 =	vmin.f32 v60, v59;
	v61 =	vand.u32 $0x7FF0, v35  }
0x10f: {  	v39 =	vshll.u32 v39, $0x4;
	v40 =	vor.u32 v0, v61  }
0x110: {  	v35 =	vand.u32 $0x7F80, v35;
	v42 =	vand.u32 $0x7FF0, v39;
	v62 =	vand.u32 $0x7F, v40  }
0x111: {  	v63 =	vor.u32 v0, v42;
	v35 =	vor.u32 v35, v62  }
0x112: {  	v39 =	vand.u32 $0x7F80, v39;
	v42 =	vand.u32 $0x7F, v63  }
0x113: {  	v39 =	vor.u32 v39, v42;
	_ =	sdelay $0x2  }
0x114: {  	v48 =	vld.idx.msk [tilespmem:v35+s2+$0x0], $0xffff  }
0x115: {  	v43 =	vld.idx.msk [tilespmem:v35+s13+$0x0], $0xffff  }
0x116: {  	v44 =	vld.idx.msk [tilespmem:v39+s2+$0x0], $0xffff  }
0x117: {  	v45 =	vld.idx.msk [tilespmem:v39+s13+$0x0], $0xffff  }
0x118: {  	v46 =	vld.idx.msk [tilespmem:v35+s14+$0x0], $0xffff  }
0x119: {  	v47 =	vld.idx.msk [tilespmem:v39+s14+$0x0], $0xffff  }
0x11a: {  	v35 =	vld.idx.msk [tilespmem:v35+s16+$0x0], $0xffff  }
0x11b: {  	v39 =	vld.idx.msk [tilespmem:v39+s16+$0x0], $0xffff;
	v42 =	vmul.f32 v4, v48;
	v43 =	vmul.f32 v5, v43  }
0x11c: {  	v32 =	vmin.f32 v34, v32;
	v44 =	vmul.f32 v4, v44;
	v45 =	vmul.f32 v5, v45  }
0x11d: {  	v10 =	vmax.f32 v10, v57;
	v50 =	vmul.f32 v6, v46;
	v49 =	vadd.f32 v43, v42  }
0x11e: {  	v53 =	vmin.f32 v32, v10;
	v52 =	vmul.f32 v6, v47;
	v51 =	vadd.f32 v45, v44  }
0x11f: {  	v37 =	vmax.f32 v60, v59;
	v35 =	vadd.f32 v35, v3;
	v36 =	vadd.f32 v50, v49  }
0x120: {  	v54 =	vmin.f32 v53, v37;
	v39 =	vadd.f32 v39, v3;
	v34 =	vadd.f32 v52, v51  }
0x121: {  	v55 =	vshll.u32 v54, $0x4;
	v35 =	vadd.f32 v36, v35  }
0x122: {  	v56 =	vand.u32 $0x7FF0, v55;
	v34 =	vadd.f32 v34, v39  }
0x123: {  	v57 =	vor.u32 v0, v56;
	(xrf1) =	vsort.ascd.msk.f32 $0xffff, v35, v40  }
0x124: {  	v58 =	vand.u32 $0x7F80, v55;
	v59 =	vand.u32 $0x7F, v57;
	(xrf1) =	vsort.ascd.msk.f32 $0xffff, v34, v63  }
0x125: {  	v35 =	vor.u32 v58, v59;
	_ =	sdelay $0x4  }
0x126: {  	v36 =	vld.idx.msk [tilespmem:v35+s2+$0x0], $0xffff  }
0x127: {  	v60 =	vld.idx.msk [tilespmem:v35+s13+$0x0], $0xffff;
	_ =	sdelay $0x1  }
0x128: {  	v61 =	vld.idx.msk [tilespmem:v35+s14+$0x0], $0xffff;
	_ =	sdelay $0x1  }
0x129: {  	v31 =	vmin.f32 v33, v31;
	v35 =	vld.idx.msk [tilespmem:v35+s16+$0x0], $0xffff  }
0x12a: {  	v10 =	vmax.f32 v32, v10;
	v36 =	vmul.f32 v4, v36;
	v39 =	vmul.f32 v5, v60  }
0x12b: {  	v37 =	vmax.f32 v53, v37;
	v48 =	vmin.f32 v31, v10;
	v63, v62, _ =	vpop (xrf1)  }
0x12c: {  	v49 =	vmin.f32 v48, v37;
	v47 =	vmul.f32 v6, v61;
	v36 =	vadd.f32 v39, v36;
	v45, v46, _ =	vpop (xrf1)  }
0x12d: {  	v50 =	vshll.u32 v49, $0x4;
	v32 =	vperm.xlane v45, v1  }
0x12e: {  	v35 =	vadd.f32 v35, v3;
	v36 =	vadd.f32 v47, v36;
	v33 =	vperm.xlane v46, v1  }
0x12f: {  	v51 =	vand.u32 $0x7FF0, v50;
	vm0 =	vle.f32 v63, v32  }
0x130: {  	v35 =	vadd.f32 v36, v35;
	v32 =	vsel vm0, v63, v32;
	v33 =	vsel vm0, v62, v33  }
0x131: {  	(xrf1) =	vsort.ascd.msk.f32 $0xffff, v32, v33;
	v32 =	vor.u32 v0, v51  }
0x132: {  	v52 =	vand.u32 $0x7F80, v50;
	(xrf1) =	vsort.ascd.msk.f32 $0xffff, v35, v57;
	v53 =	vand.u32 $0x7F, v32  }
0x133: {  	v33 =	vor.u32 v52, v53;
	_ =	sdelay $0x4  }
0x134: {  	v34 =	vld.idx.msk [tilespmem:v33+s2+$0x0], $0xffff  }
0x135: {  	v54 =	vld.idx.msk [tilespmem:v33+s13+$0x0], $0xffff;
	_ =	sdelay $0x1  }
0x136: {  	v55 =	vld.idx.msk [tilespmem:v33+s14+$0x0], $0xffff;
	_ =	sdelay $0x1  }
0x137: {  	v29 =	vmin.f32 v30, v29;
	v33 =	vld.idx.msk [tilespmem:v33+s16+$0x0], $0xffff  }
0x138: {  	v10 =	vmax.f32 v31, v10;
	v34 =	vmul.f32 v4, v34;
	v35 =	vmul.f32 v5, v54  }
0x139: {  	v61 =	vmax.f32 v48, v37;
	v62 =	vmin.f32 v29, v10;
	v57, v56, _ =	vpop (xrf1)  }
0x13a: {  	v63 =	vmin.f32 v62, v61;
	v60 =	vmul.f32 v6, v55;
	v34 =	vadd.f32 v35, v34;
	v59, v58, _ =	vpop (xrf1)  }
0x13b: {  	v38 =	vshll.u32 v63, $0x4;
	v30 =	vperm.xlane v59, v1  }
0x13c: {  	v33 =	vadd.f32 v33, v3;
	v31 =	vperm.xlane v58, v1;
	v34 =	vadd.f32 v60, v34  }
0x13d: {  	v39 =	vand.u32 $0x7FF0, v38;
	vm14 =	vle.f32 v57, v30  }
0x13e: {  	v33 =	vadd.f32 v34, v33;
	v30 =	vsel vm14, v57, v30;
	v31 =	vsel vm14, v56, v31  }
0x13f: {  	(xrf1) =	vsort.ascd.msk.f32 $0xffff, v30, v31;
	v30 =	vor.u32 v0, v39  }
0x140: {  	v40 =	vand.u32 $0x7F80, v38;
	(xrf1) =	vsort.ascd.msk.f32 $0xffff, v33, v32;
	v41 =	vand.u32 $0x7F, v30  }
0x141: {  	v31 =	vor.u32 v40, v41;
	_ =	sdelay $0x4  }
0x142: {  	v32 =	vld.idx.msk [tilespmem:v31+s2+$0x0], $0xffff  }
0x143: {  	v42 =	vld.idx.msk [tilespmem:v31+s13+$0x0], $0xffff;
	_ =	sdelay $0x1  }
0x144: {  	v43 =	vld.idx.msk [tilespmem:v31+s14+$0x0], $0xffff;
	_ =	sdelay $0x1  }
0x145: {  	v27 =	vmin.f32 v28, v27;
	v31 =	vld.idx.msk [tilespmem:v31+s16+$0x0], $0xffff  }
0x146: {  	v10 =	vmax.f32 v29, v10;
	v32 =	vmul.f32 v4, v32;
	v33 =	vmul.f32 v5, v42  }
0x147: {  	v49 =	vmax.f32 v62, v61;
	v50 =	vmin.f32 v27, v10;
	v45, v44, _ =	vpop (xrf1)  }
0x148: {  	v51 =	vmin.f32 v50, v49;
	v48 =	vmul.f32 v6, v43;
	v32 =	vadd.f32 v33, v32;
	v47, v46, _ =	vpop (xrf1)  }
0x149: {  	v52 =	vshll.u32 v51, $0x4;
	v28 =	vperm.xlane v47, v1  }
0x14a: {  	v31 =	vadd.f32 v31, v3;
	v29 =	vperm.xlane v46, v1;
	v32 =	vadd.f32 v48, v32  }
0x14b: {  	v53 =	vand.u32 $0x7FF0, v52;
	vm15 =	vle.f32 v45, v28  }
0x14c: {  	v31 =	vadd.f32 v32, v31;
	v28 =	vsel vm15, v45, v28;
	v29 =	vsel vm15, v44, v29  }
0x14d: {  	(xrf1) =	vsort.ascd.msk.f32 $0xffff, v28, v29;
	v28 =	vor.u32 v0, v53  }
0x14e: {  	v54 =	vand.u32 $0x7F80, v52;
	(xrf1) =	vsort.ascd.msk.f32 $0xffff, v31, v30;
	v55 =	vand.u32 $0x7F, v28  }
0x14f: {  	v29 =	vor.u32 v54, v55;
	_ =	sdelay $0x4  }
0x150: {  	v30 =	vld.idx.msk [tilespmem:v29+s2+$0x0], $0xffff  }
0x151: {  	v56 =	vld.idx.msk [tilespmem:v29+s13+$0x0], $0xffff;
	_ =	sdelay $0x1  }
0x152: {  	v57 =	vld.idx.msk [tilespmem:v29+s14+$0x0], $0xffff;
	_ =	sdelay $0x1  }
0x153: {  	v25 =	vmin.f32 v26, v25;
	v29 =	vld.idx.msk [tilespmem:v29+s16+$0x0], $0xffff  }
0x154: {  	v10 =	vmax.f32 v27, v10;
	v30 =	vmul.f32 v4, v30;
	v31 =	vmul.f32 v5, v56  }
0x155: {  	v63 =	vmax.f32 v50, v49;
	v36 =	vmin.f32 v25, v10;
	v59, v58, _ =	vpop (xrf1)  }
0x156: {  	v37 =	vmin.f32 v36, v63;
	v62 =	vmul.f32 v6, v57;
	v30 =	vadd.f32 v31, v30;
	v61, v60, _ =	vpop (xrf1)  }
0x157: {  	v38 =	vshll.u32 v37, $0x4;
	v26 =	vperm.xlane v61, v1  }
0x158: {  	v29 =	vadd.f32 v29, v3;
	v27 =	vperm.xlane v60, v1;
	v30 =	vadd.f32 v62, v30  }
0x159: {  	v39 =	vand.u32 $0x7FF0, v38;
	vm4 =	vle.f32 v59, v26  }
0x15a: {  	v29 =	vadd.f32 v30, v29;
	v26 =	vsel vm4, v59, v26;
	v27 =	vsel vm4, v58, v27  }
0x15b: {  	(xrf1) =	vsort.ascd.msk.f32 $0xffff, v26, v27;
	v26 =	vor.u32 v0, v39  }
0x15c: {  	v40 =	vand.u32 $0x7F80, v38;
	(xrf1) =	vsort.ascd.msk.f32 $0xffff, v29, v28;
	v41 =	vand.u32 $0x7F, v26  }
0x15d: {  	v27 =	vor.u32 v40, v41;
	_ =	sdelay $0x4  }
0x15e: {  	v28 =	vld.idx.msk [tilespmem:v27+s2+$0x0], $0xffff  }
0x15f: {  	v42 =	vld.idx.msk [tilespmem:v27+s13+$0x0], $0xffff;
	_ =	sdelay $0x1  }
0x160: {  	v43 =	vld.idx.msk [tilespmem:v27+s14+$0x0], $0xffff;
	_ =	sdelay $0x1  }
0x161: {  	v23 =	vmin.f32 v24, v23;
	v27 =	vld.idx.msk [tilespmem:v27+s16+$0x0], $0xffff  }
0x162: {  	v10 =	vmax.f32 v25, v10;
	v28 =	vmul.f32 v4, v28;
	v29 =	vmul.f32 v5, v42  }
0x163: {  	v49 =	vmax.f32 v36, v63;
	v50 =	vmin.f32 v23, v10;
	v45, v44, _ =	vpop (xrf1)  }
0x164: {  	v51 =	vmin.f32 v50, v49;
	v48 =	vmul.f32 v6, v43;
	v28 =	vadd.f32 v29, v28;
	v47, v46, _ =	vpop (xrf1)  }
0x165: {  	v52 =	vshll.u32 v51, $0x4;
	v24 =	vperm.xlane v47, v1  }
0x166: {  	v27 =	vadd.f32 v27, v3;
	v25 =	vperm.xlane v46, v1;
	v28 =	vadd.f32 v48, v28  }
0x167: {  	v53 =	vand.u32 $0x7FF0, v52;
	vm5 =	vle.f32 v45, v24  }
0x168: {  	v27 =	vadd.f32 v28, v27;
	v24 =	vsel vm5, v45, v24;
	v25 =	vsel vm5, v44, v25  }
0x169: {  	(xrf1) =	vsort.ascd.msk.f32 $0xffff, v24, v25;
	v24 =	vor.u32 v0, v53  }
0x16a: {  	v54 =	vand.u32 $0x7F80, v52;
	(xrf1) =	vsort.ascd.msk.f32 $0xffff, v27, v26;
	v55 =	vand.u32 $0x7F, v24  }
0x16b: {  	v25 =	vor.u32 v54, v55;
	_ =	sdelay $0x4  }
0x16c: {  	v26 =	vld.idx.msk [tilespmem:v25+s2+$0x0], $0xffff  }
0x16d: {  	v56 =	vld.idx.msk [tilespmem:v25+s13+$0x0], $0xffff;
	_ =	sdelay $0x1  }
0x16e: {  	v57 =	vld.idx.msk [tilespmem:v25+s14+$0x0], $0xffff;
	_ =	sdelay $0x1  }
0x16f: {  	v21 =	vmin.f32 v22, v21;
	v25 =	vld.idx.msk [tilespmem:v25+s16+$0x0], $0xffff  }
0x170: {  	v10 =	vmax.f32 v23, v10;
	v26 =	vmul.f32 v4, v26;
	v27 =	vmul.f32 v5, v56  }
0x171: {  	v63 =	vmax.f32 v50, v49;
	v33 =	vmin.f32 v21, v10;
	v59, v58, _ =	vpop (xrf1)  }
0x172: {  	v34 =	vmin.f32 v33, v63;
	v62 =	vmul.f32 v6, v57;
	v26 =	vadd.f32 v27, v26;
	v61, v60, _ =	vpop (xrf1)  }
0x173: {  	v35 =	vshll.u32 v34, $0x4;
	v22 =	vperm.xlane v61, v1  }
0x174: {  	v25 =	vadd.f32 v25, v3;
	v23 =	vperm.xlane v60, v1;
	v26 =	vadd.f32 v62, v26  }
0x175: {  	v36 =	vand.u32 $0x7FF0, v35;
	vm6 =	vle.f32 v59, v22  }
0x176: {  	v25 =	vadd.f32 v26, v25;
	v22 =	vsel vm6, v59, v22;
	v23 =	vsel vm6, v58, v23  }
0x177: {  	(xrf1) =	vsort.ascd.msk.f32 $0xffff, v22, v23;
	v22 =	vor.u32 v0, v36  }
0x178: {  	v37 =	vand.u32 $0x7F80, v35;
	(xrf1) =	vsort.ascd.msk.f32 $0xffff, v25, v24;
	v38 =	vand.u32 $0x7F, v22  }
0x179: {  	v23 =	vor.u32 v37, v38;
	_ =	sdelay $0x4  }
0x17a: {  	v24 =	vld.idx.msk [tilespmem:v23+s2+$0x0], $0xffff  }
0x17b: {  	v39 =	vld.idx.msk [tilespmem:v23+s13+$0x0], $0xffff;
	_ =	sdelay $0x1  }
0x17c: {  	v40 =	vld.idx.msk [tilespmem:v23+s14+$0x0], $0xffff;
	_ =	sdelay $0x1  }
0x17d: {  	v19 =	vmin.f32 v20, v19;
	v23 =	vld.idx.msk [tilespmem:v23+s16+$0x0], $0xffff  }
0x17e: {  	v10 =	vmax.f32 v21, v10;
	v24 =	vmul.f32 v4, v24;
	v25 =	vmul.f32 v5, v39  }
0x17f: {  	v46 =	vmax.f32 v33, v63;
	v47 =	vmin.f32 v19, v10;
	v42, v41, _ =	vpop (xrf1)  }
0x180: {  	v48 =	vmin.f32 v47, v46;
	v45 =	vmul.f32 v6, v40;
	v24 =	vadd.f32 v25, v24;
	v44, v43, _ =	vpop (xrf1)  }
0x181: {  	v49 =	vshll.u32 v48, $0x4;
	v20 =	vperm.xlane v44, v1  }
0x182: {  	v23 =	vadd.f32 v23, v3;
	v21 =	vperm.xlane v43, v1;
	v24 =	vadd.f32 v45, v24  }
0x183: {  	v50 =	vand.u32 $0x7FF0, v49;
	vm7 =	vle.f32 v42, v20  }
0x184: {  	v23 =	vadd.f32 v24, v23;
	v20 =	vsel vm7, v42, v20;
	v21 =	vsel vm7, v41, v21  }
0x185: {  	(xrf1) =	vsort.ascd.msk.f32 $0xffff, v20, v21;
	v20 =	vor.u32 v0, v50  }
0x186: {  	v51 =	vand.u32 $0x7F80, v49;
	(xrf1) =	vsort.ascd.msk.f32 $0xffff, v23, v22;
	v52 =	vand.u32 $0x7F, v20  }
0x187: {  	v21 =	vor.u32 v51, v52;
	_ =	sdelay $0x4  }
0x188: {  	v22 =	vld.idx.msk [tilespmem:v21+s2+$0x0], $0xffff  }
0x189: {  	v53 =	vld.idx.msk [tilespmem:v21+s13+$0x0], $0xffff;
	_ =	sdelay $0x1  }
0x18a: {  	v54 =	vld.idx.msk [tilespmem:v21+s14+$0x0], $0xffff;
	_ =	sdelay $0x1  }
0x18b: {  	v17 =	vmin.f32 v18, v17;
	v21 =	vld.idx.msk [tilespmem:v21+s16+$0x0], $0xffff  }
0x18c: {  	v10 =	vmax.f32 v19, v10;
	v22 =	vmul.f32 v4, v22;
	v23 =	vmul.f32 v5, v53  }
0x18d: {  	v60 =	vmax.f32 v47, v46;
	v61 =	vmin.f32 v17, v10;
	v56, v55, _ =	vpop (xrf1)  }
0x18e: {  	v62 =	vmin.f32 v61, v60;
	v59 =	vmul.f32 v6, v54;
	v22 =	vadd.f32 v23, v22;
	v58, v57, _ =	vpop (xrf1)  }
0x18f: {  	v63 =	vshll.u32 v62, $0x4;
	v18 =	vperm.xlane v58, v1  }
0x190: {  	v21 =	vadd.f32 v21, v3;
	v19 =	vperm.xlane v57, v1;
	v22 =	vadd.f32 v59, v22  }
0x191: {  	v25 =	vand.u32 $0x7FF0, v63;
	vm8 =	vle.f32 v56, v18  }
0x192: {  	v21 =	vadd.f32 v22, v21;
	v18 =	vsel vm8, v56, v18;
	v19 =	vsel vm8, v55, v19  }
0x193: {  	(xrf1) =	vsort.ascd.msk.f32 $0xffff, v18, v19;
	v18 =	vor.u32 v0, v25  }
0x194: {  	v27 =	vand.u32 $0x7F80, v63;
	(xrf1) =	vsort.ascd.msk.f32 $0xffff, v21, v20;
	v28 =	vand.u32 $0x7F, v18  }
0x195: {  	v19 =	vor.u32 v27, v28;
	_ =	sdelay $0x4  }
0x196: {  	v20 =	vld.idx.msk [tilespmem:v19+s2+$0x0], $0xffff  }
0x197: {  	v29 =	vld.idx.msk [tilespmem:v19+s13+$0x0], $0xffff;
	_ =	sdelay $0x1  }
0x198: {  	v30 =	vld.idx.msk [tilespmem:v19+s14+$0x0], $0xffff;
	_ =	sdelay $0x1  }
0x199: {  	v15 =	vmin.f32 v16, v15;
	v19 =	vld.idx.msk [tilespmem:v19+s16+$0x0], $0xffff  }
0x19a: {  	v10 =	vmax.f32 v17, v10;
	v20 =	vmul.f32 v4, v20;
	v21 =	vmul.f32 v5, v29  }
0x19b: {  	v36 =	vmax.f32 v61, v60;
	v37 =	vmin.f32 v15, v10;
	v32, v31, _ =	vpop (xrf1)  }
0x19c: {  	v38 =	vmin.f32 v37, v36;
	v35 =	vmul.f32 v6, v30;
	v20 =	vadd.f32 v21, v20;
	v34, v33, _ =	vpop (xrf1)  }
0x19d: {  	v39 =	vshll.u32 v38, $0x4;
	v16 =	vperm.xlane v34, v1  }
0x19e: {  	v19 =	vadd.f32 v19, v3;
	v17 =	vperm.xlane v33, v1;
	v20 =	vadd.f32 v35, v20  }
0x19f: {  	v40 =	vand.u32 $0x7FF0, v39;
	vm9 =	vle.f32 v32, v16  }
0x1a0: {  	v19 =	vadd.f32 v20, v19;
	v16 =	vsel vm9, v32, v16;
	v17 =	vsel vm9, v31, v17  }
0x1a1: {  	(xrf1) =	vsort.ascd.msk.f32 $0xffff, v16, v17;
	v16 =	vor.u32 v0, v40  }
0x1a2: {  	v41 =	vand.u32 $0x7F80, v39;
	(xrf1) =	vsort.ascd.msk.f32 $0xffff, v19, v18;
	v42 =	vand.u32 $0x7F, v16  }
0x1a3: {  	v17 =	vor.u32 v41, v42;
	_ =	sdelay $0x4  }
0x1a4: {  	v18 =	vld.idx.msk [tilespmem:v17+s2+$0x0], $0xffff  }
0x1a5: {  	v43 =	vld.idx.msk [tilespmem:v17+s13+$0x0], $0xffff;
	_ =	sdelay $0x1  }
0x1a6: {  	v44 =	vld.idx.msk [tilespmem:v17+s14+$0x0], $0xffff;
	_ =	sdelay $0x1  }
0x1a7: {  	v13 =	vmin.f32 v14, v13;
	v17 =	vld.idx.msk [tilespmem:v17+s16+$0x0], $0xffff  }
0x1a8: {  	v10 =	vmax.f32 v15, v10;
	v18 =	vmul.f32 v4, v18;
	v19 =	vmul.f32 v5, v43  }
0x1a9: {  	v50 =	vmax.f32 v37, v36;
	v51 =	vmin.f32 v13, v10;
	v46, v45, _ =	vpop (xrf1)  }
0x1aa: {  	v52 =	vmin.f32 v51, v50;
	v49 =	vmul.f32 v6, v44;
	v18 =	vadd.f32 v19, v18;
	v48, v47, _ =	vpop (xrf1)  }
0x1ab: {  	v53 =	vshll.u32 v52, $0x4;
	v14 =	vperm.xlane v48, v1  }
0x1ac: {  	v17 =	vadd.f32 v17, v3;
	v15 =	vperm.xlane v47, v1;
	v18 =	vadd.f32 v49, v18  }
0x1ad: {  	v54 =	vand.u32 $0x7FF0, v53;
	vm10 =	vle.f32 v46, v14  }
0x1ae: {  	v17 =	vadd.f32 v18, v17;
	v14 =	vsel vm10, v46, v14;
	v15 =	vsel vm10, v45, v15  }
0x1af: {  	(xrf1) =	vsort.ascd.msk.f32 $0xffff, v14, v15;
	v14 =	vor.u32 v0, v54  }
0x1b0: {  	v55 =	vand.u32 $0x7F80, v53;
	(xrf1) =	vsort.ascd.msk.f32 $0xffff, v17, v16;
	v56 =	vand.u32 $0x7F, v14  }
0x1b1: {  	v15 =	vor.u32 v55, v56;
	_ =	sdelay $0x4  }
0x1b2: {  	v16 =	vld.idx.msk [tilespmem:v15+s2+$0x0], $0xffff  }
0x1b3: {  	v57 =	vld.idx.msk [tilespmem:v15+s13+$0x0], $0xffff;
	_ =	sdelay $0x1  }
0x1b4: {  	v58 =	vld.idx.msk [tilespmem:v15+s14+$0x0], $0xffff;
	_ =	sdelay $0x1  }
0x1b5: {  	v11 =	vmin.f32 v12, v11;
	v15 =	vld.idx.msk [tilespmem:v15+s16+$0x0], $0xffff  }
0x1b6: {  	v10 =	vmax.f32 v13, v10;
	v16 =	vmul.f32 v4, v16;
	v17 =	vmul.f32 v5, v57  }
0x1b7: {  	v24 =	vmax.f32 v51, v50;
	v25 =	vmin.f32 v11, v10;
	v60, v59, _ =	vpop (xrf1)  }
0x1b8: {  	v26 =	vmin.f32 v25, v24;
	v63 =	vmul.f32 v6, v58;
	v16 =	vadd.f32 v17, v16;
	v62, v61, _ =	vpop (xrf1)  }
0x1b9: {  	v27 =	vshll.u32 v26, $0x4;
	v12 =	vperm.xlane v62, v1  }
0x1ba: {  	v15 =	vadd.f32 v15, v3;
	v13 =	vperm.xlane v61, v1;
	v16 =	vadd.f32 v63, v16  }
0x1bb: {  	v28 =	vand.u32 $0x7FF0, v27;
	vm11 =	vle.f32 v60, v12  }
0x1bc: {  	v15 =	vadd.f32 v16, v15;
	v12 =	vsel vm11, v60, v12;
	v13 =	vsel vm11, v59, v13  }
0x1bd: {  	(xrf1) =	vsort.ascd.msk.f32 $0xffff, v12, v13;
	v12 =	vor.u32 v0, v28  }
0x1be: {  	v29 =	vand.u32 $0x7F80, v27;
	(xrf1) =	vsort.ascd.msk.f32 $0xffff, v15, v14;
	v30 =	vand.u32 $0x7F, v12  }
0x1bf: {  	v13 =	vor.u32 v29, v30;
	_ =	sdelay $0x4  }
0x1c0: {  	v14 =	vld.idx.msk [tilespmem:v13+s2+$0x0], $0xffff  }
0x1c1: {  	v31 =	vld.idx.msk [tilespmem:v13+s13+$0x0], $0xffff;
	_ =	sdelay $0x1  }
0x1c2: {  	v32 =	vld.idx.msk [tilespmem:v13+s14+$0x0], $0xffff;
	_ =	sdelay $0x1  }
0x1c3: {  	v10 =	vmax.f32 v11, v10;
	v13 =	vld.idx.msk [tilespmem:v13+s16+$0x0], $0xffff  }
0x1c4: {  	v35 =	vmin.f32 v7, v8;
	v14 =	vmul.f32 v4, v14;
	v15 =	vmul.f32 v5, v31  }
0x1c5: {  	v39 =	vmax.f32 v25, v24;
	v40 =	vmin.f32 v35, v10;
	v34, v33, _ =	vpop (xrf1)  }
0x1c6: {  	v42 =	vmin.f32 v40, v39;
	v38 =	vmul.f32 v6, v32;
	v14 =	vadd.f32 v15, v14;
	v37, v36, _ =	vpop (xrf1)  }
0x1c7: {  	v43 =	vshll.u32 v42, $0x4;
	v21 =	vperm.xlane v37, v1  }
0x1c8: {  	v13 =	vadd.f32 v13, v3;
	v41 =	vperm.xlane v36, v1;
	v14 =	vadd.f32 v38, v14  }
0x1c9: {  	v15 =	vand.u32 $0x7FF0, v43;
	vm12 =	vle.f32 v34, v21  }
0x1ca: {  	v13 =	vadd.f32 v14, v13;
	v17 =	vsel vm12, v34, v21;
	v19 =	vsel vm12, v33, v41  }
0x1cb: {  	v44 =	vor.u32 v0, v15;
	(xrf1) =	vsort.ascd.msk.f32 $0xffff, v17, v19  }
0x1cc: {  	v45 =	vand.u32 $0x7F80, v43;
	v46 =	vand.u32 $0x7F, v44;
	(xrf1) =	vsort.ascd.msk.f32 $0xffff, v13, v12  }
0x1cd: {  	v13 =	vor.u32 v45, v46;
	_ =	sdelay $0x4  }
0x1ce: {  	v14 =	vld.idx.msk [tilespmem:v13+s2+$0x0], $0xffff  }
0x1cf: {  	v47 =	vld.idx.msk [tilespmem:v13+s13+$0x0], $0xffff;
	_ =	sdelay $0x1  }
0x1d0: {  	v48 =	vld.idx.msk [tilespmem:v13+s14+$0x0], $0xffff  }
0x1d1: {  	v7 =	vmax.f32 v7, v8  }
0x1d2: {  	v7 =	vmin.f32 v9, v7;
	v8 =	vld.idx.msk [tilespmem:v13+s16+$0x0], $0xffff  }
0x1d3: {  	v49 =	vmax.f32 v35, v10;
	v50 =	vmul.f32 v4, v14;
	v51 =	vmul.f32 v5, v47  }
0x1d4: {  	v52 =	vmax.f32 v40, v39;
	v7 =	vmin.f32 v7, v49;
	v10, v11, _ =	vpop (xrf1)  }
0x1d5: {  	v7 =	vmin.f32 v7, v52;
	v55 =	vmul.f32 v6, v48;
	v13 =	vadd.f32 v51, v50;
	v53, v54, _ =	vpop (xrf1)  }
0x1d6: {  	v7 =	vshll.u32 v7, $0x4;
	v15 =	vperm.xlane v53, v1  }
0x1d7: {  	v8 =	vadd.f32 v8, v3;
	v13 =	vadd.f32 v55, v13;
	v56 =	vperm.xlane v54, v1  }
0x1d8: {  	v57 =	vand.u32 $0x7FF0, v7;
	vm13 =	vle.f32 v10, v15  }
0x1d9: {  	v8 =	vadd.f32 v13, v8;
	v10 =	vsel vm13, v10, v15;
	v9 =	vsel vm13, v11, v56  }
0x1da: {  	v58 =	vor.u32 v0, v57;
	(xrf1) =	vsort.ascd.msk.f32 $0xffff, v10, v9  }
0x1db: {  	v7 =	vand.u32 $0x7F80, v7;
	(xrf1) =	vsort.ascd.msk.f32 $0xffff, v8, v44;
	v8 =	vand.u32 $0x7F, v58  }
0x1dc: {  	v7 =	vor.u32 v7, v8;
	_ =	sdelay $0x4  }
0x1dd: {  	v8 =	vld.idx.msk [tilespmem:v7+s2+$0x0], $0xffff  }
0x1de: {  	v59 =	vld.idx.msk [tilespmem:v7+s13+$0x0], $0xffff;
	_ =	sdelay $0x1  }
0x1df: {  	v60 =	vld.idx.msk [tilespmem:v7+s14+$0x0], $0xffff;
	_ =	sdelay $0x1  }
0x1e0: {  	v7 =	vld.idx.msk [tilespmem:v7+s16+$0x0], $0xffff  }
0x1e1: {  	v4 =	vmul.f32 v4, v8;
	v5 =	vmul.f32 v5, v59  }
0x1e2: {  	v8, v61, _ =	vpop (xrf1)  }
0x1e3: {  	v4 =	vadd.f32 v5, v4;
	v5 =	vmul.f32 v6, v60;
	v12, v62, _ =	vpop (xrf1)  }
0x1e4: {  	v6 =	vperm.xlane v12, v1  }
0x1e5: {  	v3 =	vadd.f32 v7, v3;
	v63 =	vperm.xlane v62, v1;
	v4 =	vadd.f32 v5, v4  }
0x1e6: {  	vm14 =	vle.f32 v8, v6  }
0x1e7: {  	v3 =	vadd.f32 v4, v3;
	v5 =	vsel vm14, v8, v6;
	v6 =	vsel vm14, v61, v63  }
0x1e8: {  	(xrf1) =	vsort.ascd.msk.f32 $0xffff, v5, v6  }
0x1e9: {  	(xrf1) =	vsort.ascd.msk.f32 $0xffff, v3, v58;
	_ =	sdelay $0xc  }
0x1ea: {  	v3, v4, _ =	vpop (xrf1)  }
0x1eb: {  	v5, v6, _ =	vpop (xrf1)  }
0x1ec: {  	v5 =	vperm.xlane v5, v1  }
0x1ed: {  	v6 =	vperm.xlane v6, v1  }
0x1ee: {  	vm15 =	vle.f32 v3, v5  }
0x1ef: {  	v3 =	vsel vm15, v3, v5;
	v4 =	vsel vm15, v4, v6  }
0x1f0: {  	(xrf1) =	vsort.ascd.msk.f32 $0xffff, v3, v4;
	_ =	sdelay $0x9  }
.Ltmp10:
0x1f1: {  	_ = 	snop;
	(pc) =	sbr.rel .LBB2_18-.Ltmp10, $2  }
0x1f2: {  	_ =	sdelay $0x2  }
0x1f3: {  	_, v7, _ =	vpop (xrf1)  }
.LBB2_5:
.Ltmp11:
0x1f4: {  	_ = 	snop;
	(pc) =	sbr.rel .LBB2_14-.Ltmp11, $3  }
0x1f5: {  	_ =	sdelay $0x1  }
0x1f6: {  	v21 =	vimm.f32 $+Inf;
	v24 =	vimm.f32 $+Inf  }
0x1f7: {  	v16 =	vimm.f32 $+Inf;
	v11 =	vimm.f32 $+Inf;
	s29 =	simm.s32 $0x0;
	v17 =	vmovc v7;
	v7 =	vimm.f32 $+Inf  }
.LBB2_7:
.Ltmp12:
0x1f8: {  	(pc) =	sbr.rel .LBB2_14-.Ltmp12, $3  }
0x1f9: {  	_ =	sdelay $0x1  }
0x1fa: {  	v21 =	vimm.f32 $+Inf;
	v24 =	vimm.f32 $+Inf  }
0x1fb: {  	v16 =	vimm.f32 $+Inf;
	v11 =	vimm.f32 $+Inf;
	v7 =	vimm.f32 $+Inf;
	s28 =	simm.s32 $0x0  }
.LBB2_9:
.Ltmp13:
0x1fc: {  	(pc) =	sbr.rel .LBB2_14-.Ltmp13, $3  }
0x1fd: {  	_ =	sdelay $0x1  }
0x1fe: {  	v21 =	vimm.f32 $+Inf;
	v24 =	vimm.f32 $+Inf  }
0x1ff: {  	v23 =	vmovc v19;
	v16 =	vimm.f32 $+Inf;
	v11 =	vimm.f32 $+Inf;
	s28 =	simm.s32 $0x1;
	s29 =	simm.s32 $0x2;
	v17 =	vmovc v7;
	v7 =	vimm.f32 $+Inf  }
.LBB2_11:
.Ltmp14:
0x200: {  	(pc) =	sbr.rel .LBB2_14-.Ltmp14, $2  }
0x201: {  	_ =	sdelay $0x2  }
0x202: {  	v24 =	vimm.f32 $+Inf;
	v16 =	vimm.f32 $+Inf;
	v11 =	vimm.f32 $+Inf;
	s29 =	simm.s32 $0x3  }
.LBB2_19:
0x203: {  	s0 =	simm.s32 $0x0  }
0x204: {  	[tilespmem:s0], [sflag:$0x1] =	stream.linear.gather [hbm4b:s3+s0], $0x4E80, $0x38;
	[tilespmem:$0x16400] =	vst v63  }
0x205: {  	_ =	swait.ge [sflag:s12], $0x4E80  }
0x206: {  	[sflag:s12] =	ssyncset.done $0x0  }
0x207: {  	[sflag:s12] =	ssyncadd.s32 $0xFFFFB180  }
0x208: {  	[tilespmem:s13], [sflag:$0x1] =	stream.linear.gather [hbm4b:s4+s0], $0x4E80, $0x38;
	[tilespmem:$0x16400] =	vst v63  }
0x209: {  	_ =	swait.ge [sflag:s12], $0x4E80  }
0x20a: {  	[sflag:s12] =	ssyncset.done $0x0  }
0x20b: {  	[sflag:s12] =	ssyncadd.s32 $0xFFFFB180  }
0x20c: {  	[tilespmem:s14], [sflag:$0x1] =	stream.linear.gather [hbm4b:s5+s0], $0x4E80, $0x38;
	[tilespmem:$0x16400] =	vst v63  }
0x20d: {  	_ =	swait.ge [sflag:s12], $0x4E80  }
0x20e: {  	[sflag:s12] =	ssyncset.done $0x0  }
0x20f: {  	s1 =	simm.s32 $0x13C00;
	[sflag:s12] =	ssyncadd.s32 $0xFFFFB180  }
0x210: {  	v3 =	vld [tilespmem:s1+$0x0];
	_ =	sdelay $0x1  }
0x211: {  	v4 =	vmov s0;
	_ =	sdelay $0x4  }
0x212: {  	v5 =	vld.idx.msk [tilespmem:v4+s15+$0x0], $0xffff  }
0x213: {  	v7 =	vld.idx.msk [tilespmem:v3+s2+$0x0], $0xffff  }
0x214: {  	v6 =	vadd.s32 $0x140, v4  }
0x215: {  	v4 =	vadd.s32 $0xA0, v4;
	_ =	sdelay $0x2  }
0x216: {  	v5 =	vsub.f32 v7, v5  }
0x217: {  	s22 =	simm.s32 $0x14600;
	v6 =	vld.idx.msk [tilespmem:v6+s15+$0x0], $0xffff  }
0x218: {  	v4 =	vld.idx.msk [tilespmem:v4+s15+$0x0], $0xffff;
	[tilespmem:s22+$0x0] =	vst v5  }
0x219: {  	v5 =	vld.idx.msk [tilespmem:v3+s13+$0x0], $0xffff;
	_ =	sdelay $0x4  }
0x21a: {  	v4 =	vsub.f32 v5, v4  }
0x21b: {  	s23 =	simm.s32 $0x15000  }
0x21c: {  	[tilespmem:s23+$0x0] =	vst v4  }
0x21d: {  	v3 =	vld.idx.msk [tilespmem:v3+s14+$0x0], $0xffff;
	_ =	sdelay $0x2  }
0x21e: {  	s31 =	simm.s32 $0x1  }
0x21f: {  	v4 =	vmov s31  }
0x220: {  	v5 =	vadd.s32 $0x140, v4;
	v3 =	vsub.f32 v3, v6  }
0x221: {  	s24 =	simm.s32 $0x15A00;
	v6 =	vadd.s32 $0xA0, v4  }
0x222: {  	s25 =	simm.s32 $0x13C10;
	[tilespmem:s24+$0x0] =	vst v3  }
0x223: {  	s26 =	simm.s32 $0x2;
	v3 =	vld [tilespmem:s25+$0x0]  }
.LBB2_20:
0x224: {  	p0 =	sne.s32 s26, $0x9F;
	v4 =	vld.idx.msk [tilespmem:v4+s15+$0x0], $0xffff  }
0x225: {  	v7 =	vld.idx.msk [tilespmem:v5+s15+$0x0], $0xffff  }
0x226: {  	v5 =	vld.idx.msk [tilespmem:v6+s15+$0x0], $0xffff;
	_ =	sdelay $0x4  }
0x227: {  	v6 =	vld.idx.msk [tilespmem:v3+s2+$0x0], $0xffff;
	_ =	sdelay $0x5  }
0x228: {  	v4 =	vsub.f32 v6, v4  }
0x229: {  	s22 =	sadd.s32 $0x10, s22  }
0x22a: {  	[tilespmem:s22+$0x0] =	vst v4  }
0x22b: {  	v4 =	vld.idx.msk [tilespmem:v3+s13+$0x0], $0xffff;
	_ =	sdelay $0x5  }
0x22c: {  	v4 =	vsub.f32 v4, v5  }
0x22d: {  	s23 =	sadd.s32 $0x10, s23  }
0x22e: {  	[tilespmem:s23+$0x0] =	vst v4  }
0x22f: {  	v3 =	vld.idx.msk [tilespmem:v3+s14+$0x0], $0xffff;
	_ =	sdelay $0x4  }
.Ltmp15:
0x230: {  	v4 =	vmov s26;
	(pc) =	sbr.rel @p0 .LBB2_20-.Ltmp15, $4  }
0x231: {  	v5 =	vadd.s32 $0x140, v4;
	v3 =	vsub.f32 v3, v7  }
0x232: {  	s24 =	sadd.s32 $0x10, s24;
	v6 =	vadd.s32 $0xA0, v4  }
0x233: {  	s25 =	sadd.s32 $0x10, s25;
	[tilespmem:s24+$0x0] =	vst v3  }
0x234: {  	s26 =	sadd.s32 $0x1, s26;
	v3 =	vld [tilespmem:s25+$0x0]  }
0x235: {  	_ =	sdelay $0x6  }
0x236: {  	v4 =	vld.idx.msk [tilespmem:v4+s15+$0x0], $0xffff  }
0x237: {  	v7 =	vld.idx.msk [tilespmem:v3+s2+$0x0], $0xffff;
	_ =	sdelay $0x4  }
0x238: {  	v4 =	vsub.f32 v7, v4  }
0x239: {  	v5 =	vld.idx.msk [tilespmem:v5+s15+$0x0], $0xffff;
	s0 =	sadd.s32 $0x10, s22  }
0x23a: {  	v6 =	vld.idx.msk [tilespmem:v6+s15+$0x0], $0xffff;
	[tilespmem:s0+$0x0] =	vst v4  }
0x23b: {  	v4 =	vld.idx.msk [tilespmem:v3+s13+$0x0], $0xffff;
	_ =	sdelay $0x4  }
0x23c: {  	v4 =	vsub.f32 v4, v6  }
0x23d: {  	s28 =	sadd.s32 $0x10, s23  }
0x23e: {  	[tilespmem:s28+$0x0] =	vst v4  }
0x23f: {  	v3 =	vld.idx.msk [tilespmem:v3+s14+$0x0], $0xffff;
	_ =	sdelay $0x4  }
0x240: {  	v3 =	vsub.f32 v3, v5  }
0x241: {  	s29 =	sadd.s32 $0x10, s24  }
0x242: {  	s30 =	simm.s32 $0x13C00;
	[tilespmem:s29+$0x0] =	vst v3  }
0x243: {  	[hbm4b:s7+s2] =	stream.linear.scatter [tilespmem:s30], [sflag:$0x1], $0xA00, $0x38;
	[tilespmem:$0x16400] =	vst v63  }
0x244: {  	_ =	swait.ge [sflag:s12], $0xA00  }
0x245: {  	[sflag:s12] =	ssyncset.done $0x0  }
0x246: {  	s31 =	simm.s32 $0x14600;
	[sflag:s12] =	ssyncadd.s32 $0xFFFFF600  }
0x247: {  	[hbm4b:s8+s2] =	stream.linear.scatter [tilespmem:s31], [sflag:$0x1], $0xA00, $0x38;
	[tilespmem:$0x16400] =	vst v63  }
0x248: {  	_ =	swait.ge [sflag:s12], $0xA00  }
0x249: {  	[sflag:s12] =	ssyncset.done $0x0  }
0x24a: {  	[sflag:s12] =	ssyncadd.s32 $0xFFFFF600  }
0x24b: {  	[hbm4b:s9+s2] =	stream.linear.scatter [tilespmem:s19], [sflag:$0x1], $0xA00, $0x38;
	[tilespmem:$0x16400] =	vst v63  }
0x24c: {  	s21 =	sadd.s32 $0x1, s21;
	_ =	swait.ge [sflag:s12], $0xA00  }
0x24d: {  	p0 =	sne.s32 s21, s11;
	[sflag:s12] =	ssyncset.done $0x0  }
.Ltmp16:
0x24e: {  	[sflag:s12] =	ssyncadd.s32 $0xFFFFF600;
	(pc) =	sbr.rel @p0 .LBB2_1-.Ltmp16, $4  }
0x24f: {  	[hbm4b:s10+s2] =	stream.linear.scatter [tilespmem:s20], [sflag:$0x1], $0xA00, $0x38;
	[tilespmem:$0x16400] =	vst v63  }
0x250: {  	_ =	swait.ge [sflag:s12], $0xA00  }
0x251: {  	[sflag:s12] =	ssyncset.done $0x0  }
0x252: {  	[sflag:s12] =	ssyncadd.s32 $0xFFFFF600  }
0x253: {  	_ =	sfence.sel $0x180000  }
0x254: {  	[bflag:$0x0] =	sbarrier.arrive $0xFFFF  }
0x255: {  	_ =	strace $0x90000047  }
0x256: {  	s0 =	stileid.u32;
	[bflag:$0x2] =	sbarrier.arrive $0xFFFF  }
0x257: {  	p0 =	sne.s32 s0, $0x0;
	s0 =	rddreg [dreg:$0x1]  }
0x258: {  	s0 =	sadd.s32 @!p0 $0x100000, s0  }
0x259: {  	[sflag:s0] =	ssyncadd.tile.s32 @!p0 $0x1;
	_ =	shalt  }
.Lfunc_end2:
_tile_overlayer_lowered:
.L_overlay_start_2:
0x25a: {  	(tag) =	ssettag $0x2  }
0x25b: {  	s0 =	rddreg [dreg:$0x0];
	s2 =	stileid.u32  }
0x25c: {  	s1 =	rddreg [dreg:$0x1];
	p0 =	sne.s32 s2, $0x0  }
0x25d: {  	s3 =	rddreg [dreg:$0x2];
	[bflag:$0x3] =	sbarrier.arrive $0xFFFF;
	s2 =	simm.s32 @!p0 $0x1C01  }
0x25e: {  	[timem:s3], [sflag:s2] =	dma.local @!p0 [hbm:s0], s1  }
0x25f: {  	s0 =	simm.s32 @!p0 $0x1  }
0x260: {  	_ =	swait.ge @!p0 [sflag:s0], s1  }
0x261: {  	s1 =	ssub.s32 @!p0 $0x0, s1;
	[sflag:s0] =	ssyncset.done @!p0 $0x0  }
0x262: {  	[sflag:s0] =	ssyncadd.s32 @!p0 s1  }
0x263: {  	[bflag:$0x3] =	sbarrier.arrive $0xFFFF  }
0x264: {  	_ =	shalt  }

// kernel: kernel.13.cloned.1.call-start
scs
__scs_entry_jumppad:
0x0: {  	(pc) =	sbr.rel $0x88, $3  }
0x1: {  	(tag) =	ssettag $0x0;
	lr =	simm.s32 $0x1  }
0x2: {  	[smem:$0x3F8F] =	sst lr;
	_ =	strace $0xD0000000  }
0x3: {  	_ = 	snop  }
0x4: {  	_ = 	snop  }
0x5: {  	_ = 	snop  }
0x6: {  	_ = 	snop  }
0x7: {  	_ = 	snop  }
__scs_overlays_trampoline_lowered:
0x8: {  	[smem:$0x3F9E] =	sst s0  }
0x9: {  	[smem:$0x3F9F] =	sst s1  }
0xa: {  	[smem:$0x3FA0] =	sst s2  }
0xb: {  	[smem:$0x3FA1] =	sst s3  }
0xc: {  	[smem:$0x3FA2] =	sst s4  }
0xd: {  	[smem:$0x3FA3] =	sst s5  }
0xe: {  	[smem:$0x3FA4] =	sst s6  }
0xf: {  	[smem:$0x3FA5] =	sst s7  }
0x10: {  	[smem:$0x3FA6] =	sst s8  }
0x11: {  	[smem:$0x3FA7] =	sst s9;
	s0 =	simm.s32 @!p0 $0x0  }
0x12: {  	s1 =	sld [smem:$0x3F8D];
	s0 =	simm.s32 @p0 $0x1  }
0x13: {  	[smem:$0x3FA8] =	sst s0;
	s0 =	simm.s32 @!p1 $0x0  }
0x14: {  	s2 =	sld [smem:$0x3F8C];
	s0 =	simm.s32 @p1 $0x1  }
0x15: {  	[smem:$0x3FA9] =	sst s0;
	s0 =	simm.s32 @!p2 $0x0  }
0x16: {  	s3 =	sld [smem:$0x3FDB];
	s0 =	simm.s32 @p2 $0x1  }
0x17: {  	s4 =	simm.s32 $0x1BF5;
	[smem:$0x3FAB] =	sst s0  }
0x18: {  	s0 =	sld [smem:$0x3F8E];
	_ =	swait.ge [sflag:s4], $0x0  }
0x19: {  	s7 =	sld [smem:$0x3F8F]  }
0x1a: {  	s8 =	sadd.s32 $0xFFFFE003, lr  }
0x1b: {  	s9 =	sadd.s32 $0xFFFFFEF7, lr;
	s5 =	simm.s32 $0xFFFFFFFF;
	p2 =	slt.u32 s8, $0xFFFFF086  }
0x1c: {  	p1 =	slt.u32 s9, $0xF7A;
	s5 =	simm.s32 @!p2 $0x0  }
0x1d: {  	s5 =	simm.s32 @p1 $0x1;
	p0 =	seq.s32 s7, s2  }
0x1e: {  	s7 =	smul.u32 @!p0 $0xF7A, s2;
	p2 =	seq.s32 @!p0 s5, $0x0  }
0x1f: {  	s9 =	smul.u32 $0xF7A, s1;
	s8 =	simm.s32 @!p0 $0x1BF5;
	p2 =	por !p2, p0  }
0x20: {  	[sflag:s8] =	ssyncset.s32 @!p0 $0xFFFFF086;
	s6 =	sadd.s32 @!p0 s3, s7;
	s7 =	simm.s32 @!p0 $0x108  }
0x21: {  	s3 =	sadd.s32 s3, s9;
	s6 =	sadd.s32 @!p0 $0x88, s6;
	s7 =	simm.s32 @p2 $0x1082  }
0x22: {  	[simem:s7], [sflag:s8] =	dma.local @!p0 [hbm:s6], $0xF7A  }
0x23: {  	s9 =	sor.u32 $0xD0000000, s2;
	s6 =	simm.s32 $0x108;
	_ =	swait.ge @!p0 [sflag:s8], $0x0  }
0x24: {  	s3 =	sadd.s32 $0x88, s3;
	s6 =	simm.s32 @!p1 $0x1082;
	[sflag:s4] =	ssyncset.s32 $0xFFFFF086  }
0x25: {  	[simem:s6], [sflag:s4] =	dma.local [hbm:s3], $0xF7A  }
0x26: {  	[smem:$0x3F8F] =	sst s1;
	(tag) =	ssettag s2;
	_ =	strace s9  }
0x27: {  	s1 =	sld [smem:$0x3F9F]  }
0x28: {  	s2 =	sld [smem:$0x3FA0]  }
0x29: {  	s4 =	sld [smem:$0x3FA2]  }
0x2a: {  	p0 =	seq.s32 s5, $0x0;
	s5 =	sld [smem:$0x3FA3]  }
0x2b: {  	s6 =	sld [smem:$0x3FA4]  }
0x2c: {  	s7 =	sld [smem:$0x3FA5]  }
0x2d: {  	s3 =	simm.s32 $0x108;
	s8 =	sld [smem:$0x3FA6]  }
0x2e: {  	s3 =	simm.s32 @!p0 $0x1082;
	s9 =	sld [smem:$0x3FA7]  }
0x2f: {  	lr =	sadd.s32 s0, s3;
	s0 =	sld [smem:$0x3F9E]  }
0x30: {  	s3 =	sld [smem:$0x3FA1]  }
0x31: {  	[smem:$0x3FAA] =	sst s10  }
0x32: {  	s10 =	sld [smem:$0x3FA8];
	_ =	sdelay $0x3  }
0x33: {  	p0 =	seq.s32 s10, $0x1;
	s10 =	sld [smem:$0x3FAA];
	_ =	sdelay $0x3  }
0x34: {  	[smem:$0x3FAA] =	sst s10  }
0x35: {  	s10 =	sld [smem:$0x3FA9];
	_ =	sdelay $0x3  }
0x36: {  	p1 =	seq.s32 s10, $0x1;
	s10 =	sld [smem:$0x3FAA];
	_ =	sdelay $0x3  }
0x37: {  	[smem:$0x3FAA] =	sst s10  }
0x38: {  	s10 =	sld [smem:$0x3FAB]  }
0x39: {  	_ = 	snop;
	(pc) =	sbr.ind lr, $3  }
0x3a: {  	_ = 	snop  }
0x3b: {  	_ = 	snop  }
0x3c: {  	p2 =	seq.s32 s10, $0x1;
	s10 =	sld [smem:$0x3FAA]  }
0x3d: {  	_ =	shalt  }
0x3e: {  	_ =	shalt  }
0x3f: {  	_ =	shalt  }
0x40: {  	_ =	shalt  }
0x41: {  	_ =	shalt  }
0x42: {  	_ =	shalt  }
0x43: {  	_ =	shalt  }
0x44: {  	_ =	shalt  }
0x45: {  	_ =	shalt  }
0x46: {  	_ =	shalt  }
0x47: {  	_ =	shalt  }
0x48: {  	_ =	shalt  }
0x49: {  	_ =	shalt  }
0x4a: {  	_ =	shalt  }
0x4b: {  	_ =	shalt  }
0x4c: {  	_ =	shalt  }
0x4d: {  	_ =	shalt  }
0x4e: {  	_ =	shalt  }
0x4f: {  	_ =	shalt  }
0x50: {  	_ =	shalt  }
0x51: {  	_ =	shalt  }
0x52: {  	_ =	shalt  }
0x53: {  	_ =	shalt  }
0x54: {  	_ =	shalt  }
0x55: {  	_ =	shalt  }
0x56: {  	_ =	shalt  }
0x57: {  	_ =	shalt  }
0x58: {  	_ =	shalt  }
0x59: {  	_ =	shalt  }
0x5a: {  	_ =	shalt  }
0x5b: {  	_ =	shalt  }
0x5c: {  	_ =	shalt  }
0x5d: {  	_ =	shalt  }
0x5e: {  	_ =	shalt  }
0x5f: {  	_ =	shalt  }
0x60: {  	_ =	shalt  }
0x61: {  	_ =	shalt  }
0x62: {  	_ =	shalt  }
0x63: {  	_ =	shalt  }
0x64: {  	_ =	shalt  }
0x65: {  	_ =	shalt  }
0x66: {  	_ =	shalt  }
0x67: {  	_ =	shalt  }
0x68: {  	_ =	shalt  }
0x69: {  	_ =	shalt  }
0x6a: {  	_ =	shalt  }
0x6b: {  	_ =	shalt  }
0x6c: {  	_ =	shalt  }
0x6d: {  	_ =	shalt  }
0x6e: {  	_ =	shalt  }
0x6f: {  	_ =	shalt  }
0x70: {  	_ =	shalt  }
0x71: {  	_ =	shalt  }
0x72: {  	_ =	shalt  }
0x73: {  	_ =	shalt  }
0x74: {  	_ =	shalt  }
0x75: {  	_ =	shalt  }
0x76: {  	_ =	shalt  }
0x77: {  	_ =	shalt  }
0x78: {  	_ =	shalt  }
0x79: {  	_ =	shalt  }
0x7a: {  	_ =	shalt  }
0x7b: {  	_ =	shalt  }
0x7c: {  	_ =	shalt  }
0x7d: {  	_ =	shalt  }
0x7e: {  	_ =	shalt  }
0x7f: {  	_ =	shalt  }
0x80: {  	_ =	shalt  }
0x81: {  	_ =	shalt  }
0x82: {  	_ =	shalt  }
0x83: {  	_ =	shalt  }
0x84: {  	_ =	shalt  }
0x85: {  	_ =	shalt  }
0x86: {  	_ =	shalt  }
0x87: {  	_ =	shalt  }
.Lfunc_end0:
.L_simem_size_0:
called_computation.1_lowered:
.L_overlay_start_0:
0x88: {  	s2 =	sld [smem:$0x3FD9]  }
0x89: {  	s3 =	sld [smem:$0x3FFE];
	_ =	sdelay $0x1  }
0x8a: {  	s1 =	srdreg.scid  }
0x8b: {  	s0 =	sand.u32 $0x1, s1  }
0x8c: {  	s17 =	sshll.u32 s0, $0xA;
	s2 =	sadd.s32 s3, s2  }
0x8d: {  	s2 =	sadd.s32 s2, s17  }
0x8e: {  	[smem:$0x3FB6] =	sst s2  }
0x8f: {  	_ = 	snop  }
0x90: {  	s2 =	sld [smem:$0x3FD0];
	(tm) =	ssettm $0x1  }
0x91: {  	s18 =	sld [smem:$0x3FFB];
	_ =	sdelay $0x3  }
0x92: {  	_ =	strace s18  }
0x93: {  	s3 =	sld [smem:$0x3FFC];
	_ =	sdelay $0x3  }
0x94: {  	_ =	strace s3  }
0x95: {  	s3 =	sld [smem:$0x3FFD];
	_ =	sdelay $0x3  }
0x96: {  	_ =	strace s3  }
0x97: {  	_ =	strace $0x8FFFFFFF  }
0x98: {  	s19 =	sld [smem:$0x3FDB];
	_ =	sdelay $0x1  }
0x99: {  	s4 =	simm.s32 $_scs_section_size  }
0x9a: {  	s5 =	simm.s32 $_size__tile_overlayer_lowered;
	s6 =	simm.s32 $_tile_overlayer_lowered  }
0x9b: {  	s22 =	simm.s32 $0x1BFF;
	s21 =	sshll.u32 s6, $0x1;
	s3 =	sadd.s32 s4, s19  }
0x9c: {  	s7 =	simm.s32 $0x0;
	s20 =	sshll.u32 s5, $0x1;
	s5 =	sadd.s32 s21, s3  }
0x9d: {  	[timem:s7], [sflag:s22] =	dma.local [hbm:s5], s20  }
0x9e: {  	_ =	swait.ge [sflag:s22], s20  }
0x9f: {  	s4 =	ssub.s32 $0x0, s20;
	[sflag:s22] =	ssyncset.done $0x0  }
0xa0: {  	[sflag:s22] =	ssyncadd.s32 s4;
	_ =	sdelay $0x1  }
0xa1: {  	s23 =	simm.s32 $0x1B8B  }
0xa2: {  	_ =	swait.ge [sflag:s23], $0x1  }
0xa3: {  	[sflag:s23] =	ssyncset.done $0x0  }
0xa4: {  	s25 =	simm.s32 $0x1B8E;
	s24 =	sld [smem:$0x3FFE];
	[sflag:s23] =	ssyncadd.s32 $0xFFFFFFFF  }
0xa5: {  	s26 =	simm.s32 $execute0_lowered;
	[smem:$0x3FD2] =	sst s25  }
0xa6: {  	s5 =	sshll.u32 s26, $0x1;
	_ =	strace $0x80000049;
	[dreg:$0x1] =	wrdreg $0xFFFFFFFF  }
0xa7: {  	s28 =	simm.s32 $_size_execute0_lowered;
	s3 =	sadd.s32 s3, s5;
	[dreg:$0x0] =	wrdreg $0x0  }
0xa8: {  	s5 =	sshll.u32 s28, $0x1;
	[dreg:$0x2] =	wrdreg s3  }
0xa9: {  	[dreg:$0x3] =	wrdreg s5  }
0xaa: {  	[dreg:$0x4] =	wrdreg $0xC0  }
0xab: {  	_ =	task [dreg:s7], $0x5FFFF  }
0xac: {  	[dreg:$0x1] =	wrdreg $0xFFFFFFFF  }
0xad: {  	[dreg:$0x0] =	wrdreg $0x60  }
0xae: {  	[dreg:$0x2] =	wrdreg s2  }
0xaf: {  	[dreg:$0x3] =	wrdreg s24  }
0xb0: {  	[dreg:$0x4] =	wrdreg $0x9  }
0xb1: {  	_ =	task.clear_ibuf [dreg:s7], $0x5FFFF;
	_ =	strace $0x90000049  }
0xb2: {  	s29 =	simm.s32 $0x9;
	_ =	strace $0x8000004B  }
0xb3: {  	_ =	swait.ge [sflag:s29], $0x1  }
0xb4: {  	[sflag:s29] =	ssyncadd.s32 $0xFFFFFFFF  }
0xb5: {  	_ =	strace $0x9000004B  }
0xb6: {  	_ =	sfence  }
0xb7: {  	s30 =	sld [smem:$0x0];
	_ =	sdelay $0x2  }
0xb8: {  	s31 =	sshll.u32 s1, $0xD;
	s1 =	sshrl.u32 s1, $0x2  }
0xb9: {  	s3 =	sand.u32 $0x4000, s31;
	s1 =	sadd.s32 s1, s30  }
0xba: {  	s0 =	sor.u32 s3, s0;
	s1 =	sshll.u32 s1, $0x11  }
0xbb: {  	s0 =	sor.u32 s1, s0  }
0xbc: {  	s0 =	sadd.s32 $0x8F2B, s0  }
0xbd: {  	[sflag:s0] =	ssyncadd.remote.s32 $0x1  }
0xbe: {  	_ =	sfence.sel $0xFFFF  }
0xbf: {  	[dreg:$0x0] =	wrdreg $0xFFFFFFFF;
	(pc) =	sbr.abs _section_cstart, $3  }
0xc0: {  	[dreg:$0x1] =	wrdreg $0xFFFFFFFF  }
0xc1: {  	_ =	task.clear_ibuf [dreg:s7], $0x2FFFF;
	_ =	strace $0x9FFFFFFF  }
0xc2: {  	(tm) =	ssettm $0x7FFFFFFF  }
0xc3: {  	_ =	shalt  }
tec
execute0_lowered:
.L_overlay_start_1:
0x0: {  	(tag) =	ssettag $0x1  }
0x1: {  	s2 =	rddreg [dreg:$0x0]  }
0x2: {  	s4 =	rddreg [dreg:$0x1];
	s3 =	srdreg.scid  }
0x3: {  	s0 =	rddreg [dreg:$0x2];
	s1 =	stileid.u32;
	s13 =	simm.s32 $0x0  }
0x4: {  	s5 =	sand.u32 $0x1, s3;
	s3 =	simm.s32 $0x0;
	s6 =	smul.u32 $0x1400, s1  }
0x5: {  	s7 =	sshll.u32 s5, $0x4;
	[smem:$0x7FF] =	sst s3;
	s8 =	smul.u32 $0x14000, s5  }
0x6: {  	s5 =	ssub.s32 $0x2, s5;
	s7 =	sor.u32 s1, s7;
	_ =	strace $0x8000004A  }
0x7: {  	s9 =	sshrl.u32 s6, $0x3;
	s31 =	sshrl.u32 s5, $0x1;
	s7 =	smul.u32 $0xA00, s7  }
0x8: {  	s10 =	sadd.s32 s9, s4;
	s6 =	sadd.s32 s6, s8;
	s12 =	ssub.s32 s5, s31  }
0x9: {  	s6 =	sshrl.u32 s6, $0x3;
	s5 =	sadd.s32 $0xC400, s10;
	s10 =	simm.s32 $0x1  }
0xa: {  	s7 =	sadd.s32 s7, s4;
	s11 =	sadd.s32 s6, s4;
	s4 =	sadd.s32 s2, s9  }
0xb: {  	s6 =	smul.u32 $0x140, s1;
	s9 =	smax.u32 s12, $0x1;
	s12 =	simm.s32 $0x2800  }
0xc: {  	v0 =	vimm.f32 $0.0e+00;
	s7 =	sadd.s32 $0xEC00, s7;
	s8 =	sadd.s32 $0x2600, s11;
	s11 =	simm.s32 $0x1400  }
.LBB2_1:
0xd: {  	v1 =	vimm.f32 $-Inf;
	s14 =	simm.s32 $0x0  }
.LBB2_2:
0xe: {  	s15 =	smul.u32 $0x280, s14;
	_ =	sdelay $0x1  }
0xf: {  	s16 =	simm.s32 $0x0;
	s15 =	sadd.s32 s2, s15  }
0x10: {  	[tilespmem:s16], [sflag:$0x1] =	stream.linear.gather [hbm4b:s15+s16], $0x1400, $0x38;
	[tilespmem:$0x7800] =	vst v63  }
0x11: {  	_ =	swait.ge [sflag:s10], $0x1400  }
0x12: {  	[sflag:s10] =	ssyncset.done $0x0  }
0x13: {  	s31 =	simm.s32 $0x0;
	[sflag:s10] =	ssyncadd.s32 $0xFFFFEC00  }
0x14: {  	s15 =	simm.s32 $0x40;
	v2 =	vld [tilespmem:s31+$0x0]  }
.LBB2_3:
0x15: {  	p0 =	sne.s32 s15, $0x4FC0  }
.Ltmp0:
0x16: {  	_ = 	snop;
	(pc) =	sbr.rel @p0 .LBB2_3-.Ltmp0, $3  }
0x17: {  	_ =	sdelay $0x1  }
0x18: {  	s16 =	sshra.s32 s15, $0x2;
	s15 =	sadd.s32 $0x40, s15;
	v1 =	vmax.f32 v1, v2  }
0x19: {  	v2 =	vld [tilespmem:s16+$0x0]  }
0x1a: {  	s14 =	sadd.s32 $0x1, s14  }
0x1b: {  	p0 =	sne.s32 s14, $0x10  }
.Ltmp1:
0x1c: {  	_ = 	snop;
	(pc) =	sbr.rel @p0 .LBB2_2-.Ltmp1, $2  }
0x1d: {  	_ =	sdelay $0x2  }
0x1e: {  	v1 =	vmax.f32 v1, v2  }
0x1f: {  	s14 =	simm.s32 $0x0  }
0x20: {  	[tilespmem:s14], [sflag:$0x1] =	stream.linear.gather [hbm4b:s4+s14], $0x1400, $0x38;
	[tilespmem:$0x7800] =	vst v63  }
0x21: {  	_ =	swait.ge [sflag:s10], $0x1400  }
0x22: {  	[sflag:s10] =	ssyncset.done $0x0  }
0x23: {  	[sflag:s10] =	ssyncadd.s32 $0xFFFFEC00  }
0x24: {  	[tilespmem:s11], [sflag:$0x1] =	stream.linear.gather [hbm4b:s5+s14], $0x1400, $0x38;
	[tilespmem:$0x7800] =	vst v63  }
0x25: {  	_ =	swait.ge [sflag:s10], $0x1400  }
0x26: {  	[sflag:s10] =	ssyncset.done $0x0  }
0x27: {  	s15 =	simm.s32 $0x0;
	s14 =	simm.s32 $0x40;
	[sflag:s10] =	ssyncadd.s32 $0xFFFFEC00  }
.LBB2_6:
0x28: {  	p0 =	sne.s32 s14, $0x13FC0;
	[tilespmem:s15+$0x2800] =	vst v0;
	s15 =	smov.u32 s14;
	s14 =	sadd.s32 $0x40, s14  }
.Ltmp2:
0x29: {  	(pc) =	sbr.rel @p0 .LBB2_6-.Ltmp2, $2  }
0x2a: {  	_ =	sdelay $0x2  }
0x2b: {  	s15 =	sshra.s32 s15, $0x2  }
0x2c: {  	(xrf0) =	vmax.scan.msk.f32 $0xffff, v1;
	_ =	sdelay $0x2  }
0x2d: {  	[tilespmem:s15+$0x2800] =	vst v0;
	s14 =	simm.s32 $0x0  }
0x2e: {  	v2 =	vld [tilespmem:s14+$0x0];
	_ =	sdelay $0x1  }
0x2f: {  	v1, _, _ =	vpop (xrf0)  }
0x30: {  	v1 =	vbroadcast v1, $0xF;
	_ =	sdelay $0x1  }
0x31: {  	v2 =	vsub.f32 v2, v1;
	_ =	sdelay $0x1  }
0x32: {  	v2 =	vmul.f32 $1.442695020e+00, v2;
	_ =	sdelay $0x1  }
0x33: {  	(erf) = vpow2.f32 v2;
	_ =	sdelay $0x4  }
0x34: {  	v2 =	vld [tilespmem:s14+$0x1400];
	_ =	sdelay $0x2  }
0x35: {  	p0 =	slt.u32 s6, $0x1388;
	s15 =	simm.f32 $1.000000000e+00  }
0x36: {  	s15 =	simm.s32 @!p0 $0x0;
	v3 =	vpop (erf)  }
0x37: {  	v3 =	vmul.f32 s15, v3;
	_ =	sdelay $0x1  }
0x38: {  	[tilespmem:s14+$0x0] =	vst v3  }
0x39: {  	s14 =	simm.s32 $0x10;
	[tilespmem:v2+s12+$0x0] =	vst.idx.add.f32.msk $0xffff, v3  }
0x3a: {  	s16 =	simm.s32 $0x80;
	s15 =	smov.u32 s6;
	v2 =	vld [tilespmem:s14+$0x0]  }
.LBB2_8:
0x3b: {  	p0 =	sne.s32 s16, $0x4FC0;
	_ =	sdelay $0x3  }
0x3c: {  	v2 =	vsub.f32 v2, v1;
	_ =	sdelay $0x1  }
0x3d: {  	v2 =	vmul.f32 $1.442695020e+00, v2;
	_ =	sdelay $0x1  }
0x3e: {  	(erf) = vpow2.f32 v2;
	_ =	sdelay $0x4  }
0x3f: {  	v2 =	vld [tilespmem:s14+$0x1400];
	_ =	sdelay $0x1  }
0x40: {  	s15 =	sadd.s32 $0x1, s15  }
0x41: {  	s17 =	simm.f32 $1.000000000e+00;
	p1 =	slt.u32 s15, $0x1388  }
0x42: {  	s17 =	simm.s32 @!p1 $0x0;
	v3 =	vpop (erf)  }
.Ltmp3:
0x43: {  	v3 =	vmul.f32 s17, v3;
	(pc) =	sbr.rel @p0 .LBB2_8-.Ltmp3, $4  }
0x44: {  	_ = 	snop  }
0x45: {  	[tilespmem:s14+$0x0] =	vst v3  }
0x46: {  	s14 =	sshra.s32 s16, $0x2;
	[tilespmem:v2+s12+$0x0] =	vst.idx.add.f32.msk $0xffff, v3  }
0x47: {  	s16 =	sadd.s32 $0x40, s16;
	v2 =	vld [tilespmem:s14+$0x0]  }
0x48: {  	_ =	sdelay $0x3  }
0x49: {  	v1 =	vsub.f32 v2, v1;
	_ =	sdelay $0x1  }
0x4a: {  	v1 =	vmul.f32 $1.442695020e+00, v1;
	_ =	sdelay $0x1  }
0x4b: {  	(erf) = vpow2.f32 v1;
	_ =	sdelay $0x4  }
0x4c: {  	v1 =	vld [tilespmem:s14+$0x1400];
	_ =	sdelay $0x1  }
0x4d: {  	s15 =	sadd.s32 $0x1, s15  }
0x4e: {  	p0 =	slt.u32 s15, $0x1388;
	s15 =	simm.f32 $1.000000000e+00  }
0x4f: {  	s15 =	simm.s32 @!p0 $0x0;
	v2 =	vpop (erf)  }
0x50: {  	v2 =	vmul.f32 s15, v2;
	_ =	sdelay $0x1  }
0x51: {  	[tilespmem:s14+$0x0] =	vst v2  }
0x52: {  	[tilespmem:v1+s12+$0x0] =	vst.idx.add.f32.msk $0xffff, v2  }
0x53: {  	[hbm4b:s7+s3] =	stream.linear.scatter [tilespmem:s12], [sflag:$0x1], $0x5000, $0x38;
	[tilespmem:$0x7800] =	vst v63  }
0x54: {  	s13 =	sadd.s32 $0x1, s13;
	_ =	swait.ge [sflag:s10], $0x5000  }
0x55: {  	p0 =	sne.s32 s13, s9;
	[sflag:s10] =	ssyncset.done $0x0  }
.Ltmp4:
0x56: {  	[sflag:s10] =	ssyncadd.s32 $0xFFFFB000;
	(pc) =	sbr.rel @p0 .LBB2_1-.Ltmp4, $4  }
0x57: {  	[hbm4b:s8+s3] =	stream.linear.scatter [tilespmem:s3], [sflag:$0x1], $0x1400, $0x38;
	[tilespmem:$0x7800] =	vst v63  }
0x58: {  	_ =	swait.ge [sflag:s10], $0x1400  }
0x59: {  	[sflag:s10] =	ssyncset.done $0x0  }
0x5a: {  	[sflag:s10] =	ssyncadd.s32 $0xFFFFEC00  }
0x5b: {  	_ =	sfence.sel $0x180000  }
0x5c: {  	[bflag:$0x0] =	sbarrier.arrive $0xFFFF  }
0x5d: {  	p0 =	sne.s32 s1, $0x0;
	_ =	strace $0x9000004A  }
0x5e: {  	s0 =	sadd.s32 @!p0 $0x100000, s0;
	[bflag:$0x2] =	sbarrier.arrive $0xFFFF  }
0x5f: {  	[sflag:s0] =	ssyncadd.tile.s32 @!p0 $0x1;
	_ =	shalt  }
.Lfunc_end2:
_tile_overlayer_lowered:
.L_overlay_start_2:
0x60: {  	(tag) =	ssettag $0x2  }
0x61: {  	s0 =	rddreg [dreg:$0x0];
	s2 =	stileid.u32  }
0x62: {  	s1 =	rddreg [dreg:$0x1];
	p0 =	sne.s32 s2, $0x0  }
0x63: {  	s3 =	rddreg [dreg:$0x2];
	[bflag:$0x3] =	sbarrier.arrive $0xFFFF;
	s2 =	simm.s32 @!p0 $0x1C01  }
0x64: {  	[timem:s3], [sflag:s2] =	dma.local @!p0 [hbm:s0], s1  }
0x65: {  	s0 =	simm.s32 @!p0 $0x1  }
0x66: {  	_ =	swait.ge @!p0 [sflag:s0], s1  }
0x67: {  	s1 =	ssub.s32 @!p0 $0x0, s1;
	[sflag:s0] =	ssyncset.done @!p0 $0x0  }
0x68: {  	[sflag:s0] =	ssyncadd.s32 @!p0 s1  }
0x69: {  	[bflag:$0x3] =	sbarrier.arrive $0xFFFF  }
0x6a: {  	_ =	shalt  }

// kernel: kernel.16.cloned.1.call-start
scs
__scs_entry_jumppad:
0x0: {  	(pc) =	sbr.rel $0x88, $3  }
0x1: {  	(tag) =	ssettag $0x0;
	lr =	simm.s32 $0x1  }
0x2: {  	[smem:$0x3F8F] =	sst lr;
	_ =	strace $0xD0000000  }
0x3: {  	_ = 	snop  }
0x4: {  	_ = 	snop  }
0x5: {  	_ = 	snop  }
0x6: {  	_ = 	snop  }
0x7: {  	_ = 	snop  }
__scs_overlays_trampoline_lowered:
0x8: {  	[smem:$0x3F9E] =	sst s0  }
0x9: {  	[smem:$0x3F9F] =	sst s1  }
0xa: {  	[smem:$0x3FA0] =	sst s2  }
0xb: {  	[smem:$0x3FA1] =	sst s3  }
0xc: {  	[smem:$0x3FA2] =	sst s4  }
0xd: {  	[smem:$0x3FA3] =	sst s5  }
0xe: {  	[smem:$0x3FA4] =	sst s6  }
0xf: {  	[smem:$0x3FA5] =	sst s7  }
0x10: {  	[smem:$0x3FA6] =	sst s8  }
0x11: {  	[smem:$0x3FA7] =	sst s9;
	s0 =	simm.s32 @!p0 $0x0  }
0x12: {  	s1 =	sld [smem:$0x3F8D];
	s0 =	simm.s32 @p0 $0x1  }
0x13: {  	[smem:$0x3FA8] =	sst s0;
	s0 =	simm.s32 @!p1 $0x0  }
0x14: {  	s2 =	sld [smem:$0x3F8C];
	s0 =	simm.s32 @p1 $0x1  }
0x15: {  	[smem:$0x3FA9] =	sst s0;
	s0 =	simm.s32 @!p2 $0x0  }
0x16: {  	s3 =	sld [smem:$0x3FDB];
	s0 =	simm.s32 @p2 $0x1  }
0x17: {  	s4 =	simm.s32 $0x1BF5;
	[smem:$0x3FAB] =	sst s0  }
0x18: {  	s0 =	sld [smem:$0x3F8E];
	_ =	swait.ge [sflag:s4], $0x0  }
0x19: {  	s7 =	sld [smem:$0x3F8F]  }
0x1a: {  	s8 =	sadd.s32 $0xFFFFE003, lr  }
0x1b: {  	s9 =	sadd.s32 $0xFFFFFEF7, lr;
	s5 =	simm.s32 $0xFFFFFFFF;
	p2 =	slt.u32 s8, $0xFFFFF086  }
0x1c: {  	p1 =	slt.u32 s9, $0xF7A;
	s5 =	simm.s32 @!p2 $0x0  }
0x1d: {  	s5 =	simm.s32 @p1 $0x1;
	p0 =	seq.s32 s7, s2  }
0x1e: {  	s7 =	smul.u32 @!p0 $0xF7A, s2;
	p2 =	seq.s32 @!p0 s5, $0x0  }
0x1f: {  	s9 =	smul.u32 $0xF7A, s1;
	s8 =	simm.s32 @!p0 $0x1BF5;
	p2 =	por !p2, p0  }
0x20: {  	[sflag:s8] =	ssyncset.s32 @!p0 $0xFFFFF086;
	s6 =	sadd.s32 @!p0 s3, s7;
	s7 =	simm.s32 @!p0 $0x108  }
0x21: {  	s3 =	sadd.s32 s3, s9;
	s6 =	sadd.s32 @!p0 $0x88, s6;
	s7 =	simm.s32 @p2 $0x1082  }
0x22: {  	[simem:s7], [sflag:s8] =	dma.local @!p0 [hbm:s6], $0xF7A  }
0x23: {  	s9 =	sor.u32 $0xD0000000, s2;
	s6 =	simm.s32 $0x108;
	_ =	swait.ge @!p0 [sflag:s8], $0x0  }
0x24: {  	s3 =	sadd.s32 $0x88, s3;
	s6 =	simm.s32 @!p1 $0x1082;
	[sflag:s4] =	ssyncset.s32 $0xFFFFF086  }
0x25: {  	[simem:s6], [sflag:s4] =	dma.local [hbm:s3], $0xF7A  }
0x26: {  	[smem:$0x3F8F] =	sst s1;
	(tag) =	ssettag s2;
	_ =	strace s9  }
0x27: {  	s1 =	sld [smem:$0x3F9F]  }
0x28: {  	s2 =	sld [smem:$0x3FA0]  }
0x29: {  	s4 =	sld [smem:$0x3FA2]  }
0x2a: {  	p0 =	seq.s32 s5, $0x0;
	s5 =	sld [smem:$0x3FA3]  }
0x2b: {  	s6 =	sld [smem:$0x3FA4]  }
0x2c: {  	s7 =	sld [smem:$0x3FA5]  }
0x2d: {  	s3 =	simm.s32 $0x108;
	s8 =	sld [smem:$0x3FA6]  }
0x2e: {  	s3 =	simm.s32 @!p0 $0x1082;
	s9 =	sld [smem:$0x3FA7]  }
0x2f: {  	lr =	sadd.s32 s0, s3;
	s0 =	sld [smem:$0x3F9E]  }
0x30: {  	s3 =	sld [smem:$0x3FA1]  }
0x31: {  	[smem:$0x3FAA] =	sst s10  }
0x32: {  	s10 =	sld [smem:$0x3FA8];
	_ =	sdelay $0x3  }
0x33: {  	p0 =	seq.s32 s10, $0x1;
	s10 =	sld [smem:$0x3FAA];
	_ =	sdelay $0x3  }
0x34: {  	[smem:$0x3FAA] =	sst s10  }
0x35: {  	s10 =	sld [smem:$0x3FA9];
	_ =	sdelay $0x3  }
0x36: {  	p1 =	seq.s32 s10, $0x1;
	s10 =	sld [smem:$0x3FAA];
	_ =	sdelay $0x3  }
0x37: {  	[smem:$0x3FAA] =	sst s10  }
0x38: {  	s10 =	sld [smem:$0x3FAB]  }
0x39: {  	_ = 	snop;
	(pc) =	sbr.ind lr, $3  }
0x3a: {  	_ = 	snop  }
0x3b: {  	_ = 	snop  }
0x3c: {  	p2 =	seq.s32 s10, $0x1;
	s10 =	sld [smem:$0x3FAA]  }
0x3d: {  	_ =	shalt  }
0x3e: {  	_ =	shalt  }
0x3f: {  	_ =	shalt  }
0x40: {  	_ =	shalt  }
0x41: {  	_ =	shalt  }
0x42: {  	_ =	shalt  }
0x43: {  	_ =	shalt  }
0x44: {  	_ =	shalt  }
0x45: {  	_ =	shalt  }
0x46: {  	_ =	shalt  }
0x47: {  	_ =	shalt  }
0x48: {  	_ =	shalt  }
0x49: {  	_ =	shalt  }
0x4a: {  	_ =	shalt  }
0x4b: {  	_ =	shalt  }
0x4c: {  	_ =	shalt  }
0x4d: {  	_ =	shalt  }
0x4e: {  	_ =	shalt  }
0x4f: {  	_ =	shalt  }
0x50: {  	_ =	shalt  }
0x51: {  	_ =	shalt  }
0x52: {  	_ =	shalt  }
0x53: {  	_ =	shalt  }
0x54: {  	_ =	shalt  }
0x55: {  	_ =	shalt  }
0x56: {  	_ =	shalt  }
0x57: {  	_ =	shalt  }
0x58: {  	_ =	shalt  }
0x59: {  	_ =	shalt  }
0x5a: {  	_ =	shalt  }
0x5b: {  	_ =	shalt  }
0x5c: {  	_ =	shalt  }
0x5d: {  	_ =	shalt  }
0x5e: {  	_ =	shalt  }
0x5f: {  	_ =	shalt  }
0x60: {  	_ =	shalt  }
0x61: {  	_ =	shalt  }
0x62: {  	_ =	shalt  }
0x63: {  	_ =	shalt  }
0x64: {  	_ =	shalt  }
0x65: {  	_ =	shalt  }
0x66: {  	_ =	shalt  }
0x67: {  	_ =	shalt  }
0x68: {  	_ =	shalt  }
0x69: {  	_ =	shalt  }
0x6a: {  	_ =	shalt  }
0x6b: {  	_ =	shalt  }
0x6c: {  	_ =	shalt  }
0x6d: {  	_ =	shalt  }
0x6e: {  	_ =	shalt  }
0x6f: {  	_ =	shalt  }
0x70: {  	_ =	shalt  }
0x71: {  	_ =	shalt  }
0x72: {  	_ =	shalt  }
0x73: {  	_ =	shalt  }
0x74: {  	_ =	shalt  }
0x75: {  	_ =	shalt  }
0x76: {  	_ =	shalt  }
0x77: {  	_ =	shalt  }
0x78: {  	_ =	shalt  }
0x79: {  	_ =	shalt  }
0x7a: {  	_ =	shalt  }
0x7b: {  	_ =	shalt  }
0x7c: {  	_ =	shalt  }
0x7d: {  	_ =	shalt  }
0x7e: {  	_ =	shalt  }
0x7f: {  	_ =	shalt  }
0x80: {  	_ =	shalt  }
0x81: {  	_ =	shalt  }
0x82: {  	_ =	shalt  }
0x83: {  	_ =	shalt  }
0x84: {  	_ =	shalt  }
0x85: {  	_ =	shalt  }
0x86: {  	_ =	shalt  }
0x87: {  	_ =	shalt  }
.Lfunc_end0:
.L_simem_size_0:
called_computation.2_lowered:
.L_overlay_start_0:
0x88: {  	s2 =	sld [smem:$0x3FD9]  }
0x89: {  	s3 =	sld [smem:$0x3FFE];
	_ =	sdelay $0x1  }
0x8a: {  	s1 =	srdreg.scid  }
0x8b: {  	s0 =	sand.u32 $0x1, s1  }
0x8c: {  	s16 =	sshll.u32 s0, $0xA;
	s2 =	sadd.s32 s3, s2  }
0x8d: {  	s2 =	sadd.s32 s2, s16  }
0x8e: {  	[smem:$0x3FB6] =	sst s2  }
0x8f: {  	_ = 	snop  }
0x90: {  	(tm) =	ssettm $0x1  }
0x91: {  	s17 =	sld [smem:$0x3FFB];
	_ =	sdelay $0x3  }
0x92: {  	_ =	strace s17  }
0x93: {  	s2 =	sld [smem:$0x3FFC];
	_ =	sdelay $0x3  }
0x94: {  	_ =	strace s2  }
0x95: {  	s2 =	sld [smem:$0x3FFD];
	_ =	sdelay $0x3  }
0x96: {  	_ =	strace s2  }
0x97: {  	_ =	strace $0x8FFFFFFF  }
0x98: {  	s18 =	sld [smem:$0x3FDB];
	_ =	sdelay $0x1  }
0x99: {  	s19 =	simm.s32 $_scs_section_size  }
0x9a: {  	s4 =	simm.s32 $_size__tile_overlayer_lowered;
	s5 =	simm.s32 $_tile_overlayer_lowered  }
0x9b: {  	s22 =	simm.s32 $0x1BFF;
	s21 =	sshll.u32 s5, $0x1;
	s2 =	sadd.s32 s19, s18  }
0x9c: {  	s6 =	simm.s32 $0x0;
	s20 =	sshll.u32 s4, $0x1;
	s4 =	sadd.s32 s21, s2  }
0x9d: {  	[timem:s6], [sflag:s22] =	dma.local [hbm:s4], s20  }
0x9e: {  	_ =	swait.ge [sflag:s22], s20  }
0x9f: {  	s3 =	ssub.s32 $0x0, s20;
	[sflag:s22] =	ssyncset.done $0x0  }
0xa0: {  	[sflag:s22] =	ssyncadd.s32 s3;
	_ =	sdelay $0x1  }
0xa1: {  	s23 =	simm.s32 $0x1B8B  }
0xa2: {  	_ =	swait.ge [sflag:s23], $0x1  }
0xa3: {  	[sflag:s23] =	ssyncset.done $0x0  }
0xa4: {  	s25 =	simm.s32 $0x1B8E;
	s24 =	sld [smem:$0x3FFE];
	[sflag:s23] =	ssyncadd.s32 $0xFFFFFFFF  }
0xa5: {  	s26 =	simm.s32 $execute0_lowered;
	[smem:$0x3FD2] =	sst s25  }
0xa6: {  	s4 =	sshll.u32 s26, $0x1;
	_ =	strace $0x8000004C;
	[dreg:$0x1] =	wrdreg $0xFFFFFFFF  }
0xa7: {  	s28 =	simm.s32 $_size_execute0_lowered;
	s2 =	sadd.s32 s2, s4;
	[dreg:$0x0] =	wrdreg $0x0  }
0xa8: {  	s4 =	sshll.u32 s28, $0x1;
	[dreg:$0x2] =	wrdreg s2  }
0xa9: {  	[dreg:$0x3] =	wrdreg s4  }
0xaa: {  	[dreg:$0x4] =	wrdreg $0xC0  }
0xab: {  	_ =	task [dreg:s6], $0x5FFFF  }
0xac: {  	[dreg:$0x1] =	wrdreg $0xFFFFFFFF  }
0xad: {  	[dreg:$0x0] =	wrdreg $0x60  }
0xae: {  	[dreg:$0x2] =	wrdreg s24  }
0xaf: {  	[dreg:$0x3] =	wrdreg $0x9  }
0xb0: {  	_ =	task.clear_ibuf [dreg:s6], $0x4FFFF;
	_ =	strace $0x9000004C  }
0xb1: {  	s29 =	simm.s32 $0x9;
	_ =	strace $0x8000004E  }
0xb2: {  	_ =	swait.ge [sflag:s29], $0x1  }
0xb3: {  	[sflag:s29] =	ssyncadd.s32 $0xFFFFFFFF  }
0xb4: {  	_ =	strace $0x9000004E  }
0xb5: {  	_ =	sfence  }
0xb6: {  	s30 =	sld [smem:$0x0];
	_ =	sdelay $0x2  }
0xb7: {  	s31 =	sshll.u32 s1, $0xD;
	s1 =	sshrl.u32 s1, $0x2  }
0xb8: {  	s3 =	sand.u32 $0x4000, s31;
	s1 =	sadd.s32 s1, s30  }
0xb9: {  	s0 =	sor.u32 s3, s0;
	s1 =	sshll.u32 s1, $0x11  }
0xba: {  	s0 =	sor.u32 s1, s0  }
0xbb: {  	s0 =	sadd.s32 $0x8F2B, s0  }
0xbc: {  	[sflag:s0] =	ssyncadd.remote.s32 $0x1  }
0xbd: {  	_ =	sfence.sel $0xFFFF  }
0xbe: {  	[dreg:$0x0] =	wrdreg $0xFFFFFFFF;
	(pc) =	sbr.abs _section_cstart, $3  }
0xbf: {  	[dreg:$0x1] =	wrdreg $0xFFFFFFFF  }
0xc0: {  	_ =	task.clear_ibuf [dreg:s6], $0x2FFFF;
	_ =	strace $0x9FFFFFFF  }
0xc1: {  	(tm) =	ssettm $0x7FFFFFFF  }
tec
execute0_lowered:
.L_overlay_start_1:
0x0: {  	(tag) =	ssettag $0x1  }
0x1: {  	s5 =	rddreg [dreg:$0x0]  }
0x2: {  	s0 =	rddreg [dreg:$0x1];
	s2 =	simm.s32 $0x0;
	s1 =	stileid.u32  }
0x3: {  	s3 =	srdreg.scid;
	s13 =	simm.s32 $0xB400;
	s14 =	simm.s32 $0x0  }
0x4: {  	[smem:$0x7FF] =	sst s2;
	s6 =	smul.u32 $0x1400, s1;
	s7 =	sand.u32 $0x1, s3  }
0x5: {  	s3 =	sadd.s32 $0xEC00, s5;
	_ =	strace $0x8000004D;
	s8 =	smul.u32 $0x14000, s7  }
0x6: {  	s4 =	smul.u32 $0x50000, s7;
	s7 =	ssub.s32 $0x2, s7;
	s9 =	sshrl.u32 s6, $0x3  }
0x7: {  	s31 =	sshrl.u32 s7, $0x1;
	s9 =	sadd.s32 s9, s5;
	s6 =	sadd.s32 s6, s8  }
0x8: {  	s10 =	sshrl.u32 s4, $0x3;
	s12 =	ssub.s32 s7, s31;
	s6 =	sshrl.u32 s6, $0x3  }
0x9: {  	s7 =	sadd.s32 $0xC400, s9;
	s9 =	smax.u32 s12, $0x1;
	s12 =	simm.s32 $0xA000  }
0xa: {  	s11 =	sadd.s32 s6, s5;
	s5 =	sadd.s32 s3, s10;
	s10 =	simm.s32 $0x5000  }
0xb: {  	s6 =	sadd.s32 $0x2600, s11;
	s8 =	sadd.s32 $0x22C00, s11;
	s11 =	simm.s32 $0x1  }
.LBB2_1:
0xc: {  	[tilespmem:s2], [sflag:$0x1] =	stream.linear.gather [hbm4b:s5+s2], $0x5000, $0x38;
	[tilespmem:$0xC800] =	vst v63  }
0xd: {  	_ =	swait.ge [sflag:s11], $0x5000  }
0xe: {  	[sflag:s11] =	ssyncset.done $0x0  }
0xf: {  	s15 =	simm.s32 $0x1;
	[sflag:s11] =	ssyncadd.s32 $0xFFFFB000  }
.LBB2_2:
0x10: {  	s16 =	smul.u32 $0x5000, s15;
	_ =	sdelay $0x1  }
0x11: {  	s16 =	sadd.s32 s4, s16  }
0x12: {  	s16 =	sshrl.u32 s16, $0x3  }
0x13: {  	s17 =	simm.s32 $0x0;
	s16 =	sadd.s32 s3, s16  }
0x14: {  	[tilespmem:s10], [sflag:$0x1] =	stream.linear.gather [hbm4b:s16+s17], $0x5000, $0x38;
	[tilespmem:$0xC800] =	vst v63  }
0x15: {  	_ =	swait.ge [sflag:s11], $0x5000  }
0x16: {  	[sflag:s11] =	ssyncset.done $0x0  }
0x17: {  	s16 =	simm.s32 $0x0;
	[sflag:s11] =	ssyncadd.s32 $0xFFFFB000  }
0x18: {  	v5 =	vld [tilespmem:s16+$0x5000]  }
0x19: {  	v6 =	vld [tilespmem:s16+$0x5010]  }
0x1a: {  	v1 =	vld [tilespmem:s16+$0x5020]  }
0x1b: {  	v0 =	vld [tilespmem:s16+$0x5030]  }
0x1c: {  	v2 =	vld [tilespmem:s16+$0x0]  }
0x1d: {  	v4 =	vld [tilespmem:s16+$0x10]  }
0x1e: {  	s17 =	simm.s32 $0x100;
	v3 =	vld [tilespmem:s16+$0x20]  }
.LBB2_3:
0x1f: {  	s18 =	sshra.s32 s17, $0x2;
	p0 =	sne.s32 s17, $0x13F00;
	v7 =	vld [tilespmem:s16+$0x30];
	v8 =	vmov v1  }
0x20: {  	v9 =	vld [tilespmem:s18+$0x5000];
	v10 =	vmov v0  }
0x21: {  	v11 =	vld [tilespmem:s18+$0x5010];
	v2 =	vadd.f32 v5, v2  }
.Ltmp0:
0x22: {  	v1 =	vld [tilespmem:s18+$0x5020];
	v4 =	vadd.f32 v6, v4;
	(pc) =	sbr.rel @p0 .LBB2_3-.Ltmp0, $4  }
0x23: {  	v0 =	vld [tilespmem:s18+$0x5030];
	[tilespmem:s16+$0x0] =	vst v2;
	v3 =	vadd.f32 v8, v3  }
0x24: {  	v2 =	vld [tilespmem:s18+$0x0];
	[tilespmem:s16+$0x10] =	vst v4;
	v7 =	vadd.f32 v10, v7  }
0x25: {  	v4 =	vld [tilespmem:s18+$0x10];
	[tilespmem:s16+$0x20] =	vst v3;
	v5 =	vmov v9  }
0x26: {  	s17 =	sadd.s32 $0x100, s17;
	v3 =	vld [tilespmem:s18+$0x20];
	[tilespmem:s16+$0x30] =	vst v7;
	v6 =	vmov v11;
	s16 =	smov.u32 s18  }
0x27: {  	v7 =	vld [tilespmem:s16+$0x30]  }
0x28: {  	s15 =	sadd.s32 $0x1, s15  }
0x29: {  	p0 =	sne.s32 s15, $0x10;
	v2 =	vadd.f32 v5, v2  }
.Ltmp1:
0x2a: {  	v4 =	vadd.f32 v6, v4;
	(pc) =	sbr.rel @p0 .LBB2_2-.Ltmp1, $4  }
0x2b: {  	[tilespmem:s16+$0x0] =	vst v2;
	v1 =	vadd.f32 v1, v3  }
0x2c: {  	[tilespmem:s16+$0x10] =	vst v4;
	v0 =	vadd.f32 v0, v7  }
0x2d: {  	[tilespmem:s16+$0x20] =	vst v1  }
0x2e: {  	[tilespmem:s16+$0x30] =	vst v0  }
0x2f: {  	s15 =	simm.s32 $0x0  }
0x30: {  	[tilespmem:s12], [sflag:$0x1] =	stream.linear.gather [hbm4b:s6+s15], $0x1400, $0x38;
	[tilespmem:$0xC800] =	vst v63  }
0x31: {  	_ =	swait.ge [sflag:s11], $0x1400  }
0x32: {  	[sflag:s11] =	ssyncset.done $0x0  }
0x33: {  	[sflag:s11] =	ssyncadd.s32 $0xFFFFEC00  }
0x34: {  	[tilespmem:s13], [sflag:$0x1] =	stream.linear.gather [hbm4b:s7+s15], $0x1400, $0x38;
	[tilespmem:$0xC800] =	vst v63  }
0x35: {  	_ =	swait.ge [sflag:s11], $0x1400  }
0x36: {  	[sflag:s11] =	ssyncset.done $0x0  }
0x37: {  	s15 =	simm.s32 $0x0;
	[sflag:s11] =	ssyncadd.s32 $0xFFFFEC00  }
0x38: {  	v0 =	vld [tilespmem:s15+$0xB400];
	_ =	sdelay $0x7  }
0x39: {  	v0 =	vld.idx.msk [tilespmem:v0+s2+$0x0], $0xffff;
	_ =	sdelay $0x4  }
0x3a: {  	v0 =	vadd.f32 $1.000000020e-16, v0;
	_ =	sdelay $0x1  }
0x3b: {  	(erf) = vrcp.f32 v0;
	_ =	sdelay $0x2  }
0x3c: {  	s17 =	simm.s32 $0x10  }
0x3d: {  	s16 =	simm.s32 $0x80;
	v0 =	vld [tilespmem:s17+$0xB400]  }
.LBB2_6:
0x3e: {  	p0 =	sne.s32 s16, $0x4FC0;
	v1 =	vld [tilespmem:s15+$0xA000];
	_ =	sdelay $0x3  }
0x3f: {  	v2 =	vpop (erf)  }
0x40: {  	v1 =	vmul.f32 v2, v1;
	_ =	sdelay $0x1  }
0x41: {  	[tilespmem:s15+$0xA000] =	vst v1;
	s15 =	smov.u32 s17  }
0x42: {  	v0 =	vld.idx.msk [tilespmem:v0+s2+$0x0], $0xffff;
	_ =	sdelay $0x5  }
0x43: {  	v0 =	vadd.f32 $1.000000020e-16, v0;
	_ =	sdelay $0x1  }
.Ltmp2:
0x44: {  	(erf) = vrcp.f32 v0;
	(pc) =	sbr.rel @p0 .LBB2_6-.Ltmp2, $3  }
0x45: {  	_ =	sdelay $0x1  }
0x46: {  	s17 =	sshra.s32 s16, $0x2  }
0x47: {  	s16 =	sadd.s32 $0x40, s16;
	v0 =	vld [tilespmem:s17+$0xB400]  }
0x48: {  	v1 =	vld [tilespmem:s15+$0xA000];
	_ =	sdelay $0x3  }
0x49: {  	v2 =	vpop (erf)  }
0x4a: {  	v1 =	vmul.f32 v2, v1;
	_ =	sdelay $0x1  }
0x4b: {  	[tilespmem:s15+$0xA000] =	vst v1  }
0x4c: {  	v0 =	vld.idx.msk [tilespmem:v0+s2+$0x0], $0xffff;
	_ =	sdelay $0x4  }
0x4d: {  	v0 =	vadd.f32 $1.000000020e-16, v0;
	_ =	sdelay $0x1  }
0x4e: {  	(erf) = vrcp.f32 v0;
	_ =	sdelay $0x4  }
0x4f: {  	v62 =	vld [tilespmem:s17+$0xA000];
	_ =	sdelay $0x3  }
0x50: {  	v63 =	vpop (erf)  }
0x51: {  	s14 =	sadd.s32 $0x1, s14;
	v0 =	vmul.f32 v63, v62  }
0x52: {  	p0 =	sne.s32 s14, s9  }
.Ltmp3:
0x53: {  	[tilespmem:s17+$0xA000] =	vst v0;
	(pc) =	sbr.rel @p0 .LBB2_1-.Ltmp3, $4  }
0x54: {  	[hbm4b:s8+s2] =	stream.linear.scatter [tilespmem:s12], [sflag:$0x1], $0x1400, $0x38;
	[tilespmem:$0xC800] =	vst v63  }
0x55: {  	_ =	swait.ge [sflag:s11], $0x1400  }
0x56: {  	[sflag:s11] =	ssyncset.done $0x0  }
0x57: {  	[sflag:s11] =	ssyncadd.s32 $0xFFFFEC00  }
0x58: {  	_ =	sfence.sel $0x180000  }
0x59: {  	[bflag:$0x0] =	sbarrier.arrive $0xFFFF  }
0x5a: {  	p0 =	sne.s32 s1, $0x0;
	_ =	strace $0x9000004D  }
0x5b: {  	s0 =	sadd.s32 @!p0 $0x100000, s0;
	[bflag:$0x2] =	sbarrier.arrive $0xFFFF  }
0x5c: {  	[sflag:s0] =	ssyncadd.tile.s32 @!p0 $0x1;
	_ =	shalt  }
.Lfunc_end2:
_tile_overlayer_lowered:
.L_overlay_start_2:
0x5d: {  	(tag) =	ssettag $0x2  }
0x5e: {  	s0 =	rddreg [dreg:$0x0];
	s2 =	stileid.u32  }
0x5f: {  	s1 =	rddreg [dreg:$0x1];
	p0 =	sne.s32 s2, $0x0  }
0x60: {  	s3 =	rddreg [dreg:$0x2];
	[bflag:$0x3] =	sbarrier.arrive $0xFFFF;
	s2 =	simm.s32 @!p0 $0x1C01  }
0x61: {  	[timem:s3], [sflag:s2] =	dma.local @!p0 [hbm:s0], s1  }
0x62: {  	s0 =	simm.s32 @!p0 $0x1  }
0x63: {  	_ =	swait.ge @!p0 [sflag:s0], s1  }
0x64: {  	s1 =	ssub.s32 @!p0 $0x0, s1;
	[sflag:s0] =	ssyncset.done @!p0 $0x0  }
0x65: {  	[sflag:s0] =	ssyncadd.s32 @!p0 s1  }
0x66: {  	[bflag:$0x3] =	sbarrier.arrive $0xFFFF  }
0x67: {  	_ =	shalt  }

// kernel: kernel.19.cloned.1.call-start
scs
__scs_entry_jumppad:
0x0: {  	(pc) =	sbr.rel $0x88, $3  }
0x1: {  	(tag) =	ssettag $0x0;
	lr =	simm.s32 $0x1  }
0x2: {  	[smem:$0x3F8F] =	sst lr;
	_ =	strace $0xD0000000  }
0x3: {  	_ = 	snop  }
0x4: {  	_ = 	snop  }
0x5: {  	_ = 	snop  }
0x6: {  	_ = 	snop  }
0x7: {  	_ = 	snop  }
__scs_overlays_trampoline_lowered:
0x8: {  	[smem:$0x3F9E] =	sst s0  }
0x9: {  	[smem:$0x3F9F] =	sst s1  }
0xa: {  	[smem:$0x3FA0] =	sst s2  }
0xb: {  	[smem:$0x3FA1] =	sst s3  }
0xc: {  	[smem:$0x3FA2] =	sst s4  }
0xd: {  	[smem:$0x3FA3] =	sst s5  }
0xe: {  	[smem:$0x3FA4] =	sst s6  }
0xf: {  	[smem:$0x3FA5] =	sst s7  }
0x10: {  	[smem:$0x3FA6] =	sst s8  }
0x11: {  	[smem:$0x3FA7] =	sst s9;
	s0 =	simm.s32 @!p0 $0x0  }
0x12: {  	s1 =	sld [smem:$0x3F8D];
	s0 =	simm.s32 @p0 $0x1  }
0x13: {  	[smem:$0x3FA8] =	sst s0;
	s0 =	simm.s32 @!p1 $0x0  }
0x14: {  	s2 =	sld [smem:$0x3F8C];
	s0 =	simm.s32 @p1 $0x1  }
0x15: {  	[smem:$0x3FA9] =	sst s0;
	s0 =	simm.s32 @!p2 $0x0  }
0x16: {  	s3 =	sld [smem:$0x3FDB];
	s0 =	simm.s32 @p2 $0x1  }
0x17: {  	s4 =	simm.s32 $0x1BF5;
	[smem:$0x3FAB] =	sst s0  }
0x18: {  	s0 =	sld [smem:$0x3F8E];
	_ =	swait.ge [sflag:s4], $0x0  }
0x19: {  	s7 =	sld [smem:$0x3F8F]  }
0x1a: {  	s8 =	sadd.s32 $0xFFFFE003, lr  }
0x1b: {  	s9 =	sadd.s32 $0xFFFFFEF7, lr;
	s5 =	simm.s32 $0xFFFFFFFF;
	p2 =	slt.u32 s8, $0xFFFFF086  }
0x1c: {  	p1 =	slt.u32 s9, $0xF7A;
	s5 =	simm.s32 @!p2 $0x0  }
0x1d: {  	s5 =	simm.s32 @p1 $0x1;
	p0 =	seq.s32 s7, s2  }
0x1e: {  	s7 =	smul.u32 @!p0 $0xF7A, s2;
	p2 =	seq.s32 @!p0 s5, $0x0  }
0x1f: {  	s9 =	smul.u32 $0xF7A, s1;
	s8 =	simm.s32 @!p0 $0x1BF5;
	p2 =	por !p2, p0  }
0x20: {  	[sflag:s8] =	ssyncset.s32 @!p0 $0xFFFFF086;
	s6 =	sadd.s32 @!p0 s3, s7;
	s7 =	simm.s32 @!p0 $0x108  }
0x21: {  	s3 =	sadd.s32 s3, s9;
	s6 =	sadd.s32 @!p0 $0x88, s6;
	s7 =	simm.s32 @p2 $0x1082  }
0x22: {  	[simem:s7], [sflag:s8] =	dma.local @!p0 [hbm:s6], $0xF7A  }
0x23: {  	s9 =	sor.u32 $0xD0000000, s2;
	s6 =	simm.s32 $0x108;
	_ =	swait.ge @!p0 [sflag:s8], $0x0  }
0x24: {  	s3 =	sadd.s32 $0x88, s3;
	s6 =	simm.s32 @!p1 $0x1082;
	[sflag:s4] =	ssyncset.s32 $0xFFFFF086  }
0x25: {  	[simem:s6], [sflag:s4] =	dma.local [hbm:s3], $0xF7A  }
0x26: {  	[smem:$0x3F8F] =	sst s1;
	(tag) =	ssettag s2;
	_ =	strace s9  }
0x27: {  	s1 =	sld [smem:$0x3F9F]  }
0x28: {  	s2 =	sld [smem:$0x3FA0]  }
0x29: {  	s4 =	sld [smem:$0x3FA2]  }
0x2a: {  	p0 =	seq.s32 s5, $0x0;
	s5 =	sld [smem:$0x3FA3]  }
0x2b: {  	s6 =	sld [smem:$0x3FA4]  }
0x2c: {  	s7 =	sld [smem:$0x3FA5]  }
0x2d: {  	s3 =	simm.s32 $0x108;
	s8 =	sld [smem:$0x3FA6]  }
0x2e: {  	s3 =	simm.s32 @!p0 $0x1082;
	s9 =	sld [smem:$0x3FA7]  }
0x2f: {  	lr =	sadd.s32 s0, s3;
	s0 =	sld [smem:$0x3F9E]  }
0x30: {  	s3 =	sld [smem:$0x3FA1]  }
0x31: {  	[smem:$0x3FAA] =	sst s10  }
0x32: {  	s10 =	sld [smem:$0x3FA8];
	_ =	sdelay $0x3  }
0x33: {  	p0 =	seq.s32 s10, $0x1;
	s10 =	sld [smem:$0x3FAA];
	_ =	sdelay $0x3  }
0x34: {  	[smem:$0x3FAA] =	sst s10  }
0x35: {  	s10 =	sld [smem:$0x3FA9];
	_ =	sdelay $0x3  }
0x36: {  	p1 =	seq.s32 s10, $0x1;
	s10 =	sld [smem:$0x3FAA];
	_ =	sdelay $0x3  }
0x37: {  	[smem:$0x3FAA] =	sst s10  }
0x38: {  	s10 =	sld [smem:$0x3FAB]  }
0x39: {  	_ = 	snop;
	(pc) =	sbr.ind lr, $3  }
0x3a: {  	_ = 	snop  }
0x3b: {  	_ = 	snop  }
0x3c: {  	p2 =	seq.s32 s10, $0x1;
	s10 =	sld [smem:$0x3FAA]  }
0x3d: {  	_ =	shalt  }
0x3e: {  	_ =	shalt  }
0x3f: {  	_ =	shalt  }
0x40: {  	_ =	shalt  }
0x41: {  	_ =	shalt  }
0x42: {  	_ =	shalt  }
0x43: {  	_ =	shalt  }
0x44: {  	_ =	shalt  }
0x45: {  	_ =	shalt  }
0x46: {  	_ =	shalt  }
0x47: {  	_ =	shalt  }
0x48: {  	_ =	shalt  }
0x49: {  	_ =	shalt  }
0x4a: {  	_ =	shalt  }
0x4b: {  	_ =	shalt  }
0x4c: {  	_ =	shalt  }
0x4d: {  	_ =	shalt  }
0x4e: {  	_ =	shalt  }
0x4f: {  	_ =	shalt  }
0x50: {  	_ =	shalt  }
0x51: {  	_ =	shalt  }
0x52: {  	_ =	shalt  }
0x53: {  	_ =	shalt  }
0x54: {  	_ =	shalt  }
0x55: {  	_ =	shalt  }
0x56: {  	_ =	shalt  }
0x57: {  	_ =	shalt  }
0x58: {  	_ =	shalt  }
0x59: {  	_ =	shalt  }
0x5a: {  	_ =	shalt  }
0x5b: {  	_ =	shalt  }
0x5c: {  	_ =	shalt  }
0x5d: {  	_ =	shalt  }
0x5e: {  	_ =	shalt  }
0x5f: {  	_ =	shalt  }
0x60: {  	_ =	shalt  }
0x61: {  	_ =	shalt  }
0x62: {  	_ =	shalt  }
0x63: {  	_ =	shalt  }
0x64: {  	_ =	shalt  }
0x65: {  	_ =	shalt  }
0x66: {  	_ =	shalt  }
0x67: {  	_ =	shalt  }
0x68: {  	_ =	shalt  }
0x69: {  	_ =	shalt  }
0x6a: {  	_ =	shalt  }
0x6b: {  	_ =	shalt  }
0x6c: {  	_ =	shalt  }
0x6d: {  	_ =	shalt  }
0x6e: {  	_ =	shalt  }
0x6f: {  	_ =	shalt  }
0x70: {  	_ =	shalt  }
0x71: {  	_ =	shalt  }
0x72: {  	_ =	shalt  }
0x73: {  	_ =	shalt  }
0x74: {  	_ =	shalt  }
0x75: {  	_ =	shalt  }
0x76: {  	_ =	shalt  }
0x77: {  	_ =	shalt  }
0x78: {  	_ =	shalt  }
0x79: {  	_ =	shalt  }
0x7a: {  	_ =	shalt  }
0x7b: {  	_ =	shalt  }
0x7c: {  	_ =	shalt  }
0x7d: {  	_ =	shalt  }
0x7e: {  	_ =	shalt  }
0x7f: {  	_ =	shalt  }
0x80: {  	_ =	shalt  }
0x81: {  	_ =	shalt  }
0x82: {  	_ =	shalt  }
0x83: {  	_ =	shalt  }
0x84: {  	_ =	shalt  }
0x85: {  	_ =	shalt  }
0x86: {  	_ =	shalt  }
0x87: {  	_ =	shalt  }
.Lfunc_end0:
.L_simem_size_0:
called_computation.3_lowered:
.L_overlay_start_0:
0x88: {  	s2 =	sld [smem:$0x3FD9]  }
0x89: {  	s3 =	sld [smem:$0x3FFE];
	_ =	sdelay $0x1  }
0x8a: {  	s1 =	srdreg.scid  }
0x8b: {  	s0 =	sand.u32 $0x1, s1  }
0x8c: {  	s17 =	sshll.u32 s0, $0xA;
	s2 =	sadd.s32 s3, s2  }
0x8d: {  	s2 =	sadd.s32 s2, s17  }
0x8e: {  	[smem:$0x3FB6] =	sst s2  }
0x8f: {  	_ = 	snop  }
0x90: {  	s2 =	sld [smem:$0x3FD0];
	(tm) =	ssettm $0x1  }
0x91: {  	s18 =	sld [smem:$0x3FFB];
	_ =	sdelay $0x3  }
0x92: {  	_ =	strace s18  }
0x93: {  	s3 =	sld [smem:$0x3FFC];
	_ =	sdelay $0x3  }
0x94: {  	_ =	strace s3  }
0x95: {  	s3 =	sld [smem:$0x3FFD];
	_ =	sdelay $0x3  }
0x96: {  	_ =	strace s3  }
0x97: {  	_ =	strace $0x8FFFFFFF  }
0x98: {  	s19 =	sld [smem:$0x3FDB];
	_ =	sdelay $0x1  }
0x99: {  	s4 =	simm.s32 $_scs_section_size  }
0x9a: {  	s5 =	simm.s32 $_size__tile_overlayer_lowered;
	s6 =	simm.s32 $_tile_overlayer_lowered  }
0x9b: {  	s22 =	simm.s32 $0x1BFF;
	s21 =	sshll.u32 s6, $0x1;
	s3 =	sadd.s32 s4, s19  }
0x9c: {  	s7 =	simm.s32 $0x0;
	s20 =	sshll.u32 s5, $0x1;
	s5 =	sadd.s32 s21, s3  }
0x9d: {  	[timem:s7], [sflag:s22] =	dma.local [hbm:s5], s20  }
0x9e: {  	_ =	swait.ge [sflag:s22], s20  }
0x9f: {  	s4 =	ssub.s32 $0x0, s20;
	[sflag:s22] =	ssyncset.done $0x0  }
0xa0: {  	[sflag:s22] =	ssyncadd.s32 s4;
	_ =	sdelay $0x1  }
0xa1: {  	s23 =	simm.s32 $0x1B8B  }
0xa2: {  	_ =	swait.ge [sflag:s23], $0x1  }
0xa3: {  	[sflag:s23] =	ssyncset.done $0x0  }
0xa4: {  	s25 =	simm.s32 $0x1B8E;
	s24 =	sld [smem:$0x3FFE];
	[sflag:s23] =	ssyncadd.s32 $0xFFFFFFFF  }
0xa5: {  	s26 =	simm.s32 $execute0_lowered;
	[smem:$0x3FD2] =	sst s25  }
0xa6: {  	s5 =	sshll.u32 s26, $0x1;
	_ =	strace $0x8000004F;
	[dreg:$0x1] =	wrdreg $0xFFFFFFFF  }
0xa7: {  	s28 =	simm.s32 $_size_execute0_lowered;
	s3 =	sadd.s32 s3, s5;
	[dreg:$0x0] =	wrdreg $0x0  }
0xa8: {  	s5 =	sshll.u32 s28, $0x1;
	[dreg:$0x2] =	wrdreg s3  }
0xa9: {  	[dreg:$0x3] =	wrdreg s5  }
0xaa: {  	[dreg:$0x4] =	wrdreg $0xC0  }
0xab: {  	_ =	task [dreg:s7], $0x5FFFF  }
0xac: {  	[dreg:$0x1] =	wrdreg $0xFFFFFFFF  }
0xad: {  	[dreg:$0x0] =	wrdreg $0x60  }
0xae: {  	[dreg:$0x2] =	wrdreg s24  }
0xaf: {  	[dreg:$0x3] =	wrdreg s2  }
0xb0: {  	[dreg:$0x4] =	wrdreg $0x9  }
0xb1: {  	_ =	task.clear_ibuf [dreg:s7], $0x5FFFF;
	_ =	strace $0x9000004F  }
0xb2: {  	s29 =	simm.s32 $0x9;
	_ =	strace $0x80000051  }
0xb3: {  	_ =	swait.ge [sflag:s29], $0x1  }
0xb4: {  	[sflag:s29] =	ssyncadd.s32 $0xFFFFFFFF  }
0xb5: {  	_ =	strace $0x90000051  }
0xb6: {  	_ =	sfence  }
0xb7: {  	s30 =	sld [smem:$0x0];
	_ =	sdelay $0x2  }
0xb8: {  	s31 =	sshll.u32 s1, $0xD;
	s1 =	sshrl.u32 s1, $0x2  }
0xb9: {  	s3 =	sand.u32 $0x4000, s31;
	s1 =	sadd.s32 s1, s30  }
0xba: {  	s0 =	sor.u32 s3, s0;
	s1 =	sshll.u32 s1, $0x11  }
0xbb: {  	s0 =	sor.u32 s1, s0  }
0xbc: {  	s0 =	sadd.s32 $0x8F2B, s0  }
0xbd: {  	[sflag:s0] =	ssyncadd.remote.s32 $0x1  }
0xbe: {  	_ =	sfence.sel $0xFFFF  }
0xbf: {  	[dreg:$0x0] =	wrdreg $0xFFFFFFFF;
	(pc) =	sbr.abs _section_cstart, $3  }
0xc0: {  	[dreg:$0x1] =	wrdreg $0xFFFFFFFF  }
0xc1: {  	_ =	task.clear_ibuf [dreg:s7], $0x2FFFF;
	_ =	strace $0x9FFFFFFF  }
0xc2: {  	(tm) =	ssettm $0x7FFFFFFF  }
0xc3: {  	_ =	shalt  }
tec
execute0_lowered:
.L_overlay_start_1:
0x0: {  	(tag) =	ssettag $0x1  }
0x1: {  	s0 =	rddreg [dreg:$0x0]  }
0x2: {  	s1 =	rddreg [dreg:$0x1];
	s2 =	simm.s32 $0x0;
	s3 =	srdreg.scid  }
0x3: {  	s4 =	stileid.u32;
	s17 =	simm.s32 $0x18000;
	s18 =	simm.s32 $0x1  }
0x4: {  	s19 =	simm.s32 $0x14000;
	s20 =	simm.s32 $0x16000;
	s21 =	simm.s32 $0x5000  }
0x5: {  	s22 =	simm.s32 $0xA000;
	s23 =	simm.s32 $0xF000;
	s24 =	simm.s32 $0x0  }
0x6: {  	[smem:$0x7FF] =	sst s2;
	s5 =	sand.u32 $0x1, s3;
	s6 =	sshll.u32 s4, $0x1  }
0x7: {  	s3 =	sadd.s32 $0x22C00, s0;
	s4 =	sadd.s32 $0xC400, s0;
	s6 =	sor.u32 s5, s6  }
0x8: {  	s0 =	sadd.s32 $0x27C00, s0;
	s7 =	ssub.s32 $0x2, s5;
	s8 =	smul.u32 $0x1400, s6  }
0x9: {  	_ =	strace $0x80000050;
	s9 =	sshrl.u32 s7, $0x1;
	s11 =	smul.u32 $0x28000, s6  }
0xa: {  	s10 =	sshll.u32 s6, $0x3;
	s6 =	smul.u32 $0x5000, s6;
	s16 =	ssub.s32 s7, s9  }
0xb: {  	s29 =	sor.u32 $0x4, s10;
	s7 =	smul.u32 $0x14000, s5;
	s8 =	sadd.s32 s1, s8  }
0xc: {  	s30 =	sshrl.u32 s11, $0x3;
	s31 =	smul.u32 $0x280, s29;
	s6 =	sadd.s32 s0, s6  }
0xd: {  	s12 =	smul.u32 $0xA00, s29;
	s16 =	smax.u32 s16, $0x1;
	s15 =	sadd.s32 s0, s30  }
0xe: {  	[dreg:$0x3] =	wrdreg s8;
	s8 =	sadd.s32 $0xA00, s6;
	s9 =	sadd.s32 $0x1400, s15  }
0xf: {  	s10 =	sadd.s32 $0x1E00, s15;
	s11 =	sadd.s32 s1, s31;
	s12 =	sadd.s32 s0, s12  }
0x10: {  	v0 =	vimm.f32 $0.0e+00;
	s13 =	sadd.s32 $0x3200, s15;
	s14 =	sadd.s32 $0x3C00, s15;
	s15 =	sadd.s32 $0x4600, s15  }
.LBB2_1:
0x11: {  	s0 =	simm.s32 $0x40;
	s1 =	simm.s32 $0x0  }
.LBB2_2:
0x12: {  	p0 =	sne.s32 s0, $0x4FFC0;
	[tilespmem:s1+$0x0] =	vst v0;
	s1 =	smov.u32 s0;
	s0 =	sadd.s32 $0x40, s0  }
.Ltmp0:
0x13: {  	(pc) =	sbr.rel @p0 .LBB2_2-.Ltmp0, $2  }
0x14: {  	_ =	sdelay $0x2  }
0x15: {  	s1 =	sshra.s32 s1, $0x2  }
0x16: {  	[tilespmem:s1+$0x0] =	vst v0;
	s25 =	simm.s32 $0x0;
	s0 =	rddreg [dreg:$0x3]  }
0x17: {  	[tilespmem:s17], [sflag:$0x1] =	stream.linear.gather [hbm4b:s0+s25], $0x5000, $0x38;
	[tilespmem:$0x1D000] =	vst v63  }
0x18: {  	_ =	swait.ge [sflag:s18], $0x5000  }
0x19: {  	[sflag:s18] =	ssyncset.done $0x0  }
0x1a: {  	s26 =	simm.s32 $0x0;
	s28 =	simm.s32 $0x0;
	[sflag:s18] =	ssyncadd.s32 $0xFFFFB000  }
.LBB2_4:
0x1b: {  	s0 =	sshll.u32 s28, $0xA  }
0x1c: {  	s1 =	sshll.u32 s28, $0xD;
	s0 =	sadd.s32 s4, s0  }
0x1d: {  	[tilespmem:s19], [sflag:$0x1] =	stream.linear.gather [hbm4b:s0+s25], $0x2000, $0x38;
	[tilespmem:$0x1D000] =	vst v63  }
0x1e: {  	s0 =	sadd.s32 s7, s1;
	_ =	swait.ge [sflag:s18], $0x2000  }
0x1f: {  	s1 =	sshrl.u32 s0, $0x3;
	s0 =	sadd.s32 $0x0, s26;
	[sflag:s18] =	ssyncset.done $0x0  }
0x20: {  	s1 =	sadd.s32 s3, s1;
	v1 =	vmov s0;
	[sflag:s18] =	ssyncadd.s32 $0xFFFFE000  }
0x21: {  	[tilespmem:s20], [sflag:$0x1] =	stream.linear.gather [hbm4b:s1+s25], $0x2000, $0x38;
	[tilespmem:$0x1D000] =	vst v63  }
0x22: {  	_ =	swait.ge [sflag:s18], $0x2000  }
0x23: {  	[sflag:s18] =	ssyncset.done $0x0  }
0x24: {  	[sflag:s18] =	ssyncadd.s32 $0xFFFFE000  }
0x25: {  	s29 =	simm.s32 $0x14020;
	v2 =	vld.idx.msk [tilespmem:v1+s17+$0x0], $0xffff  }
0x26: {  	s30 =	simm.s32 $0x16020;
	v3 =	vld [tilespmem:s29+$0xFFFFFFE0]  }
0x27: {  	v4 =	vld [tilespmem:s30+$0xFFFFFFE0];
	_ =	sdelay $0x1  }
0x28: {  	v1 =	vand.u32 $0x1FFC, v1  }
0x29: {  	v5 =	vadd.s32 $0x1400, v1;
	_ =	sdelay $0x1  }
0x2a: {  	v2 =	vmul.f32 v2, v4;
	_ =	sdelay $0x1  }
0x2b: {  	[tilespmem:v3+s2+$0x0] =	vst.idx.add.f32.msk $0xffff, v2  }
0x2c: {  	v2 =	vld.idx.msk [tilespmem:v5+s17+$0x0], $0xffff;
	_ =	sdelay $0x1  }
0x2d: {  	v5 =	vadd.s32 $0x5000, v3  }
0x2e: {  	v6 =	vadd.s32 $0x2800, v1;
	_ =	sdelay $0x1  }
0x2f: {  	v2 =	vmul.f32 v2, v4;
	_ =	sdelay $0x1  }
0x30: {  	[tilespmem:v5+s2+$0x0] =	vst.idx.add.f32.msk $0xffff, v2  }
0x31: {  	v2 =	vld.idx.msk [tilespmem:v6+s17+$0x0], $0xffff;
	_ =	sdelay $0x1  }
0x32: {  	v5 =	vadd.s32 $0xA000, v3  }
0x33: {  	v1 =	vadd.s32 $0x3C00, v1;
	_ =	sdelay $0x1  }
0x34: {  	v2 =	vmul.f32 v2, v4;
	_ =	sdelay $0x1  }
0x35: {  	[tilespmem:v5+s2+$0x0] =	vst.idx.add.f32.msk $0xffff, v2  }
0x36: {  	v1 =	vld.idx.msk [tilespmem:v1+s17+$0x0], $0xffff;
	_ =	sdelay $0x1  }
0x37: {  	v2 =	vadd.s32 $0xF000, v3  }
0x38: {  	s5 =	sadd.s32 $0x1, s0  }
0x39: {  	v3 =	vmov s5  }
0x3a: {  	v1 =	vmul.f32 v1, v4;
	_ =	sdelay $0x1  }
0x3b: {  	[tilespmem:v2+s2+$0x0] =	vst.idx.add.f32.msk $0xffff, v1  }
0x3c: {  	v1 =	vld [tilespmem:s29+$0xFFFFFFF0]  }
0x3d: {  	v2 =	vld.idx.msk [tilespmem:v3+s17+$0x0], $0xffff  }
0x3e: {  	v4 =	vld [tilespmem:s30+$0xFFFFFFF0];
	_ =	sdelay $0x1  }
0x3f: {  	v3 =	vand.u32 $0x1FFD, v3  }
0x40: {  	v5 =	vadd.s32 $0x1400, v3;
	_ =	sdelay $0x1  }
0x41: {  	v2 =	vmul.f32 v2, v4;
	_ =	sdelay $0x1  }
0x42: {  	[tilespmem:v1+s2+$0x0] =	vst.idx.add.f32.msk $0xffff, v2  }
0x43: {  	v2 =	vld.idx.msk [tilespmem:v5+s17+$0x0], $0xffff;
	_ =	sdelay $0x1  }
0x44: {  	v5 =	vadd.s32 $0x5000, v1  }
0x45: {  	v6 =	vadd.s32 $0x2800, v3;
	_ =	sdelay $0x1  }
0x46: {  	v2 =	vmul.f32 v2, v4;
	_ =	sdelay $0x1  }
0x47: {  	[tilespmem:v5+s2+$0x0] =	vst.idx.add.f32.msk $0xffff, v2  }
0x48: {  	v2 =	vld.idx.msk [tilespmem:v6+s17+$0x0], $0xffff;
	_ =	sdelay $0x1  }
0x49: {  	v5 =	vadd.s32 $0xA000, v1  }
0x4a: {  	v3 =	vadd.s32 $0x3C00, v3;
	_ =	sdelay $0x1  }
0x4b: {  	v2 =	vmul.f32 v2, v4;
	_ =	sdelay $0x1  }
0x4c: {  	[tilespmem:v5+s2+$0x0] =	vst.idx.add.f32.msk $0xffff, v2  }
0x4d: {  	v2 =	vld.idx.msk [tilespmem:v3+s17+$0x0], $0xffff;
	_ =	sdelay $0x1  }
0x4e: {  	s5 =	sadd.s32 $0x2, s0;
	v1 =	vadd.s32 $0xF000, v1  }
0x4f: {  	v3 =	vmov s5;
	_ =	sdelay $0x1  }
0x50: {  	v2 =	vmul.f32 v2, v4;
	_ =	sdelay $0x1  }
0x51: {  	[tilespmem:v1+s2+$0x0] =	vst.idx.add.f32.msk $0xffff, v2  }
0x52: {  	v1 =	vld.idx.msk [tilespmem:v3+s17+$0x0], $0xffff  }
0x53: {  	v2 =	vld [tilespmem:s29+$0x0]  }
0x54: {  	v4 =	vld [tilespmem:s30+$0x0];
	_ =	sdelay $0x1  }
0x55: {  	v3 =	vand.u32 $0x1FFE, v3  }
0x56: {  	v5 =	vadd.s32 $0x1400, v3;
	_ =	sdelay $0x1  }
0x57: {  	v1 =	vmul.f32 v1, v4;
	_ =	sdelay $0x1  }
0x58: {  	[tilespmem:v2+s2+$0x0] =	vst.idx.add.f32.msk $0xffff, v1  }
0x59: {  	v1 =	vld.idx.msk [tilespmem:v5+s17+$0x0], $0xffff;
	_ =	sdelay $0x1  }
0x5a: {  	v5 =	vadd.s32 $0x5000, v2  }
0x5b: {  	v6 =	vadd.s32 $0x2800, v3;
	_ =	sdelay $0x1  }
0x5c: {  	v1 =	vmul.f32 v1, v4;
	_ =	sdelay $0x1  }
0x5d: {  	[tilespmem:v5+s2+$0x0] =	vst.idx.add.f32.msk $0xffff, v1  }
0x5e: {  	v1 =	vld.idx.msk [tilespmem:v6+s17+$0x0], $0xffff;
	_ =	sdelay $0x1  }
0x5f: {  	v5 =	vadd.s32 $0xA000, v2  }
0x60: {  	v3 =	vadd.s32 $0x3C00, v3;
	_ =	sdelay $0x1  }
0x61: {  	v1 =	vmul.f32 v1, v4;
	_ =	sdelay $0x1  }
0x62: {  	[tilespmem:v5+s2+$0x0] =	vst.idx.add.f32.msk $0xffff, v1  }
0x63: {  	v1 =	vld.idx.msk [tilespmem:v3+s17+$0x0], $0xffff;
	_ =	sdelay $0x1  }
0x64: {  	v2 =	vadd.s32 $0xF000, v2  }
0x65: {  	s0 =	sadd.s32 $0x3, s0  }
0x66: {  	v5 =	vmov s0  }
0x67: {  	v1 =	vmul.f32 v1, v4;
	_ =	sdelay $0x1  }
0x68: {  	[tilespmem:v2+s2+$0x0] =	vst.idx.add.f32.msk $0xffff, v1  }
0x69: {  	v4 =	vld [tilespmem:s29+$0x10]  }
0x6a: {  	v3 =	vand.u32 $0x1FFF, v5;
	v5 =	vld.idx.msk [tilespmem:v5+s17+$0x0], $0xffff  }
0x6b: {  	s31 =	sadd.s32 $0x4, s26;
	s1 =	simm.s32 $0x8;
	v1 =	vadd.s32 $0x3C00, v3;
	v2 =	vld [tilespmem:s30+$0x10]  }
.LBB2_5:
0x6c: {  	s29 =	sadd.s32 $0x40, s29  }
0x6d: {  	v6 =	vmov s31;
	v7 =	vadd.s32 $0x1400, v3;
	s30 =	sadd.s32 $0x40, s30;
	s0 =	smov.u32 s1;
	s5 =	sadd.s32 $0x4, s1  }
0x6e: {  	p0 =	sne.s32 s1, $0x1FC;
	v8 =	vand.u32 $0x1FFC, v6;
	v9 =	vadd.s32 $0xA000, v4;
	v10 =	vadd.s32 $0xF000, v4;
	_ =	sdelay $0x1  }
0x6f: {  	v5 =	vmul.f32 v5, v2;
	_ =	sdelay $0x1  }
0x70: {  	[tilespmem:v4+s2+$0x0] =	vst.idx.add.f32.msk $0xffff, v5  }
0x71: {  	v5 =	vld.idx.msk [tilespmem:v7+s17+$0x0], $0xffff;
	_ =	sdelay $0x2  }
0x72: {  	v4 =	vadd.s32 $0x5000, v4  }
0x73: {  	v3 =	vadd.s32 $0x2800, v3;
	_ =	sdelay $0x1  }
0x74: {  	v5 =	vmul.f32 v5, v2;
	_ =	sdelay $0x1  }
0x75: {  	[tilespmem:v4+s2+$0x0] =	vst.idx.add.f32.msk $0xffff, v5  }
0x76: {  	v3 =	vld.idx.msk [tilespmem:v3+s17+$0x0], $0xffff;
	_ =	sdelay $0x5  }
0x77: {  	v3 =	vmul.f32 v3, v2;
	_ =	sdelay $0x1  }
0x78: {  	[tilespmem:v9+s2+$0x0] =	vst.idx.add.f32.msk $0xffff, v3  }
0x79: {  	v1 =	vld.idx.msk [tilespmem:v1+s17+$0x0], $0xffff;
	_ =	sdelay $0x5  }
0x7a: {  	v1 =	vmul.f32 v1, v2;
	_ =	sdelay $0x1  }
0x7b: {  	[tilespmem:v10+s2+$0x0] =	vst.idx.add.f32.msk $0xffff, v1  }
0x7c: {  	v1 =	vld.idx.msk [tilespmem:v6+s17+$0x0], $0xffff  }
0x7d: {  	v2 =	vld [tilespmem:s29+$0xFFFFFFE0]  }
0x7e: {  	v3 =	vld [tilespmem:s30+$0xFFFFFFE0];
	_ =	sdelay $0x2  }
0x7f: {  	v4 =	vadd.s32 $0x1400, v8;
	_ =	sdelay $0x1  }
0x80: {  	v1 =	vmul.f32 v1, v3;
	_ =	sdelay $0x1  }
0x81: {  	[tilespmem:v2+s2+$0x0] =	vst.idx.add.f32.msk $0xffff, v1  }
0x82: {  	v1 =	vld.idx.msk [tilespmem:v4+s17+$0x0], $0xffff;
	_ =	sdelay $0x2  }
0x83: {  	v4 =	vadd.s32 $0x5000, v2  }
0x84: {  	v5 =	vadd.s32 $0x2800, v8;
	_ =	sdelay $0x1  }
0x85: {  	v1 =	vmul.f32 v1, v3;
	_ =	sdelay $0x1  }
0x86: {  	[tilespmem:v4+s2+$0x0] =	vst.idx.add.f32.msk $0xffff, v1  }
0x87: {  	v1 =	vld.idx.msk [tilespmem:v5+s17+$0x0], $0xffff;
	_ =	sdelay $0x2  }
0x88: {  	v4 =	vadd.s32 $0xA000, v2  }
0x89: {  	v5 =	vadd.s32 $0x3C00, v8;
	_ =	sdelay $0x1  }
0x8a: {  	v1 =	vmul.f32 v1, v3;
	_ =	sdelay $0x1  }
0x8b: {  	[tilespmem:v4+s2+$0x0] =	vst.idx.add.f32.msk $0xffff, v1  }
0x8c: {  	v1 =	vld.idx.msk [tilespmem:v5+s17+$0x0], $0xffff;
	_ =	sdelay $0x2  }
0x8d: {  	v2 =	vadd.s32 $0xF000, v2  }
0x8e: {  	s1 =	sadd.s32 $0x1, s31  }
0x8f: {  	v4 =	vmov s1  }
0x90: {  	v1 =	vmul.f32 v1, v3;
	v3 =	vand.u32 $0x1FFD, v4;
	_ =	sdelay $0x1  }
0x91: {  	[tilespmem:v2+s2+$0x0] =	vst.idx.add.f32.msk $0xffff, v1  }
0x92: {  	v1 =	vld [tilespmem:s29+$0xFFFFFFF0]  }
0x93: {  	v2 =	vld.idx.msk [tilespmem:v4+s17+$0x0], $0xffff  }
0x94: {  	v4 =	vld [tilespmem:s30+$0xFFFFFFF0];
	_ =	sdelay $0x2  }
0x95: {  	v5 =	vadd.s32 $0x1400, v3;
	_ =	sdelay $0x1  }
0x96: {  	v2 =	vmul.f32 v2, v4;
	_ =	sdelay $0x1  }
0x97: {  	[tilespmem:v1+s2+$0x0] =	vst.idx.add.f32.msk $0xffff, v2  }
0x98: {  	v2 =	vld.idx.msk [tilespmem:v5+s17+$0x0], $0xffff;
	_ =	sdelay $0x2  }
0x99: {  	v5 =	vadd.s32 $0x5000, v1  }
0x9a: {  	v6 =	vadd.s32 $0x2800, v3;
	_ =	sdelay $0x1  }
0x9b: {  	v2 =	vmul.f32 v2, v4;
	_ =	sdelay $0x1  }
0x9c: {  	[tilespmem:v5+s2+$0x0] =	vst.idx.add.f32.msk $0xffff, v2  }
0x9d: {  	v2 =	vld.idx.msk [tilespmem:v6+s17+$0x0], $0xffff;
	_ =	sdelay $0x2  }
0x9e: {  	v5 =	vadd.s32 $0xA000, v1  }
0x9f: {  	v3 =	vadd.s32 $0x3C00, v3;
	_ =	sdelay $0x1  }
0xa0: {  	v2 =	vmul.f32 v2, v4;
	_ =	sdelay $0x1  }
0xa1: {  	[tilespmem:v5+s2+$0x0] =	vst.idx.add.f32.msk $0xffff, v2  }
0xa2: {  	v2 =	vld.idx.msk [tilespmem:v3+s17+$0x0], $0xffff;
	_ =	sdelay $0x2  }
0xa3: {  	s1 =	sadd.s32 $0x2, s31;
	v1 =	vadd.s32 $0xF000, v1  }
0xa4: {  	v3 =	vmov s1  }
0xa5: {  	v5 =	vand.u32 $0x1FFE, v3  }
0xa6: {  	v2 =	vmul.f32 v2, v4;
	_ =	sdelay $0x1  }
0xa7: {  	[tilespmem:v1+s2+$0x0] =	vst.idx.add.f32.msk $0xffff, v2  }
0xa8: {  	v1 =	vld.idx.msk [tilespmem:v3+s17+$0x0], $0xffff  }
0xa9: {  	v2 =	vld [tilespmem:s29+$0x0]  }
0xaa: {  	v4 =	vld [tilespmem:s30+$0x0];
	_ =	sdelay $0x2  }
0xab: {  	v3 =	vadd.s32 $0x1400, v5;
	_ =	sdelay $0x1  }
0xac: {  	v1 =	vmul.f32 v1, v4;
	_ =	sdelay $0x1  }
0xad: {  	[tilespmem:v2+s2+$0x0] =	vst.idx.add.f32.msk $0xffff, v1  }
0xae: {  	v1 =	vld.idx.msk [tilespmem:v3+s17+$0x0], $0xffff;
	_ =	sdelay $0x2  }
0xaf: {  	v3 =	vadd.s32 $0x5000, v2  }
0xb0: {  	v6 =	vadd.s32 $0x2800, v5;
	_ =	sdelay $0x1  }
0xb1: {  	v1 =	vmul.f32 v1, v4;
	_ =	sdelay $0x1  }
0xb2: {  	[tilespmem:v3+s2+$0x0] =	vst.idx.add.f32.msk $0xffff, v1  }
0xb3: {  	v1 =	vld.idx.msk [tilespmem:v6+s17+$0x0], $0xffff;
	_ =	sdelay $0x2  }
0xb4: {  	v3 =	vadd.s32 $0xA000, v2  }
0xb5: {  	v5 =	vadd.s32 $0x3C00, v5;
	_ =	sdelay $0x1  }
0xb6: {  	v1 =	vmul.f32 v1, v4;
	_ =	sdelay $0x1  }
0xb7: {  	[tilespmem:v3+s2+$0x0] =	vst.idx.add.f32.msk $0xffff, v1  }
0xb8: {  	s1 =	sadd.s32 $0x3, s31;
	v5 =	vld.idx.msk [tilespmem:v5+s17+$0x0], $0xffff  }
0xb9: {  	v6 =	vmov s1  }
0xba: {  	v3 =	vand.u32 $0x1FFF, v6  }
0xbb: {  	v2 =	vadd.s32 $0xF000, v2;
	v1 =	vadd.s32 $0x3C00, v3;
	_ =	sdelay $0x2  }
0xbc: {  	v4 =	vmul.f32 v5, v4;
	_ =	sdelay $0x1  }
.Ltmp1:
0xbd: {  	[tilespmem:v2+s2+$0x0] =	vst.idx.add.f32.msk $0xffff, v4;
	(pc) =	sbr.rel @p0 .LBB2_5-.Ltmp1, $4  }
0xbe: {  	v4 =	vld [tilespmem:s29+$0x10]  }
0xbf: {  	v5 =	vld.idx.msk [tilespmem:v6+s17+$0x0], $0xffff  }
0xc0: {  	v2 =	vld [tilespmem:s30+$0x10]  }
0xc1: {  	s31 =	sadd.s32 s0, s26;
	s1 =	smov.u32 s5  }
0xc2: {  	_ = 	snop  }
0xc3: {  	v6 =	vadd.s32 $0x1400, v3;
	_ =	sdelay $0x1  }
0xc4: {  	v5 =	vmul.f32 v5, v2;
	_ =	sdelay $0x1  }
0xc5: {  	[tilespmem:v4+s2+$0x0] =	vst.idx.add.f32.msk $0xffff, v5  }
0xc6: {  	v5 =	vld.idx.msk [tilespmem:v6+s17+$0x0], $0xffff;
	_ =	sdelay $0x1  }
0xc7: {  	v42 =	vadd.s32 $0x5000, v4  }
0xc8: {  	v3 =	vadd.s32 $0x2800, v3;
	_ =	sdelay $0x1  }
0xc9: {  	v5 =	vmul.f32 v5, v2;
	_ =	sdelay $0x1  }
0xca: {  	[tilespmem:v42+s2+$0x0] =	vst.idx.add.f32.msk $0xffff, v5  }
0xcb: {  	v3 =	vld.idx.msk [tilespmem:v3+s17+$0x0], $0xffff;
	_ =	sdelay $0x1  }
0xcc: {  	v43 =	vadd.s32 $0xA000, v4;
	_ =	sdelay $0x2  }
0xcd: {  	v3 =	vmul.f32 v3, v2;
	_ =	sdelay $0x1  }
0xce: {  	[tilespmem:v43+s2+$0x0] =	vst.idx.add.f32.msk $0xffff, v3  }
0xcf: {  	v1 =	vld.idx.msk [tilespmem:v1+s17+$0x0], $0xffff;
	_ =	sdelay $0x1  }
0xd0: {  	v3 =	vadd.s32 $0xF000, v4  }
0xd1: {  	v44 =	vmov s31;
	_ =	sdelay $0x1  }
0xd2: {  	v1 =	vmul.f32 v1, v2;
	_ =	sdelay $0x1  }
0xd3: {  	[tilespmem:v3+s2+$0x0] =	vst.idx.add.f32.msk $0xffff, v1  }
0xd4: {  	s0 =	sadd.s32 $0x40, s29;
	v1 =	vld.idx.msk [tilespmem:v44+s17+$0x0], $0xffff  }
0xd5: {  	s1 =	sadd.s32 $0x40, s30;
	v2 =	vld [tilespmem:s0+$0xFFFFFFE0]  }
0xd6: {  	v3 =	vld [tilespmem:s1+$0xFFFFFFE0];
	_ =	sdelay $0x1  }
0xd7: {  	v4 =	vand.u32 $0x1FFC, v44  }
0xd8: {  	v45 =	vadd.s32 $0x1400, v4;
	_ =	sdelay $0x1  }
0xd9: {  	v1 =	vmul.f32 v1, v3;
	_ =	sdelay $0x1  }
0xda: {  	[tilespmem:v2+s2+$0x0] =	vst.idx.add.f32.msk $0xffff, v1  }
0xdb: {  	v1 =	vld.idx.msk [tilespmem:v45+s17+$0x0], $0xffff;
	_ =	sdelay $0x1  }
0xdc: {  	v46 =	vadd.s32 $0x5000, v2  }
0xdd: {  	v47 =	vadd.s32 $0x2800, v4;
	_ =	sdelay $0x1  }
0xde: {  	v1 =	vmul.f32 v1, v3;
	_ =	sdelay $0x1  }
0xdf: {  	[tilespmem:v46+s2+$0x0] =	vst.idx.add.f32.msk $0xffff, v1  }
0xe0: {  	v1 =	vld.idx.msk [tilespmem:v47+s17+$0x0], $0xffff;
	_ =	sdelay $0x1  }
0xe1: {  	v48 =	vadd.s32 $0xA000, v2  }
0xe2: {  	v4 =	vadd.s32 $0x3C00, v4;
	_ =	sdelay $0x1  }
0xe3: {  	v1 =	vmul.f32 v1, v3;
	_ =	sdelay $0x1  }
0xe4: {  	[tilespmem:v48+s2+$0x0] =	vst.idx.add.f32.msk $0xffff, v1  }
0xe5: {  	v1 =	vld.idx.msk [tilespmem:v4+s17+$0x0], $0xffff;
	_ =	sdelay $0x1  }
0xe6: {  	v2 =	vadd.s32 $0xF000, v2  }
0xe7: {  	s5 =	sadd.s32 $0x1, s31  }
0xe8: {  	v49 =	vmov s5  }
0xe9: {  	v1 =	vmul.f32 v1, v3;
	_ =	sdelay $0x1  }
0xea: {  	[tilespmem:v2+s2+$0x0] =	vst.idx.add.f32.msk $0xffff, v1  }
0xeb: {  	v1 =	vld [tilespmem:s0+$0xFFFFFFF0]  }
0xec: {  	v2 =	vld.idx.msk [tilespmem:v49+s17+$0x0], $0xffff  }
0xed: {  	v3 =	vld [tilespmem:s1+$0xFFFFFFF0];
	_ =	sdelay $0x1  }
0xee: {  	v4 =	vand.u32 $0x1FFD, v49  }
0xef: {  	v50 =	vadd.s32 $0x1400, v4;
	_ =	sdelay $0x1  }
0xf0: {  	v2 =	vmul.f32 v2, v3;
	_ =	sdelay $0x1  }
0xf1: {  	[tilespmem:v1+s2+$0x0] =	vst.idx.add.f32.msk $0xffff, v2  }
0xf2: {  	v2 =	vld.idx.msk [tilespmem:v50+s17+$0x0], $0xffff;
	_ =	sdelay $0x1  }
0xf3: {  	v51 =	vadd.s32 $0x5000, v1  }
0xf4: {  	v52 =	vadd.s32 $0x2800, v4;
	_ =	sdelay $0x1  }
0xf5: {  	v2 =	vmul.f32 v2, v3;
	_ =	sdelay $0x1  }
0xf6: {  	[tilespmem:v51+s2+$0x0] =	vst.idx.add.f32.msk $0xffff, v2  }
0xf7: {  	v2 =	vld.idx.msk [tilespmem:v52+s17+$0x0], $0xffff;
	_ =	sdelay $0x1  }
0xf8: {  	v53 =	vadd.s32 $0xA000, v1  }
0xf9: {  	v4 =	vadd.s32 $0x3C00, v4;
	_ =	sdelay $0x1  }
0xfa: {  	v2 =	vmul.f32 v2, v3;
	_ =	sdelay $0x1  }
0xfb: {  	[tilespmem:v53+s2+$0x0] =	vst.idx.add.f32.msk $0xffff, v2  }
0xfc: {  	v2 =	vld.idx.msk [tilespmem:v4+s17+$0x0], $0xffff;
	_ =	sdelay $0x1  }
0xfd: {  	s30 =	sadd.s32 $0x2, s31;
	v1 =	vadd.s32 $0xF000, v1  }
0xfe: {  	v54 =	vmov s30;
	_ =	sdelay $0x1  }
0xff: {  	v2 =	vmul.f32 v2, v3;
	_ =	sdelay $0x1  }
0x100: {  	[tilespmem:v1+s2+$0x0] =	vst.idx.add.f32.msk $0xffff, v2  }
0x101: {  	v1 =	vld.idx.msk [tilespmem:v54+s17+$0x0], $0xffff  }
0x102: {  	v2 =	vld [tilespmem:s0+$0x0]  }
0x103: {  	v3 =	vld [tilespmem:s1+$0x0];
	_ =	sdelay $0x1  }
0x104: {  	v4 =	vand.u32 $0x1FFE, v54  }
0x105: {  	v55 =	vadd.s32 $0x1400, v4;
	_ =	sdelay $0x1  }
0x106: {  	v1 =	vmul.f32 v1, v3;
	_ =	sdelay $0x1  }
0x107: {  	[tilespmem:v2+s2+$0x0] =	vst.idx.add.f32.msk $0xffff, v1  }
0x108: {  	v1 =	vld.idx.msk [tilespmem:v55+s17+$0x0], $0xffff;
	_ =	sdelay $0x1  }
0x109: {  	v56 =	vadd.s32 $0x5000, v2  }
0x10a: {  	v57 =	vadd.s32 $0x2800, v4;
	_ =	sdelay $0x1  }
0x10b: {  	v1 =	vmul.f32 v1, v3;
	_ =	sdelay $0x1  }
0x10c: {  	[tilespmem:v56+s2+$0x0] =	vst.idx.add.f32.msk $0xffff, v1  }
0x10d: {  	v1 =	vld.idx.msk [tilespmem:v57+s17+$0x0], $0xffff;
	_ =	sdelay $0x1  }
0x10e: {  	v58 =	vadd.s32 $0xA000, v2  }
0x10f: {  	v4 =	vadd.s32 $0x3C00, v4;
	_ =	sdelay $0x1  }
0x110: {  	v1 =	vmul.f32 v1, v3;
	_ =	sdelay $0x1  }
0x111: {  	[tilespmem:v58+s2+$0x0] =	vst.idx.add.f32.msk $0xffff, v1  }
0x112: {  	v1 =	vld.idx.msk [tilespmem:v4+s17+$0x0], $0xffff;
	_ =	sdelay $0x1  }
0x113: {  	v2 =	vadd.s32 $0xF000, v2  }
0x114: {  	s31 =	sadd.s32 $0x3, s31  }
0x115: {  	v59 =	vmov s31  }
0x116: {  	v1 =	vmul.f32 v1, v3;
	_ =	sdelay $0x1  }
0x117: {  	[tilespmem:v2+s2+$0x0] =	vst.idx.add.f32.msk $0xffff, v1  }
0x118: {  	v1 =	vld [tilespmem:s0+$0x10]  }
0x119: {  	v2 =	vld.idx.msk [tilespmem:v59+s17+$0x0], $0xffff  }
0x11a: {  	v3 =	vld [tilespmem:s1+$0x10];
	_ =	sdelay $0x1  }
0x11b: {  	v4 =	vand.u32 $0x1FFF, v59  }
0x11c: {  	v60 =	vadd.s32 $0x1400, v4;
	_ =	sdelay $0x1  }
0x11d: {  	v2 =	vmul.f32 v2, v3;
	_ =	sdelay $0x1  }
0x11e: {  	[tilespmem:v1+s2+$0x0] =	vst.idx.add.f32.msk $0xffff, v2  }
0x11f: {  	v2 =	vld.idx.msk [tilespmem:v60+s17+$0x0], $0xffff;
	_ =	sdelay $0x1  }
0x120: {  	v61 =	vadd.s32 $0x5000, v1  }
0x121: {  	v62 =	vadd.s32 $0x2800, v4;
	_ =	sdelay $0x1  }
0x122: {  	v2 =	vmul.f32 v2, v3;
	_ =	sdelay $0x1  }
0x123: {  	[tilespmem:v61+s2+$0x0] =	vst.idx.add.f32.msk $0xffff, v2  }
0x124: {  	v2 =	vld.idx.msk [tilespmem:v62+s17+$0x0], $0xffff;
	_ =	sdelay $0x1  }
0x125: {  	v63 =	vadd.s32 $0xA000, v1  }
0x126: {  	v4 =	vadd.s32 $0x3C00, v4;
	_ =	sdelay $0x1  }
0x127: {  	v2 =	vmul.f32 v2, v3;
	_ =	sdelay $0x1  }
0x128: {  	[tilespmem:v63+s2+$0x0] =	vst.idx.add.f32.msk $0xffff, v2  }
0x129: {  	v2 =	vld.idx.msk [tilespmem:v4+s17+$0x0], $0xffff  }
0x12a: {  	s28 =	sadd.s32 $0x1, s28  }
0x12b: {  	p0 =	sne.s32 s28, $0xA;
	v1 =	vadd.s32 $0xF000, v1  }
.Ltmp2:
0x12c: {  	_ = 	snop;
	(pc) =	sbr.rel @p0 .LBB2_4-.Ltmp2, $3  }
0x12d: {  	_ = 	snop  }
0x12e: {  	v2 =	vmul.f32 v2, v3;
	_ =	sdelay $0x1  }
0x12f: {  	s26 =	sadd.s32 $0x200, s26;
	[tilespmem:v1+s2+$0x0] =	vst.idx.add.f32.msk $0xffff, v2  }
0x130: {  	s0 =	simm.s32 $0x0  }
0x131: {  	[hbm4b:s6+s0] =	stream.linear.scatter [tilespmem:s0], [sflag:$0x1], $0x5000, $0x38;
	[tilespmem:$0x1D000] =	vst v63  }
0x132: {  	_ =	swait.ge [sflag:s18], $0x5000  }
0x133: {  	[sflag:s18] =	ssyncset.done $0x0  }
0x134: {  	[sflag:s18] =	ssyncadd.s32 $0xFFFFB000  }
0x135: {  	[hbm4b:s8+s0] =	stream.linear.scatter [tilespmem:s21], [sflag:$0x1], $0x5000, $0x38;
	[tilespmem:$0x1D000] =	vst v63  }
0x136: {  	_ =	swait.ge [sflag:s18], $0x5000  }
0x137: {  	[sflag:s18] =	ssyncset.done $0x0  }
0x138: {  	[sflag:s18] =	ssyncadd.s32 $0xFFFFB000  }
0x139: {  	[hbm4b:s9+s0] =	stream.linear.scatter [tilespmem:s22], [sflag:$0x1], $0x5000, $0x38;
	[tilespmem:$0x1D000] =	vst v63  }
0x13a: {  	_ =	swait.ge [sflag:s18], $0x5000  }
0x13b: {  	[sflag:s18] =	ssyncset.done $0x0  }
0x13c: {  	[sflag:s18] =	ssyncadd.s32 $0xFFFFB000  }
0x13d: {  	[hbm4b:s10+s0] =	stream.linear.scatter [tilespmem:s23], [sflag:$0x1], $0x5000, $0x38;
	[tilespmem:$0x1D000] =	vst v63  }
0x13e: {  	_ =	swait.ge [sflag:s18], $0x5000  }
0x13f: {  	[sflag:s18] =	ssyncset.done $0x0  }
0x140: {  	s1 =	simm.s32 $0x0;
	s0 =	simm.s32 $0x40;
	[sflag:s18] =	ssyncadd.s32 $0xFFFFB000  }
.LBB2_8:
0x141: {  	p0 =	sne.s32 s0, $0x4FFC0;
	[tilespmem:s1+$0x0] =	vst v0;
	s1 =	smov.u32 s0;
	s0 =	sadd.s32 $0x40, s0  }
.Ltmp3:
0x142: {  	(pc) =	sbr.rel @p0 .LBB2_8-.Ltmp3, $2  }
0x143: {  	_ =	sdelay $0x2  }
0x144: {  	s1 =	sshra.s32 s1, $0x2  }
0x145: {  	[tilespmem:s1+$0x0] =	vst v0;
	s25 =	simm.s32 $0x0  }
0x146: {  	[tilespmem:s17], [sflag:$0x1] =	stream.linear.gather [hbm4b:s11+s25], $0x5000, $0x38;
	[tilespmem:$0x1D000] =	vst v63  }
0x147: {  	_ =	swait.ge [sflag:s18], $0x5000  }
0x148: {  	[sflag:s18] =	ssyncset.done $0x0  }
0x149: {  	s26 =	simm.s32 $0x0;
	s28 =	simm.s32 $0x0;
	[sflag:s18] =	ssyncadd.s32 $0xFFFFB000  }
.LBB2_10:
0x14a: {  	s0 =	sshll.u32 s28, $0xA  }
0x14b: {  	s1 =	sshll.u32 s28, $0xD;
	s0 =	sadd.s32 s4, s0  }
0x14c: {  	[tilespmem:s19], [sflag:$0x1] =	stream.linear.gather [hbm4b:s0+s25], $0x2000, $0x38;
	[tilespmem:$0x1D000] =	vst v63  }
0x14d: {  	s0 =	sadd.s32 s7, s1;
	_ =	swait.ge [sflag:s18], $0x2000  }
0x14e: {  	s1 =	sshrl.u32 s0, $0x3;
	s0 =	sadd.s32 $0x0, s26;
	[sflag:s18] =	ssyncset.done $0x0  }
0x14f: {  	s1 =	sadd.s32 s3, s1;
	v1 =	vmov s0;
	[sflag:s18] =	ssyncadd.s32 $0xFFFFE000  }
0x150: {  	[tilespmem:s20], [sflag:$0x1] =	stream.linear.gather [hbm4b:s1+s25], $0x2000, $0x38;
	[tilespmem:$0x1D000] =	vst v63  }
0x151: {  	_ =	swait.ge [sflag:s18], $0x2000  }
0x152: {  	[sflag:s18] =	ssyncset.done $0x0  }
0x153: {  	[sflag:s18] =	ssyncadd.s32 $0xFFFFE000  }
0x154: {  	s29 =	simm.s32 $0x14020;
	v2 =	vld.idx.msk [tilespmem:v1+s17+$0x0], $0xffff  }
0x155: {  	s30 =	simm.s32 $0x16020;
	v3 =	vld [tilespmem:s29+$0xFFFFFFE0]  }
0x156: {  	v4 =	vld [tilespmem:s30+$0xFFFFFFE0];
	_ =	sdelay $0x1  }
0x157: {  	v1 =	vand.u32 $0x1FFC, v1  }
0x158: {  	v5 =	vadd.s32 $0x1400, v1;
	_ =	sdelay $0x1  }
0x159: {  	v2 =	vmul.f32 v2, v4;
	_ =	sdelay $0x1  }
0x15a: {  	[tilespmem:v3+s2+$0x0] =	vst.idx.add.f32.msk $0xffff, v2  }
0x15b: {  	v2 =	vld.idx.msk [tilespmem:v5+s17+$0x0], $0xffff;
	_ =	sdelay $0x1  }
0x15c: {  	v5 =	vadd.s32 $0x5000, v3  }
0x15d: {  	v6 =	vadd.s32 $0x2800, v1;
	_ =	sdelay $0x1  }
0x15e: {  	v2 =	vmul.f32 v2, v4;
	_ =	sdelay $0x1  }
0x15f: {  	[tilespmem:v5+s2+$0x0] =	vst.idx.add.f32.msk $0xffff, v2  }
0x160: {  	v2 =	vld.idx.msk [tilespmem:v6+s17+$0x0], $0xffff;
	_ =	sdelay $0x1  }
0x161: {  	v5 =	vadd.s32 $0xA000, v3  }
0x162: {  	v1 =	vadd.s32 $0x3C00, v1;
	_ =	sdelay $0x1  }
0x163: {  	v2 =	vmul.f32 v2, v4;
	_ =	sdelay $0x1  }
0x164: {  	[tilespmem:v5+s2+$0x0] =	vst.idx.add.f32.msk $0xffff, v2  }
0x165: {  	v1 =	vld.idx.msk [tilespmem:v1+s17+$0x0], $0xffff;
	_ =	sdelay $0x1  }
0x166: {  	v2 =	vadd.s32 $0xF000, v3  }
0x167: {  	s5 =	sadd.s32 $0x1, s0  }
0x168: {  	v3 =	vmov s5  }
0x169: {  	v1 =	vmul.f32 v1, v4;
	_ =	sdelay $0x1  }
0x16a: {  	[tilespmem:v2+s2+$0x0] =	vst.idx.add.f32.msk $0xffff, v1  }
0x16b: {  	v1 =	vld [tilespmem:s29+$0xFFFFFFF0]  }
0x16c: {  	v2 =	vld.idx.msk [tilespmem:v3+s17+$0x0], $0xffff  }
0x16d: {  	v4 =	vld [tilespmem:s30+$0xFFFFFFF0];
	_ =	sdelay $0x1  }
0x16e: {  	v3 =	vand.u32 $0x1FFD, v3  }
0x16f: {  	v5 =	vadd.s32 $0x1400, v3;
	_ =	sdelay $0x1  }
0x170: {  	v2 =	vmul.f32 v2, v4;
	_ =	sdelay $0x1  }
0x171: {  	[tilespmem:v1+s2+$0x0] =	vst.idx.add.f32.msk $0xffff, v2  }
0x172: {  	v2 =	vld.idx.msk [tilespmem:v5+s17+$0x0], $0xffff;
	_ =	sdelay $0x1  }
0x173: {  	v5 =	vadd.s32 $0x5000, v1  }
0x174: {  	v6 =	vadd.s32 $0x2800, v3;
	_ =	sdelay $0x1  }
0x175: {  	v2 =	vmul.f32 v2, v4;
	_ =	sdelay $0x1  }
0x176: {  	[tilespmem:v5+s2+$0x0] =	vst.idx.add.f32.msk $0xffff, v2  }
0x177: {  	v2 =	vld.idx.msk [tilespmem:v6+s17+$0x0], $0xffff;
	_ =	sdelay $0x1  }
0x178: {  	v5 =	vadd.s32 $0xA000, v1  }
0x179: {  	v3 =	vadd.s32 $0x3C00, v3;
	_ =	sdelay $0x1  }
0x17a: {  	v2 =	vmul.f32 v2, v4;
	_ =	sdelay $0x1  }
0x17b: {  	[tilespmem:v5+s2+$0x0] =	vst.idx.add.f32.msk $0xffff, v2  }
0x17c: {  	v2 =	vld.idx.msk [tilespmem:v3+s17+$0x0], $0xffff;
	_ =	sdelay $0x1  }
0x17d: {  	s5 =	sadd.s32 $0x2, s0;
	v1 =	vadd.s32 $0xF000, v1  }
0x17e: {  	v3 =	vmov s5;
	_ =	sdelay $0x1  }
0x17f: {  	v2 =	vmul.f32 v2, v4;
	_ =	sdelay $0x1  }
0x180: {  	[tilespmem:v1+s2+$0x0] =	vst.idx.add.f32.msk $0xffff, v2  }
0x181: {  	v1 =	vld.idx.msk [tilespmem:v3+s17+$0x0], $0xffff  }
0x182: {  	v2 =	vld [tilespmem:s29+$0x0]  }
0x183: {  	v4 =	vld [tilespmem:s30+$0x0];
	_ =	sdelay $0x1  }
0x184: {  	v3 =	vand.u32 $0x1FFE, v3  }
0x185: {  	v5 =	vadd.s32 $0x1400, v3;
	_ =	sdelay $0x1  }
0x186: {  	v1 =	vmul.f32 v1, v4;
	_ =	sdelay $0x1  }
0x187: {  	[tilespmem:v2+s2+$0x0] =	vst.idx.add.f32.msk $0xffff, v1  }
0x188: {  	v1 =	vld.idx.msk [tilespmem:v5+s17+$0x0], $0xffff;
	_ =	sdelay $0x1  }
0x189: {  	v5 =	vadd.s32 $0x5000, v2  }
0x18a: {  	v6 =	vadd.s32 $0x2800, v3;
	_ =	sdelay $0x1  }
0x18b: {  	v1 =	vmul.f32 v1, v4;
	_ =	sdelay $0x1  }
0x18c: {  	[tilespmem:v5+s2+$0x0] =	vst.idx.add.f32.msk $0xffff, v1  }
0x18d: {  	v1 =	vld.idx.msk [tilespmem:v6+s17+$0x0], $0xffff;
	_ =	sdelay $0x1  }
0x18e: {  	v5 =	vadd.s32 $0xA000, v2  }
0x18f: {  	v3 =	vadd.s32 $0x3C00, v3;
	_ =	sdelay $0x1  }
0x190: {  	v1 =	vmul.f32 v1, v4;
	_ =	sdelay $0x1  }
0x191: {  	[tilespmem:v5+s2+$0x0] =	vst.idx.add.f32.msk $0xffff, v1  }
0x192: {  	v1 =	vld.idx.msk [tilespmem:v3+s17+$0x0], $0xffff;
	_ =	sdelay $0x1  }
0x193: {  	v2 =	vadd.s32 $0xF000, v2  }
0x194: {  	s0 =	sadd.s32 $0x3, s0  }
0x195: {  	v5 =	vmov s0  }
0x196: {  	v1 =	vmul.f32 v1, v4;
	_ =	sdelay $0x1  }
0x197: {  	[tilespmem:v2+s2+$0x0] =	vst.idx.add.f32.msk $0xffff, v1  }
0x198: {  	v4 =	vld [tilespmem:s29+$0x10]  }
0x199: {  	v3 =	vand.u32 $0x1FFF, v5;
	v5 =	vld.idx.msk [tilespmem:v5+s17+$0x0], $0xffff  }
0x19a: {  	s31 =	sadd.s32 $0x4, s26;
	s5 =	simm.s32 $0x8;
	v1 =	vadd.s32 $0x3C00, v3;
	v2 =	vld [tilespmem:s30+$0x10]  }
.LBB2_11:
0x19b: {  	s29 =	sadd.s32 $0x40, s29  }
0x19c: {  	v6 =	vmov s31;
	v7 =	vadd.s32 $0x1400, v3;
	s30 =	sadd.s32 $0x40, s30;
	s0 =	smov.u32 s5;
	s1 =	sadd.s32 $0x4, s5  }
0x19d: {  	p0 =	sne.s32 s5, $0x1FC;
	v8 =	vand.u32 $0x1FFC, v6;
	v9 =	vadd.s32 $0xA000, v4;
	v10 =	vadd.s32 $0xF000, v4;
	_ =	sdelay $0x1  }
0x19e: {  	v5 =	vmul.f32 v5, v2;
	_ =	sdelay $0x1  }
0x19f: {  	[tilespmem:v4+s2+$0x0] =	vst.idx.add.f32.msk $0xffff, v5  }
0x1a0: {  	v5 =	vld.idx.msk [tilespmem:v7+s17+$0x0], $0xffff;
	_ =	sdelay $0x2  }
0x1a1: {  	v4 =	vadd.s32 $0x5000, v4  }
0x1a2: {  	v3 =	vadd.s32 $0x2800, v3;
	_ =	sdelay $0x1  }
0x1a3: {  	v5 =	vmul.f32 v5, v2;
	_ =	sdelay $0x1  }
0x1a4: {  	[tilespmem:v4+s2+$0x0] =	vst.idx.add.f32.msk $0xffff, v5  }
0x1a5: {  	v3 =	vld.idx.msk [tilespmem:v3+s17+$0x0], $0xffff;
	_ =	sdelay $0x5  }
0x1a6: {  	v3 =	vmul.f32 v3, v2;
	_ =	sdelay $0x1  }
0x1a7: {  	[tilespmem:v9+s2+$0x0] =	vst.idx.add.f32.msk $0xffff, v3  }
0x1a8: {  	v1 =	vld.idx.msk [tilespmem:v1+s17+$0x0], $0xffff;
	_ =	sdelay $0x5  }
0x1a9: {  	v1 =	vmul.f32 v1, v2;
	_ =	sdelay $0x1  }
0x1aa: {  	[tilespmem:v10+s2+$0x0] =	vst.idx.add.f32.msk $0xffff, v1  }
0x1ab: {  	v1 =	vld.idx.msk [tilespmem:v6+s17+$0x0], $0xffff  }
0x1ac: {  	v2 =	vld [tilespmem:s29+$0xFFFFFFE0]  }
0x1ad: {  	v3 =	vld [tilespmem:s30+$0xFFFFFFE0];
	_ =	sdelay $0x2  }
0x1ae: {  	v4 =	vadd.s32 $0x1400, v8;
	_ =	sdelay $0x1  }
0x1af: {  	v1 =	vmul.f32 v1, v3;
	_ =	sdelay $0x1  }
0x1b0: {  	[tilespmem:v2+s2+$0x0] =	vst.idx.add.f32.msk $0xffff, v1  }
0x1b1: {  	v1 =	vld.idx.msk [tilespmem:v4+s17+$0x0], $0xffff;
	_ =	sdelay $0x2  }
0x1b2: {  	v4 =	vadd.s32 $0x5000, v2  }
0x1b3: {  	v5 =	vadd.s32 $0x2800, v8;
	_ =	sdelay $0x1  }
0x1b4: {  	v1 =	vmul.f32 v1, v3;
	_ =	sdelay $0x1  }
0x1b5: {  	[tilespmem:v4+s2+$0x0] =	vst.idx.add.f32.msk $0xffff, v1  }
0x1b6: {  	v1 =	vld.idx.msk [tilespmem:v5+s17+$0x0], $0xffff;
	_ =	sdelay $0x2  }
0x1b7: {  	v4 =	vadd.s32 $0xA000, v2  }
0x1b8: {  	v5 =	vadd.s32 $0x3C00, v8;
	_ =	sdelay $0x1  }
0x1b9: {  	v1 =	vmul.f32 v1, v3;
	_ =	sdelay $0x1  }
0x1ba: {  	[tilespmem:v4+s2+$0x0] =	vst.idx.add.f32.msk $0xffff, v1  }
0x1bb: {  	v1 =	vld.idx.msk [tilespmem:v5+s17+$0x0], $0xffff;
	_ =	sdelay $0x2  }
0x1bc: {  	v2 =	vadd.s32 $0xF000, v2  }
0x1bd: {  	s5 =	sadd.s32 $0x1, s31  }
0x1be: {  	v4 =	vmov s5  }
0x1bf: {  	v1 =	vmul.f32 v1, v3;
	v3 =	vand.u32 $0x1FFD, v4;
	_ =	sdelay $0x1  }
0x1c0: {  	[tilespmem:v2+s2+$0x0] =	vst.idx.add.f32.msk $0xffff, v1  }
0x1c1: {  	v1 =	vld [tilespmem:s29+$0xFFFFFFF0]  }
0x1c2: {  	v2 =	vld.idx.msk [tilespmem:v4+s17+$0x0], $0xffff  }
0x1c3: {  	v4 =	vld [tilespmem:s30+$0xFFFFFFF0];
	_ =	sdelay $0x2  }
0x1c4: {  	v5 =	vadd.s32 $0x1400, v3;
	_ =	sdelay $0x1  }
0x1c5: {  	v2 =	vmul.f32 v2, v4;
	_ =	sdelay $0x1  }
0x1c6: {  	[tilespmem:v1+s2+$0x0] =	vst.idx.add.f32.msk $0xffff, v2  }
0x1c7: {  	v2 =	vld.idx.msk [tilespmem:v5+s17+$0x0], $0xffff;
	_ =	sdelay $0x2  }
0x1c8: {  	v5 =	vadd.s32 $0x5000, v1  }
0x1c9: {  	v6 =	vadd.s32 $0x2800, v3;
	_ =	sdelay $0x1  }
0x1ca: {  	v2 =	vmul.f32 v2, v4;
	_ =	sdelay $0x1  }
0x1cb: {  	[tilespmem:v5+s2+$0x0] =	vst.idx.add.f32.msk $0xffff, v2  }
0x1cc: {  	v2 =	vld.idx.msk [tilespmem:v6+s17+$0x0], $0xffff;
	_ =	sdelay $0x2  }
0x1cd: {  	v5 =	vadd.s32 $0xA000, v1  }
0x1ce: {  	v3 =	vadd.s32 $0x3C00, v3;
	_ =	sdelay $0x1  }
0x1cf: {  	v2 =	vmul.f32 v2, v4;
	_ =	sdelay $0x1  }
0x1d0: {  	[tilespmem:v5+s2+$0x0] =	vst.idx.add.f32.msk $0xffff, v2  }
0x1d1: {  	v2 =	vld.idx.msk [tilespmem:v3+s17+$0x0], $0xffff;
	_ =	sdelay $0x2  }
0x1d2: {  	s5 =	sadd.s32 $0x2, s31;
	v1 =	vadd.s32 $0xF000, v1  }
0x1d3: {  	v3 =	vmov s5  }
0x1d4: {  	v5 =	vand.u32 $0x1FFE, v3  }
0x1d5: {  	v2 =	vmul.f32 v2, v4;
	_ =	sdelay $0x1  }
0x1d6: {  	[tilespmem:v1+s2+$0x0] =	vst.idx.add.f32.msk $0xffff, v2  }
0x1d7: {  	v1 =	vld.idx.msk [tilespmem:v3+s17+$0x0], $0xffff  }
0x1d8: {  	v2 =	vld [tilespmem:s29+$0x0]  }
0x1d9: {  	v4 =	vld [tilespmem:s30+$0x0];
	_ =	sdelay $0x2  }
0x1da: {  	v3 =	vadd.s32 $0x1400, v5;
	_ =	sdelay $0x1  }
0x1db: {  	v1 =	vmul.f32 v1, v4;
	_ =	sdelay $0x1  }
0x1dc: {  	[tilespmem:v2+s2+$0x0] =	vst.idx.add.f32.msk $0xffff, v1  }
0x1dd: {  	v1 =	vld.idx.msk [tilespmem:v3+s17+$0x0], $0xffff;
	_ =	sdelay $0x2  }
0x1de: {  	v3 =	vadd.s32 $0x5000, v2  }
0x1df: {  	v6 =	vadd.s32 $0x2800, v5;
	_ =	sdelay $0x1  }
0x1e0: {  	v1 =	vmul.f32 v1, v4;
	_ =	sdelay $0x1  }
0x1e1: {  	[tilespmem:v3+s2+$0x0] =	vst.idx.add.f32.msk $0xffff, v1  }
0x1e2: {  	v1 =	vld.idx.msk [tilespmem:v6+s17+$0x0], $0xffff;
	_ =	sdelay $0x2  }
0x1e3: {  	v3 =	vadd.s32 $0xA000, v2  }
0x1e4: {  	v5 =	vadd.s32 $0x3C00, v5;
	_ =	sdelay $0x1  }
0x1e5: {  	v1 =	vmul.f32 v1, v4;
	_ =	sdelay $0x1  }
0x1e6: {  	[tilespmem:v3+s2+$0x0] =	vst.idx.add.f32.msk $0xffff, v1  }
0x1e7: {  	s5 =	sadd.s32 $0x3, s31;
	v5 =	vld.idx.msk [tilespmem:v5+s17+$0x0], $0xffff  }
0x1e8: {  	v6 =	vmov s5  }
0x1e9: {  	v3 =	vand.u32 $0x1FFF, v6  }
0x1ea: {  	v2 =	vadd.s32 $0xF000, v2;
	v1 =	vadd.s32 $0x3C00, v3;
	_ =	sdelay $0x2  }
0x1eb: {  	v4 =	vmul.f32 v5, v4;
	_ =	sdelay $0x1  }
.Ltmp4:
0x1ec: {  	[tilespmem:v2+s2+$0x0] =	vst.idx.add.f32.msk $0xffff, v4;
	(pc) =	sbr.rel @p0 .LBB2_11-.Ltmp4, $4  }
0x1ed: {  	v4 =	vld [tilespmem:s29+$0x10]  }
0x1ee: {  	v5 =	vld.idx.msk [tilespmem:v6+s17+$0x0], $0xffff  }
0x1ef: {  	v2 =	vld [tilespmem:s30+$0x10]  }
0x1f0: {  	s31 =	sadd.s32 s0, s26;
	s5 =	smov.u32 s1  }
0x1f1: {  	_ = 	snop  }
0x1f2: {  	v6 =	vadd.s32 $0x1400, v3;
	_ =	sdelay $0x1  }
0x1f3: {  	v5 =	vmul.f32 v5, v2;
	_ =	sdelay $0x1  }
0x1f4: {  	[tilespmem:v4+s2+$0x0] =	vst.idx.add.f32.msk $0xffff, v5  }
0x1f5: {  	v5 =	vld.idx.msk [tilespmem:v6+s17+$0x0], $0xffff;
	_ =	sdelay $0x1  }
0x1f6: {  	v42 =	vadd.s32 $0x5000, v4  }
0x1f7: {  	v3 =	vadd.s32 $0x2800, v3;
	_ =	sdelay $0x1  }
0x1f8: {  	v5 =	vmul.f32 v5, v2;
	_ =	sdelay $0x1  }
0x1f9: {  	[tilespmem:v42+s2+$0x0] =	vst.idx.add.f32.msk $0xffff, v5  }
0x1fa: {  	v3 =	vld.idx.msk [tilespmem:v3+s17+$0x0], $0xffff;
	_ =	sdelay $0x1  }
0x1fb: {  	v43 =	vadd.s32 $0xA000, v4;
	_ =	sdelay $0x2  }
0x1fc: {  	v3 =	vmul.f32 v3, v2;
	_ =	sdelay $0x1  }
0x1fd: {  	[tilespmem:v43+s2+$0x0] =	vst.idx.add.f32.msk $0xffff, v3  }
0x1fe: {  	v1 =	vld.idx.msk [tilespmem:v1+s17+$0x0], $0xffff;
	_ =	sdelay $0x1  }
0x1ff: {  	v3 =	vadd.s32 $0xF000, v4  }
0x200: {  	v44 =	vmov s31;
	_ =	sdelay $0x1  }
0x201: {  	v1 =	vmul.f32 v1, v2;
	_ =	sdelay $0x1  }
0x202: {  	[tilespmem:v3+s2+$0x0] =	vst.idx.add.f32.msk $0xffff, v1  }
0x203: {  	s0 =	sadd.s32 $0x40, s29;
	v1 =	vld.idx.msk [tilespmem:v44+s17+$0x0], $0xffff  }
0x204: {  	s1 =	sadd.s32 $0x40, s30;
	v2 =	vld [tilespmem:s0+$0xFFFFFFE0]  }
0x205: {  	v3 =	vld [tilespmem:s1+$0xFFFFFFE0];
	_ =	sdelay $0x1  }
0x206: {  	v4 =	vand.u32 $0x1FFC, v44  }
0x207: {  	v45 =	vadd.s32 $0x1400, v4;
	_ =	sdelay $0x1  }
0x208: {  	v1 =	vmul.f32 v1, v3;
	_ =	sdelay $0x1  }
0x209: {  	[tilespmem:v2+s2+$0x0] =	vst.idx.add.f32.msk $0xffff, v1  }
0x20a: {  	v1 =	vld.idx.msk [tilespmem:v45+s17+$0x0], $0xffff;
	_ =	sdelay $0x1  }
0x20b: {  	v46 =	vadd.s32 $0x5000, v2  }
0x20c: {  	v47 =	vadd.s32 $0x2800, v4;
	_ =	sdelay $0x1  }
0x20d: {  	v1 =	vmul.f32 v1, v3;
	_ =	sdelay $0x1  }
0x20e: {  	[tilespmem:v46+s2+$0x0] =	vst.idx.add.f32.msk $0xffff, v1  }
0x20f: {  	v1 =	vld.idx.msk [tilespmem:v47+s17+$0x0], $0xffff;
	_ =	sdelay $0x1  }
0x210: {  	v48 =	vadd.s32 $0xA000, v2  }
0x211: {  	v4 =	vadd.s32 $0x3C00, v4;
	_ =	sdelay $0x1  }
0x212: {  	v1 =	vmul.f32 v1, v3;
	_ =	sdelay $0x1  }
0x213: {  	[tilespmem:v48+s2+$0x0] =	vst.idx.add.f32.msk $0xffff, v1  }
0x214: {  	v1 =	vld.idx.msk [tilespmem:v4+s17+$0x0], $0xffff;
	_ =	sdelay $0x1  }
0x215: {  	v2 =	vadd.s32 $0xF000, v2  }
0x216: {  	s5 =	sadd.s32 $0x1, s31  }
0x217: {  	v49 =	vmov s5  }
0x218: {  	v1 =	vmul.f32 v1, v3;
	_ =	sdelay $0x1  }
0x219: {  	[tilespmem:v2+s2+$0x0] =	vst.idx.add.f32.msk $0xffff, v1  }
0x21a: {  	v1 =	vld [tilespmem:s0+$0xFFFFFFF0]  }
0x21b: {  	v2 =	vld.idx.msk [tilespmem:v49+s17+$0x0], $0xffff  }
0x21c: {  	v3 =	vld [tilespmem:s1+$0xFFFFFFF0];
	_ =	sdelay $0x1  }
0x21d: {  	v4 =	vand.u32 $0x1FFD, v49  }
0x21e: {  	v50 =	vadd.s32 $0x1400, v4;
	_ =	sdelay $0x1  }
0x21f: {  	v2 =	vmul.f32 v2, v3;
	_ =	sdelay $0x1  }
0x220: {  	[tilespmem:v1+s2+$0x0] =	vst.idx.add.f32.msk $0xffff, v2  }
0x221: {  	v2 =	vld.idx.msk [tilespmem:v50+s17+$0x0], $0xffff;
	_ =	sdelay $0x1  }
0x222: {  	v51 =	vadd.s32 $0x5000, v1  }
0x223: {  	v52 =	vadd.s32 $0x2800, v4;
	_ =	sdelay $0x1  }
0x224: {  	v2 =	vmul.f32 v2, v3;
	_ =	sdelay $0x1  }
0x225: {  	[tilespmem:v51+s2+$0x0] =	vst.idx.add.f32.msk $0xffff, v2  }
0x226: {  	v2 =	vld.idx.msk [tilespmem:v52+s17+$0x0], $0xffff;
	_ =	sdelay $0x1  }
0x227: {  	v53 =	vadd.s32 $0xA000, v1  }
0x228: {  	v4 =	vadd.s32 $0x3C00, v4;
	_ =	sdelay $0x1  }
0x229: {  	v2 =	vmul.f32 v2, v3;
	_ =	sdelay $0x1  }
0x22a: {  	[tilespmem:v53+s2+$0x0] =	vst.idx.add.f32.msk $0xffff, v2  }
0x22b: {  	v2 =	vld.idx.msk [tilespmem:v4+s17+$0x0], $0xffff;
	_ =	sdelay $0x1  }
0x22c: {  	s30 =	sadd.s32 $0x2, s31;
	v1 =	vadd.s32 $0xF000, v1  }
0x22d: {  	v54 =	vmov s30;
	_ =	sdelay $0x1  }
0x22e: {  	v2 =	vmul.f32 v2, v3;
	_ =	sdelay $0x1  }
0x22f: {  	[tilespmem:v1+s2+$0x0] =	vst.idx.add.f32.msk $0xffff, v2  }
0x230: {  	v1 =	vld.idx.msk [tilespmem:v54+s17+$0x0], $0xffff  }
0x231: {  	v2 =	vld [tilespmem:s0+$0x0]  }
0x232: {  	v3 =	vld [tilespmem:s1+$0x0];
	_ =	sdelay $0x1  }
0x233: {  	v4 =	vand.u32 $0x1FFE, v54  }
0x234: {  	v55 =	vadd.s32 $0x1400, v4;
	_ =	sdelay $0x1  }
0x235: {  	v1 =	vmul.f32 v1, v3;
	_ =	sdelay $0x1  }
0x236: {  	[tilespmem:v2+s2+$0x0] =	vst.idx.add.f32.msk $0xffff, v1  }
0x237: {  	v1 =	vld.idx.msk [tilespmem:v55+s17+$0x0], $0xffff;
	_ =	sdelay $0x1  }
0x238: {  	v56 =	vadd.s32 $0x5000, v2  }
0x239: {  	v57 =	vadd.s32 $0x2800, v4;
	_ =	sdelay $0x1  }
0x23a: {  	v1 =	vmul.f32 v1, v3;
	_ =	sdelay $0x1  }
0x23b: {  	[tilespmem:v56+s2+$0x0] =	vst.idx.add.f32.msk $0xffff, v1  }
0x23c: {  	v1 =	vld.idx.msk [tilespmem:v57+s17+$0x0], $0xffff;
	_ =	sdelay $0x1  }
0x23d: {  	v58 =	vadd.s32 $0xA000, v2  }
0x23e: {  	v4 =	vadd.s32 $0x3C00, v4;
	_ =	sdelay $0x1  }
0x23f: {  	v1 =	vmul.f32 v1, v3;
	_ =	sdelay $0x1  }
0x240: {  	[tilespmem:v58+s2+$0x0] =	vst.idx.add.f32.msk $0xffff, v1  }
0x241: {  	v1 =	vld.idx.msk [tilespmem:v4+s17+$0x0], $0xffff;
	_ =	sdelay $0x1  }
0x242: {  	v2 =	vadd.s32 $0xF000, v2  }
0x243: {  	s31 =	sadd.s32 $0x3, s31  }
0x244: {  	v59 =	vmov s31  }
0x245: {  	v1 =	vmul.f32 v1, v3;
	_ =	sdelay $0x1  }
0x246: {  	[tilespmem:v2+s2+$0x0] =	vst.idx.add.f32.msk $0xffff, v1  }
0x247: {  	v1 =	vld [tilespmem:s0+$0x10]  }
0x248: {  	v2 =	vld.idx.msk [tilespmem:v59+s17+$0x0], $0xffff  }
0x249: {  	v3 =	vld [tilespmem:s1+$0x10];
	_ =	sdelay $0x1  }
0x24a: {  	v4 =	vand.u32 $0x1FFF, v59  }
0x24b: {  	v60 =	vadd.s32 $0x1400, v4;
	_ =	sdelay $0x1  }
0x24c: {  	v2 =	vmul.f32 v2, v3;
	_ =	sdelay $0x1  }
0x24d: {  	[tilespmem:v1+s2+$0x0] =	vst.idx.add.f32.msk $0xffff, v2  }
0x24e: {  	v2 =	vld.idx.msk [tilespmem:v60+s17+$0x0], $0xffff;
	_ =	sdelay $0x1  }
0x24f: {  	v61 =	vadd.s32 $0x5000, v1  }
0x250: {  	v62 =	vadd.s32 $0x2800, v4;
	_ =	sdelay $0x1  }
0x251: {  	v2 =	vmul.f32 v2, v3;
	_ =	sdelay $0x1  }
0x252: {  	[tilespmem:v61+s2+$0x0] =	vst.idx.add.f32.msk $0xffff, v2  }
0x253: {  	v2 =	vld.idx.msk [tilespmem:v62+s17+$0x0], $0xffff;
	_ =	sdelay $0x1  }
0x254: {  	v63 =	vadd.s32 $0xA000, v1  }
0x255: {  	v4 =	vadd.s32 $0x3C00, v4;
	_ =	sdelay $0x1  }
0x256: {  	v2 =	vmul.f32 v2, v3;
	_ =	sdelay $0x1  }
0x257: {  	[tilespmem:v63+s2+$0x0] =	vst.idx.add.f32.msk $0xffff, v2  }
0x258: {  	v2 =	vld.idx.msk [tilespmem:v4+s17+$0x0], $0xffff  }
0x259: {  	s28 =	sadd.s32 $0x1, s28  }
0x25a: {  	p0 =	sne.s32 s28, $0xA;
	v1 =	vadd.s32 $0xF000, v1  }
.Ltmp5:
0x25b: {  	_ = 	snop;
	(pc) =	sbr.rel @p0 .LBB2_10-.Ltmp5, $3  }
0x25c: {  	_ = 	snop  }
0x25d: {  	v2 =	vmul.f32 v2, v3;
	_ =	sdelay $0x1  }
0x25e: {  	s26 =	sadd.s32 $0x200, s26;
	[tilespmem:v1+s2+$0x0] =	vst.idx.add.f32.msk $0xffff, v2  }
0x25f: {  	[hbm4b:s12+s2] =	stream.linear.scatter [tilespmem:s2], [sflag:$0x1], $0x5000, $0x38;
	[tilespmem:$0x1D000] =	vst v63  }
0x260: {  	_ =	swait.ge [sflag:s18], $0x5000  }
0x261: {  	[sflag:s18] =	ssyncset.done $0x0  }
0x262: {  	[sflag:s18] =	ssyncadd.s32 $0xFFFFB000  }
0x263: {  	[hbm4b:s13+s2] =	stream.linear.scatter [tilespmem:s21], [sflag:$0x1], $0x5000, $0x38;
	[tilespmem:$0x1D000] =	vst v63  }
0x264: {  	_ =	swait.ge [sflag:s18], $0x5000  }
0x265: {  	[sflag:s18] =	ssyncset.done $0x0  }
0x266: {  	[sflag:s18] =	ssyncadd.s32 $0xFFFFB000  }
0x267: {  	[hbm4b:s14+s2] =	stream.linear.scatter [tilespmem:s22], [sflag:$0x1], $0x5000, $0x38;
	[tilespmem:$0x1D000] =	vst v63  }
0x268: {  	s24 =	sadd.s32 $0x1, s24;
	_ =	swait.ge [sflag:s18], $0x5000  }
0x269: {  	p0 =	sne.s32 s24, s16;
	[sflag:s18] =	ssyncset.done $0x0  }
.Ltmp6:
0x26a: {  	[sflag:s18] =	ssyncadd.s32 $0xFFFFB000;
	(pc) =	sbr.rel @p0 .LBB2_1-.Ltmp6, $4  }
0x26b: {  	[hbm4b:s15+s2] =	stream.linear.scatter [tilespmem:s23], [sflag:$0x1], $0x5000, $0x38;
	[tilespmem:$0x1D000] =	vst v63  }
0x26c: {  	_ =	swait.ge [sflag:s18], $0x5000  }
0x26d: {  	[sflag:s18] =	ssyncset.done $0x0  }
0x26e: {  	[sflag:s18] =	ssyncadd.s32 $0xFFFFB000  }
0x26f: {  	_ =	sfence.sel $0x180000  }
0x270: {  	[bflag:$0x0] =	sbarrier.arrive $0xFFFF  }
0x271: {  	_ =	strace $0x90000050  }
0x272: {  	s0 =	stileid.u32;
	[bflag:$0x2] =	sbarrier.arrive $0xFFFF  }
0x273: {  	p0 =	sne.s32 s0, $0x0;
	s0 =	rddreg [dreg:$0x2]  }
0x274: {  	s0 =	sadd.s32 @!p0 $0x100000, s0  }
0x275: {  	[sflag:s0] =	ssyncadd.tile.s32 @!p0 $0x1;
	_ =	shalt  }
.Lfunc_end2:
_tile_overlayer_lowered:
.L_overlay_start_2:
0x276: {  	(tag) =	ssettag $0x2  }
0x277: {  	s0 =	rddreg [dreg:$0x0];
	s2 =	stileid.u32  }
0x278: {  	s1 =	rddreg [dreg:$0x1];
	p0 =	sne.s32 s2, $0x0  }
0x279: {  	s3 =	rddreg [dreg:$0x2];
	[bflag:$0x3] =	sbarrier.arrive $0xFFFF;
	s2 =	simm.s32 @!p0 $0x1C01  }
0x27a: {  	[timem:s3], [sflag:s2] =	dma.local @!p0 [hbm:s0], s1  }
0x27b: {  	s0 =	simm.s32 @!p0 $0x1  }
0x27c: {  	_ =	swait.ge @!p0 [sflag:s0], s1  }
0x27d: {  	s1 =	ssub.s32 @!p0 $0x0, s1;
	[sflag:s0] =	ssyncset.done @!p0 $0x0  }
0x27e: {  	[sflag:s0] =	ssyncadd.s32 @!p0 s1  }
0x27f: {  	[bflag:$0x3] =	sbarrier.arrive $0xFFFF  }
0x280: {  	_ =	shalt  }

</sc_bundles>
